<compile_context>
chip_gen: v7x
topology: tpu7x:2x2x1
jax: 0.10.2.dev20260603
libtpu: 0.0.44.dev20260713+nightly
codegen_flags: <defaults>
</compile_context>

<pallas_src>
import functools

import jax
import jax.numpy as jnp
from jax import lax
from jax.experimental import pallas as pl
from jax.experimental.pallas import tpu as pltpu
from jax.experimental.pallas import tpu_sc as plsc

N = 10000
E = 320000
DF = 128
DE = 16
H = 32
L = 3

NC = 2
NS = 16
NW = NC * NS
EPAD = 327680
EPT = EPAD // NW
CH = 128
NCH = EPT // CH
NP = 10240
RPT = NP // NS
PRB = 12800
PRB4 = PRB // 4


def _edge_pass(h, ea, srcm, dstm):
    mesh = plsc.VectorSubcoreMesh(core_axis_name="c", subcore_axis_name="s")

    @functools.partial(
        pl.kernel,
        out_type=jax.ShapeDtypeStruct((NC * NP, H), jnp.float32),
        mesh=mesh,
        scratch_types=[
            pltpu.VMEM((NCH, CH), jnp.int32),
            pltpu.VMEM((NCH, CH), jnp.int32),
            pltpu.VMEM((CH, H), jnp.float32),
            pltpu.VMEM((CH, H), jnp.float32),
            pltpu.VMEM((CH, H), jnp.float32),
            pltpu.VMEM((CH, H), jnp.float32),
            pltpu.VMEM((CH, H), jnp.float32),
            pltpu.VMEM((CH, H), jnp.float32),
            pltpu.VMEM((RPT, H), jnp.float32),
            pltpu.VMEM_SHARED((NP, H), jnp.float32),
            pltpu.SemaphoreType.DMA,
            pltpu.SemaphoreType.DMA,
            pltpu.SemaphoreType.DMA,
            pltpu.SemaphoreType.DMA,
            pltpu.SemaphoreType.DMA,
            pltpu.SemaphoreType.DMA,
        ],
        compiler_params=pltpu.CompilerParams(use_tc_tiling_on_sc=False),
    )
    def edge_kernel(h_hbm, ea_hbm, srcm_hbm, dstm_hbm,
                    out_hbm,
                    srcm_v, dstm_v,
                    hs0, hs1, ea0, ea1, ms0, ms1,
                    buf_v, agg_sh,
                    gsem0, gsem1, esem0, esem1, ssem0, ssem1):
        c = lax.axis_index("c")
        s = lax.axis_index("s")
        wid = c * NS + s
        base = wid * EPT

        zv = jnp.zeros((16,), jnp.float32)

        def zrow(r, carry):
            buf_v[r, pl.ds(0, 16)] = zv
            buf_v[r, pl.ds(16, 16)] = zv
            return carry

        lax.fori_loop(0, RPT, zrow, 0, unroll=8)
        pltpu.sync_copy(buf_v, agg_sh.at[pl.ds(s * RPT, RPT)])

        pltpu.sync_copy(srcm_hbm.at[wid], srcm_v)
        pltpu.sync_copy(dstm_hbm.at[wid], dstm_v)
        plsc.subcore_barrier()

        def ea_slice(e0):
            i = e0 // PRB
            rem = e0 - i * PRB
            cb = rem // PRB4
            row0 = i * PRB4 + (rem - cb * PRB4)
            return row0, cb * H

        def issue(k, eab, hsb, esem, gsem):
            row0, col0 = ea_slice(base + k * CH)
            pltpu.async_copy(
                ea_hbm.at[pl.ds(row0, CH), pl.ds(col0, H)], eab, esem)
            pltpu.async_copy(h_hbm.at[srcm_v.at[k]], hsb, gsem)

        def wait_loads(k, eab, hsb, esem, gsem):
            row0, col0 = ea_slice(base + k * CH)
            pltpu.make_async_copy(
                ea_hbm.at[pl.ds(row0, CH), pl.ds(col0, H)], eab, esem).wait()
            pltpu.make_async_copy(h_hbm.at[srcm_v.at[k]], hsb, gsem).wait()

        def compute(eab, hsb, msb):
            def row(r, rc):
                msb[r, pl.ds(0, 16)] = jnp.maximum(
                    hsb[r, pl.ds(0, 16)] + eab[r, pl.ds(0, 16)], 0.0)
                msb[r, pl.ds(16, 16)] = jnp.maximum(
                    hsb[r, pl.ds(16, 16)] + eab[r, pl.ds(16, 16)], 0.0)
                return rc

            lax.fori_loop(0, CH, row, 0, unroll=8)

        issue(0, ea0, hs0, esem0, gsem0)
        issue(1, ea1, hs1, esem1, gsem1)

        def pair(i, carry):
            k0 = 2 * i
            k1 = 2 * i + 1

            wait_loads(k0, ea0, hs0, esem0, gsem0)

            @pl.when(i > 0)
            def _():
                pltpu.make_async_copy(
                    ms0, agg_sh.at[dstm_v.at[k0 - 2]], ssem0).wait()

            compute(ea0, hs0, ms0)

            @pl.when(k0 + 2 < NCH)
            def _():
                issue(k0 + 2, ea0, hs0, esem0, gsem0)

            pltpu.async_copy(ms0, agg_sh.at[dstm_v.at[k0]], ssem0, add=True)

            wait_loads(k1, ea1, hs1, esem1, gsem1)

            @pl.when(i > 0)
            def _():
                pltpu.make_async_copy(
                    ms1, agg_sh.at[dstm_v.at[k1 - 2]], ssem1).wait()

            compute(ea1, hs1, ms1)

            @pl.when(k1 + 2 < NCH)
            def _():
                issue(k1 + 2, ea1, hs1, esem1, gsem1)

            pltpu.async_copy(ms1, agg_sh.at[dstm_v.at[k1]], ssem1, add=True)
            return carry

        lax.fori_loop(0, NCH // 2, pair, 0)

        pltpu.make_async_copy(ms0, agg_sh.at[dstm_v.at[NCH - 2]], ssem0).wait()
        pltpu.make_async_copy(ms1, agg_sh.at[dstm_v.at[NCH - 1]], ssem1).wait()

        plsc.subcore_barrier()
        pltpu.sync_copy(agg_sh.at[pl.ds(s * RPT, RPT)], buf_v)
        pltpu.sync_copy(buf_v, out_hbm.at[pl.ds(wid * RPT, RPT)])

    return edge_kernel(h, ea, srcm, dstm)


NQ = N // 4


def _sig(n):
    return (n % NQ) * 4 + n // NQ


def _pack4(y):
    return jnp.concatenate(
        [y[0:NQ], y[NQ:2 * NQ], y[2 * NQ:3 * NQ], y[3 * NQ:]], axis=1)


def _proj_node(x, W, b):
    def body(x_ref, w_ref, b_ref, o_ref):
        y = jnp.dot(x_ref[...], w_ref[...],
                    preferred_element_type=jnp.float32) + b_ref[...]
        o_ref[...] = _pack4(y)

    return pl.pallas_call(
        body, out_shape=jax.ShapeDtypeStruct((NQ, 4 * H), jnp.float32),
    )(x, W, b.reshape(1, H))


def _proj_edge(eaT, W, b):
    RB = PRB
    G = E // RB

    RB4 = RB // 4

    def body(a_ref, w_ref, b_ref, o_ref):
        y = lax.dot_general(a_ref[...], w_ref[...],
                            (((0,), (0,)), ((), ())),
                            preferred_element_type=jnp.float32) + b_ref[...]
        o_ref[...] = jnp.concatenate(
            [y[0:RB4], y[RB4:2 * RB4], y[2 * RB4:3 * RB4], y[3 * RB4:]],
            axis=1)

    return pl.pallas_call(
        body,
        grid=(G,),
        in_specs=[
            pl.BlockSpec((DE, RB), lambda i: (0, i)),
            pl.BlockSpec((DE, H), lambda i: (0, 0)),
            pl.BlockSpec((1, H), lambda i: (0, 0)),
        ],
        out_specs=pl.BlockSpec((RB // 4, 4 * H), lambda i: (i, 0)),
        out_shape=jax.ShapeDtypeStruct((EPAD // 4, 4 * H), jnp.float32),
    )(eaT, W, b.reshape(1, H))


def _combine4(s):
    return s[:, 0:H] + s[:, H:2 * H] + s[:, 2 * H:3 * H] + s[:, 3 * H:]


def _tile4(v):
    return jnp.concatenate([v] * 4, axis=1)


def _bn_mlp(h4, p0, p1, w1, b1, w2, b2, g, bt):
    z = h4 + p0 + p1
    t = jnp.maximum(
        jnp.dot(z, w1, preferred_element_type=jnp.float32) + b1, 0.0)
    z2 = jnp.dot(t, w2, preferred_element_type=jnp.float32) + b2
    mu = _tile4(_combine4(jnp.sum(z2, axis=0, keepdims=True)) / N)
    d = z2 - mu
    var = _tile4(_combine4(jnp.sum(d * d, axis=0, keepdims=True)) / N)
    return jnp.maximum(g * d * lax.rsqrt(var + 1e-5) + bt, 0.0)


def _dense_layer(h4, a0, a1, W14, b14, W24, b24, g4, bt4):
    def body(h_ref, a0_ref, a1_ref, w1, b1, w2, b2, g, bt, o_ref):
        o_ref[...] = _bn_mlp(h_ref[...], a0_ref[...], a1_ref[...],
                             w1[...], b1[...], w2[...], b2[...],
                             g[...], bt[...])

    return pl.pallas_call(
        body, out_shape=jax.ShapeDtypeStruct((NQ, 4 * H), jnp.float32),
    )(h4, a0, a1, W14, b14, W24, b24, g4, bt4)


def _dense_final(h4, a0, a1, W14, b14, W24, b24, g4, bt4, Wl2, bl2, Wl3, bl3):
    def body(h_ref, a0_ref, a1_ref, w1, b1, w2, b2, g, bt,
             wl2, l2b, wl3, l3b, o_ref):
        hp = _bn_mlp(h_ref[...], a0_ref[...], a1_ref[...],
                     w1[...], b1[...], w2[...], b2[...], g[...], bt[...])
        gx = _combine4(jnp.sum(hp, axis=0, keepdims=True))
        p = jnp.maximum(
            jnp.dot(gx, wl2[...], preferred_element_type=jnp.float32)
            + l2b[...], 0.0)
        o_ref[...] = jnp.dot(p, wl3[...],
                             preferred_element_type=jnp.float32) + l3b[...]

    return pl.pallas_call(
        body, out_shape=jax.ShapeDtypeStruct((1, 1), jnp.float32),
    )(h4, a0, a1, W14, b14, W24, b24, g4, bt4,
      Wl2, bl2.reshape(1, H // 2), Wl3, bl3.reshape(1, 1))


def kernel(x, edge_attr, edge_index, W_node, b_node, W_edge, b_edge,
           W1, b1, W2, b2, gamma, beta, Wl2, bl2, Wl3, bl3):
    srcp = jnp.concatenate(
        [_sig(edge_index[0]), jnp.zeros((EPAD - E,), jnp.int32)])
    dstp = jnp.concatenate(
        [_sig(edge_index[1]),
         N + jnp.arange(EPAD - E, dtype=jnp.int32) % (NP - N)])
    srcm = srcp.reshape(NW, NCH, CH)
    dstm = dstp.reshape(NW, NCH, CH)
    eye4 = jnp.eye(4, dtype=jnp.float32)
    h4 = _proj_node(x, W_node, b_node)
    ea = _proj_edge(edge_attr.T, W_edge, b_edge)
    ea = ea.at[E // 4:].set(0.0)
    for i in range(L):
        parts = _edge_pass(h4.reshape(N, H), ea, srcm, dstm)
        a0 = parts[:N].reshape(NQ, 4 * H)
        a1 = parts[NP:NP + N].reshape(NQ, 4 * H)
        W14 = jnp.kron(eye4, W1[i])
        b14 = jnp.tile(b1[i], 4).reshape(1, 8 * H)
        W24 = jnp.kron(eye4, W2[i])
        b24 = jnp.tile(b2[i], 4).reshape(1, 4 * H)
        g4 = jnp.tile(gamma[i], 4).reshape(1, 4 * H)
        bt4 = jnp.tile(beta[i], 4).reshape(1, 4 * H)
        if i < L - 1:
            h4 = _dense_layer(h4, a0, a1, W14, b14, W24, b24, g4, bt4)
        else:
            res = _dense_final(h4, a0, a1, W14, b14, W24, b24, g4, bt4,
                               Wl2, bl2, Wl3, bl3)
    return res.reshape(1)

# --- scband reference (transcript-rebuilt; emitter-appended) ---
"""Pipeline reference for scband-gnn-18957985644609 (READ-ONLY COPY).

The authoritative reference and input builder live on the scoring server;
editing this copy changes nothing except your own understanding.
"""

import jax, jax.numpy as jnp
import numpy as np

N = 10000
E = 320000
DF = 128
DE = 16
H = 32
L = 3

def setup_inputs(seed: int = 0) -> dict:
    key = jax.random.key(seed)
    ks = jax.random.split(key, 24)
    inp = {}
    inp['x'] = jax.random.normal(ks[0], (N, DF), dtype=jnp.float32)
    inp['edge_attr'] = jax.random.normal(ks[1], (E, DE), dtype=jnp.float32)
    inp['edge_index'] = jax.random.randint(ks[2], (2, E), 0, N, dtype=jnp.int32)
    s = 0.1
    inp['W_node'] = s * jax.random.normal(ks[3], (DF, H), dtype=jnp.float32)
    inp['b_node'] = s * jax.random.normal(ks[4], (H,), dtype=jnp.float32)
    # edge_emb: Lin(DE, 2*DE) with 2*DE == H == 32 (required by GINEConv)
    inp['W_edge'] = s * jax.random.normal(ks[5], (DE, 2 * DE), dtype=jnp.float32)
    inp['b_edge'] = s * jax.random.normal(ks[6], (2 * DE,), dtype=jnp.float32)
    # per-layer GINE MLP: Lin(H, 2H) -> ReLU -> Lin(2H, H)
    inp['W1'] = s * jax.random.normal(ks[7], (L, H, 2 * H), dtype=jnp.float32)
    inp['b1'] = s * jax.random.normal(ks[8], (L, 2 * H), dtype=jnp.float32)
    inp['W2'] = s * jax.random.normal(ks[9], (L, 2 * H, H), dtype=jnp.float32)
    inp['b2'] = s * jax.random.normal(ks[10], (L, H), dtype=jnp.float32)
    inp['gamma'] = jnp.ones((L, H), dtype=jnp.float32)
    inp['beta'] = jnp.zeros((L, H), dtype=jnp.float32)
    inp['Wl2'] = s * jax.random.normal(ks[11], (H, H // 2), dtype=jnp.float32)
    inp['bl2'] = s * jax.random.normal(ks[12], (H // 2,), dtype=jnp.float32)
    inp['Wl3'] = s * jax.random.normal(ks[13], (H // 2, 1), dtype=jnp.float32)
    inp['bl3'] = s * jax.random.normal(ks[14], (1,), dtype=jnp.float32)
    return inp


def reference(x, edge_attr, edge_index, W_node, b_node, W_edge, b_edge,
              W1, b1, W2, b2, gamma, beta, Wl2, bl2, Wl3, bl3):
    src = edge_index[0]
    dst = edge_index[1]
    h = x @ W_node + b_node
    ea = edge_attr @ W_edge + b_edge
    for i in range(L):
        # GINEConv (eps=0): nn( x_i + sum_j ReLU(x_j + e_ji) )
        msg = jax.nn.relu(h[src] + ea)
        agg = jax.ops.segment_sum(msg, dst, num_segments=N)
        z = h + agg
        z = jax.nn.relu(z @ W1[i] + b1[i]) @ W2[i] + b2[i]
        # BatchNorm (training-mode batch statistics)
        mu = jnp.mean(z, axis=0)
        var = jnp.var(z, axis=0)
        z = gamma[i] * (z - mu) / jnp.sqrt(var + 1e-5) + beta[i]
        h = jax.nn.relu(z)
    # batch is None -> torch.sum over dim 0
    graph_x = jnp.sum(h, axis=0)
    # get_pred: lin2 -> relu -> (dropout=identity in eval) -> lin3
    p = jax.nn.relu(graph_x @ Wl2 + bl2)
    return p @ Wl3 + bl3

if __name__ == "__main__":
    import jax
    _d = setup_inputs()
    print(jax.jit(kernel)(*tuple(_d.values())))

</pallas_src>

<mosaic_0001>
#map = affine_map<(d0, d1) -> (0, 0)>
#map1 = affine_map<(d0, d1) -> (0, 0, 0)>
module attributes {stable_mosaic.version = 14 : i64} {
  func.func @edge_kernel(%arg0: i32, %arg1: i32, %arg2: memref<10000x32xf32, #tpu.memory_space<hbm>>, %arg3: memref<81920x128xf32, #tpu.memory_space<hbm>>, %arg4: memref<32x80x128xi32, #tpu.memory_space<hbm>>, %arg5: memref<32x80x128xi32, #tpu.memory_space<hbm>>, %arg6: memref<20480x32xf32, #tpu.memory_space<hbm>>, %arg7: memref<80x128xi32, #tpu.memory_space<vmem>>, %arg8: memref<80x128xi32, #tpu.memory_space<vmem>>, %arg9: memref<128x32xf32, #tpu.memory_space<vmem>>, %arg10: memref<128x32xf32, #tpu.memory_space<vmem>>, %arg11: memref<128x32xf32, #tpu.memory_space<vmem>>, %arg12: memref<128x32xf32, #tpu.memory_space<vmem>>, %arg13: memref<128x32xf32, #tpu.memory_space<vmem>>, %arg14: memref<128x32xf32, #tpu.memory_space<vmem>>, %arg15: memref<640x32xf32, #tpu.memory_space<vmem>>, %arg16: memref<10240x32xf32, #tpu.memory_space<vmem_shared>>, %arg17: memref<!tpu.dma_semaphore, #tpu.memory_space<semaphore_mem>>, %arg18: memref<!tpu.dma_semaphore, #tpu.memory_space<semaphore_mem>>, %arg19: memref<!tpu.dma_semaphore, #tpu.memory_space<semaphore_mem>>, %arg20: memref<!tpu.dma_semaphore, #tpu.memory_space<semaphore_mem>>, %arg21: memref<!tpu.dma_semaphore, #tpu.memory_space<semaphore_mem>>, %arg22: memref<!tpu.dma_semaphore, #tpu.memory_space<semaphore_mem>>) attributes {dimension_semantics = [#tpu.dimension_semantics<core_parallel>, #tpu.dimension_semantics<subcore_parallel>], iteration_bounds = array<i64: 2, 16>, scalar_prefetch = 0 : i64, scratch_operands = 16 : i64, tpu.core_type = #tpu.core_type<sc_vector_subcore>, window_params = [{transform_indices = #map}, {transform_indices = #map}, {transform_indices = #map1}, {transform_indices = #map1}, {transform_indices = #map}]} {
    %mul3A = arith.constant 16 : i32
    %mul3A_0 = arith.muli %arg0, %mul3A : i32
    %add3A = arith.addi %mul3A_0, %arg1 : i32
    %mul3A_1 = arith.constant 10240 : i32
    %mul3A_2 = arith.muli %add3A, %mul3A_1 : i32
    %broadcast_in_dim3A = arith.constant 0.000000e+00 : f32
    %broadcast_in_dim3A_3 = vector.broadcast %broadcast_in_dim3A : f32 to vector<16xf32>
    %scan3A = arith.constant 0 : i32
    %scan3A_4 = arith.constant 0 : i32
    %scan3A_5 = arith.constant 640 : i32
    %scan3A_6 = arith.addi %scan3A_4, %scan3A_5 : i32
    %scan3A_7 = arith.constant 8 : i32
    scf.for %scan3A_166 = %scan3A_4 to %scan3A_6 step %scan3A_7  : i32 {
      %swap3A = arith.index_cast %scan3A_166 : i32 to index
      %swap3A_167 = arith.constant 0 : index
      %swap3A_168 = tpu.vector_load %arg15[%swap3A, %swap3A_167] {strides = array<i32>} : memref<640x32xf32, #tpu.memory_space<vmem>>, vector<1x16xf32>,
      %swap3A_169 = vector.shape_cast %swap3A_168 : vector<1x16xf32> to vector<16xf32>
      %swap3A_170 = vector.shape_cast %broadcast_in_dim3A_3 : vector<16xf32> to vector<1x16xf32>
      tpu.vector_store %arg15[%swap3A, %swap3A_167], %swap3A_170 {strides = array<i32>} : memref<640x32xf32, #tpu.memory_space<vmem>>, vector<1x16xf32>,
      %swap3A_171 = arith.index_cast %scan3A_166 : i32 to index
      %swap3A_172 = arith.constant 16 : index
      %swap3A_173 = tpu.vector_load %arg15[%swap3A_171, %swap3A_172] {strides = array<i32>} : memref<640x32xf32, #tpu.memory_space<vmem>>, vector<1x16xf32>,
      %swap3A_174 = vector.shape_cast %swap3A_173 : vector<1x16xf32> to vector<16xf32>
      %swap3A_175 = vector.shape_cast %broadcast_in_dim3A_3 : vector<16xf32> to vector<1x16xf32>
      tpu.vector_store %arg15[%swap3A_171, %swap3A_172], %swap3A_175 {strides = array<i32>} : memref<640x32xf32, #tpu.memory_space<vmem>>, vector<1x16xf32>,
      %scan3A_176 = arith.constant 1 : i32
      %scan3A_177 = arith.addi %scan3A_166, %scan3A_176 : i32
      %swap3A_178 = arith.index_cast %scan3A_177 : i32 to index
      %swap3A_179 = arith.constant 0 : index
      %swap3A_180 = tpu.vector_load %arg15[%swap3A_178, %swap3A_179] {strides = array<i32>} : memref<640x32xf32, #tpu.memory_space<vmem>>, vector<1x16xf32>,
      %swap3A_181 = vector.shape_cast %swap3A_180 : vector<1x16xf32> to vector<16xf32>
      %swap3A_182 = vector.shape_cast %broadcast_in_dim3A_3 : vector<16xf32> to vector<1x16xf32>
      tpu.vector_store %arg15[%swap3A_178, %swap3A_179], %swap3A_182 {strides = array<i32>} : memref<640x32xf32, #tpu.memory_space<vmem>>, vector<1x16xf32>,
      %swap3A_183 = arith.index_cast %scan3A_177 : i32 to index
      %swap3A_184 = arith.constant 16 : index
      %swap3A_185 = tpu.vector_load %arg15[%swap3A_183, %swap3A_184] {strides = array<i32>} : memref<640x32xf32, #tpu.memory_space<vmem>>, vector<1x16xf32>,
      %swap3A_186 = vector.shape_cast %swap3A_185 : vector<1x16xf32> to vector<16xf32>
      %swap3A_187 = vector.shape_cast %broadcast_in_dim3A_3 : vector<16xf32> to vector<1x16xf32>
      tpu.vector_store %arg15[%swap3A_183, %swap3A_184], %swap3A_187 {strides = array<i32>} : memref<640x32xf32, #tpu.memory_space<vmem>>, vector<1x16xf32>,
      %scan3A_188 = arith.constant 2 : i32
      %scan3A_189 = arith.addi %scan3A_166, %scan3A_188 : i32
      %swap3A_190 = arith.index_cast %scan3A_189 : i32 to index
      %swap3A_191 = arith.constant 0 : index
      %swap3A_192 = tpu.vector_load %arg15[%swap3A_190, %swap3A_191] {strides = array<i32>} : memref<640x32xf32, #tpu.memory_space<vmem>>, vector<1x16xf32>,
      %swap3A_193 = vector.shape_cast %swap3A_192 : vector<1x16xf32> to vector<16xf32>
      %swap3A_194 = vector.shape_cast %broadcast_in_dim3A_3 : vector<16xf32> to vector<1x16xf32>
      tpu.vector_store %arg15[%swap3A_190, %swap3A_191], %swap3A_194 {strides = array<i32>} : memref<640x32xf32, #tpu.memory_space<vmem>>, vector<1x16xf32>,
      %swap3A_195 = arith.index_cast %scan3A_189 : i32 to index
      %swap3A_196 = arith.constant 16 : index
      %swap3A_197 = tpu.vector_load %arg15[%swap3A_195, %swap3A_196] {strides = array<i32>} : memref<640x32xf32, #tpu.memory_space<vmem>>, vector<1x16xf32>,
      %swap3A_198 = vector.shape_cast %swap3A_197 : vector<1x16xf32> to vector<16xf32>
      %swap3A_199 = vector.shape_cast %broadcast_in_dim3A_3 : vector<16xf32> to vector<1x16xf32>
      tpu.vector_store %arg15[%swap3A_195, %swap3A_196], %swap3A_199 {strides = array<i32>} : memref<640x32xf32, #tpu.memory_space<vmem>>, vector<1x16xf32>,
      %scan3A_200 = arith.constant 3 : i32
      %scan3A_201 = arith.addi %scan3A_166, %scan3A_200 : i32
      %swap3A_202 = arith.index_cast %scan3A_201 : i32 to index
      %swap3A_203 = arith.constant 0 : index
      %swap3A_204 = tpu.vector_load %arg15[%swap3A_202, %swap3A_203] {strides = array<i32>} : memref<640x32xf32, #tpu.memory_space<vmem>>, vector<1x16xf32>,
      %swap3A_205 = vector.shape_cast %swap3A_204 : vector<1x16xf32> to vector<16xf32>
      %swap3A_206 = vector.shape_cast %broadcast_in_dim3A_3 : vector<16xf32> to vector<1x16xf32>
      tpu.vector_store %arg15[%swap3A_202, %swap3A_203], %swap3A_206 {strides = array<i32>} : memref<640x32xf32, #tpu.memory_space<vmem>>, vector<1x16xf32>,
      %swap3A_207 = arith.index_cast %scan3A_201 : i32 to index
      %swap3A_208 = arith.constant 16 : index
      %swap3A_209 = tpu.vector_load %arg15[%swap3A_207, %swap3A_208] {strides = array<i32>} : memref<640x32xf32, #tpu.memory_space<vmem>>, vector<1x16xf32>,
      %swap3A_210 = vector.shape_cast %swap3A_209 : vector<1x16xf32> to vector<16xf32>
      %swap3A_211 = vector.shape_cast %broadcast_in_dim3A_3 : vector<16xf32> to vector<1x16xf32>
      tpu.vector_store %arg15[%swap3A_207, %swap3A_208], %swap3A_211 {strides = array<i32>} : memref<640x32xf32, #tpu.memory_space<vmem>>, vector<1x16xf32>,
      %scan3A_212 = arith.constant 4 : i32
      %scan3A_213 = arith.addi %scan3A_166, %scan3A_212 : i32
      %swap3A_214 = arith.index_cast %scan3A_213 : i32 to index
      %swap3A_215 = arith.constant 0 : index
      %swap3A_216 = tpu.vector_load %arg15[%swap3A_214, %swap3A_215] {strides = array<i32>} : memref<640x32xf32, #tpu.memory_space<vmem>>, vector<1x16xf32>,
      %swap3A_217 = vector.shape_cast %swap3A_216 : vector<1x16xf32> to vector<16xf32>
      %swap3A_218 = vector.shape_cast %broadcast_in_dim3A_3 : vector<16xf32> to vector<1x16xf32>
      tpu.vector_store %arg15[%swap3A_214, %swap3A_215], %swap3A_218 {strides = array<i32>} : memref<640x32xf32, #tpu.memory_space<vmem>>, vector<1x16xf32>,
      %swap3A_219 = arith.index_cast %scan3A_213 : i32 to index
      %swap3A_220 = arith.constant 16 : index
      %swap3A_221 = tpu.vector_load %arg15[%swap3A_219, %swap3A_220] {strides = array<i32>} : memref<640x32xf32, #tpu.memory_space<vmem>>, vector<1x16xf32>,
      %swap3A_222 = vector.shape_cast %swap3A_221 : vector<1x16xf32> to vector<16xf32>
      %swap3A_223 = vector.shape_cast %broadcast_in_dim3A_3 : vector<16xf32> to vector<1x16xf32>
      tpu.vector_store %arg15[%swap3A_219, %swap3A_220], %swap3A_223 {strides = array<i32>} : memref<640x32xf32, #tpu.memory_space<vmem>>, vector<1x16xf32>,
      %scan3A_224 = arith.constant 5 : i32
      %scan3A_225 = arith.addi %scan3A_166, %scan3A_224 : i32
      %swap3A_226 = arith.index_cast %scan3A_225 : i32 to index
      %swap3A_227 = arith.constant 0 : index
      %swap3A_228 = tpu.vector_load %arg15[%swap3A_226, %swap3A_227] {strides = array<i32>} : memref<640x32xf32, #tpu.memory_space<vmem>>, vector<1x16xf32>,
      %swap3A_229 = vector.shape_cast %swap3A_228 : vector<1x16xf32> to vector<16xf32>
      %swap3A_230 = vector.shape_cast %broadcast_in_dim3A_3 : vector<16xf32> to vector<1x16xf32>
      tpu.vector_store %arg15[%swap3A_226, %swap3A_227], %swap3A_230 {strides = array<i32>} : memref<640x32xf32, #tpu.memory_space<vmem>>, vector<1x16xf32>,
      %swap3A_231 = arith.index_cast %scan3A_225 : i32 to index
      %swap3A_232 = arith.constant 16 : index
      %swap3A_233 = tpu.vector_load %arg15[%swap3A_231, %swap3A_232] {strides = array<i32>} : memref<640x32xf32, #tpu.memory_space<vmem>>, vector<1x16xf32>,
      %swap3A_234 = vector.shape_cast %swap3A_233 : vector<1x16xf32> to vector<16xf32>
      %swap3A_235 = vector.shape_cast %broadcast_in_dim3A_3 : vector<16xf32> to vector<1x16xf32>
      tpu.vector_store %arg15[%swap3A_231, %swap3A_232], %swap3A_235 {strides = array<i32>} : memref<640x32xf32, #tpu.memory_space<vmem>>, vector<1x16xf32>,
      %scan3A_236 = arith.constant 6 : i32
      %scan3A_237 = arith.addi %scan3A_166, %scan3A_236 : i32
      %swap3A_238 = arith.index_cast %scan3A_237 : i32 to index
      %swap3A_239 = arith.constant 0 : index
      %swap3A_240 = tpu.vector_load %arg15[%swap3A_238, %swap3A_239] {strides = array<i32>} : memref<640x32xf32, #tpu.memory_space<vmem>>, vector<1x16xf32>,
      %swap3A_241 = vector.shape_cast %swap3A_240 : vector<1x16xf32> to vector<16xf32>
      %swap3A_242 = vector.shape_cast %broadcast_in_dim3A_3 : vector<16xf32> to vector<1x16xf32>
      tpu.vector_store %arg15[%swap3A_238, %swap3A_239], %swap3A_242 {strides = array<i32>} : memref<640x32xf32, #tpu.memory_space<vmem>>, vector<1x16xf32>,
      %swap3A_243 = arith.index_cast %scan3A_237 : i32 to index
      %swap3A_244 = arith.constant 16 : index
      %swap3A_245 = tpu.vector_load %arg15[%swap3A_243, %swap3A_244] {strides = array<i32>} : memref<640x32xf32, #tpu.memory_space<vmem>>, vector<1x16xf32>,
      %swap3A_246 = vector.shape_cast %swap3A_245 : vector<1x16xf32> to vector<16xf32>
      %swap3A_247 = vector.shape_cast %broadcast_in_dim3A_3 : vector<16xf32> to vector<1x16xf32>
      tpu.vector_store %arg15[%swap3A_243, %swap3A_244], %swap3A_247 {strides = array<i32>} : memref<640x32xf32, #tpu.memory_space<vmem>>, vector<1x16xf32>,
      %scan3A_248 = arith.constant 7 : i32
      %scan3A_249 = arith.addi %scan3A_166, %scan3A_248 : i32
      %swap3A_250 = arith.index_cast %scan3A_249 : i32 to index
      %swap3A_251 = arith.constant 0 : index
      %swap3A_252 = tpu.vector_load %arg15[%swap3A_250, %swap3A_251] {strides = array<i32>} : memref<640x32xf32, #tpu.memory_space<vmem>>, vector<1x16xf32>,
      %swap3A_253 = vector.shape_cast %swap3A_252 : vector<1x16xf32> to vector<16xf32>
      %swap3A_254 = vector.shape_cast %broadcast_in_dim3A_3 : vector<16xf32> to vector<1x16xf32>
      tpu.vector_store %arg15[%swap3A_250, %swap3A_251], %swap3A_254 {strides = array<i32>} : memref<640x32xf32, #tpu.memory_space<vmem>>, vector<1x16xf32>,
      %swap3A_255 = arith.index_cast %scan3A_249 : i32 to index
      %swap3A_256 = arith.constant 16 : index
      %swap3A_257 = tpu.vector_load %arg15[%swap3A_255, %swap3A_256] {strides = array<i32>} : memref<640x32xf32, #tpu.memory_space<vmem>>, vector<1x16xf32>,
      %swap3A_258 = vector.shape_cast %swap3A_257 : vector<1x16xf32> to vector<16xf32>
      %swap3A_259 = vector.shape_cast %broadcast_in_dim3A_3 : vector<16xf32> to vector<1x16xf32>
      tpu.vector_store %arg15[%swap3A_255, %swap3A_256], %swap3A_259 {strides = array<i32>} : memref<640x32xf32, #tpu.memory_space<vmem>>, vector<1x16xf32>,
    }
    %scan3A_8 = arith.constant 640 : i32
    %mul3A_9 = arith.constant 640 : i32
    %mul3A_10 = arith.muli %arg1, %mul3A_9 : i32
    "tpu.region"() ({
      %run_scoped3A = tpu.sem_alloc : memref<!tpu.dma_semaphore, #tpu.memory_space<semaphore_mem>>
      %dma_start3A_166 = arith.constant 0 : i32
      %dma_start3A_167 = tpu.memref_slice %arg16[%mul3A_10, %dma_start3A_166] : memref<10240x32xf32, #tpu.memory_space<vmem_shared>> -> memref<640x32xf32, #tpu.memory_space<vmem_shared>>
      %dma_start3A_168 = arith.constant 0 : i32
      %dma_start3A_169 = tpu.memref_slice %arg16[%mul3A_10, %dma_start3A_168] : memref<10240x32xf32, #tpu.memory_space<vmem_shared>> -> memref<640x32xf32, #tpu.memory_space<vmem_shared>>
      tpu.enqueue_dma source(%arg15 : memref<640x32xf32, #tpu.memory_space<vmem>>) target(%dma_start3A_169 : memref<640x32xf32, #tpu.memory_space<vmem_shared>>) target_semaphore(%run_scoped3A : memref<!tpu.dma_semaphore, #tpu.memory_space<semaphore_mem>>)
      %dma_wait3A_170 = arith.constant 0 : i32
      %dma_wait3A_171 = tpu.memref_slice %arg16[%mul3A_10, %dma_wait3A_170] : memref<10240x32xf32, #tpu.memory_space<vmem_shared>> -> memref<640x32xf32, #tpu.memory_space<vmem_shared>>
      %dma_wait3A_172 = arith.constant 0 : i32
      %dma_wait3A_173 = tpu.memref_slice %arg16[%mul3A_10, %dma_wait3A_172] : memref<10240x32xf32, #tpu.memory_space<vmem_shared>> -> memref<640x32xf32, #tpu.memory_space<vmem_shared>>
      tpu.wait_dma2 semaphore(%run_scoped3A : memref<!tpu.dma_semaphore, #tpu.memory_space<semaphore_mem>>) src(%arg15 : memref<640x32xf32, #tpu.memory_space<vmem>>) dst(%dma_wait3A_173 : memref<640x32xf32, #tpu.memory_space<vmem_shared>>)
      tpu.yield
    }) : () -> ()
    "tpu.region"() ({
      %run_scoped3A = tpu.sem_alloc : memref<!tpu.dma_semaphore, #tpu.memory_space<semaphore_mem>>
      %dma_start3A_166 = arith.constant 0 : i32
      %dma_start3A_167 = arith.constant 0 : i32
      %dma_start3A_168 = tpu.memref_slice %arg4[%add3A, %dma_start3A_166, %dma_start3A_167] : memref<32x80x128xi32, #tpu.memory_space<hbm>> -> memref<1x80x128xi32, #tpu.memory_space<hbm>>
      %dma_start3A_169 = tpu.memref_squeeze %dma_start3A_168 : memref<1x80x128xi32, #tpu.memory_space<hbm>> -> memref<80x128xi32, #tpu.memory_space<hbm>>
      %dma_start3A_170 = arith.constant 0 : i32
      %dma_start3A_171 = arith.constant 0 : i32
      %dma_start3A_172 = tpu.memref_slice %arg4[%add3A, %dma_start3A_170, %dma_start3A_171] : memref<32x80x128xi32, #tpu.memory_space<hbm>> -> memref<1x80x128xi32, #tpu.memory_space<hbm>>
      %dma_start3A_173 = tpu.memref_squeeze %dma_start3A_172 : memref<1x80x128xi32, #tpu.memory_space<hbm>> -> memref<80x128xi32, #tpu.memory_space<hbm>>
      tpu.enqueue_dma source(%dma_start3A_173 : memref<80x128xi32, #tpu.memory_space<hbm>>) target(%arg7 : memref<80x128xi32, #tpu.memory_space<vmem>>) target_semaphore(%run_scoped3A : memref<!tpu.dma_semaphore, #tpu.memory_space<semaphore_mem>>)
      %dma_wait3A_174 = arith.constant 0 : i32
      %dma_wait3A_175 = arith.constant 0 : i32
      %dma_wait3A_176 = tpu.memref_slice %arg4[%add3A, %dma_wait3A_174, %dma_wait3A_175] : memref<32x80x128xi32, #tpu.memory_space<hbm>> -> memref<1x80x128xi32, #tpu.memory_space<hbm>>
      %dma_wait3A_177 = tpu.memref_squeeze %dma_wait3A_176 : memref<1x80x128xi32, #tpu.memory_space<hbm>> -> memref<80x128xi32, #tpu.memory_space<hbm>>
      %dma_wait3A_178 = arith.constant 0 : i32
      %dma_wait3A_179 = arith.constant 0 : i32
      %dma_wait3A_180 = tpu.memref_slice %arg4[%add3A, %dma_wait3A_178, %dma_wait3A_179] : memref<32x80x128xi32, #tpu.memory_space<hbm>> -> memref<1x80x128xi32, #tpu.memory_space<hbm>>
      %dma_wait3A_181 = tpu.memref_squeeze %dma_wait3A_180 : memref<1x80x128xi32, #tpu.memory_space<hbm>> -> memref<80x128xi32, #tpu.memory_space<hbm>>
      tpu.wait_dma2 semaphore(%run_scoped3A : memref<!tpu.dma_semaphore, #tpu.memory_space<semaphore_mem>>) src(%dma_wait3A_181 : memref<80x128xi32, #tpu.memory_space<hbm>>) dst(%arg7 : memref<80x128xi32, #tpu.memory_space<vmem>>)
      tpu.yield
    }) : () -> ()
    "tpu.region"() ({
      %run_scoped3A = tpu.sem_alloc : memref<!tpu.dma_semaphore, #tpu.memory_space<semaphore_mem>>
      %dma_start3A_166 = arith.constant 0 : i32
      %dma_start3A_167 = arith.constant 0 : i32
      %dma_start3A_168 = tpu.memref_slice %arg5[%add3A, %dma_start3A_166, %dma_start3A_167] : memref<32x80x128xi32, #tpu.memory_space<hbm>> -> memref<1x80x128xi32, #tpu.memory_space<hbm>>
      %dma_start3A_169 = tpu.memref_squeeze %dma_start3A_168 : memref<1x80x128xi32, #tpu.memory_space<hbm>> -> memref<80x128xi32, #tpu.memory_space<hbm>>
      %dma_start3A_170 = arith.constant 0 : i32
      %dma_start3A_171 = arith.constant 0 : i32
      %dma_start3A_172 = tpu.memref_slice %arg5[%add3A, %dma_start3A_170, %dma_start3A_171] : memref<32x80x128xi32, #tpu.memory_space<hbm>> -> memref<1x80x128xi32, #tpu.memory_space<hbm>>
      %dma_start3A_173 = tpu.memref_squeeze %dma_start3A_172 : memref<1x80x128xi32, #tpu.memory_space<hbm>> -> memref<80x128xi32, #tpu.memory_space<hbm>>
      tpu.enqueue_dma source(%dma_start3A_173 : memref<80x128xi32, #tpu.memory_space<hbm>>) target(%arg8 : memref<80x128xi32, #tpu.memory_space<vmem>>) target_semaphore(%run_scoped3A : memref<!tpu.dma_semaphore, #tpu.memory_space<semaphore_mem>>)
      %dma_wait3A_174 = arith.constant 0 : i32
      %dma_wait3A_175 = arith.constant 0 : i32
      %dma_wait3A_176 = tpu.memref_slice %arg5[%add3A, %dma_wait3A_174, %dma_wait3A_175] : memref<32x80x128xi32, #tpu.memory_space<hbm>> -> memref<1x80x128xi32, #tpu.memory_space<hbm>>
      %dma_wait3A_177 = tpu.memref_squeeze %dma_wait3A_176 : memref<1x80x128xi32, #tpu.memory_space<hbm>> -> memref<80x128xi32, #tpu.memory_space<hbm>>
      %dma_wait3A_178 = arith.constant 0 : i32
      %dma_wait3A_179 = arith.constant 0 : i32
      %dma_wait3A_180 = tpu.memref_slice %arg5[%add3A, %dma_wait3A_178, %dma_wait3A_179] : memref<32x80x128xi32, #tpu.memory_space<hbm>> -> memref<1x80x128xi32, #tpu.memory_space<hbm>>
      %dma_wait3A_181 = tpu.memref_squeeze %dma_wait3A_180 : memref<1x80x128xi32, #tpu.memory_space<hbm>> -> memref<80x128xi32, #tpu.memory_space<hbm>>
      tpu.wait_dma2 semaphore(%run_scoped3A : memref<!tpu.dma_semaphore, #tpu.memory_space<semaphore_mem>>) src(%dma_wait3A_181 : memref<80x128xi32, #tpu.memory_space<hbm>>) dst(%arg8 : memref<80x128xi32, #tpu.memory_space<vmem>>)
      tpu.yield
    }) : () -> ()
    %barrier3A = arith.constant 0 : index
    tpu.barrier barrier_id(%barrier3A)
    %add3A_11 = arith.constant 0 : i32
    %add3A_12 = arith.addi %mul3A_2, %add3A_11 : i32
    %jit3A = arith.constant 12800 : i32
    %div3A = arith.divsi %add3A_12, %jit3A : i32
    %sign3A = arith.constant 0 : i32
    %sign3A_13 = arith.cmpi sgt, %add3A_12, %sign3A : i32
    %sign3A_14 = arith.extui %sign3A_13 : i1 to i32
    %sign3A_15 = arith.constant 0 : i32
    %sign3A_16 = arith.cmpi slt, %add3A_12, %sign3A_15 : i32
    %sign3A_17 = arith.extui %sign3A_16 : i1 to i32
    %sign3A_18 = arith.subi %sign3A_14, %sign3A_17 : i32
    %sign3A_19 = arith.constant 0 : i32
    %sign3A_20 = arith.cmpi sgt, %jit3A, %sign3A_19 : i32
    %sign3A_21 = arith.extui %sign3A_20 : i1 to i32
    %sign3A_22 = arith.constant 0 : i32
    %sign3A_23 = arith.cmpi slt, %jit3A, %sign3A_22 : i32
    %sign3A_24 = arith.extui %sign3A_23 : i1 to i32
    %sign3A_25 = arith.subi %sign3A_21, %sign3A_24 : i32
    %ne3A = arith.cmpi ne, %sign3A_18, %sign3A_25 : i32
    %rem3A = arith.remsi %add3A_12, %jit3A : i32
    %ne3A_26 = arith.constant 0 : i32
    %ne3A_27 = arith.cmpi ne, %rem3A, %ne3A_26 : i32
    %and3A = arith.andi %ne3A, %ne3A_27 : i1
    %sub3A = arith.constant 1 : i32
    %sub3A_28 = arith.subi %div3A, %sub3A : i32
    %select_n3A = arith.select %and3A, %sub3A_28, %div3A : i32
    %mul3A_29 = arith.constant 12800 : i32
    %mul3A_30 = arith.muli %select_n3A, %mul3A_29 : i32
    %sub3A_31 = arith.subi %add3A_12, %mul3A_30 : i32
    %jit3A_32 = arith.constant 3200 : i32
    %div3A_33 = arith.divsi %sub3A_31, %jit3A_32 : i32
    %sign3A_34 = arith.constant 0 : i32
    %sign3A_35 = arith.cmpi sgt, %sub3A_31, %sign3A_34 : i32
    %sign3A_36 = arith.extui %sign3A_35 : i1 to i32
    %sign3A_37 = arith.constant 0 : i32
    %sign3A_38 = arith.cmpi slt, %sub3A_31, %sign3A_37 : i32
    %sign3A_39 = arith.extui %sign3A_38 : i1 to i32
    %sign3A_40 = arith.subi %sign3A_36, %sign3A_39 : i32
    %sign3A_41 = arith.constant 0 : i32
    %sign3A_42 = arith.cmpi sgt, %jit3A_32, %sign3A_41 : i32
    %sign3A_43 = arith.extui %sign3A_42 : i1 to i32
    %sign3A_44 = arith.constant 0 : i32
    %sign3A_45 = arith.cmpi slt, %jit3A_32, %sign3A_44 : i32
    %sign3A_46 = arith.extui %sign3A_45 : i1 to i32
    %sign3A_47 = arith.subi %sign3A_43, %sign3A_46 : i32
    %ne3A_48 = arith.cmpi ne, %sign3A_40, %sign3A_47 : i32
    %rem3A_49 = arith.remsi %sub3A_31, %jit3A_32 : i32
    %ne3A_50 = arith.constant 0 : i32
    %ne3A_51 = arith.cmpi ne, %rem3A_49, %ne3A_50 : i32
    %and3A_52 = arith.andi %ne3A_48, %ne3A_51 : i1
    %sub3A_53 = arith.constant 1 : i32
    %sub3A_54 = arith.subi %div3A_33, %sub3A_53 : i32
    %select_n3A_55 = arith.select %and3A_52, %sub3A_54, %div3A_33 : i32
    %mul3A_56 = arith.constant 3200 : i32
    %mul3A_57 = arith.muli %select_n3A, %mul3A_56 : i32
    %mul3A_58 = arith.constant 3200 : i32
    %mul3A_59 = arith.muli %select_n3A_55, %mul3A_58 : i32
    %sub3A_60 = arith.subi %sub3A_31, %mul3A_59 : i32
    %add3A_61 = arith.addi %mul3A_57, %sub3A_60 : i32
    %mul3A_62 = arith.constant 32 : i32
    %mul3A_63 = arith.muli %select_n3A_55, %mul3A_62 : i32
    %dma_start3A = tpu.memref_slice %arg3[%add3A_61, %mul3A_63] : memref<81920x128xf32, #tpu.memory_space<hbm>> -> memref<128x32xf32, #tpu.memory_space<hbm>>
    %dma_start3A_64 = tpu.memref_slice %arg3[%add3A_61, %mul3A_63] : memref<81920x128xf32, #tpu.memory_space<hbm>> -> memref<128x32xf32, #tpu.memory_space<hbm>>
    tpu.enqueue_dma source(%dma_start3A_64 : memref<128x32xf32, #tpu.memory_space<hbm>>) target(%arg11 : memref<128x32xf32, #tpu.memory_space<vmem>>) target_semaphore(%arg19 : memref<!tpu.dma_semaphore, #tpu.memory_space<semaphore_mem>>)
    %dma_start3A_65 = arith.constant 0 : i32
    %dma_start3A_66 = arith.constant 0 : i32
    %dma_start3A_67 = tpu.memref_slice %arg7[%dma_start3A_65, %dma_start3A_66] : memref<80x128xi32, #tpu.memory_space<vmem>> -> memref<1x128xi32, #tpu.memory_space<vmem>>
    %dma_start3A_68 = tpu.memref_squeeze %dma_start3A_67 : memref<1x128xi32, #tpu.memory_space<vmem>> -> memref<128xi32, #tpu.memory_space<vmem>>
    %dma_start3A_69 = arith.constant 0 : i32
    %dma_start3A_70 = arith.constant 0 : i32
    %dma_start3A_71 = tpu.memref_slice %arg2[%dma_start3A_69, %dma_start3A_70] : memref<10000x32xf32, #tpu.memory_space<hbm>> -> memref<10000x32xf32, #tpu.memory_space<hbm>>
    tpu.enqueue_indirect_dma source(%dma_start3A_71 : memref<10000x32xf32, #tpu.memory_space<hbm>>) target(%arg9 : memref<128x32xf32, #tpu.memory_space<vmem>>) offsets(%dma_start3A_68 : memref<128xi32, #tpu.memory_space<vmem>>) semaphore(%arg17 : memref<!tpu.dma_semaphore, #tpu.memory_space<semaphore_mem>>)
    %add3A_72 = arith.constant 128 : i32
    %add3A_73 = arith.addi %mul3A_2, %add3A_72 : i32
    %jit3A_74 = arith.constant 12800 : i32
    %div3A_75 = arith.divsi %add3A_73, %jit3A_74 : i32
    %sign3A_76 = arith.constant 0 : i32
    %sign3A_77 = arith.cmpi sgt, %add3A_73, %sign3A_76 : i32
    %sign3A_78 = arith.extui %sign3A_77 : i1 to i32
    %sign3A_79 = arith.constant 0 : i32
    %sign3A_80 = arith.cmpi slt, %add3A_73, %sign3A_79 : i32
    %sign3A_81 = arith.extui %sign3A_80 : i1 to i32
    %sign3A_82 = arith.subi %sign3A_78, %sign3A_81 : i32
    %sign3A_83 = arith.constant 0 : i32
    %sign3A_84 = arith.cmpi sgt, %jit3A_74, %sign3A_83 : i32
    %sign3A_85 = arith.extui %sign3A_84 : i1 to i32
    %sign3A_86 = arith.constant 0 : i32
    %sign3A_87 = arith.cmpi slt, %jit3A_74, %sign3A_86 : i32
    %sign3A_88 = arith.extui %sign3A_87 : i1 to i32
    %sign3A_89 = arith.subi %sign3A_85, %sign3A_88 : i32
    %ne3A_90 = arith.cmpi ne, %sign3A_82, %sign3A_89 : i32
    %rem3A_91 = arith.remsi %add3A_73, %jit3A_74 : i32
    %ne3A_92 = arith.constant 0 : i32
    %ne3A_93 = arith.cmpi ne, %rem3A_91, %ne3A_92 : i32
    %and3A_94 = arith.andi %ne3A_90, %ne3A_93 : i1
    %sub3A_95 = arith.constant 1 : i32
    %sub3A_96 = arith.subi %div3A_75, %sub3A_95 : i32
    %select_n3A_97 = arith.select %and3A_94, %sub3A_96, %div3A_75 : i32
    %mul3A_98 = arith.constant 12800 : i32
    %mul3A_99 = arith.muli %select_n3A_97, %mul3A_98 : i32
    %sub3A_100 = arith.subi %add3A_73, %mul3A_99 : i32
    %jit3A_101 = arith.constant 3200 : i32
    %div3A_102 = arith.divsi %sub3A_100, %jit3A_101 : i32
    %sign3A_103 = arith.constant 0 : i32
    %sign3A_104 = arith.cmpi sgt, %sub3A_100, %sign3A_103 : i32
    %sign3A_105 = arith.extui %sign3A_104 : i1 to i32
    %sign3A_106 = arith.constant 0 : i32
    %sign3A_107 = arith.cmpi slt, %sub3A_100, %sign3A_106 : i32
    %sign3A_108 = arith.extui %sign3A_107 : i1 to i32
    %sign3A_109 = arith.subi %sign3A_105, %sign3A_108 : i32
    %sign3A_110 = arith.constant 0 : i32
    %sign3A_111 = arith.cmpi sgt, %jit3A_101, %sign3A_110 : i32
    %sign3A_112 = arith.extui %sign3A_111 : i1 to i32
    %sign3A_113 = arith.constant 0 : i32
    %sign3A_114 = arith.cmpi slt, %jit3A_101, %sign3A_113 : i32
    %sign3A_115 = arith.extui %sign3A_114 : i1 to i32
    %sign3A_116 = arith.subi %sign3A_112, %sign3A_115 : i32
    %ne3A_117 = arith.cmpi ne, %sign3A_109, %sign3A_116 : i32
    %rem3A_118 = arith.remsi %sub3A_100, %jit3A_101 : i32
    %ne3A_119 = arith.constant 0 : i32
    %ne3A_120 = arith.cmpi ne, %rem3A_118, %ne3A_119 : i32
    %and3A_121 = arith.andi %ne3A_117, %ne3A_120 : i1
    %sub3A_122 = arith.constant 1 : i32
    %sub3A_123 = arith.subi %div3A_102, %sub3A_122 : i32
    %select_n3A_124 = arith.select %and3A_121, %sub3A_123, %div3A_102 : i32
    %mul3A_125 = arith.constant 3200 : i32
    %mul3A_126 = arith.muli %select_n3A_97, %mul3A_125 : i32
    %mul3A_127 = arith.constant 3200 : i32
    %mul3A_128 = arith.muli %select_n3A_124, %mul3A_127 : i32
    %sub3A_129 = arith.subi %sub3A_100, %mul3A_128 : i32
    %add3A_130 = arith.addi %mul3A_126, %sub3A_129 : i32
    %mul3A_131 = arith.constant 32 : i32
    %mul3A_132 = arith.muli %select_n3A_124, %mul3A_131 : i32
    %dma_start3A_133 = tpu.memref_slice %arg3[%add3A_130, %mul3A_132] : memref<81920x128xf32, #tpu.memory_space<hbm>> -> memref<128x32xf32, #tpu.memory_space<hbm>>
    %dma_start3A_134 = tpu.memref_slice %arg3[%add3A_130, %mul3A_132] : memref<81920x128xf32, #tpu.memory_space<hbm>> -> memref<128x32xf32, #tpu.memory_space<hbm>>
    tpu.enqueue_dma source(%dma_start3A_134 : memref<128x32xf32, #tpu.memory_space<hbm>>) target(%arg12 : memref<128x32xf32, #tpu.memory_space<vmem>>) target_semaphore(%arg20 : memref<!tpu.dma_semaphore, #tpu.memory_space<semaphore_mem>>)
    %dma_start3A_135 = arith.constant 1 : i32
    %dma_start3A_136 = arith.constant 0 : i32
    %dma_start3A_137 = tpu.memref_slice %arg7[%dma_start3A_135, %dma_start3A_136] : memref<80x128xi32, #tpu.memory_space<vmem>> -> memref<1x128xi32, #tpu.memory_space<vmem>>
    %dma_start3A_138 = tpu.memref_squeeze %dma_start3A_137 : memref<1x128xi32, #tpu.memory_space<vmem>> -> memref<128xi32, #tpu.memory_space<vmem>>
    %dma_start3A_139 = arith.constant 0 : i32
    %dma_start3A_140 = arith.constant 0 : i32
    %dma_start3A_141 = tpu.memref_slice %arg2[%dma_start3A_139, %dma_start3A_140] : memref<10000x32xf32, #tpu.memory_space<hbm>> -> memref<10000x32xf32, #tpu.memory_space<hbm>>
    tpu.enqueue_indirect_dma source(%dma_start3A_141 : memref<10000x32xf32, #tpu.memory_space<hbm>>) target(%arg10 : memref<128x32xf32, #tpu.memory_space<vmem>>) offsets(%dma_start3A_138 : memref<128xi32, #tpu.memory_space<vmem>>) semaphore(%arg18 : memref<!tpu.dma_semaphore, #tpu.memory_space<semaphore_mem>>)
    %scan3A_142 = arith.constant 0 : i32
    %scan3A_143 = arith.constant 0 : i32
    %scan3A_144 = arith.constant 40 : i32
    %scan3A_145 = arith.addi %scan3A_143, %scan3A_144 : i32
    %scan3A_146 = arith.constant 1 : i32
    scf.for %scan3A_166 = %scan3A_143 to %scan3A_145 step %scan3A_146  : i32 {
      %mul3A_167 = arith.constant 2 : i32
      %mul3A_168 = arith.muli %mul3A_167, %scan3A_166 : i32
      %mul3A_169 = arith.constant 2 : i32
      %mul3A_170 = arith.muli %mul3A_169, %scan3A_166 : i32
      %add3A_171 = arith.constant 1 : i32
      %add3A_172 = arith.addi %mul3A_170, %add3A_171 : i32
      %mul3A_173 = arith.constant 128 : i32
      %mul3A_174 = arith.muli %mul3A_168, %mul3A_173 : i32
      %add3A_175 = arith.addi %mul3A_2, %mul3A_174 : i32
      %jit3A_176 = arith.constant 12800 : i32
      %div3A_177 = arith.divsi %add3A_175, %jit3A_176 : i32
      %sign3A_178 = arith.constant 0 : i32
      %sign3A_179 = arith.cmpi sgt, %add3A_175, %sign3A_178 : i32
      %sign3A_180 = arith.extui %sign3A_179 : i1 to i32
      %sign3A_181 = arith.constant 0 : i32
      %sign3A_182 = arith.cmpi slt, %add3A_175, %sign3A_181 : i32
      %sign3A_183 = arith.extui %sign3A_182 : i1 to i32
      %sign3A_184 = arith.subi %sign3A_180, %sign3A_183 : i32
      %sign3A_185 = arith.constant 0 : i32
      %sign3A_186 = arith.cmpi sgt, %jit3A_176, %sign3A_185 : i32
      %sign3A_187 = arith.extui %sign3A_186 : i1 to i32
      %sign3A_188 = arith.constant 0 : i32
      %sign3A_189 = arith.cmpi slt, %jit3A_176, %sign3A_188 : i32
      %sign3A_190 = arith.extui %sign3A_189 : i1 to i32
      %sign3A_191 = arith.subi %sign3A_187, %sign3A_190 : i32
      %ne3A_192 = arith.cmpi ne, %sign3A_184, %sign3A_191 : i32
      %rem3A_193 = arith.remsi %add3A_175, %jit3A_176 : i32
      %ne3A_194 = arith.constant 0 : i32
      %ne3A_195 = arith.cmpi ne, %rem3A_193, %ne3A_194 : i32
      %and3A_196 = arith.andi %ne3A_192, %ne3A_195 : i1
      %sub3A_197 = arith.constant 1 : i32
      %sub3A_198 = arith.subi %div3A_177, %sub3A_197 : i32
      %select_n3A_199 = arith.select %and3A_196, %sub3A_198, %div3A_177 : i32
      %mul3A_200 = arith.constant 12800 : i32
      %mul3A_201 = arith.muli %select_n3A_199, %mul3A_200 : i32
      %sub3A_202 = arith.subi %add3A_175, %mul3A_201 : i32
      %jit3A_203 = arith.constant 3200 : i32
      %div3A_204 = arith.divsi %sub3A_202, %jit3A_203 : i32
      %sign3A_205 = arith.constant 0 : i32
      %sign3A_206 = arith.cmpi sgt, %sub3A_202, %sign3A_205 : i32
      %sign3A_207 = arith.extui %sign3A_206 : i1 to i32
      %sign3A_208 = arith.constant 0 : i32
      %sign3A_209 = arith.cmpi slt, %sub3A_202, %sign3A_208 : i32
      %sign3A_210 = arith.extui %sign3A_209 : i1 to i32
      %sign3A_211 = arith.subi %sign3A_207, %sign3A_210 : i32
      %sign3A_212 = arith.constant 0 : i32
      %sign3A_213 = arith.cmpi sgt, %jit3A_203, %sign3A_212 : i32
      %sign3A_214 = arith.extui %sign3A_213 : i1 to i32
      %sign3A_215 = arith.constant 0 : i32
      %sign3A_216 = arith.cmpi slt, %jit3A_203, %sign3A_215 : i32
      %sign3A_217 = arith.extui %sign3A_216 : i1 to i32
      %sign3A_218 = arith.subi %sign3A_214, %sign3A_217 : i32
      %ne3A_219 = arith.cmpi ne, %sign3A_211, %sign3A_218 : i32
      %rem3A_220 = arith.remsi %sub3A_202, %jit3A_203 : i32
      %ne3A_221 = arith.constant 0 : i32
      %ne3A_222 = arith.cmpi ne, %rem3A_220, %ne3A_221 : i32
      %and3A_223 = arith.andi %ne3A_219, %ne3A_222 : i1
      %sub3A_224 = arith.constant 1 : i32
      %sub3A_225 = arith.subi %div3A_204, %sub3A_224 : i32
      %select_n3A_226 = arith.select %and3A_223, %sub3A_225, %div3A_204 : i32
      %mul3A_227 = arith.constant 3200 : i32
      %mul3A_228 = arith.muli %select_n3A_199, %mul3A_227 : i32
      %mul3A_229 = arith.constant 3200 : i32
      %mul3A_230 = arith.muli %select_n3A_226, %mul3A_229 : i32
      %sub3A_231 = arith.subi %sub3A_202, %mul3A_230 : i32
      %add3A_232 = arith.addi %mul3A_228, %sub3A_231 : i32
      %mul3A_233 = arith.constant 32 : i32
      %mul3A_234 = arith.muli %select_n3A_226, %mul3A_233 : i32
      %dma_wait3A_235 = tpu.memref_slice %arg3[%add3A_232, %mul3A_234] : memref<81920x128xf32, #tpu.memory_space<hbm>> -> memref<128x32xf32, #tpu.memory_space<hbm>>
      %dma_wait3A_236 = tpu.memref_slice %arg3[%add3A_232, %mul3A_234] : memref<81920x128xf32, #tpu.memory_space<hbm>> -> memref<128x32xf32, #tpu.memory_space<hbm>>
      tpu.wait_dma2 semaphore(%arg19 : memref<!tpu.dma_semaphore, #tpu.memory_space<semaphore_mem>>) src(%dma_wait3A_236 : memref<128x32xf32, #tpu.memory_space<hbm>>) dst(%arg11 : memref<128x32xf32, #tpu.memory_space<vmem>>)
      %dma_wait3A_237 = arith.constant 0 : i32
      %dma_wait3A_238 = tpu.memref_slice %arg7[%mul3A_168, %dma_wait3A_237] : memref<80x128xi32, #tpu.memory_space<vmem>> -> memref<1x128xi32, #tpu.memory_space<vmem>>
      %dma_wait3A_239 = tpu.memref_squeeze %dma_wait3A_238 : memref<1x128xi32, #tpu.memory_space<vmem>> -> memref<128xi32, #tpu.memory_space<vmem>>
      %dma_wait3A_240 = arith.constant 0 : i32
      %dma_wait3A_241 = arith.constant 0 : i32
      %dma_wait3A_242 = tpu.memref_slice %arg2[%dma_wait3A_240, %dma_wait3A_241] : memref<10000x32xf32, #tpu.memory_space<hbm>> -> memref<10000x32xf32, #tpu.memory_space<hbm>>
      tpu.wait_indirect_dma semaphore(%arg17 : memref<!tpu.dma_semaphore, #tpu.memory_space<semaphore_mem>>) src(%dma_wait3A_242 : memref<10000x32xf32, #tpu.memory_space<hbm>>) dst(%arg9 : memref<128x32xf32, #tpu.memory_space<vmem>>)
      %gt3A = arith.constant 0 : i32
      %gt3A_243 = arith.cmpi sgt, %scan3A_166, %gt3A : i32
      %convert_element_type3A = arith.extui %gt3A_243 : i1 to i32
      %cond3A = arith.constant 0 : i32
      %cond3A_244 = arith.cmpi ne, %convert_element_type3A, %cond3A : i32
      scf.if %cond3A_244 {
        %sub3A_357 = arith.constant 2 : i32
        %sub3A_358 = arith.subi %mul3A_168, %sub3A_357 : i32
        %dma_wait3A_359 = arith.constant 0 : i32
        %dma_wait3A_360 = tpu.memref_slice %arg8[%sub3A_358, %dma_wait3A_359] : memref<80x128xi32, #tpu.memory_space<vmem>> -> memref<1x128xi32, #tpu.memory_space<vmem>>
        %dma_wait3A_361 = tpu.memref_squeeze %dma_wait3A_360 : memref<1x128xi32, #tpu.memory_space<vmem>> -> memref<128xi32, #tpu.memory_space<vmem>>
        %dma_wait3A_362 = arith.constant 0 : i32
        %dma_wait3A_363 = arith.constant 0 : i32
        %dma_wait3A_364 = tpu.memref_slice %arg16[%dma_wait3A_362, %dma_wait3A_363] : memref<10240x32xf32, #tpu.memory_space<vmem_shared>> -> memref<10240x32xf32, #tpu.memory_space<vmem_shared>>
        tpu.wait_indirect_dma semaphore(%arg21 : memref<!tpu.dma_semaphore, #tpu.memory_space<semaphore_mem>>) src(%arg13 : memref<128x32xf32, #tpu.memory_space<vmem>>) dst(%dma_wait3A_364 : memref<10240x32xf32, #tpu.memory_space<vmem_shared>>)
      } else {
      }
      %scan3A_245 = arith.constant 0 : i32
      %scan3A_246 = arith.constant 0 : i32
      %scan3A_247 = arith.constant 128 : i32
      %scan3A_248 = arith.addi %scan3A_246, %scan3A_247 : i32
      %scan3A_249 = arith.constant 8 : i32
      scf.for %scan3A_357 = %scan3A_246 to %scan3A_248 step %scan3A_249  : i32 {
        %get3A = arith.index_cast %scan3A_357 : i32 to index
        %get3A_358 = arith.constant 0 : index
        %get3A_359 = tpu.vector_load %arg9[%get3A, %get3A_358] {strides = array<i32>} : memref<128x32xf32, #tpu.memory_space<vmem>>, vector<1x16xf32>,
        %get3A_360 = vector.shape_cast %get3A_359 : vector<1x16xf32> to vector<16xf32>
        %get3A_361 = arith.index_cast %scan3A_357 : i32 to index
        %get3A_362 = arith.constant 0 : index
        %get3A_363 = tpu.vector_load %arg11[%get3A_361, %get3A_362] {strides = array<i32>} : memref<128x32xf32, #tpu.memory_space<vmem>>, vector<1x16xf32>,
        %get3A_364 = vector.shape_cast %get3A_363 : vector<1x16xf32> to vector<16xf32>
        %add3A_365 = arith.addf %get3A_360, %get3A_364 : vector<16xf32>
        %max3A = arith.constant 0.000000e+00 : f32
        %max3A_366 = vector.broadcast %max3A : f32 to vector<16xf32>
        %max3A_367 = arith.maximumf %add3A_365, %max3A_366 : vector<16xf32>
        %swap3A = arith.index_cast %scan3A_357 : i32 to index
        %swap3A_368 = arith.constant 0 : index
        %swap3A_369 = tpu.vector_load %arg13[%swap3A, %swap3A_368] {strides = array<i32>} : memref<128x32xf32, #tpu.memory_space<vmem>>, vector<1x16xf32>,
        %swap3A_370 = vector.shape_cast %swap3A_369 : vector<1x16xf32> to vector<16xf32>
        %swap3A_371 = vector.shape_cast %max3A_367 : vector<16xf32> to vector<1x16xf32>
        tpu.vector_store %arg13[%swap3A, %swap3A_368], %swap3A_371 {strides = array<i32>} : memref<128x32xf32, #tpu.memory_space<vmem>>, vector<1x16xf32>,
        %get3A_372 = arith.index_cast %scan3A_357 : i32 to index
        %get3A_373 = arith.constant 16 : index
        %get3A_374 = tpu.vector_load %arg9[%get3A_372, %get3A_373] {strides = array<i32>} : memref<128x32xf32, #tpu.memory_space<vmem>>, vector<1x16xf32>,
        %get3A_375 = vector.shape_cast %get3A_374 : vector<1x16xf32> to vector<16xf32>
        %get3A_376 = arith.index_cast %scan3A_357 : i32 to index
        %get3A_377 = arith.constant 16 : index
        %get3A_378 = tpu.vector_load %arg11[%get3A_376, %get3A_377] {strides = array<i32>} : memref<128x32xf32, #tpu.memory_space<vmem>>, vector<1x16xf32>,
        %get3A_379 = vector.shape_cast %get3A_378 : vector<1x16xf32> to vector<16xf32>
        %add3A_380 = arith.addf %get3A_375, %get3A_379 : vector<16xf32>
        %max3A_381 = arith.constant 0.000000e+00 : f32
        %max3A_382 = vector.broadcast %max3A_381 : f32 to vector<16xf32>
        %max3A_383 = arith.maximumf %add3A_380, %max3A_382 : vector<16xf32>
        %swap3A_384 = arith.index_cast %scan3A_357 : i32 to index
        %swap3A_385 = arith.constant 16 : index
        %swap3A_386 = tpu.vector_load %arg13[%swap3A_384, %swap3A_385] {strides = array<i32>} : memref<128x32xf32, #tpu.memory_space<vmem>>, vector<1x16xf32>,
        %swap3A_387 = vector.shape_cast %swap3A_386 : vector<1x16xf32> to vector<16xf32>
        %swap3A_388 = vector.shape_cast %max3A_383 : vector<16xf32> to vector<1x16xf32>
        tpu.vector_store %arg13[%swap3A_384, %swap3A_385], %swap3A_388 {strides = array<i32>} : memref<128x32xf32, #tpu.memory_space<vmem>>, vector<1x16xf32>,
        %scan3A_389 = arith.constant 1 : i32
        %scan3A_390 = arith.addi %scan3A_357, %scan3A_389 : i32
        %get3A_391 = arith.index_cast %scan3A_390 : i32 to index
        %get3A_392 = arith.constant 0 : index
        %get3A_393 = tpu.vector_load %arg9[%get3A_391, %get3A_392] {strides = array<i32>} : memref<128x32xf32, #tpu.memory_space<vmem>>, vector<1x16xf32>,
        %get3A_394 = vector.shape_cast %get3A_393 : vector<1x16xf32> to vector<16xf32>
        %get3A_395 = arith.index_cast %scan3A_390 : i32 to index
        %get3A_396 = arith.constant 0 : index
        %get3A_397 = tpu.vector_load %arg11[%get3A_395, %get3A_396] {strides = array<i32>} : memref<128x32xf32, #tpu.memory_space<vmem>>, vector<1x16xf32>,
        %get3A_398 = vector.shape_cast %get3A_397 : vector<1x16xf32> to vector<16xf32>
        %add3A_399 = arith.addf %get3A_394, %get3A_398 : vector<16xf32>
        %max3A_400 = arith.constant 0.000000e+00 : f32
        %max3A_401 = vector.broadcast %max3A_400 : f32 to vector<16xf32>
        %max3A_402 = arith.maximumf %add3A_399, %max3A_401 : vector<16xf32>
        %swap3A_403 = arith.index_cast %scan3A_390 : i32 to index
        %swap3A_404 = arith.constant 0 : index
        %swap3A_405 = tpu.vector_load %arg13[%swap3A_403, %swap3A_404] {strides = array<i32>} : memref<128x32xf32, #tpu.memory_space<vmem>>, vector<1x16xf32>,
        %swap3A_406 = vector.shape_cast %swap3A_405 : vector<1x16xf32> to vector<16xf32>
        %swap3A_407 = vector.shape_cast %max3A_402 : vector<16xf32> to vector<1x16xf32>
        tpu.vector_store %arg13[%swap3A_403, %swap3A_404], %swap3A_407 {strides = array<i32>} : memref<128x32xf32, #tpu.memory_space<vmem>>, vector<1x16xf32>,
        %get3A_408 = arith.index_cast %scan3A_390 : i32 to index
        %get3A_409 = arith.constant 16 : index
        %get3A_410 = tpu.vector_load %arg9[%get3A_408, %get3A_409] {strides = array<i32>} : memref<128x32xf32, #tpu.memory_space<vmem>>, vector<1x16xf32>,
        %get3A_411 = vector.shape_cast %get3A_410 : vector<1x16xf32> to vector<16xf32>
        %get3A_412 = arith.index_cast %scan3A_390 : i32 to index
        %get3A_413 = arith.constant 16 : index
        %get3A_414 = tpu.vector_load %arg11[%get3A_412, %get3A_413] {strides = array<i32>} : memref<128x32xf32, #tpu.memory_space<vmem>>, vector<1x16xf32>,
        %get3A_415 = vector.shape_cast %get3A_414 : vector<1x16xf32> to vector<16xf32>
        %add3A_416 = arith.addf %get3A_411, %get3A_415 : vector<16xf32>
        %max3A_417 = arith.constant 0.000000e+00 : f32
        %max3A_418 = vector.broadcast %max3A_417 : f32 to vector<16xf32>
        %max3A_419 = arith.maximumf %add3A_416, %max3A_418 : vector<16xf32>
        %swap3A_420 = arith.index_cast %scan3A_390 : i32 to index
        %swap3A_421 = arith.constant 16 : index
        %swap3A_422 = tpu.vector_load %arg13[%swap3A_420, %swap3A_421] {strides = array<i32>} : memref<128x32xf32, #tpu.memory_space<vmem>>, vector<1x16xf32>,
        %swap3A_423 = vector.shape_cast %swap3A_422 : vector<1x16xf32> to vector<16xf32>
        %swap3A_424 = vector.shape_cast %max3A_419 : vector<16xf32> to vector<1x16xf32>
        tpu.vector_store %arg13[%swap3A_420, %swap3A_421], %swap3A_424 {strides = array<i32>} : memref<128x32xf32, #tpu.memory_space<vmem>>, vector<1x16xf32>,
        %scan3A_425 = arith.constant 2 : i32
        %scan3A_426 = arith.addi %scan3A_357, %scan3A_425 : i32
        %get3A_427 = arith.index_cast %scan3A_426 : i32 to index
        %get3A_428 = arith.constant 0 : index
        %get3A_429 = tpu.vector_load %arg9[%get3A_427, %get3A_428] {strides = array<i32>} : memref<128x32xf32, #tpu.memory_space<vmem>>, vector<1x16xf32>,
        %get3A_430 = vector.shape_cast %get3A_429 : vector<1x16xf32> to vector<16xf32>
        %get3A_431 = arith.index_cast %scan3A_426 : i32 to index
        %get3A_432 = arith.constant 0 : index
        %get3A_433 = tpu.vector_load %arg11[%get3A_431, %get3A_432] {strides = array<i32>} : memref<128x32xf32, #tpu.memory_space<vmem>>, vector<1x16xf32>,
        %get3A_434 = vector.shape_cast %get3A_433 : vector<1x16xf32> to vector<16xf32>
        %add3A_435 = arith.addf %get3A_430, %get3A_434 : vector<16xf32>
        %max3A_436 = arith.constant 0.000000e+00 : f32
        %max3A_437 = vector.broadcast %max3A_436 : f32 to vector<16xf32>
        %max3A_438 = arith.maximumf %add3A_435, %max3A_437 : vector<16xf32>
        %swap3A_439 = arith.index_cast %scan3A_426 : i32 to index
        %swap3A_440 = arith.constant 0 : index
        %swap3A_441 = tpu.vector_load %arg13[%swap3A_439, %swap3A_440] {strides = array<i32>} : memref<128x32xf32, #tpu.memory_space<vmem>>, vector<1x16xf32>,
        %swap3A_442 = vector.shape_cast %swap3A_441 : vector<1x16xf32> to vector<16xf32>
        %swap3A_443 = vector.shape_cast %max3A_438 : vector<16xf32> to vector<1x16xf32>
        tpu.vector_store %arg13[%swap3A_439, %swap3A_440], %swap3A_443 {strides = array<i32>} : memref<128x32xf32, #tpu.memory_space<vmem>>, vector<1x16xf32>,
        %get3A_444 = arith.index_cast %scan3A_426 : i32 to index
        %get3A_445 = arith.constant 16 : index
        %get3A_446 = tpu.vector_load %arg9[%get3A_444, %get3A_445] {strides = array<i32>} : memref<128x32xf32, #tpu.memory_space<vmem>>, vector<1x16xf32>,
        %get3A_447 = vector.shape_cast %get3A_446 : vector<1x16xf32> to vector<16xf32>
        %get3A_448 = arith.index_cast %scan3A_426 : i32 to index
        %get3A_449 = arith.constant 16 : index
        %get3A_450 = tpu.vector_load %arg11[%get3A_448, %get3A_449] {strides = array<i32>} : memref<128x32xf32, #tpu.memory_space<vmem>>, vector<1x16xf32>,
        %get3A_451 = vector.shape_cast %get3A_450 : vector<1x16xf32> to vector<16xf32>
        %add3A_452 = arith.addf %get3A_447, %get3A_451 : vector<16xf32>
        %max3A_453 = arith.constant 0.000000e+00 : f32
        %max3A_454 = vector.broadcast %max3A_453 : f32 to vector<16xf32>
        %max3A_455 = arith.maximumf %add3A_452, %max3A_454 : vector<16xf32>
        %swap3A_456 = arith.index_cast %scan3A_426 : i32 to index
        %swap3A_457 = arith.constant 16 : index
        %swap3A_458 = tpu.vector_load %arg13[%swap3A_456, %swap3A_457] {strides = array<i32>} : memref<128x32xf32, #tpu.memory_space<vmem>>, vector<1x16xf32>,
        %swap3A_459 = vector.shape_cast %swap3A_458 : vector<1x16xf32> to vector<16xf32>
        %swap3A_460 = vector.shape_cast %max3A_455 : vector<16xf32> to vector<1x16xf32>
        tpu.vector_store %arg13[%swap3A_456, %swap3A_457], %swap3A_460 {strides = array<i32>} : memref<128x32xf32, #tpu.memory_space<vmem>>, vector<1x16xf32>,
        %scan3A_461 = arith.constant 3 : i32
        %scan3A_462 = arith.addi %scan3A_357, %scan3A_461 : i32
        %get3A_463 = arith.index_cast %scan3A_462 : i32 to index
        %get3A_464 = arith.constant 0 : index
        %get3A_465 = tpu.vector_load %arg9[%get3A_463, %get3A_464] {strides = array<i32>} : memref<128x32xf32, #tpu.memory_space<vmem>>, vector<1x16xf32>,
        %get3A_466 = vector.shape_cast %get3A_465 : vector<1x16xf32> to vector<16xf32>
        %get3A_467 = arith.index_cast %scan3A_462 : i32 to index
        %get3A_468 = arith.constant 0 : index
        %get3A_469 = tpu.vector_load %arg11[%get3A_467, %get3A_468] {strides = array<i32>} : memref<128x32xf32, #tpu.memory_space<vmem>>, vector<1x16xf32>,
        %get3A_470 = vector.shape_cast %get3A_469 : vector<1x16xf32> to vector<16xf32>
        %add3A_471 = arith.addf %get3A_466, %get3A_470 : vector<16xf32>
        %max3A_472 = arith.constant 0.000000e+00 : f32
        %max3A_473 = vector.broadcast %max3A_472 : f32 to vector<16xf32>
        %max3A_474 = arith.maximumf %add3A_471, %max3A_473 : vector<16xf32>
        %swap3A_475 = arith.index_cast %scan3A_462 : i32 to index
        %swap3A_476 = arith.constant 0 : index
        %swap3A_477 = tpu.vector_load %arg13[%swap3A_475, %swap3A_476] {strides = array<i32>} : memref<128x32xf32, #tpu.memory_space<vmem>>, vector<1x16xf32>,
        %swap3A_478 = vector.shape_cast %swap3A_477 : vector<1x16xf32> to vector<16xf32>
        %swap3A_479 = vector.shape_cast %max3A_474 : vector<16xf32> to vector<1x16xf32>
        tpu.vector_store %arg13[%swap3A_475, %swap3A_476], %swap3A_479 {strides = array<i32>} : memref<128x32xf32, #tpu.memory_space<vmem>>, vector<1x16xf32>,
        %get3A_480 = arith.index_cast %scan3A_462 : i32 to index
        %get3A_481 = arith.constant 16 : index
        %get3A_482 = tpu.vector_load %arg9[%get3A_480, %get3A_481] {strides = array<i32>} : memref<128x32xf32, #tpu.memory_space<vmem>>, vector<1x16xf32>,
        %get3A_483 = vector.shape_cast %get3A_482 : vector<1x16xf32> to vector<16xf32>
        %get3A_484 = arith.index_cast %scan3A_462 : i32 to index
        %get3A_485 = arith.constant 16 : index
        %get3A_486 = tpu.vector_load %arg11[%get3A_484, %get3A_485] {strides = array<i32>} : memref<128x32xf32, #tpu.memory_space<vmem>>, vector<1x16xf32>,
        %get3A_487 = vector.shape_cast %get3A_486 : vector<1x16xf32> to vector<16xf32>
        %add3A_488 = arith.addf %get3A_483, %get3A_487 : vector<16xf32>
        %max3A_489 = arith.constant 0.000000e+00 : f32
        %max3A_490 = vector.broadcast %max3A_489 : f32 to vector<16xf32>
        %max3A_491 = arith.maximumf %add3A_488, %max3A_490 : vector<16xf32>
        %swap3A_492 = arith.index_cast %scan3A_462 : i32 to index
        %swap3A_493 = arith.constant 16 : index
        %swap3A_494 = tpu.vector_load %arg13[%swap3A_492, %swap3A_493] {strides = array<i32>} : memref<128x32xf32, #tpu.memory_space<vmem>>, vector<1x16xf32>,
        %swap3A_495 = vector.shape_cast %swap3A_494 : vector<1x16xf32> to vector<16xf32>
        %swap3A_496 = vector.shape_cast %max3A_491 : vector<16xf32> to vector<1x16xf32>
        tpu.vector_store %arg13[%swap3A_492, %swap3A_493], %swap3A_496 {strides = array<i32>} : memref<128x32xf32, #tpu.memory_space<vmem>>, vector<1x16xf32>,
        %scan3A_497 = arith.constant 4 : i32
        %scan3A_498 = arith.addi %scan3A_357, %scan3A_497 : i32
        %get3A_499 = arith.index_cast %scan3A_498 : i32 to index
        %get3A_500 = arith.constant 0 : index
        %get3A_501 = tpu.vector_load %arg9[%get3A_499, %get3A_500] {strides = array<i32>} : memref<128x32xf32, #tpu.memory_space<vmem>>, vector<1x16xf32>,
        %get3A_502 = vector.shape_cast %get3A_501 : vector<1x16xf32> to vector<16xf32>
        %get3A_503 = arith.index_cast %scan3A_498 : i32 to index
        %get3A_504 = arith.constant 0 : index
        %get3A_505 = tpu.vector_load %arg11[%get3A_503, %get3A_504] {strides = array<i32>} : memref<128x32xf32, #tpu.memory_space<vmem>>, vector<1x16xf32>,
        %get3A_506 = vector.shape_cast %get3A_505 : vector<1x16xf32> to vector<16xf32>
        %add3A_507 = arith.addf %get3A_502, %get3A_506 : vector<16xf32>
        %max3A_508 = arith.constant 0.000000e+00 : f32
        %max3A_509 = vector.broadcast %max3A_508 : f32 to vector<16xf32>
        %max3A_510 = arith.maximumf %add3A_507, %max3A_509 : vector<16xf32>
        %swap3A_511 = arith.index_cast %scan3A_498 : i32 to index
        %swap3A_512 = arith.constant 0 : index
        %swap3A_513 = tpu.vector_load %arg13[%swap3A_511, %swap3A_512] {strides = array<i32>} : memref<128x32xf32, #tpu.memory_space<vmem>>, vector<1x16xf32>,
        %swap3A_514 = vector.shape_cast %swap3A_513 : vector<1x16xf32> to vector<16xf32>
        %swap3A_515 = vector.shape_cast %max3A_510 : vector<16xf32> to vector<1x16xf32>
        tpu.vector_store %arg13[%swap3A_511, %swap3A_512], %swap3A_515 {strides = array<i32>} : memref<128x32xf32, #tpu.memory_space<vmem>>, vector<1x16xf32>,
        %get3A_516 = arith.index_cast %scan3A_498 : i32 to index
        %get3A_517 = arith.constant 16 : index
        %get3A_518 = tpu.vector_load %arg9[%get3A_516, %get3A_517] {strides = array<i32>} : memref<128x32xf32, #tpu.memory_space<vmem>>, vector<1x16xf32>,
        %get3A_519 = vector.shape_cast %get3A_518 : vector<1x16xf32> to vector<16xf32>
        %get3A_520 = arith.index_cast %scan3A_498 : i32 to index
        %get3A_521 = arith.constant 16 : index
        %get3A_522 = tpu.vector_load %arg11[%get3A_520, %get3A_521] {strides = array<i32>} : memref<128x32xf32, #tpu.memory_space<vmem>>, vector<1x16xf32>,
        %get3A_523 = vector.shape_cast %get3A_522 : vector<1x16xf32> to vector<16xf32>
        %add3A_524 = arith.addf %get3A_519, %get3A_523 : vector<16xf32>
        %max3A_525 = arith.constant 0.000000e+00 : f32
        %max3A_526 = vector.broadcast %max3A_525 : f32 to vector<16xf32>
        %max3A_527 = arith.maximumf %add3A_524, %max3A_526 : vector<16xf32>
        %swap3A_528 = arith.index_cast %scan3A_498 : i32 to index
        %swap3A_529 = arith.constant 16 : index
        %swap3A_530 = tpu.vector_load %arg13[%swap3A_528, %swap3A_529] {strides = array<i32>} : memref<128x32xf32, #tpu.memory_space<vmem>>, vector<1x16xf32>,
        %swap3A_531 = vector.shape_cast %swap3A_530 : vector<1x16xf32> to vector<16xf32>
        %swap3A_532 = vector.shape_cast %max3A_527 : vector<16xf32> to vector<1x16xf32>
        tpu.vector_store %arg13[%swap3A_528, %swap3A_529], %swap3A_532 {strides = array<i32>} : memref<128x32xf32, #tpu.memory_space<vmem>>, vector<1x16xf32>,
        %scan3A_533 = arith.constant 5 : i32
        %scan3A_534 = arith.addi %scan3A_357, %scan3A_533 : i32
        %get3A_535 = arith.index_cast %scan3A_534 : i32 to index
        %get3A_536 = arith.constant 0 : index
        %get3A_537 = tpu.vector_load %arg9[%get3A_535, %get3A_536] {strides = array<i32>} : memref<128x32xf32, #tpu.memory_space<vmem>>, vector<1x16xf32>,
        %get3A_538 = vector.shape_cast %get3A_537 : vector<1x16xf32> to vector<16xf32>
        %get3A_539 = arith.index_cast %scan3A_534 : i32 to index
        %get3A_540 = arith.constant 0 : index
        %get3A_541 = tpu.vector_load %arg11[%get3A_539, %get3A_540] {strides = array<i32>} : memref<128x32xf32, #tpu.memory_space<vmem>>, vector<1x16xf32>,
        %get3A_542 = vector.shape_cast %get3A_541 : vector<1x16xf32> to vector<16xf32>
        %add3A_543 = arith.addf %get3A_538, %get3A_542 : vector<16xf32>
        %max3A_544 = arith.constant 0.000000e+00 : f32
        %max3A_545 = vector.broadcast %max3A_544 : f32 to vector<16xf32>
        %max3A_546 = arith.maximumf %add3A_543, %max3A_545 : vector<16xf32>
        %swap3A_547 = arith.index_cast %scan3A_534 : i32 to index
        %swap3A_548 = arith.constant 0 : index
        %swap3A_549 = tpu.vector_load %arg13[%swap3A_547, %swap3A_548] {strides = array<i32>} : memref<128x32xf32, #tpu.memory_space<vmem>>, vector<1x16xf32>,
        %swap3A_550 = vector.shape_cast %swap3A_549 : vector<1x16xf32> to vector<16xf32>
        %swap3A_551 = vector.shape_cast %max3A_546 : vector<16xf32> to vector<1x16xf32>
        tpu.vector_store %arg13[%swap3A_547, %swap3A_548], %swap3A_551 {strides = array<i32>} : memref<128x32xf32, #tpu.memory_space<vmem>>, vector<1x16xf32>,
        %get3A_552 = arith.index_cast %scan3A_534 : i32 to index
        %get3A_553 = arith.constant 16 : index
        %get3A_554 = tpu.vector_load %arg9[%get3A_552, %get3A_553] {strides = array<i32>} : memref<128x32xf32, #tpu.memory_space<vmem>>, vector<1x16xf32>,
        %get3A_555 = vector.shape_cast %get3A_554 : vector<1x16xf32> to vector<16xf32>
        %get3A_556 = arith.index_cast %scan3A_534 : i32 to index
        %get3A_557 = arith.constant 16 : index
        %get3A_558 = tpu.vector_load %arg11[%get3A_556, %get3A_557] {strides = array<i32>} : memref<128x32xf32, #tpu.memory_space<vmem>>, vector<1x16xf32>,
        %get3A_559 = vector.shape_cast %get3A_558 : vector<1x16xf32> to vector<16xf32>
        %add3A_560 = arith.addf %get3A_555, %get3A_559 : vector<16xf32>
        %max3A_561 = arith.constant 0.000000e+00 : f32
        %max3A_562 = vector.broadcast %max3A_561 : f32 to vector<16xf32>
        %max3A_563 = arith.maximumf %add3A_560, %max3A_562 : vector<16xf32>
        %swap3A_564 = arith.index_cast %scan3A_534 : i32 to index
        %swap3A_565 = arith.constant 16 : index
        %swap3A_566 = tpu.vector_load %arg13[%swap3A_564, %swap3A_565] {strides = array<i32>} : memref<128x32xf32, #tpu.memory_space<vmem>>, vector<1x16xf32>,
        %swap3A_567 = vector.shape_cast %swap3A_566 : vector<1x16xf32> to vector<16xf32>
        %swap3A_568 = vector.shape_cast %max3A_563 : vector<16xf32> to vector<1x16xf32>
        tpu.vector_store %arg13[%swap3A_564, %swap3A_565], %swap3A_568 {strides = array<i32>} : memref<128x32xf32, #tpu.memory_space<vmem>>, vector<1x16xf32>,
        %scan3A_569 = arith.constant 6 : i32
        %scan3A_570 = arith.addi %scan3A_357, %scan3A_569 : i32
        %get3A_571 = arith.index_cast %scan3A_570 : i32 to index
        %get3A_572 = arith.constant 0 : index
        %get3A_573 = tpu.vector_load %arg9[%get3A_571, %get3A_572] {strides = array<i32>} : memref<128x32xf32, #tpu.memory_space<vmem>>, vector<1x16xf32>,
        %get3A_574 = vector.shape_cast %get3A_573 : vector<1x16xf32> to vector<16xf32>
        %get3A_575 = arith.index_cast %scan3A_570 : i32 to index
        %get3A_576 = arith.constant 0 : index
        %get3A_577 = tpu.vector_load %arg11[%get3A_575, %get3A_576] {strides = array<i32>} : memref<128x32xf32, #tpu.memory_space<vmem>>, vector<1x16xf32>,
        %get3A_578 = vector.shape_cast %get3A_577 : vector<1x16xf32> to vector<16xf32>
        %add3A_579 = arith.addf %get3A_574, %get3A_578 : vector<16xf32>
        %max3A_580 = arith.constant 0.000000e+00 : f32
        %max3A_581 = vector.broadcast %max3A_580 : f32 to vector<16xf32>
        %max3A_582 = arith.maximumf %add3A_579, %max3A_581 : vector<16xf32>
        %swap3A_583 = arith.index_cast %scan3A_570 : i32 to index
        %swap3A_584 = arith.constant 0 : index
        %swap3A_585 = tpu.vector_load %arg13[%swap3A_583, %swap3A_584] {strides = array<i32>} : memref<128x32xf32, #tpu.memory_space<vmem>>, vector<1x16xf32>,
        %swap3A_586 = vector.shape_cast %swap3A_585 : vector<1x16xf32> to vector<16xf32>
        %swap3A_587 = vector.shape_cast %max3A_582 : vector<16xf32> to vector<1x16xf32>
        tpu.vector_store %arg13[%swap3A_583, %swap3A_584], %swap3A_587 {strides = array<i32>} : memref<128x32xf32, #tpu.memory_space<vmem>>, vector<1x16xf32>,
        %get3A_588 = arith.index_cast %scan3A_570 : i32 to index
        %get3A_589 = arith.constant 16 : index
        %get3A_590 = tpu.vector_load %arg9[%get3A_588, %get3A_589] {strides = array<i32>} : memref<128x32xf32, #tpu.memory_space<vmem>>, vector<1x16xf32>,
        %get3A_591 = vector.shape_cast %get3A_590 : vector<1x16xf32> to vector<16xf32>
        %get3A_592 = arith.index_cast %scan3A_570 : i32 to index
        %get3A_593 = arith.constant 16 : index
        %get3A_594 = tpu.vector_load %arg11[%get3A_592, %get3A_593] {strides = array<i32>} : memref<128x32xf32, #tpu.memory_space<vmem>>, vector<1x16xf32>,
        %get3A_595 = vector.shape_cast %get3A_594 : vector<1x16xf32> to vector<16xf32>
        %add3A_596 = arith.addf %get3A_591, %get3A_595 : vector<16xf32>
        %max3A_597 = arith.constant 0.000000e+00 : f32
        %max3A_598 = vector.broadcast %max3A_597 : f32 to vector<16xf32>
        %max3A_599 = arith.maximumf %add3A_596, %max3A_598 : vector<16xf32>
        %swap3A_600 = arith.index_cast %scan3A_570 : i32 to index
        %swap3A_601 = arith.constant 16 : index
        %swap3A_602 = tpu.vector_load %arg13[%swap3A_600, %swap3A_601] {strides = array<i32>} : memref<128x32xf32, #tpu.memory_space<vmem>>, vector<1x16xf32>,
        %swap3A_603 = vector.shape_cast %swap3A_602 : vector<1x16xf32> to vector<16xf32>
        %swap3A_604 = vector.shape_cast %max3A_599 : vector<16xf32> to vector<1x16xf32>
        tpu.vector_store %arg13[%swap3A_600, %swap3A_601], %swap3A_604 {strides = array<i32>} : memref<128x32xf32, #tpu.memory_space<vmem>>, vector<1x16xf32>,
        %scan3A_605 = arith.constant 7 : i32
        %scan3A_606 = arith.addi %scan3A_357, %scan3A_605 : i32
        %get3A_607 = arith.index_cast %scan3A_606 : i32 to index
        %get3A_608 = arith.constant 0 : index
        %get3A_609 = tpu.vector_load %arg9[%get3A_607, %get3A_608] {strides = array<i32>} : memref<128x32xf32, #tpu.memory_space<vmem>>, vector<1x16xf32>,
        %get3A_610 = vector.shape_cast %get3A_609 : vector<1x16xf32> to vector<16xf32>
        %get3A_611 = arith.index_cast %scan3A_606 : i32 to index
        %get3A_612 = arith.constant 0 : index
        %get3A_613 = tpu.vector_load %arg11[%get3A_611, %get3A_612] {strides = array<i32>} : memref<128x32xf32, #tpu.memory_space<vmem>>, vector<1x16xf32>,
        %get3A_614 = vector.shape_cast %get3A_613 : vector<1x16xf32> to vector<16xf32>
        %add3A_615 = arith.addf %get3A_610, %get3A_614 : vector<16xf32>
        %max3A_616 = arith.constant 0.000000e+00 : f32
        %max3A_617 = vector.broadcast %max3A_616 : f32 to vector<16xf32>
        %max3A_618 = arith.maximumf %add3A_615, %max3A_617 : vector<16xf32>
        %swap3A_619 = arith.index_cast %scan3A_606 : i32 to index
        %swap3A_620 = arith.constant 0 : index
        %swap3A_621 = tpu.vector_load %arg13[%swap3A_619, %swap3A_620] {strides = array<i32>} : memref<128x32xf32, #tpu.memory_space<vmem>>, vector<1x16xf32>,
        %swap3A_622 = vector.shape_cast %swap3A_621 : vector<1x16xf32> to vector<16xf32>
        %swap3A_623 = vector.shape_cast %max3A_618 : vector<16xf32> to vector<1x16xf32>
        tpu.vector_store %arg13[%swap3A_619, %swap3A_620], %swap3A_623 {strides = array<i32>} : memref<128x32xf32, #tpu.memory_space<vmem>>, vector<1x16xf32>,
        %get3A_624 = arith.index_cast %scan3A_606 : i32 to index
        %get3A_625 = arith.constant 16 : index
        %get3A_626 = tpu.vector_load %arg9[%get3A_624, %get3A_625] {strides = array<i32>} : memref<128x32xf32, #tpu.memory_space<vmem>>, vector<1x16xf32>,
        %get3A_627 = vector.shape_cast %get3A_626 : vector<1x16xf32> to vector<16xf32>
        %get3A_628 = arith.index_cast %scan3A_606 : i32 to index
        %get3A_629 = arith.constant 16 : index
        %get3A_630 = tpu.vector_load %arg11[%get3A_628, %get3A_629] {strides = array<i32>} : memref<128x32xf32, #tpu.memory_space<vmem>>, vector<1x16xf32>,
        %get3A_631 = vector.shape_cast %get3A_630 : vector<1x16xf32> to vector<16xf32>
        %add3A_632 = arith.addf %get3A_627, %get3A_631 : vector<16xf32>
        %max3A_633 = arith.constant 0.000000e+00 : f32
        %max3A_634 = vector.broadcast %max3A_633 : f32 to vector<16xf32>
        %max3A_635 = arith.maximumf %add3A_632, %max3A_634 : vector<16xf32>
        %swap3A_636 = arith.index_cast %scan3A_606 : i32 to index
        %swap3A_637 = arith.constant 16 : index
        %swap3A_638 = tpu.vector_load %arg13[%swap3A_636, %swap3A_637] {strides = array<i32>} : memref<128x32xf32, #tpu.memory_space<vmem>>, vector<1x16xf32>,
        %swap3A_639 = vector.shape_cast %swap3A_638 : vector<1x16xf32> to vector<16xf32>
        %swap3A_640 = vector.shape_cast %max3A_635 : vector<16xf32> to vector<1x16xf32>
        tpu.vector_store %arg13[%swap3A_636, %swap3A_637], %swap3A_640 {strides = array<i32>} : memref<128x32xf32, #tpu.memory_space<vmem>>, vector<1x16xf32>,
      }
      %scan3A_250 = arith.constant 128 : i32
      %add3A_251 = arith.constant 2 : i32
      %add3A_252 = arith.addi %mul3A_168, %add3A_251 : i32
      %lt3A = arith.constant 80 : i32
      %lt3A_253 = arith.cmpi slt, %add3A_252, %lt3A : i32
      %convert_element_type3A_254 = arith.extui %lt3A_253 : i1 to i32
      %cond3A_255 = arith.constant 0 : i32
      %cond3A_256 = arith.cmpi ne, %convert_element_type3A_254, %cond3A_255 : i32
      scf.if %cond3A_256 {
        %add3A_357 = arith.constant 2 : i32
        %add3A_358 = arith.addi %mul3A_168, %add3A_357 : i32
        %mul3A_359 = arith.constant 128 : i32
        %mul3A_360 = arith.muli %add3A_358, %mul3A_359 : i32
        %add3A_361 = arith.addi %mul3A_2, %mul3A_360 : i32
        %jit3A_362 = arith.constant 12800 : i32
        %div3A_363 = arith.divsi %add3A_361, %jit3A_362 : i32
        %sign3A_364 = arith.constant 0 : i32
        %sign3A_365 = arith.cmpi sgt, %add3A_361, %sign3A_364 : i32
        %sign3A_366 = arith.extui %sign3A_365 : i1 to i32
        %sign3A_367 = arith.constant 0 : i32
        %sign3A_368 = arith.cmpi slt, %add3A_361, %sign3A_367 : i32
        %sign3A_369 = arith.extui %sign3A_368 : i1 to i32
        %sign3A_370 = arith.subi %sign3A_366, %sign3A_369 : i32
        %sign3A_371 = arith.constant 0 : i32
        %sign3A_372 = arith.cmpi sgt, %jit3A_362, %sign3A_371 : i32
        %sign3A_373 = arith.extui %sign3A_372 : i1 to i32
        %sign3A_374 = arith.constant 0 : i32
        %sign3A_375 = arith.cmpi slt, %jit3A_362, %sign3A_374 : i32
        %sign3A_376 = arith.extui %sign3A_375 : i1 to i32
        %sign3A_377 = arith.subi %sign3A_373, %sign3A_376 : i32
        %ne3A_378 = arith.cmpi ne, %sign3A_370, %sign3A_377 : i32
        %rem3A_379 = arith.remsi %add3A_361, %jit3A_362 : i32
        %ne3A_380 = arith.constant 0 : i32
        %ne3A_381 = arith.cmpi ne, %rem3A_379, %ne3A_380 : i32
        %and3A_382 = arith.andi %ne3A_378, %ne3A_381 : i1
        %sub3A_383 = arith.constant 1 : i32
        %sub3A_384 = arith.subi %div3A_363, %sub3A_383 : i32
        %select_n3A_385 = arith.select %and3A_382, %sub3A_384, %div3A_363 : i32
        %mul3A_386 = arith.constant 12800 : i32
        %mul3A_387 = arith.muli %select_n3A_385, %mul3A_386 : i32
        %sub3A_388 = arith.subi %add3A_361, %mul3A_387 : i32
        %jit3A_389 = arith.constant 3200 : i32
        %div3A_390 = arith.divsi %sub3A_388, %jit3A_389 : i32
        %sign3A_391 = arith.constant 0 : i32
        %sign3A_392 = arith.cmpi sgt, %sub3A_388, %sign3A_391 : i32
        %sign3A_393 = arith.extui %sign3A_392 : i1 to i32
        %sign3A_394 = arith.constant 0 : i32
        %sign3A_395 = arith.cmpi slt, %sub3A_388, %sign3A_394 : i32
        %sign3A_396 = arith.extui %sign3A_395 : i1 to i32
        %sign3A_397 = arith.subi %sign3A_393, %sign3A_396 : i32
        %sign3A_398 = arith.constant 0 : i32
        %sign3A_399 = arith.cmpi sgt, %jit3A_389, %sign3A_398 : i32
        %sign3A_400 = arith.extui %sign3A_399 : i1 to i32
        %sign3A_401 = arith.constant 0 : i32
        %sign3A_402 = arith.cmpi slt, %jit3A_389, %sign3A_401 : i32
        %sign3A_403 = arith.extui %sign3A_402 : i1 to i32
        %sign3A_404 = arith.subi %sign3A_400, %sign3A_403 : i32
        %ne3A_405 = arith.cmpi ne, %sign3A_397, %sign3A_404 : i32
        %rem3A_406 = arith.remsi %sub3A_388, %jit3A_389 : i32
        %ne3A_407 = arith.constant 0 : i32
        %ne3A_408 = arith.cmpi ne, %rem3A_406, %ne3A_407 : i32
        %and3A_409 = arith.andi %ne3A_405, %ne3A_408 : i1
        %sub3A_410 = arith.constant 1 : i32
        %sub3A_411 = arith.subi %div3A_390, %sub3A_410 : i32
        %select_n3A_412 = arith.select %and3A_409, %sub3A_411, %div3A_390 : i32
        %mul3A_413 = arith.constant 3200 : i32
        %mul3A_414 = arith.muli %select_n3A_385, %mul3A_413 : i32
        %mul3A_415 = arith.constant 3200 : i32
        %mul3A_416 = arith.muli %select_n3A_412, %mul3A_415 : i32
        %sub3A_417 = arith.subi %sub3A_388, %mul3A_416 : i32
        %add3A_418 = arith.addi %mul3A_414, %sub3A_417 : i32
        %mul3A_419 = arith.constant 32 : i32
        %mul3A_420 = arith.muli %select_n3A_412, %mul3A_419 : i32
        %dma_start3A_421 = tpu.memref_slice %arg3[%add3A_418, %mul3A_420] : memref<81920x128xf32, #tpu.memory_space<hbm>> -> memref<128x32xf32, #tpu.memory_space<hbm>>
        %dma_start3A_422 = tpu.memref_slice %arg3[%add3A_418, %mul3A_420] : memref<81920x128xf32, #tpu.memory_space<hbm>> -> memref<128x32xf32, #tpu.memory_space<hbm>>
        tpu.enqueue_dma source(%dma_start3A_422 : memref<128x32xf32, #tpu.memory_space<hbm>>) target(%arg11 : memref<128x32xf32, #tpu.memory_space<vmem>>) target_semaphore(%arg19 : memref<!tpu.dma_semaphore, #tpu.memory_space<semaphore_mem>>)
        %dma_start3A_423 = arith.constant 0 : i32
        %dma_start3A_424 = tpu.memref_slice %arg7[%add3A_358, %dma_start3A_423] : memref<80x128xi32, #tpu.memory_space<vmem>> -> memref<1x128xi32, #tpu.memory_space<vmem>>
        %dma_start3A_425 = tpu.memref_squeeze %dma_start3A_424 : memref<1x128xi32, #tpu.memory_space<vmem>> -> memref<128xi32, #tpu.memory_space<vmem>>
        %dma_start3A_426 = arith.constant 0 : i32
        %dma_start3A_427 = arith.constant 0 : i32
        %dma_start3A_428 = tpu.memref_slice %arg2[%dma_start3A_426, %dma_start3A_427] : memref<10000x32xf32, #tpu.memory_space<hbm>> -> memref<10000x32xf32, #tpu.memory_space<hbm>>
        tpu.enqueue_indirect_dma source(%dma_start3A_428 : memref<10000x32xf32, #tpu.memory_space<hbm>>) target(%arg9 : memref<128x32xf32, #tpu.memory_space<vmem>>) offsets(%dma_start3A_425 : memref<128xi32, #tpu.memory_space<vmem>>) semaphore(%arg17 : memref<!tpu.dma_semaphore, #tpu.memory_space<semaphore_mem>>)
      } else {
      }
      %dma_start3A_257 = arith.constant 0 : i32
      %dma_start3A_258 = tpu.memref_slice %arg8[%mul3A_168, %dma_start3A_257] : memref<80x128xi32, #tpu.memory_space<vmem>> -> memref<1x128xi32, #tpu.memory_space<vmem>>
      %dma_start3A_259 = tpu.memref_squeeze %dma_start3A_258 : memref<1x128xi32, #tpu.memory_space<vmem>> -> memref<128xi32, #tpu.memory_space<vmem>>
      %dma_start3A_260 = arith.constant 0 : i32
      %dma_start3A_261 = arith.constant 0 : i32
      %dma_start3A_262 = tpu.memref_slice %arg16[%dma_start3A_260, %dma_start3A_261] : memref<10240x32xf32, #tpu.memory_space<vmem_shared>> -> memref<10240x32xf32, #tpu.memory_space<vmem_shared>>
      tpu.enqueue_indirect_dma source(%arg13 : memref<128x32xf32, #tpu.memory_space<vmem>>) target(%dma_start3A_262 : memref<10240x32xf32, #tpu.memory_space<vmem_shared>>) offsets(%dma_start3A_259 : memref<128xi32, #tpu.memory_space<vmem>>) semaphore(%arg21 : memref<!tpu.dma_semaphore, #tpu.memory_space<semaphore_mem>>) {add = true}
      %mul3A_263 = arith.constant 128 : i32
      %mul3A_264 = arith.muli %add3A_172, %mul3A_263 : i32
      %add3A_265 = arith.addi %mul3A_2, %mul3A_264 : i32
      %jit3A_266 = arith.constant 12800 : i32
      %div3A_267 = arith.divsi %add3A_265, %jit3A_266 : i32
      %sign3A_268 = arith.constant 0 : i32
      %sign3A_269 = arith.cmpi sgt, %add3A_265, %sign3A_268 : i32
      %sign3A_270 = arith.extui %sign3A_269 : i1 to i32
      %sign3A_271 = arith.constant 0 : i32
      %sign3A_272 = arith.cmpi slt, %add3A_265, %sign3A_271 : i32
      %sign3A_273 = arith.extui %sign3A_272 : i1 to i32
      %sign3A_274 = arith.subi %sign3A_270, %sign3A_273 : i32
      %sign3A_275 = arith.constant 0 : i32
      %sign3A_276 = arith.cmpi sgt, %jit3A_266, %sign3A_275 : i32
      %sign3A_277 = arith.extui %sign3A_276 : i1 to i32
      %sign3A_278 = arith.constant 0 : i32
      %sign3A_279 = arith.cmpi slt, %jit3A_266, %sign3A_278 : i32
      %sign3A_280 = arith.extui %sign3A_279 : i1 to i32
      %sign3A_281 = arith.subi %sign3A_277, %sign3A_280 : i32
      %ne3A_282 = arith.cmpi ne, %sign3A_274, %sign3A_281 : i32
      %rem3A_283 = arith.remsi %add3A_265, %jit3A_266 : i32
      %ne3A_284 = arith.constant 0 : i32
      %ne3A_285 = arith.cmpi ne, %rem3A_283, %ne3A_284 : i32
      %and3A_286 = arith.andi %ne3A_282, %ne3A_285 : i1
      %sub3A_287 = arith.constant 1 : i32
      %sub3A_288 = arith.subi %div3A_267, %sub3A_287 : i32
      %select_n3A_289 = arith.select %and3A_286, %sub3A_288, %div3A_267 : i32
      %mul3A_290 = arith.constant 12800 : i32
      %mul3A_291 = arith.muli %select_n3A_289, %mul3A_290 : i32
      %sub3A_292 = arith.subi %add3A_265, %mul3A_291 : i32
      %jit3A_293 = arith.constant 3200 : i32
      %div3A_294 = arith.divsi %sub3A_292, %jit3A_293 : i32
      %sign3A_295 = arith.constant 0 : i32
      %sign3A_296 = arith.cmpi sgt, %sub3A_292, %sign3A_295 : i32
      %sign3A_297 = arith.extui %sign3A_296 : i1 to i32
      %sign3A_298 = arith.constant 0 : i32
      %sign3A_299 = arith.cmpi slt, %sub3A_292, %sign3A_298 : i32
      %sign3A_300 = arith.extui %sign3A_299 : i1 to i32
      %sign3A_301 = arith.subi %sign3A_297, %sign3A_300 : i32
      %sign3A_302 = arith.constant 0 : i32
      %sign3A_303 = arith.cmpi sgt, %jit3A_293, %sign3A_302 : i32
      %sign3A_304 = arith.extui %sign3A_303 : i1 to i32
      %sign3A_305 = arith.constant 0 : i32
      %sign3A_306 = arith.cmpi slt, %jit3A_293, %sign3A_305 : i32
      %sign3A_307 = arith.extui %sign3A_306 : i1 to i32
      %sign3A_308 = arith.subi %sign3A_304, %sign3A_307 : i32
      %ne3A_309 = arith.cmpi ne, %sign3A_301, %sign3A_308 : i32
      %rem3A_310 = arith.remsi %sub3A_292, %jit3A_293 : i32
      %ne3A_311 = arith.constant 0 : i32
      %ne3A_312 = arith.cmpi ne, %rem3A_310, %ne3A_311 : i32
      %and3A_313 = arith.andi %ne3A_309, %ne3A_312 : i1
      %sub3A_314 = arith.constant 1 : i32
      %sub3A_315 = arith.subi %div3A_294, %sub3A_314 : i32
      %select_n3A_316 = arith.select %and3A_313, %sub3A_315, %div3A_294 : i32
      %mul3A_317 = arith.constant 3200 : i32
      %mul3A_318 = arith.muli %select_n3A_289, %mul3A_317 : i32
      %mul3A_319 = arith.constant 3200 : i32
      %mul3A_320 = arith.muli %select_n3A_316, %mul3A_319 : i32
      %sub3A_321 = arith.subi %sub3A_292, %mul3A_320 : i32
      %add3A_322 = arith.addi %mul3A_318, %sub3A_321 : i32
      %mul3A_323 = arith.constant 32 : i32
      %mul3A_324 = arith.muli %select_n3A_316, %mul3A_323 : i32
      %dma_wait3A_325 = tpu.memref_slice %arg3[%add3A_322, %mul3A_324] : memref<81920x128xf32, #tpu.memory_space<hbm>> -> memref<128x32xf32, #tpu.memory_space<hbm>>
      %dma_wait3A_326 = tpu.memref_slice %arg3[%add3A_322, %mul3A_324] : memref<81920x128xf32, #tpu.memory_space<hbm>> -> memref<128x32xf32, #tpu.memory_space<hbm>>
      tpu.wait_dma2 semaphore(%arg20 : memref<!tpu.dma_semaphore, #tpu.memory_space<semaphore_mem>>) src(%dma_wait3A_326 : memref<128x32xf32, #tpu.memory_space<hbm>>) dst(%arg12 : memref<128x32xf32, #tpu.memory_space<vmem>>)
      %dma_wait3A_327 = arith.constant 0 : i32
      %dma_wait3A_328 = tpu.memref_slice %arg7[%add3A_172, %dma_wait3A_327] : memref<80x128xi32, #tpu.memory_space<vmem>> -> memref<1x128xi32, #tpu.memory_space<vmem>>
      %dma_wait3A_329 = tpu.memref_squeeze %dma_wait3A_328 : memref<1x128xi32, #tpu.memory_space<vmem>> -> memref<128xi32, #tpu.memory_space<vmem>>
      %dma_wait3A_330 = arith.constant 0 : i32
      %dma_wait3A_331 = arith.constant 0 : i32
      %dma_wait3A_332 = tpu.memref_slice %arg2[%dma_wait3A_330, %dma_wait3A_331] : memref<10000x32xf32, #tpu.memory_space<hbm>> -> memref<10000x32xf32, #tpu.memory_space<hbm>>
      tpu.wait_indirect_dma semaphore(%arg18 : memref<!tpu.dma_semaphore, #tpu.memory_space<semaphore_mem>>) src(%dma_wait3A_332 : memref<10000x32xf32, #tpu.memory_space<hbm>>) dst(%arg10 : memref<128x32xf32, #tpu.memory_space<vmem>>)
      %gt3A_333 = arith.constant 0 : i32
      %gt3A_334 = arith.cmpi sgt, %scan3A_166, %gt3A_333 : i32
      %convert_element_type3A_335 = arith.extui %gt3A_334 : i1 to i32
      %cond3A_336 = arith.constant 0 : i32
      %cond3A_337 = arith.cmpi ne, %convert_element_type3A_335, %cond3A_336 : i32
      scf.if %cond3A_337 {
        %sub3A_357 = arith.constant 2 : i32
        %sub3A_358 = arith.subi %add3A_172, %sub3A_357 : i32
        %dma_wait3A_359 = arith.constant 0 : i32
        %dma_wait3A_360 = tpu.memref_slice %arg8[%sub3A_358, %dma_wait3A_359] : memref<80x128xi32, #tpu.memory_space<vmem>> -> memref<1x128xi32, #tpu.memory_space<vmem>>
        %dma_wait3A_361 = tpu.memref_squeeze %dma_wait3A_360 : memref<1x128xi32, #tpu.memory_space<vmem>> -> memref<128xi32, #tpu.memory_space<vmem>>
        %dma_wait3A_362 = arith.constant 0 : i32
        %dma_wait3A_363 = arith.constant 0 : i32
        %dma_wait3A_364 = tpu.memref_slice %arg16[%dma_wait3A_362, %dma_wait3A_363] : memref<10240x32xf32, #tpu.memory_space<vmem_shared>> -> memref<10240x32xf32, #tpu.memory_space<vmem_shared>>
        tpu.wait_indirect_dma semaphore(%arg22 : memref<!tpu.dma_semaphore, #tpu.memory_space<semaphore_mem>>) src(%arg14 : memref<128x32xf32, #tpu.memory_space<vmem>>) dst(%dma_wait3A_364 : memref<10240x32xf32, #tpu.memory_space<vmem_shared>>)
      } else {
      }
      %scan3A_338 = arith.constant 0 : i32
      %scan3A_339 = arith.constant 0 : i32
      %scan3A_340 = arith.constant 128 : i32
      %scan3A_341 = arith.addi %scan3A_339, %scan3A_340 : i32
      %scan3A_342 = arith.constant 8 : i32
      scf.for %scan3A_357 = %scan3A_339 to %scan3A_341 step %scan3A_342  : i32 {
        %get3A = arith.index_cast %scan3A_357 : i32 to index
        %get3A_358 = arith.constant 0 : index
        %get3A_359 = tpu.vector_load %arg10[%get3A, %get3A_358] {strides = array<i32>} : memref<128x32xf32, #tpu.memory_space<vmem>>, vector<1x16xf32>,
        %get3A_360 = vector.shape_cast %get3A_359 : vector<1x16xf32> to vector<16xf32>
        %get3A_361 = arith.index_cast %scan3A_357 : i32 to index
        %get3A_362 = arith.constant 0 : index
        %get3A_363 = tpu.vector_load %arg12[%get3A_361, %get3A_362] {strides = array<i32>} : memref<128x32xf32, #tpu.memory_space<vmem>>, vector<1x16xf32>,
        %get3A_364 = vector.shape_cast %get3A_363 : vector<1x16xf32> to vector<16xf32>
        %add3A_365 = arith.addf %get3A_360, %get3A_364 : vector<16xf32>
        %max3A = arith.constant 0.000000e+00 : f32
        %max3A_366 = vector.broadcast %max3A : f32 to vector<16xf32>
        %max3A_367 = arith.maximumf %add3A_365, %max3A_366 : vector<16xf32>
        %swap3A = arith.index_cast %scan3A_357 : i32 to index
        %swap3A_368 = arith.constant 0 : index
        %swap3A_369 = tpu.vector_load %arg14[%swap3A, %swap3A_368] {strides = array<i32>} : memref<128x32xf32, #tpu.memory_space<vmem>>, vector<1x16xf32>,
        %swap3A_370 = vector.shape_cast %swap3A_369 : vector<1x16xf32> to vector<16xf32>
        %swap3A_371 = vector.shape_cast %max3A_367 : vector<16xf32> to vector<1x16xf32>
        tpu.vector_store %arg14[%swap3A, %swap3A_368], %swap3A_371 {strides = array<i32>} : memref<128x32xf32, #tpu.memory_space<vmem>>, vector<1x16xf32>,
        %get3A_372 = arith.index_cast %scan3A_357 : i32 to index
        %get3A_373 = arith.constant 16 : index
        %get3A_374 = tpu.vector_load %arg10[%get3A_372, %get3A_373] {strides = array<i32>} : memref<128x32xf32, #tpu.memory_space<vmem>>, vector<1x16xf32>,
        %get3A_375 = vector.shape_cast %get3A_374 : vector<1x16xf32> to vector<16xf32>
        %get3A_376 = arith.index_cast %scan3A_357 : i32 to index
        %get3A_377 = arith.constant 16 : index
        %get3A_378 = tpu.vector_load %arg12[%get3A_376, %get3A_377] {strides = array<i32>} : memref<128x32xf32, #tpu.memory_space<vmem>>, vector<1x16xf32>,
        %get3A_379 = vector.shape_cast %get3A_378 : vector<1x16xf32> to vector<16xf32>
        %add3A_380 = arith.addf %get3A_375, %get3A_379 : vector<16xf32>
        %max3A_381 = arith.constant 0.000000e+00 : f32
        %max3A_382 = vector.broadcast %max3A_381 : f32 to vector<16xf32>
        %max3A_383 = arith.maximumf %add3A_380, %max3A_382 : vector<16xf32>
        %swap3A_384 = arith.index_cast %scan3A_357 : i32 to index
        %swap3A_385 = arith.constant 16 : index
        %swap3A_386 = tpu.vector_load %arg14[%swap3A_384, %swap3A_385] {strides = array<i32>} : memref<128x32xf32, #tpu.memory_space<vmem>>, vector<1x16xf32>,
        %swap3A_387 = vector.shape_cast %swap3A_386 : vector<1x16xf32> to vector<16xf32>
        %swap3A_388 = vector.shape_cast %max3A_383 : vector<16xf32> to vector<1x16xf32>
        tpu.vector_store %arg14[%swap3A_384, %swap3A_385], %swap3A_388 {strides = array<i32>} : memref<128x32xf32, #tpu.memory_space<vmem>>, vector<1x16xf32>,
        %scan3A_389 = arith.constant 1 : i32
        %scan3A_390 = arith.addi %scan3A_357, %scan3A_389 : i32
        %get3A_391 = arith.index_cast %scan3A_390 : i32 to index
        %get3A_392 = arith.constant 0 : index
        %get3A_393 = tpu.vector_load %arg10[%get3A_391, %get3A_392] {strides = array<i32>} : memref<128x32xf32, #tpu.memory_space<vmem>>, vector<1x16xf32>,
        %get3A_394 = vector.shape_cast %get3A_393 : vector<1x16xf32> to vector<16xf32>
        %get3A_395 = arith.index_cast %scan3A_390 : i32 to index
        %get3A_396 = arith.constant 0 : index
        %get3A_397 = tpu.vector_load %arg12[%get3A_395, %get3A_396] {strides = array<i32>} : memref<128x32xf32, #tpu.memory_space<vmem>>, vector<1x16xf32>,
        %get3A_398 = vector.shape_cast %get3A_397 : vector<1x16xf32> to vector<16xf32>
        %add3A_399 = arith.addf %get3A_394, %get3A_398 : vector<16xf32>
        %max3A_400 = arith.constant 0.000000e+00 : f32
        %max3A_401 = vector.broadcast %max3A_400 : f32 to vector<16xf32>
        %max3A_402 = arith.maximumf %add3A_399, %max3A_401 : vector<16xf32>
        %swap3A_403 = arith.index_cast %scan3A_390 : i32 to index
        %swap3A_404 = arith.constant 0 : index
        %swap3A_405 = tpu.vector_load %arg14[%swap3A_403, %swap3A_404] {strides = array<i32>} : memref<128x32xf32, #tpu.memory_space<vmem>>, vector<1x16xf32>,
        %swap3A_406 = vector.shape_cast %swap3A_405 : vector<1x16xf32> to vector<16xf32>
        %swap3A_407 = vector.shape_cast %max3A_402 : vector<16xf32> to vector<1x16xf32>
        tpu.vector_store %arg14[%swap3A_403, %swap3A_404], %swap3A_407 {strides = array<i32>} : memref<128x32xf32, #tpu.memory_space<vmem>>, vector<1x16xf32>,
        %get3A_408 = arith.index_cast %scan3A_390 : i32 to index
        %get3A_409 = arith.constant 16 : index
        %get3A_410 = tpu.vector_load %arg10[%get3A_408, %get3A_409] {strides = array<i32>} : memref<128x32xf32, #tpu.memory_space<vmem>>, vector<1x16xf32>,
        %get3A_411 = vector.shape_cast %get3A_410 : vector<1x16xf32> to vector<16xf32>
        %get3A_412 = arith.index_cast %scan3A_390 : i32 to index
        %get3A_413 = arith.constant 16 : index
        %get3A_414 = tpu.vector_load %arg12[%get3A_412, %get3A_413] {strides = array<i32>} : memref<128x32xf32, #tpu.memory_space<vmem>>, vector<1x16xf32>,
        %get3A_415 = vector.shape_cast %get3A_414 : vector<1x16xf32> to vector<16xf32>
        %add3A_416 = arith.addf %get3A_411, %get3A_415 : vector<16xf32>
        %max3A_417 = arith.constant 0.000000e+00 : f32
        %max3A_418 = vector.broadcast %max3A_417 : f32 to vector<16xf32>
        %max3A_419 = arith.maximumf %add3A_416, %max3A_418 : vector<16xf32>
        %swap3A_420 = arith.index_cast %scan3A_390 : i32 to index
        %swap3A_421 = arith.constant 16 : index
        %swap3A_422 = tpu.vector_load %arg14[%swap3A_420, %swap3A_421] {strides = array<i32>} : memref<128x32xf32, #tpu.memory_space<vmem>>, vector<1x16xf32>,
        %swap3A_423 = vector.shape_cast %swap3A_422 : vector<1x16xf32> to vector<16xf32>
        %swap3A_424 = vector.shape_cast %max3A_419 : vector<16xf32> to vector<1x16xf32>
        tpu.vector_store %arg14[%swap3A_420, %swap3A_421], %swap3A_424 {strides = array<i32>} : memref<128x32xf32, #tpu.memory_space<vmem>>, vector<1x16xf32>,
        %scan3A_425 = arith.constant 2 : i32
        %scan3A_426 = arith.addi %scan3A_357, %scan3A_425 : i32
        %get3A_427 = arith.index_cast %scan3A_426 : i32 to index
        %get3A_428 = arith.constant 0 : index
        %get3A_429 = tpu.vector_load %arg10[%get3A_427, %get3A_428] {strides = array<i32>} : memref<128x32xf32, #tpu.memory_space<vmem>>, vector<1x16xf32>,
        %get3A_430 = vector.shape_cast %get3A_429 : vector<1x16xf32> to vector<16xf32>
        %get3A_431 = arith.index_cast %scan3A_426 : i32 to index
        %get3A_432 = arith.constant 0 : index
        %get3A_433 = tpu.vector_load %arg12[%get3A_431, %get3A_432] {strides = array<i32>} : memref<128x32xf32, #tpu.memory_space<vmem>>, vector<1x16xf32>,
        %get3A_434 = vector.shape_cast %get3A_433 : vector<1x16xf32> to vector<16xf32>
        %add3A_435 = arith.addf %get3A_430, %get3A_434 : vector<16xf32>
        %max3A_436 = arith.constant 0.000000e+00 : f32
        %max3A_437 = vector.broadcast %max3A_436 : f32 to vector<16xf32>
        %max3A_438 = arith.maximumf %add3A_435, %max3A_437 : vector<16xf32>
        %swap3A_439 = arith.index_cast %scan3A_426 : i32 to index
        %swap3A_440 = arith.constant 0 : index
        %swap3A_441 = tpu.vector_load %arg14[%swap3A_439, %swap3A_440] {strides = array<i32>} : memref<128x32xf32, #tpu.memory_space<vmem>>, vector<1x16xf32>,
        %swap3A_442 = vector.shape_cast %swap3A_441 : vector<1x16xf32> to vector<16xf32>
        %swap3A_443 = vector.shape_cast %max3A_438 : vector<16xf32> to vector<1x16xf32>
        tpu.vector_store %arg14[%swap3A_439, %swap3A_440], %swap3A_443 {strides = array<i32>} : memref<128x32xf32, #tpu.memory_space<vmem>>, vector<1x16xf32>,
        %get3A_444 = arith.index_cast %scan3A_426 : i32 to index
        %get3A_445 = arith.constant 16 : index
        %get3A_446 = tpu.vector_load %arg10[%get3A_444, %get3A_445] {strides = array<i32>} : memref<128x32xf32, #tpu.memory_space<vmem>>, vector<1x16xf32>,
        %get3A_447 = vector.shape_cast %get3A_446 : vector<1x16xf32> to vector<16xf32>
        %get3A_448 = arith.index_cast %scan3A_426 : i32 to index
        %get3A_449 = arith.constant 16 : index
        %get3A_450 = tpu.vector_load %arg12[%get3A_448, %get3A_449] {strides = array<i32>} : memref<128x32xf32, #tpu.memory_space<vmem>>, vector<1x16xf32>,
        %get3A_451 = vector.shape_cast %get3A_450 : vector<1x16xf32> to vector<16xf32>
        %add3A_452 = arith.addf %get3A_447, %get3A_451 : vector<16xf32>
        %max3A_453 = arith.constant 0.000000e+00 : f32
        %max3A_454 = vector.broadcast %max3A_453 : f32 to vector<16xf32>
        %max3A_455 = arith.maximumf %add3A_452, %max3A_454 : vector<16xf32>
        %swap3A_456 = arith.index_cast %scan3A_426 : i32 to index
        %swap3A_457 = arith.constant 16 : index
        %swap3A_458 = tpu.vector_load %arg14[%swap3A_456, %swap3A_457] {strides = array<i32>} : memref<128x32xf32, #tpu.memory_space<vmem>>, vector<1x16xf32>,
        %swap3A_459 = vector.shape_cast %swap3A_458 : vector<1x16xf32> to vector<16xf32>
        %swap3A_460 = vector.shape_cast %max3A_455 : vector<16xf32> to vector<1x16xf32>
        tpu.vector_store %arg14[%swap3A_456, %swap3A_457], %swap3A_460 {strides = array<i32>} : memref<128x32xf32, #tpu.memory_space<vmem>>, vector<1x16xf32>,
        %scan3A_461 = arith.constant 3 : i32
        %scan3A_462 = arith.addi %scan3A_357, %scan3A_461 : i32
        %get3A_463 = arith.index_cast %scan3A_462 : i32 to index
        %get3A_464 = arith.constant 0 : index
        %get3A_465 = tpu.vector_load %arg10[%get3A_463, %get3A_464] {strides = array<i32>} : memref<128x32xf32, #tpu.memory_space<vmem>>, vector<1x16xf32>,
        %get3A_466 = vector.shape_cast %get3A_465 : vector<1x16xf32> to vector<16xf32>
        %get3A_467 = arith.index_cast %scan3A_462 : i32 to index
        %get3A_468 = arith.constant 0 : index
        %get3A_469 = tpu.vector_load %arg12[%get3A_467, %get3A_468] {strides = array<i32>} : memref<128x32xf32, #tpu.memory_space<vmem>>, vector<1x16xf32>,
        %get3A_470 = vector.shape_cast %get3A_469 : vector<1x16xf32> to vector<16xf32>
        %add3A_471 = arith.addf %get3A_466, %get3A_470 : vector<16xf32>
        %max3A_472 = arith.constant 0.000000e+00 : f32
        %max3A_473 = vector.broadcast %max3A_472 : f32 to vector<16xf32>
        %max3A_474 = arith.maximumf %add3A_471, %max3A_473 : vector<16xf32>
        %swap3A_475 = arith.index_cast %scan3A_462 : i32 to index
        %swap3A_476 = arith.constant 0 : index
        %swap3A_477 = tpu.vector_load %arg14[%swap3A_475, %swap3A_476] {strides = array<i32>} : memref<128x32xf32, #tpu.memory_space<vmem>>, vector<1x16xf32>,
        %swap3A_478 = vector.shape_cast %swap3A_477 : vector<1x16xf32> to vector<16xf32>
        %swap3A_479 = vector.shape_cast %max3A_474 : vector<16xf32> to vector<1x16xf32>
        tpu.vector_store %arg14[%swap3A_475, %swap3A_476], %swap3A_479 {strides = array<i32>} : memref<128x32xf32, #tpu.memory_space<vmem>>, vector<1x16xf32>,
        %get3A_480 = arith.index_cast %scan3A_462 : i32 to index
        %get3A_481 = arith.constant 16 : index
        %get3A_482 = tpu.vector_load %arg10[%get3A_480, %get3A_481] {strides = array<i32>} : memref<128x32xf32, #tpu.memory_space<vmem>>, vector<1x16xf32>,
        %get3A_483 = vector.shape_cast %get3A_482 : vector<1x16xf32> to vector<16xf32>
        %get3A_484 = arith.index_cast %scan3A_462 : i32 to index
        %get3A_485 = arith.constant 16 : index
        %get3A_486 = tpu.vector_load %arg12[%get3A_484, %get3A_485] {strides = array<i32>} : memref<128x32xf32, #tpu.memory_space<vmem>>, vector<1x16xf32>,
        %get3A_487 = vector.shape_cast %get3A_486 : vector<1x16xf32> to vector<16xf32>
        %add3A_488 = arith.addf %get3A_483, %get3A_487 : vector<16xf32>
        %max3A_489 = arith.constant 0.000000e+00 : f32
        %max3A_490 = vector.broadcast %max3A_489 : f32 to vector<16xf32>
        %max3A_491 = arith.maximumf %add3A_488, %max3A_490 : vector<16xf32>
        %swap3A_492 = arith.index_cast %scan3A_462 : i32 to index
        %swap3A_493 = arith.constant 16 : index
        %swap3A_494 = tpu.vector_load %arg14[%swap3A_492, %swap3A_493] {strides = array<i32>} : memref<128x32xf32, #tpu.memory_space<vmem>>, vector<1x16xf32>,
        %swap3A_495 = vector.shape_cast %swap3A_494 : vector<1x16xf32> to vector<16xf32>
        %swap3A_496 = vector.shape_cast %max3A_491 : vector<16xf32> to vector<1x16xf32>
        tpu.vector_store %arg14[%swap3A_492, %swap3A_493], %swap3A_496 {strides = array<i32>} : memref<128x32xf32, #tpu.memory_space<vmem>>, vector<1x16xf32>,
        %scan3A_497 = arith.constant 4 : i32
        %scan3A_498 = arith.addi %scan3A_357, %scan3A_497 : i32
        %get3A_499 = arith.index_cast %scan3A_498 : i32 to index
        %get3A_500 = arith.constant 0 : index
        %get3A_501 = tpu.vector_load %arg10[%get3A_499, %get3A_500] {strides = array<i32>} : memref<128x32xf32, #tpu.memory_space<vmem>>, vector<1x16xf32>,
        %get3A_502 = vector.shape_cast %get3A_501 : vector<1x16xf32> to vector<16xf32>
        %get3A_503 = arith.index_cast %scan3A_498 : i32 to index
        %get3A_504 = arith.constant 0 : index
        %get3A_505 = tpu.vector_load %arg12[%get3A_503, %get3A_504] {strides = array<i32>} : memref<128x32xf32, #tpu.memory_space<vmem>>, vector<1x16xf32>,
        %get3A_506 = vector.shape_cast %get3A_505 : vector<1x16xf32> to vector<16xf32>
        %add3A_507 = arith.addf %get3A_502, %get3A_506 : vector<16xf32>
        %max3A_508 = arith.constant 0.000000e+00 : f32
        %max3A_509 = vector.broadcast %max3A_508 : f32 to vector<16xf32>
        %max3A_510 = arith.maximumf %add3A_507, %max3A_509 : vector<16xf32>
        %swap3A_511 = arith.index_cast %scan3A_498 : i32 to index
        %swap3A_512 = arith.constant 0 : index
        %swap3A_513 = tpu.vector_load %arg14[%swap3A_511, %swap3A_512] {strides = array<i32>} : memref<128x32xf32, #tpu.memory_space<vmem>>, vector<1x16xf32>,
        %swap3A_514 = vector.shape_cast %swap3A_513 : vector<1x16xf32> to vector<16xf32>
        %swap3A_515 = vector.shape_cast %max3A_510 : vector<16xf32> to vector<1x16xf32>
        tpu.vector_store %arg14[%swap3A_511, %swap3A_512], %swap3A_515 {strides = array<i32>} : memref<128x32xf32, #tpu.memory_space<vmem>>, vector<1x16xf32>,
        %get3A_516 = arith.index_cast %scan3A_498 : i32 to index
        %get3A_517 = arith.constant 16 : index
        %get3A_518 = tpu.vector_load %arg10[%get3A_516, %get3A_517] {strides = array<i32>} : memref<128x32xf32, #tpu.memory_space<vmem>>, vector<1x16xf32>,
        %get3A_519 = vector.shape_cast %get3A_518 : vector<1x16xf32> to vector<16xf32>
        %get3A_520 = arith.index_cast %scan3A_498 : i32 to index
        %get3A_521 = arith.constant 16 : index
        %get3A_522 = tpu.vector_load %arg12[%get3A_520, %get3A_521] {strides = array<i32>} : memref<128x32xf32, #tpu.memory_space<vmem>>, vector<1x16xf32>,
        %get3A_523 = vector.shape_cast %get3A_522 : vector<1x16xf32> to vector<16xf32>
        %add3A_524 = arith.addf %get3A_519, %get3A_523 : vector<16xf32>
        %max3A_525 = arith.constant 0.000000e+00 : f32
        %max3A_526 = vector.broadcast %max3A_525 : f32 to vector<16xf32>
        %max3A_527 = arith.maximumf %add3A_524, %max3A_526 : vector<16xf32>
        %swap3A_528 = arith.index_cast %scan3A_498 : i32 to index
        %swap3A_529 = arith.constant 16 : index
        %swap3A_530 = tpu.vector_load %arg14[%swap3A_528, %swap3A_529] {strides = array<i32>} : memref<128x32xf32, #tpu.memory_space<vmem>>, vector<1x16xf32>,
        %swap3A_531 = vector.shape_cast %swap3A_530 : vector<1x16xf32> to vector<16xf32>
        %swap3A_532 = vector.shape_cast %max3A_527 : vector<16xf32> to vector<1x16xf32>
        tpu.vector_store %arg14[%swap3A_528, %swap3A_529], %swap3A_532 {strides = array<i32>} : memref<128x32xf32, #tpu.memory_space<vmem>>, vector<1x16xf32>,
        %scan3A_533 = arith.constant 5 : i32
        %scan3A_534 = arith.addi %scan3A_357, %scan3A_533 : i32
        %get3A_535 = arith.index_cast %scan3A_534 : i32 to index
        %get3A_536 = arith.constant 0 : index
        %get3A_537 = tpu.vector_load %arg10[%get3A_535, %get3A_536] {strides = array<i32>} : memref<128x32xf32, #tpu.memory_space<vmem>>, vector<1x16xf32>,
        %get3A_538 = vector.shape_cast %get3A_537 : vector<1x16xf32> to vector<16xf32>
        %get3A_539 = arith.index_cast %scan3A_534 : i32 to index
        %get3A_540 = arith.constant 0 : index
        %get3A_541 = tpu.vector_load %arg12[%get3A_539, %get3A_540] {strides = array<i32>} : memref<128x32xf32, #tpu.memory_space<vmem>>, vector<1x16xf32>,
        %get3A_542 = vector.shape_cast %get3A_541 : vector<1x16xf32> to vector<16xf32>
        %add3A_543 = arith.addf %get3A_538, %get3A_542 : vector<16xf32>
        %max3A_544 = arith.constant 0.000000e+00 : f32
        %max3A_545 = vector.broadcast %max3A_544 : f32 to vector<16xf32>
        %max3A_546 = arith.maximumf %add3A_543, %max3A_545 : vector<16xf32>
        %swap3A_547 = arith.index_cast %scan3A_534 : i32 to index
        %swap3A_548 = arith.constant 0 : index
        %swap3A_549 = tpu.vector_load %arg14[%swap3A_547, %swap3A_548] {strides = array<i32>} : memref<128x32xf32, #tpu.memory_space<vmem>>, vector<1x16xf32>,
        %swap3A_550 = vector.shape_cast %swap3A_549 : vector<1x16xf32> to vector<16xf32>
        %swap3A_551 = vector.shape_cast %max3A_546 : vector<16xf32> to vector<1x16xf32>
        tpu.vector_store %arg14[%swap3A_547, %swap3A_548], %swap3A_551 {strides = array<i32>} : memref<128x32xf32, #tpu.memory_space<vmem>>, vector<1x16xf32>,
        %get3A_552 = arith.index_cast %scan3A_534 : i32 to index
        %get3A_553 = arith.constant 16 : index
        %get3A_554 = tpu.vector_load %arg10[%get3A_552, %get3A_553] {strides = array<i32>} : memref<128x32xf32, #tpu.memory_space<vmem>>, vector<1x16xf32>,
        %get3A_555 = vector.shape_cast %get3A_554 : vector<1x16xf32> to vector<16xf32>
        %get3A_556 = arith.index_cast %scan3A_534 : i32 to index
        %get3A_557 = arith.constant 16 : index
        %get3A_558 = tpu.vector_load %arg12[%get3A_556, %get3A_557] {strides = array<i32>} : memref<128x32xf32, #tpu.memory_space<vmem>>, vector<1x16xf32>,
        %get3A_559 = vector.shape_cast %get3A_558 : vector<1x16xf32> to vector<16xf32>
        %add3A_560 = arith.addf %get3A_555, %get3A_559 : vector<16xf32>
        %max3A_561 = arith.constant 0.000000e+00 : f32
        %max3A_562 = vector.broadcast %max3A_561 : f32 to vector<16xf32>
        %max3A_563 = arith.maximumf %add3A_560, %max3A_562 : vector<16xf32>
        %swap3A_564 = arith.index_cast %scan3A_534 : i32 to index
        %swap3A_565 = arith.constant 16 : index
        %swap3A_566 = tpu.vector_load %arg14[%swap3A_564, %swap3A_565] {strides = array<i32>} : memref<128x32xf32, #tpu.memory_space<vmem>>, vector<1x16xf32>,
        %swap3A_567 = vector.shape_cast %swap3A_566 : vector<1x16xf32> to vector<16xf32>
        %swap3A_568 = vector.shape_cast %max3A_563 : vector<16xf32> to vector<1x16xf32>
        tpu.vector_store %arg14[%swap3A_564, %swap3A_565], %swap3A_568 {strides = array<i32>} : memref<128x32xf32, #tpu.memory_space<vmem>>, vector<1x16xf32>,
        %scan3A_569 = arith.constant 6 : i32
        %scan3A_570 = arith.addi %scan3A_357, %scan3A_569 : i32
        %get3A_571 = arith.index_cast %scan3A_570 : i32 to index
        %get3A_572 = arith.constant 0 : index
        %get3A_573 = tpu.vector_load %arg10[%get3A_571, %get3A_572] {strides = array<i32>} : memref<128x32xf32, #tpu.memory_space<vmem>>, vector<1x16xf32>,
        %get3A_574 = vector.shape_cast %get3A_573 : vector<1x16xf32> to vector<16xf32>
        %get3A_575 = arith.index_cast %scan3A_570 : i32 to index
        %get3A_576 = arith.constant 0 : index
        %get3A_577 = tpu.vector_load %arg12[%get3A_575, %get3A_576] {strides = array<i32>} : memref<128x32xf32, #tpu.memory_space<vmem>>, vector<1x16xf32>,
        %get3A_578 = vector.shape_cast %get3A_577 : vector<1x16xf32> to vector<16xf32>
        %add3A_579 = arith.addf %get3A_574, %get3A_578 : vector<16xf32>
        %max3A_580 = arith.constant 0.000000e+00 : f32
        %max3A_581 = vector.broadcast %max3A_580 : f32 to vector<16xf32>
        %max3A_582 = arith.maximumf %add3A_579, %max3A_581 : vector<16xf32>
        %swap3A_583 = arith.index_cast %scan3A_570 : i32 to index
        %swap3A_584 = arith.constant 0 : index
        %swap3A_585 = tpu.vector_load %arg14[%swap3A_583, %swap3A_584] {strides = array<i32>} : memref<128x32xf32, #tpu.memory_space<vmem>>, vector<1x16xf32>,
        %swap3A_586 = vector.shape_cast %swap3A_585 : vector<1x16xf32> to vector<16xf32>
        %swap3A_587 = vector.shape_cast %max3A_582 : vector<16xf32> to vector<1x16xf32>
        tpu.vector_store %arg14[%swap3A_583, %swap3A_584], %swap3A_587 {strides = array<i32>} : memref<128x32xf32, #tpu.memory_space<vmem>>, vector<1x16xf32>,
        %get3A_588 = arith.index_cast %scan3A_570 : i32 to index
        %get3A_589 = arith.constant 16 : index
        %get3A_590 = tpu.vector_load %arg10[%get3A_588, %get3A_589] {strides = array<i32>} : memref<128x32xf32, #tpu.memory_space<vmem>>, vector<1x16xf32>,
        %get3A_591 = vector.shape_cast %get3A_590 : vector<1x16xf32> to vector<16xf32>
        %get3A_592 = arith.index_cast %scan3A_570 : i32 to index
        %get3A_593 = arith.constant 16 : index
        %get3A_594 = tpu.vector_load %arg12[%get3A_592, %get3A_593] {strides = array<i32>} : memref<128x32xf32, #tpu.memory_space<vmem>>, vector<1x16xf32>,
        %get3A_595 = vector.shape_cast %get3A_594 : vector<1x16xf32> to vector<16xf32>
        %add3A_596 = arith.addf %get3A_591, %get3A_595 : vector<16xf32>
        %max3A_597 = arith.constant 0.000000e+00 : f32
        %max3A_598 = vector.broadcast %max3A_597 : f32 to vector<16xf32>
        %max3A_599 = arith.maximumf %add3A_596, %max3A_598 : vector<16xf32>
        %swap3A_600 = arith.index_cast %scan3A_570 : i32 to index
        %swap3A_601 = arith.constant 16 : index
        %swap3A_602 = tpu.vector_load %arg14[%swap3A_600, %swap3A_601] {strides = array<i32>} : memref<128x32xf32, #tpu.memory_space<vmem>>, vector<1x16xf32>,
        %swap3A_603 = vector.shape_cast %swap3A_602 : vector<1x16xf32> to vector<16xf32>
        %swap3A_604 = vector.shape_cast %max3A_599 : vector<16xf32> to vector<1x16xf32>
        tpu.vector_store %arg14[%swap3A_600, %swap3A_601], %swap3A_604 {strides = array<i32>} : memref<128x32xf32, #tpu.memory_space<vmem>>, vector<1x16xf32>,
        %scan3A_605 = arith.constant 7 : i32
        %scan3A_606 = arith.addi %scan3A_357, %scan3A_605 : i32
        %get3A_607 = arith.index_cast %scan3A_606 : i32 to index
        %get3A_608 = arith.constant 0 : index
        %get3A_609 = tpu.vector_load %arg10[%get3A_607, %get3A_608] {strides = array<i32>} : memref<128x32xf32, #tpu.memory_space<vmem>>, vector<1x16xf32>,
        %get3A_610 = vector.shape_cast %get3A_609 : vector<1x16xf32> to vector<16xf32>
        %get3A_611 = arith.index_cast %scan3A_606 : i32 to index
        %get3A_612 = arith.constant 0 : index
        %get3A_613 = tpu.vector_load %arg12[%get3A_611, %get3A_612] {strides = array<i32>} : memref<128x32xf32, #tpu.memory_space<vmem>>, vector<1x16xf32>,
        %get3A_614 = vector.shape_cast %get3A_613 : vector<1x16xf32> to vector<16xf32>
        %add3A_615 = arith.addf %get3A_610, %get3A_614 : vector<16xf32>
        %max3A_616 = arith.constant 0.000000e+00 : f32
        %max3A_617 = vector.broadcast %max3A_616 : f32 to vector<16xf32>
        %max3A_618 = arith.maximumf %add3A_615, %max3A_617 : vector<16xf32>
        %swap3A_619 = arith.index_cast %scan3A_606 : i32 to index
        %swap3A_620 = arith.constant 0 : index
        %swap3A_621 = tpu.vector_load %arg14[%swap3A_619, %swap3A_620] {strides = array<i32>} : memref<128x32xf32, #tpu.memory_space<vmem>>, vector<1x16xf32>,
        %swap3A_622 = vector.shape_cast %swap3A_621 : vector<1x16xf32> to vector<16xf32>
        %swap3A_623 = vector.shape_cast %max3A_618 : vector<16xf32> to vector<1x16xf32>
        tpu.vector_store %arg14[%swap3A_619, %swap3A_620], %swap3A_623 {strides = array<i32>} : memref<128x32xf32, #tpu.memory_space<vmem>>, vector<1x16xf32>,
        %get3A_624 = arith.index_cast %scan3A_606 : i32 to index
        %get3A_625 = arith.constant 16 : index
        %get3A_626 = tpu.vector_load %arg10[%get3A_624, %get3A_625] {strides = array<i32>} : memref<128x32xf32, #tpu.memory_space<vmem>>, vector<1x16xf32>,
        %get3A_627 = vector.shape_cast %get3A_626 : vector<1x16xf32> to vector<16xf32>
        %get3A_628 = arith.index_cast %scan3A_606 : i32 to index
        %get3A_629 = arith.constant 16 : index
        %get3A_630 = tpu.vector_load %arg12[%get3A_628, %get3A_629] {strides = array<i32>} : memref<128x32xf32, #tpu.memory_space<vmem>>, vector<1x16xf32>,
        %get3A_631 = vector.shape_cast %get3A_630 : vector<1x16xf32> to vector<16xf32>
        %add3A_632 = arith.addf %get3A_627, %get3A_631 : vector<16xf32>
        %max3A_633 = arith.constant 0.000000e+00 : f32
        %max3A_634 = vector.broadcast %max3A_633 : f32 to vector<16xf32>
        %max3A_635 = arith.maximumf %add3A_632, %max3A_634 : vector<16xf32>
        %swap3A_636 = arith.index_cast %scan3A_606 : i32 to index
        %swap3A_637 = arith.constant 16 : index
        %swap3A_638 = tpu.vector_load %arg14[%swap3A_636, %swap3A_637] {strides = array<i32>} : memref<128x32xf32, #tpu.memory_space<vmem>>, vector<1x16xf32>,
        %swap3A_639 = vector.shape_cast %swap3A_638 : vector<1x16xf32> to vector<16xf32>
        %swap3A_640 = vector.shape_cast %max3A_635 : vector<16xf32> to vector<1x16xf32>
        tpu.vector_store %arg14[%swap3A_636, %swap3A_637], %swap3A_640 {strides = array<i32>} : memref<128x32xf32, #tpu.memory_space<vmem>>, vector<1x16xf32>,
      }
      %scan3A_343 = arith.constant 128 : i32
      %add3A_344 = arith.constant 2 : i32
      %add3A_345 = arith.addi %add3A_172, %add3A_344 : i32
      %lt3A_346 = arith.constant 80 : i32
      %lt3A_347 = arith.cmpi slt, %add3A_345, %lt3A_346 : i32
      %convert_element_type3A_348 = arith.extui %lt3A_347 : i1 to i32
      %cond3A_349 = arith.constant 0 : i32
      %cond3A_350 = arith.cmpi ne, %convert_element_type3A_348, %cond3A_349 : i32
      scf.if %cond3A_350 {
        %add3A_357 = arith.constant 2 : i32
        %add3A_358 = arith.addi %add3A_172, %add3A_357 : i32
        %mul3A_359 = arith.constant 128 : i32
        %mul3A_360 = arith.muli %add3A_358, %mul3A_359 : i32
        %add3A_361 = arith.addi %mul3A_2, %mul3A_360 : i32
        %jit3A_362 = arith.constant 12800 : i32
        %div3A_363 = arith.divsi %add3A_361, %jit3A_362 : i32
        %sign3A_364 = arith.constant 0 : i32
        %sign3A_365 = arith.cmpi sgt, %add3A_361, %sign3A_364 : i32
        %sign3A_366 = arith.extui %sign3A_365 : i1 to i32
        %sign3A_367 = arith.constant 0 : i32
        %sign3A_368 = arith.cmpi slt, %add3A_361, %sign3A_367 : i32
        %sign3A_369 = arith.extui %sign3A_368 : i1 to i32
        %sign3A_370 = arith.subi %sign3A_366, %sign3A_369 : i32
        %sign3A_371 = arith.constant 0 : i32
        %sign3A_372 = arith.cmpi sgt, %jit3A_362, %sign3A_371 : i32
        %sign3A_373 = arith.extui %sign3A_372 : i1 to i32
        %sign3A_374 = arith.constant 0 : i32
        %sign3A_375 = arith.cmpi slt, %jit3A_362, %sign3A_374 : i32
        %sign3A_376 = arith.extui %sign3A_375 : i1 to i32
        %sign3A_377 = arith.subi %sign3A_373, %sign3A_376 : i32
        %ne3A_378 = arith.cmpi ne, %sign3A_370, %sign3A_377 : i32
        %rem3A_379 = arith.remsi %add3A_361, %jit3A_362 : i32
        %ne3A_380 = arith.constant 0 : i32
        %ne3A_381 = arith.cmpi ne, %rem3A_379, %ne3A_380 : i32
        %and3A_382 = arith.andi %ne3A_378, %ne3A_381 : i1
        %sub3A_383 = arith.constant 1 : i32
        %sub3A_384 = arith.subi %div3A_363, %sub3A_383 : i32
        %select_n3A_385 = arith.select %and3A_382, %sub3A_384, %div3A_363 : i32
        %mul3A_386 = arith.constant 12800 : i32
        %mul3A_387 = arith.muli %select_n3A_385, %mul3A_386 : i32
        %sub3A_388 = arith.subi %add3A_361, %mul3A_387 : i32
        %jit3A_389 = arith.constant 3200 : i32
        %div3A_390 = arith.divsi %sub3A_388, %jit3A_389 : i32
        %sign3A_391 = arith.constant 0 : i32
        %sign3A_392 = arith.cmpi sgt, %sub3A_388, %sign3A_391 : i32
        %sign3A_393 = arith.extui %sign3A_392 : i1 to i32
        %sign3A_394 = arith.constant 0 : i32
        %sign3A_395 = arith.cmpi slt, %sub3A_388, %sign3A_394 : i32
        %sign3A_396 = arith.extui %sign3A_395 : i1 to i32
        %sign3A_397 = arith.subi %sign3A_393, %sign3A_396 : i32
        %sign3A_398 = arith.constant 0 : i32
        %sign3A_399 = arith.cmpi sgt, %jit3A_389, %sign3A_398 : i32
        %sign3A_400 = arith.extui %sign3A_399 : i1 to i32
        %sign3A_401 = arith.constant 0 : i32
        %sign3A_402 = arith.cmpi slt, %jit3A_389, %sign3A_401 : i32
        %sign3A_403 = arith.extui %sign3A_402 : i1 to i32
        %sign3A_404 = arith.subi %sign3A_400, %sign3A_403 : i32
        %ne3A_405 = arith.cmpi ne, %sign3A_397, %sign3A_404 : i32
        %rem3A_406 = arith.remsi %sub3A_388, %jit3A_389 : i32
        %ne3A_407 = arith.constant 0 : i32
        %ne3A_408 = arith.cmpi ne, %rem3A_406, %ne3A_407 : i32
        %and3A_409 = arith.andi %ne3A_405, %ne3A_408 : i1
        %sub3A_410 = arith.constant 1 : i32
        %sub3A_411 = arith.subi %div3A_390, %sub3A_410 : i32
        %select_n3A_412 = arith.select %and3A_409, %sub3A_411, %div3A_390 : i32
        %mul3A_413 = arith.constant 3200 : i32
        %mul3A_414 = arith.muli %select_n3A_385, %mul3A_413 : i32
        %mul3A_415 = arith.constant 3200 : i32
        %mul3A_416 = arith.muli %select_n3A_412, %mul3A_415 : i32
        %sub3A_417 = arith.subi %sub3A_388, %mul3A_416 : i32
        %add3A_418 = arith.addi %mul3A_414, %sub3A_417 : i32
        %mul3A_419 = arith.constant 32 : i32
        %mul3A_420 = arith.muli %select_n3A_412, %mul3A_419 : i32
        %dma_start3A_421 = tpu.memref_slice %arg3[%add3A_418, %mul3A_420] : memref<81920x128xf32, #tpu.memory_space<hbm>> -> memref<128x32xf32, #tpu.memory_space<hbm>>
        %dma_start3A_422 = tpu.memref_slice %arg3[%add3A_418, %mul3A_420] : memref<81920x128xf32, #tpu.memory_space<hbm>> -> memref<128x32xf32, #tpu.memory_space<hbm>>
        tpu.enqueue_dma source(%dma_start3A_422 : memref<128x32xf32, #tpu.memory_space<hbm>>) target(%arg12 : memref<128x32xf32, #tpu.memory_space<vmem>>) target_semaphore(%arg20 : memref<!tpu.dma_semaphore, #tpu.memory_space<semaphore_mem>>)
        %dma_start3A_423 = arith.constant 0 : i32
        %dma_start3A_424 = tpu.memref_slice %arg7[%add3A_358, %dma_start3A_423] : memref<80x128xi32, #tpu.memory_space<vmem>> -> memref<1x128xi32, #tpu.memory_space<vmem>>
        %dma_start3A_425 = tpu.memref_squeeze %dma_start3A_424 : memref<1x128xi32, #tpu.memory_space<vmem>> -> memref<128xi32, #tpu.memory_space<vmem>>
        %dma_start3A_426 = arith.constant 0 : i32
        %dma_start3A_427 = arith.constant 0 : i32
        %dma_start3A_428 = tpu.memref_slice %arg2[%dma_start3A_426, %dma_start3A_427] : memref<10000x32xf32, #tpu.memory_space<hbm>> -> memref<10000x32xf32, #tpu.memory_space<hbm>>
        tpu.enqueue_indirect_dma source(%dma_start3A_428 : memref<10000x32xf32, #tpu.memory_space<hbm>>) target(%arg10 : memref<128x32xf32, #tpu.memory_space<vmem>>) offsets(%dma_start3A_425 : memref<128xi32, #tpu.memory_space<vmem>>) semaphore(%arg18 : memref<!tpu.dma_semaphore, #tpu.memory_space<semaphore_mem>>)
      } else {
      }
      %dma_start3A_351 = arith.constant 0 : i32
      %dma_start3A_352 = tpu.memref_slice %arg8[%add3A_172, %dma_start3A_351] : memref<80x128xi32, #tpu.memory_space<vmem>> -> memref<1x128xi32, #tpu.memory_space<vmem>>
      %dma_start3A_353 = tpu.memref_squeeze %dma_start3A_352 : memref<1x128xi32, #tpu.memory_space<vmem>> -> memref<128xi32, #tpu.memory_space<vmem>>
      %dma_start3A_354 = arith.constant 0 : i32
      %dma_start3A_355 = arith.constant 0 : i32
      %dma_start3A_356 = tpu.memref_slice %arg16[%dma_start3A_354, %dma_start3A_355] : memref<10240x32xf32, #tpu.memory_space<vmem_shared>> -> memref<10240x32xf32, #tpu.memory_space<vmem_shared>>
      tpu.enqueue_indirect_dma source(%arg14 : memref<128x32xf32, #tpu.memory_space<vmem>>) target(%dma_start3A_356 : memref<10240x32xf32, #tpu.memory_space<vmem_shared>>) offsets(%dma_start3A_353 : memref<128xi32, #tpu.memory_space<vmem>>) semaphore(%arg22 : memref<!tpu.dma_semaphore, #tpu.memory_space<semaphore_mem>>) {add = true}
    }
    %scan3A_147 = arith.constant 40 : i32
    %dma_wait3A = arith.constant 78 : i32
    %dma_wait3A_148 = arith.constant 0 : i32
    %dma_wait3A_149 = tpu.memref_slice %arg8[%dma_wait3A, %dma_wait3A_148] : memref<80x128xi32, #tpu.memory_space<vmem>> -> memref<1x128xi32, #tpu.memory_space<vmem>>
    %dma_wait3A_150 = tpu.memref_squeeze %dma_wait3A_149 : memref<1x128xi32, #tpu.memory_space<vmem>> -> memref<128xi32, #tpu.memory_space<vmem>>
    %dma_wait3A_151 = arith.constant 0 : i32
    %dma_wait3A_152 = arith.constant 0 : i32
    %dma_wait3A_153 = tpu.memref_slice %arg16[%dma_wait3A_151, %dma_wait3A_152] : memref<10240x32xf32, #tpu.memory_space<vmem_shared>> -> memref<10240x32xf32, #tpu.memory_space<vmem_shared>>
    tpu.wait_indirect_dma semaphore(%arg21 : memref<!tpu.dma_semaphore, #tpu.memory_space<semaphore_mem>>) src(%arg13 : memref<128x32xf32, #tpu.memory_space<vmem>>) dst(%dma_wait3A_153 : memref<10240x32xf32, #tpu.memory_space<vmem_shared>>)
    %dma_wait3A_154 = arith.constant 79 : i32
    %dma_wait3A_155 = arith.constant 0 : i32
    %dma_wait3A_156 = tpu.memref_slice %arg8[%dma_wait3A_154, %dma_wait3A_155] : memref<80x128xi32, #tpu.memory_space<vmem>> -> memref<1x128xi32, #tpu.memory_space<vmem>>
    %dma_wait3A_157 = tpu.memref_squeeze %dma_wait3A_156 : memref<1x128xi32, #tpu.memory_space<vmem>> -> memref<128xi32, #tpu.memory_space<vmem>>
    %dma_wait3A_158 = arith.constant 0 : i32
    %dma_wait3A_159 = arith.constant 0 : i32
    %dma_wait3A_160 = tpu.memref_slice %arg16[%dma_wait3A_158, %dma_wait3A_159] : memref<10240x32xf32, #tpu.memory_space<vmem_shared>> -> memref<10240x32xf32, #tpu.memory_space<vmem_shared>>
    tpu.wait_indirect_dma semaphore(%arg22 : memref<!tpu.dma_semaphore, #tpu.memory_space<semaphore_mem>>) src(%arg14 : memref<128x32xf32, #tpu.memory_space<vmem>>) dst(%dma_wait3A_160 : memref<10240x32xf32, #tpu.memory_space<vmem_shared>>)
    %barrier3A_161 = arith.constant 0 : index
    tpu.barrier barrier_id(%barrier3A_161)
    %mul3A_162 = arith.constant 640 : i32
    %mul3A_163 = arith.muli %arg1, %mul3A_162 : i32
    "tpu.region"() ({
      %run_scoped3A = tpu.sem_alloc : memref<!tpu.dma_semaphore, #tpu.memory_space<semaphore_mem>>
      %dma_start3A_166 = arith.constant 0 : i32
      %dma_start3A_167 = tpu.memref_slice %arg16[%mul3A_163, %dma_start3A_166] : memref<10240x32xf32, #tpu.memory_space<vmem_shared>> -> memref<640x32xf32, #tpu.memory_space<vmem_shared>>
      %dma_start3A_168 = arith.constant 0 : i32
      %dma_start3A_169 = tpu.memref_slice %arg16[%mul3A_163, %dma_start3A_168] : memref<10240x32xf32, #tpu.memory_space<vmem_shared>> -> memref<640x32xf32, #tpu.memory_space<vmem_shared>>
      tpu.enqueue_dma source(%dma_start3A_169 : memref<640x32xf32, #tpu.memory_space<vmem_shared>>) target(%arg15 : memref<640x32xf32, #tpu.memory_space<vmem>>) target_semaphore(%run_scoped3A : memref<!tpu.dma_semaphore, #tpu.memory_space<semaphore_mem>>)
      %dma_wait3A_170 = arith.constant 0 : i32
      %dma_wait3A_171 = tpu.memref_slice %arg16[%mul3A_163, %dma_wait3A_170] : memref<10240x32xf32, #tpu.memory_space<vmem_shared>> -> memref<640x32xf32, #tpu.memory_space<vmem_shared>>
      %dma_wait3A_172 = arith.constant 0 : i32
      %dma_wait3A_173 = tpu.memref_slice %arg16[%mul3A_163, %dma_wait3A_172] : memref<10240x32xf32, #tpu.memory_space<vmem_shared>> -> memref<640x32xf32, #tpu.memory_space<vmem_shared>>
      tpu.wait_dma2 semaphore(%run_scoped3A : memref<!tpu.dma_semaphore, #tpu.memory_space<semaphore_mem>>) src(%dma_wait3A_173 : memref<640x32xf32, #tpu.memory_space<vmem_shared>>) dst(%arg15 : memref<640x32xf32, #tpu.memory_space<vmem>>)
      tpu.yield
    }) : () -> ()
    %mul3A_164 = arith.constant 640 : i32
    %mul3A_165 = arith.muli %add3A, %mul3A_164 : i32
    "tpu.region"() ({
      %run_scoped3A = tpu.sem_alloc : memref<!tpu.dma_semaphore, #tpu.memory_space<semaphore_mem>>
      %dma_start3A_166 = arith.constant 0 : i32
      %dma_start3A_167 = tpu.memref_slice %arg6[%mul3A_165, %dma_start3A_166] : memref<20480x32xf32, #tpu.memory_space<hbm>> -> memref<640x32xf32, #tpu.memory_space<hbm>>
      %dma_start3A_168 = arith.constant 0 : i32
      %dma_start3A_169 = tpu.memref_slice %arg6[%mul3A_165, %dma_start3A_168] : memref<20480x32xf32, #tpu.memory_space<hbm>> -> memref<640x32xf32, #tpu.memory_space<hbm>>
      tpu.enqueue_dma source(%arg15 : memref<640x32xf32, #tpu.memory_space<vmem>>) target(%dma_start3A_169 : memref<640x32xf32, #tpu.memory_space<hbm>>) target_semaphore(%run_scoped3A : memref<!tpu.dma_semaphore, #tpu.memory_space<semaphore_mem>>)
      %dma_wait3A_170 = arith.constant 0 : i32
      %dma_wait3A_171 = tpu.memref_slice %arg6[%mul3A_165, %dma_wait3A_170] : memref<20480x32xf32, #tpu.memory_space<hbm>> -> memref<640x32xf32, #tpu.memory_space<hbm>>
      %dma_wait3A_172 = arith.constant 0 : i32
      %dma_wait3A_173 = tpu.memref_slice %arg6[%mul3A_165, %dma_wait3A_172] : memref<20480x32xf32, #tpu.memory_space<hbm>> -> memref<640x32xf32, #tpu.memory_space<hbm>>
      tpu.wait_dma2 semaphore(%run_scoped3A : memref<!tpu.dma_semaphore, #tpu.memory_space<semaphore_mem>>) src(%arg15 : memref<640x32xf32, #tpu.memory_space<vmem>>) dst(%dma_wait3A_173 : memref<640x32xf32, #tpu.memory_space<hbm>>)
      tpu.yield
    }) : () -> ()
    return
  }
}

#map = affine_map<(d0, d1) -> (0, 0)>
#map1 = affine_map<(d0, d1) -> (0, 0, 0)>
module attributes {stable_mosaic.version = 14 : i64} {
  func.func @edge_kernel(%arg0: i32, %arg1: i32, %arg2: memref<10000x32xf32, #tpu.memory_space<hbm>>, %arg3: memref<81920x128xf32, #tpu.memory_space<hbm>>, %arg4: memref<32x80x128xi32, #tpu.memory_space<hbm>>, %arg5: memref<32x80x128xi32, #tpu.memory_space<hbm>>, %arg6: memref<20480x32xf32, #tpu.memory_space<hbm>>, %arg7: memref<80x128xi32, #tpu.memory_space<vmem>>, %arg8: memref<80x128xi32, #tpu.memory_space<vmem>>, %arg9: memref<128x32xf32, #tpu.memory_space<vmem>>, %arg10: memref<128x32xf32, #tpu.memory_space<vmem>>, %arg11: memref<128x32xf32, #tpu.memory_space<vmem>>, %arg12: memref<128x32xf32, #tpu.memory_space<vmem>>, %arg13: memref<128x32xf32, #tpu.memory_space<vmem>>, %arg14: memref<128x32xf32, #tpu.memory_space<vmem>>, %arg15: memref<640x32xf32, #tpu.memory_space<vmem>>, %arg16: memref<10240x32xf32, #tpu.memory_space<vmem_shared>>, %arg17: memref<!tpu.dma_semaphore, #tpu.memory_space<semaphore_mem>>, %arg18: memref<!tpu.dma_semaphore, #tpu.memory_space<semaphore_mem>>, %arg19: memref<!tpu.dma_semaphore, #tpu.memory_space<semaphore_mem>>, %arg20: memref<!tpu.dma_semaphore, #tpu.memory_space<semaphore_mem>>, %arg21: memref<!tpu.dma_semaphore, #tpu.memory_space<semaphore_mem>>, %arg22: memref<!tpu.dma_semaphore, #tpu.memory_space<semaphore_mem>>) attributes {dimension_semantics = [#tpu.dimension_semantics<core_parallel>, #tpu.dimension_semantics<subcore_parallel>], iteration_bounds = array<i64: 2, 16>, scalar_prefetch = 0 : i64, scratch_operands = 16 : i64, tpu.core_type = #tpu.core_type<sc_vector_subcore>, window_params = [{transform_indices = #map}, {transform_indices = #map}, {transform_indices = #map1}, {transform_indices = #map1}, {transform_indices = #map}]} {
    %mul3A = arith.constant 16 : i32
    %mul3A_0 = arith.muli %arg0, %mul3A : i32
    %add3A = arith.addi %mul3A_0, %arg1 : i32
    %mul3A_1 = arith.constant 10240 : i32
    %mul3A_2 = arith.muli %add3A, %mul3A_1 : i32
    %broadcast_in_dim3A = arith.constant 0.000000e+00 : f32
    %broadcast_in_dim3A_3 = vector.broadcast %broadcast_in_dim3A : f32 to vector<16xf32>
    %scan3A = arith.constant 0 : i32
    %scan3A_4 = arith.constant 0 : i32
    %scan3A_5 = arith.constant 640 : i32
    %scan3A_6 = arith.addi %scan3A_4, %scan3A_5 : i32
    %scan3A_7 = arith.constant 8 : i32
    scf.for %scan3A_166 = %scan3A_4 to %scan3A_6 step %scan3A_7  : i32 {
      %swap3A = arith.index_cast %scan3A_166 : i32 to index
      %swap3A_167 = arith.constant 0 : index
      %swap3A_168 = tpu.vector_load %arg15[%swap3A, %swap3A_167] {strides = array<i32>} : memref<640x32xf32, #tpu.memory_space<vmem>>, vector<1x16xf32>,
      %swap3A_169 = vector.shape_cast %swap3A_168 : vector<1x16xf32> to vector<16xf32>
      %swap3A_170 = vector.shape_cast %broadcast_in_dim3A_3 : vector<16xf32> to vector<1x16xf32>
      tpu.vector_store %arg15[%swap3A, %swap3A_167], %swap3A_170 {strides = array<i32>} : memref<640x32xf32, #tpu.memory_space<vmem>>, vector<1x16xf32>,
      %swap3A_171 = arith.index_cast %scan3A_166 : i32 to index
      %swap3A_172 = arith.constant 16 : index
      %swap3A_173 = tpu.vector_load %arg15[%swap3A_171, %swap3A_172] {strides = array<i32>} : memref<640x32xf32, #tpu.memory_space<vmem>>, vector<1x16xf32>,
      %swap3A_174 = vector.shape_cast %swap3A_173 : vector<1x16xf32> to vector<16xf32>
      %swap3A_175 = vector.shape_cast %broadcast_in_dim3A_3 : vector<16xf32> to vector<1x16xf32>
      tpu.vector_store %arg15[%swap3A_171, %swap3A_172], %swap3A_175 {strides = array<i32>} : memref<640x32xf32, #tpu.memory_space<vmem>>, vector<1x16xf32>,
      %scan3A_176 = arith.constant 1 : i32
      %scan3A_177 = arith.addi %scan3A_166, %scan3A_176 : i32
      %swap3A_178 = arith.index_cast %scan3A_177 : i32 to index
      %swap3A_179 = arith.constant 0 : index
      %swap3A_180 = tpu.vector_load %arg15[%swap3A_178, %swap3A_179] {strides = array<i32>} : memref<640x32xf32, #tpu.memory_space<vmem>>, vector<1x16xf32>,
      %swap3A_181 = vector.shape_cast %swap3A_180 : vector<1x16xf32> to vector<16xf32>
      %swap3A_182 = vector.shape_cast %broadcast_in_dim3A_3 : vector<16xf32> to vector<1x16xf32>
      tpu.vector_store %arg15[%swap3A_178, %swap3A_179], %swap3A_182 {strides = array<i32>} : memref<640x32xf32, #tpu.memory_space<vmem>>, vector<1x16xf32>,
      %swap3A_183 = arith.index_cast %scan3A_177 : i32 to index
      %swap3A_184 = arith.constant 16 : index
      %swap3A_185 = tpu.vector_load %arg15[%swap3A_183, %swap3A_184] {strides = array<i32>} : memref<640x32xf32, #tpu.memory_space<vmem>>, vector<1x16xf32>,
      %swap3A_186 = vector.shape_cast %swap3A_185 : vector<1x16xf32> to vector<16xf32>
      %swap3A_187 = vector.shape_cast %broadcast_in_dim3A_3 : vector<16xf32> to vector<1x16xf32>
      tpu.vector_store %arg15[%swap3A_183, %swap3A_184], %swap3A_187 {strides = array<i32>} : memref<640x32xf32, #tpu.memory_space<vmem>>, vector<1x16xf32>,
      %scan3A_188 = arith.constant 2 : i32
      %scan3A_189 = arith.addi %scan3A_166, %scan3A_188 : i32
      %swap3A_190 = arith.index_cast %scan3A_189 : i32 to index
      %swap3A_191 = arith.constant 0 : index
      %swap3A_192 = tpu.vector_load %arg15[%swap3A_190, %swap3A_191] {strides = array<i32>} : memref<640x32xf32, #tpu.memory_space<vmem>>, vector<1x16xf32>,
      %swap3A_193 = vector.shape_cast %swap3A_192 : vector<1x16xf32> to vector<16xf32>
      %swap3A_194 = vector.shape_cast %broadcast_in_dim3A_3 : vector<16xf32> to vector<1x16xf32>
      tpu.vector_store %arg15[%swap3A_190, %swap3A_191], %swap3A_194 {strides = array<i32>} : memref<640x32xf32, #tpu.memory_space<vmem>>, vector<1x16xf32>,
      %swap3A_195 = arith.index_cast %scan3A_189 : i32 to index
      %swap3A_196 = arith.constant 16 : index
      %swap3A_197 = tpu.vector_load %arg15[%swap3A_195, %swap3A_196] {strides = array<i32>} : memref<640x32xf32, #tpu.memory_space<vmem>>, vector<1x16xf32>,
      %swap3A_198 = vector.shape_cast %swap3A_197 : vector<1x16xf32> to vector<16xf32>
      %swap3A_199 = vector.shape_cast %broadcast_in_dim3A_3 : vector<16xf32> to vector<1x16xf32>
      tpu.vector_store %arg15[%swap3A_195, %swap3A_196], %swap3A_199 {strides = array<i32>} : memref<640x32xf32, #tpu.memory_space<vmem>>, vector<1x16xf32>,
      %scan3A_200 = arith.constant 3 : i32
      %scan3A_201 = arith.addi %scan3A_166, %scan3A_200 : i32
      %swap3A_202 = arith.index_cast %scan3A_201 : i32 to index
      %swap3A_203 = arith.constant 0 : index
      %swap3A_204 = tpu.vector_load %arg15[%swap3A_202, %swap3A_203] {strides = array<i32>} : memref<640x32xf32, #tpu.memory_space<vmem>>, vector<1x16xf32>,
      %swap3A_205 = vector.shape_cast %swap3A_204 : vector<1x16xf32> to vector<16xf32>
      %swap3A_206 = vector.shape_cast %broadcast_in_dim3A_3 : vector<16xf32> to vector<1x16xf32>
      tpu.vector_store %arg15[%swap3A_202, %swap3A_203], %swap3A_206 {strides = array<i32>} : memref<640x32xf32, #tpu.memory_space<vmem>>, vector<1x16xf32>,
      %swap3A_207 = arith.index_cast %scan3A_201 : i32 to index
      %swap3A_208 = arith.constant 16 : index
      %swap3A_209 = tpu.vector_load %arg15[%swap3A_207, %swap3A_208] {strides = array<i32>} : memref<640x32xf32, #tpu.memory_space<vmem>>, vector<1x16xf32>,
      %swap3A_210 = vector.shape_cast %swap3A_209 : vector<1x16xf32> to vector<16xf32>
      %swap3A_211 = vector.shape_cast %broadcast_in_dim3A_3 : vector<16xf32> to vector<1x16xf32>
      tpu.vector_store %arg15[%swap3A_207, %swap3A_208], %swap3A_211 {strides = array<i32>} : memref<640x32xf32, #tpu.memory_space<vmem>>, vector<1x16xf32>,
      %scan3A_212 = arith.constant 4 : i32
      %scan3A_213 = arith.addi %scan3A_166, %scan3A_212 : i32
      %swap3A_214 = arith.index_cast %scan3A_213 : i32 to index
      %swap3A_215 = arith.constant 0 : index
      %swap3A_216 = tpu.vector_load %arg15[%swap3A_214, %swap3A_215] {strides = array<i32>} : memref<640x32xf32, #tpu.memory_space<vmem>>, vector<1x16xf32>,
      %swap3A_217 = vector.shape_cast %swap3A_216 : vector<1x16xf32> to vector<16xf32>
      %swap3A_218 = vector.shape_cast %broadcast_in_dim3A_3 : vector<16xf32> to vector<1x16xf32>
      tpu.vector_store %arg15[%swap3A_214, %swap3A_215], %swap3A_218 {strides = array<i32>} : memref<640x32xf32, #tpu.memory_space<vmem>>, vector<1x16xf32>,
      %swap3A_219 = arith.index_cast %scan3A_213 : i32 to index
      %swap3A_220 = arith.constant 16 : index
      %swap3A_221 = tpu.vector_load %arg15[%swap3A_219, %swap3A_220] {strides = array<i32>} : memref<640x32xf32, #tpu.memory_space<vmem>>, vector<1x16xf32>,
      %swap3A_222 = vector.shape_cast %swap3A_221 : vector<1x16xf32> to vector<16xf32>
      %swap3A_223 = vector.shape_cast %broadcast_in_dim3A_3 : vector<16xf32> to vector<1x16xf32>
      tpu.vector_store %arg15[%swap3A_219, %swap3A_220], %swap3A_223 {strides = array<i32>} : memref<640x32xf32, #tpu.memory_space<vmem>>, vector<1x16xf32>,
      %scan3A_224 = arith.constant 5 : i32
      %scan3A_225 = arith.addi %scan3A_166, %scan3A_224 : i32
      %swap3A_226 = arith.index_cast %scan3A_225 : i32 to index
      %swap3A_227 = arith.constant 0 : index
      %swap3A_228 = tpu.vector_load %arg15[%swap3A_226, %swap3A_227] {strides = array<i32>} : memref<640x32xf32, #tpu.memory_space<vmem>>, vector<1x16xf32>,
      %swap3A_229 = vector.shape_cast %swap3A_228 : vector<1x16xf32> to vector<16xf32>
      %swap3A_230 = vector.shape_cast %broadcast_in_dim3A_3 : vector<16xf32> to vector<1x16xf32>
      tpu.vector_store %arg15[%swap3A_226, %swap3A_227], %swap3A_230 {strides = array<i32>} : memref<640x32xf32, #tpu.memory_space<vmem>>, vector<1x16xf32>,
      %swap3A_231 = arith.index_cast %scan3A_225 : i32 to index
      %swap3A_232 = arith.constant 16 : index
      %swap3A_233 = tpu.vector_load %arg15[%swap3A_231, %swap3A_232] {strides = array<i32>} : memref<640x32xf32, #tpu.memory_space<vmem>>, vector<1x16xf32>,
      %swap3A_234 = vector.shape_cast %swap3A_233 : vector<1x16xf32> to vector<16xf32>
      %swap3A_235 = vector.shape_cast %broadcast_in_dim3A_3 : vector<16xf32> to vector<1x16xf32>
      tpu.vector_store %arg15[%swap3A_231, %swap3A_232], %swap3A_235 {strides = array<i32>} : memref<640x32xf32, #tpu.memory_space<vmem>>, vector<1x16xf32>,
      %scan3A_236 = arith.constant 6 : i32
      %scan3A_237 = arith.addi %scan3A_166, %scan3A_236 : i32
      %swap3A_238 = arith.index_cast %scan3A_237 : i32 to index
      %swap3A_239 = arith.constant 0 : index
      %swap3A_240 = tpu.vector_load %arg15[%swap3A_238, %swap3A_239] {strides = array<i32>} : memref<640x32xf32, #tpu.memory_space<vmem>>, vector<1x16xf32>,
      %swap3A_241 = vector.shape_cast %swap3A_240 : vector<1x16xf32> to vector<16xf32>
      %swap3A_242 = vector.shape_cast %broadcast_in_dim3A_3 : vector<16xf32> to vector<1x16xf32>
      tpu.vector_store %arg15[%swap3A_238, %swap3A_239], %swap3A_242 {strides = array<i32>} : memref<640x32xf32, #tpu.memory_space<vmem>>, vector<1x16xf32>,
      %swap3A_243 = arith.index_cast %scan3A_237 : i32 to index
      %swap3A_244 = arith.constant 16 : index
      %swap3A_245 = tpu.vector_load %arg15[%swap3A_243, %swap3A_244] {strides = array<i32>} : memref<640x32xf32, #tpu.memory_space<vmem>>, vector<1x16xf32>,
      %swap3A_246 = vector.shape_cast %swap3A_245 : vector<1x16xf32> to vector<16xf32>
      %swap3A_247 = vector.shape_cast %broadcast_in_dim3A_3 : vector<16xf32> to vector<1x16xf32>
      tpu.vector_store %arg15[%swap3A_243, %swap3A_244], %swap3A_247 {strides = array<i32>} : memref<640x32xf32, #tpu.memory_space<vmem>>, vector<1x16xf32>,
      %scan3A_248 = arith.constant 7 : i32
      %scan3A_249 = arith.addi %scan3A_166, %scan3A_248 : i32
      %swap3A_250 = arith.index_cast %scan3A_249 : i32 to index
      %swap3A_251 = arith.constant 0 : index
      %swap3A_252 = tpu.vector_load %arg15[%swap3A_250, %swap3A_251] {strides = array<i32>} : memref<640x32xf32, #tpu.memory_space<vmem>>, vector<1x16xf32>,
      %swap3A_253 = vector.shape_cast %swap3A_252 : vector<1x16xf32> to vector<16xf32>
      %swap3A_254 = vector.shape_cast %broadcast_in_dim3A_3 : vector<16xf32> to vector<1x16xf32>
      tpu.vector_store %arg15[%swap3A_250, %swap3A_251], %swap3A_254 {strides = array<i32>} : memref<640x32xf32, #tpu.memory_space<vmem>>, vector<1x16xf32>,
      %swap3A_255 = arith.index_cast %scan3A_249 : i32 to index
      %swap3A_256 = arith.constant 16 : index
      %swap3A_257 = tpu.vector_load %arg15[%swap3A_255, %swap3A_256] {strides = array<i32>} : memref<640x32xf32, #tpu.memory_space<vmem>>, vector<1x16xf32>,
      %swap3A_258 = vector.shape_cast %swap3A_257 : vector<1x16xf32> to vector<16xf32>
      %swap3A_259 = vector.shape_cast %broadcast_in_dim3A_3 : vector<16xf32> to vector<1x16xf32>
      tpu.vector_store %arg15[%swap3A_255, %swap3A_256], %swap3A_259 {strides = array<i32>} : memref<640x32xf32, #tpu.memory_space<vmem>>, vector<1x16xf32>,
    }
    %scan3A_8 = arith.constant 640 : i32
    %mul3A_9 = arith.constant 640 : i32
    %mul3A_10 = arith.muli %arg1, %mul3A_9 : i32
    "tpu.region"() ({
      %run_scoped3A = tpu.sem_alloc : memref<!tpu.dma_semaphore, #tpu.memory_space<semaphore_mem>>
      %dma_start3A_166 = arith.constant 0 : i32
      %dma_start3A_167 = tpu.memref_slice %arg16[%mul3A_10, %dma_start3A_166] : memref<10240x32xf32, #tpu.memory_space<vmem_shared>> -> memref<640x32xf32, #tpu.memory_space<vmem_shared>>
      %dma_start3A_168 = arith.constant 0 : i32
      %dma_start3A_169 = tpu.memref_slice %arg16[%mul3A_10, %dma_start3A_168] : memref<10240x32xf32, #tpu.memory_space<vmem_shared>> -> memref<640x32xf32, #tpu.memory_space<vmem_shared>>
      tpu.enqueue_dma source(%arg15 : memref<640x32xf32, #tpu.memory_space<vmem>>) target(%dma_start3A_169 : memref<640x32xf32, #tpu.memory_space<vmem_shared>>) target_semaphore(%run_scoped3A : memref<!tpu.dma_semaphore, #tpu.memory_space<semaphore_mem>>)
      %dma_wait3A_170 = arith.constant 0 : i32
      %dma_wait3A_171 = tpu.memref_slice %arg16[%mul3A_10, %dma_wait3A_170] : memref<10240x32xf32, #tpu.memory_space<vmem_shared>> -> memref<640x32xf32, #tpu.memory_space<vmem_shared>>
      %dma_wait3A_172 = arith.constant 0 : i32
      %dma_wait3A_173 = tpu.memref_slice %arg16[%mul3A_10, %dma_wait3A_172] : memref<10240x32xf32, #tpu.memory_space<vmem_shared>> -> memref<640x32xf32, #tpu.memory_space<vmem_shared>>
      tpu.wait_dma2 semaphore(%run_scoped3A : memref<!tpu.dma_semaphore, #tpu.memory_space<semaphore_mem>>) src(%arg15 : memref<640x32xf32, #tpu.memory_space<vmem>>) dst(%dma_wait3A_173 : memref<640x32xf32, #tpu.memory_space<vmem_shared>>)
      tpu.yield
    }) : () -> ()
    "tpu.region"() ({
      %run_scoped3A = tpu.sem_alloc : memref<!tpu.dma_semaphore, #tpu.memory_space<semaphore_mem>>
      %dma_start3A_166 = arith.constant 0 : i32
      %dma_start3A_167 = arith.constant 0 : i32
      %dma_start3A_168 = tpu.memref_slice %arg4[%add3A, %dma_start3A_166, %dma_start3A_167] : memref<32x80x128xi32, #tpu.memory_space<hbm>> -> memref<1x80x128xi32, #tpu.memory_space<hbm>>
      %dma_start3A_169 = tpu.memref_squeeze %dma_start3A_168 : memref<1x80x128xi32, #tpu.memory_space<hbm>> -> memref<80x128xi32, #tpu.memory_space<hbm>>
      %dma_start3A_170 = arith.constant 0 : i32
      %dma_start3A_171 = arith.constant 0 : i32
      %dma_start3A_172 = tpu.memref_slice %arg4[%add3A, %dma_start3A_170, %dma_start3A_171] : memref<32x80x128xi32, #tpu.memory_space<hbm>> -> memref<1x80x128xi32, #tpu.memory_space<hbm>>
      %dma_start3A_173 = tpu.memref_squeeze %dma_start3A_172 : memref<1x80x128xi32, #tpu.memory_space<hbm>> -> memref<80x128xi32, #tpu.memory_space<hbm>>
      tpu.enqueue_dma source(%dma_start3A_173 : memref<80x128xi32, #tpu.memory_space<hbm>>) target(%arg7 : memref<80x128xi32, #tpu.memory_space<vmem>>) target_semaphore(%run_scoped3A : memref<!tpu.dma_semaphore, #tpu.memory_space<semaphore_mem>>)
      %dma_wait3A_174 = arith.constant 0 : i32
      %dma_wait3A_175 = arith.constant 0 : i32
      %dma_wait3A_176 = tpu.memref_slice %arg4[%add3A, %dma_wait3A_174, %dma_wait3A_175] : memref<32x80x128xi32, #tpu.memory_space<hbm>> -> memref<1x80x128xi32, #tpu.memory_space<hbm>>
      %dma_wait3A_177 = tpu.memref_squeeze %dma_wait3A_176 : memref<1x80x128xi32, #tpu.memory_space<hbm>> -> memref<80x128xi32, #tpu.memory_space<hbm>>
      %dma_wait3A_178 = arith.constant 0 : i32
      %dma_wait3A_179 = arith.constant 0 : i32
      %dma_wait3A_180 = tpu.memref_slice %arg4[%add3A, %dma_wait3A_178, %dma_wait3A_179] : memref<32x80x128xi32, #tpu.memory_space<hbm>> -> memref<1x80x128xi32, #tpu.memory_space<hbm>>
      %dma_wait3A_181 = tpu.memref_squeeze %dma_wait3A_180 : memref<1x80x128xi32, #tpu.memory_space<hbm>> -> memref<80x128xi32, #tpu.memory_space<hbm>>
      tpu.wait_dma2 semaphore(%run_scoped3A : memref<!tpu.dma_semaphore, #tpu.memory_space<semaphore_mem>>) src(%dma_wait3A_181 : memref<80x128xi32, #tpu.memory_space<hbm>>) dst(%arg7 : memref<80x128xi32, #tpu.memory_space<vmem>>)
      tpu.yield
    }) : () -> ()
    "tpu.region"() ({
      %run_scoped3A = tpu.sem_alloc : memref<!tpu.dma_semaphore, #tpu.memory_space<semaphore_mem>>
      %dma_start3A_166 = arith.constant 0 : i32
      %dma_start3A_167 = arith.constant 0 : i32
      %dma_start3A_168 = tpu.memref_slice %arg5[%add3A, %dma_start3A_166, %dma_start3A_167] : memref<32x80x128xi32, #tpu.memory_space<hbm>> -> memref<1x80x128xi32, #tpu.memory_space<hbm>>
      %dma_start3A_169 = tpu.memref_squeeze %dma_start3A_168 : memref<1x80x128xi32, #tpu.memory_space<hbm>> -> memref<80x128xi32, #tpu.memory_space<hbm>>
      %dma_start3A_170 = arith.constant 0 : i32
      %dma_start3A_171 = arith.constant 0 : i32
      %dma_start3A_172 = tpu.memref_slice %arg5[%add3A, %dma_start3A_170, %dma_start3A_171] : memref<32x80x128xi32, #tpu.memory_space<hbm>> -> memref<1x80x128xi32, #tpu.memory_space<hbm>>
      %dma_start3A_173 = tpu.memref_squeeze %dma_start3A_172 : memref<1x80x128xi32, #tpu.memory_space<hbm>> -> memref<80x128xi32, #tpu.memory_space<hbm>>
      tpu.enqueue_dma source(%dma_start3A_173 : memref<80x128xi32, #tpu.memory_space<hbm>>) target(%arg8 : memref<80x128xi32, #tpu.memory_space<vmem>>) target_semaphore(%run_scoped3A : memref<!tpu.dma_semaphore, #tpu.memory_space<semaphore_mem>>)
      %dma_wait3A_174 = arith.constant 0 : i32
      %dma_wait3A_175 = arith.constant 0 : i32
      %dma_wait3A_176 = tpu.memref_slice %arg5[%add3A, %dma_wait3A_174, %dma_wait3A_175] : memref<32x80x128xi32, #tpu.memory_space<hbm>> -> memref<1x80x128xi32, #tpu.memory_space<hbm>>
      %dma_wait3A_177 = tpu.memref_squeeze %dma_wait3A_176 : memref<1x80x128xi32, #tpu.memory_space<hbm>> -> memref<80x128xi32, #tpu.memory_space<hbm>>
      %dma_wait3A_178 = arith.constant 0 : i32
      %dma_wait3A_179 = arith.constant 0 : i32
      %dma_wait3A_180 = tpu.memref_slice %arg5[%add3A, %dma_wait3A_178, %dma_wait3A_179] : memref<32x80x128xi32, #tpu.memory_space<hbm>> -> memref<1x80x128xi32, #tpu.memory_space<hbm>>
      %dma_wait3A_181 = tpu.memref_squeeze %dma_wait3A_180 : memref<1x80x128xi32, #tpu.memory_space<hbm>> -> memref<80x128xi32, #tpu.memory_space<hbm>>
      tpu.wait_dma2 semaphore(%run_scoped3A : memref<!tpu.dma_semaphore, #tpu.memory_space<semaphore_mem>>) src(%dma_wait3A_181 : memref<80x128xi32, #tpu.memory_space<hbm>>) dst(%arg8 : memref<80x128xi32, #tpu.memory_space<vmem>>)
      tpu.yield
    }) : () -> ()
    %barrier3A = arith.constant 0 : index
    tpu.barrier barrier_id(%barrier3A)
    %add3A_11 = arith.constant 0 : i32
    %add3A_12 = arith.addi %mul3A_2, %add3A_11 : i32
    %jit3A = arith.constant 12800 : i32
    %div3A = arith.divsi %add3A_12, %jit3A : i32
    %sign3A = arith.constant 0 : i32
    %sign3A_13 = arith.cmpi sgt, %add3A_12, %sign3A : i32
    %sign3A_14 = arith.extui %sign3A_13 : i1 to i32
    %sign3A_15 = arith.constant 0 : i32
    %sign3A_16 = arith.cmpi slt, %add3A_12, %sign3A_15 : i32
    %sign3A_17 = arith.extui %sign3A_16 : i1 to i32
    %sign3A_18 = arith.subi %sign3A_14, %sign3A_17 : i32
    %sign3A_19 = arith.constant 0 : i32
    %sign3A_20 = arith.cmpi sgt, %jit3A, %sign3A_19 : i32
    %sign3A_21 = arith.extui %sign3A_20 : i1 to i32
    %sign3A_22 = arith.constant 0 : i32
    %sign3A_23 = arith.cmpi slt, %jit3A, %sign3A_22 : i32
    %sign3A_24 = arith.extui %sign3A_23 : i1 to i32
    %sign3A_25 = arith.subi %sign3A_21, %sign3A_24 : i32
    %ne3A = arith.cmpi ne, %sign3A_18, %sign3A_25 : i32
    %rem3A = arith.remsi %add3A_12, %jit3A : i32
    %ne3A_26 = arith.constant 0 : i32
    %ne3A_27 = arith.cmpi ne, %rem3A, %ne3A_26 : i32
    %and3A = arith.andi %ne3A, %ne3A_27 : i1
    %sub3A = arith.constant 1 : i32
    %sub3A_28 = arith.subi %div3A, %sub3A : i32
    %select_n3A = arith.select %and3A, %sub3A_28, %div3A : i32
    %mul3A_29 = arith.constant 12800 : i32
    %mul3A_30 = arith.muli %select_n3A, %mul3A_29 : i32
    %sub3A_31 = arith.subi %add3A_12, %mul3A_30 : i32
    %jit3A_32 = arith.constant 3200 : i32
    %div3A_33 = arith.divsi %sub3A_31, %jit3A_32 : i32
    %sign3A_34 = arith.constant 0 : i32
    %sign3A_35 = arith.cmpi sgt, %sub3A_31, %sign3A_34 : i32
    %sign3A_36 = arith.extui %sign3A_35 : i1 to i32
    %sign3A_37 = arith.constant 0 : i32
    %sign3A_38 = arith.cmpi slt, %sub3A_31, %sign3A_37 : i32
    %sign3A_39 = arith.extui %sign3A_38 : i1 to i32
    %sign3A_40 = arith.subi %sign3A_36, %sign3A_39 : i32
    %sign3A_41 = arith.constant 0 : i32
    %sign3A_42 = arith.cmpi sgt, %jit3A_32, %sign3A_41 : i32
    %sign3A_43 = arith.extui %sign3A_42 : i1 to i32
    %sign3A_44 = arith.constant 0 : i32
    %sign3A_45 = arith.cmpi slt, %jit3A_32, %sign3A_44 : i32
    %sign3A_46 = arith.extui %sign3A_45 : i1 to i32
    %sign3A_47 = arith.subi %sign3A_43, %sign3A_46 : i32
    %ne3A_48 = arith.cmpi ne, %sign3A_40, %sign3A_47 : i32
    %rem3A_49 = arith.remsi %sub3A_31, %jit3A_32 : i32
    %ne3A_50 = arith.constant 0 : i32
    %ne3A_51 = arith.cmpi ne, %rem3A_49, %ne3A_50 : i32
    %and3A_52 = arith.andi %ne3A_48, %ne3A_51 : i1
    %sub3A_53 = arith.constant 1 : i32
    %sub3A_54 = arith.subi %div3A_33, %sub3A_53 : i32
    %select_n3A_55 = arith.select %and3A_52, %sub3A_54, %div3A_33 : i32
    %mul3A_56 = arith.constant 3200 : i32
    %mul3A_57 = arith.muli %select_n3A, %mul3A_56 : i32
    %mul3A_58 = arith.constant 3200 : i32
    %mul3A_59 = arith.muli %select_n3A_55, %mul3A_58 : i32
    %sub3A_60 = arith.subi %sub3A_31, %mul3A_59 : i32
    %add3A_61 = arith.addi %mul3A_57, %sub3A_60 : i32
    %mul3A_62 = arith.constant 32 : i32
    %mul3A_63 = arith.muli %select_n3A_55, %mul3A_62 : i32
    %dma_start3A = tpu.memref_slice %arg3[%add3A_61, %mul3A_63] : memref<81920x128xf32, #tpu.memory_space<hbm>> -> memref<128x32xf32, #tpu.memory_space<hbm>>
    %dma_start3A_64 = tpu.memref_slice %arg3[%add3A_61, %mul3A_63] : memref<81920x128xf32, #tpu.memory_space<hbm>> -> memref<128x32xf32, #tpu.memory_space<hbm>>
    tpu.enqueue_dma source(%dma_start3A_64 : memref<128x32xf32, #tpu.memory_space<hbm>>) target(%arg11 : memref<128x32xf32, #tpu.memory_space<vmem>>) target_semaphore(%arg19 : memref<!tpu.dma_semaphore, #tpu.memory_space<semaphore_mem>>)
    %dma_start3A_65 = arith.constant 0 : i32
    %dma_start3A_66 = arith.constant 0 : i32
    %dma_start3A_67 = tpu.memref_slice %arg7[%dma_start3A_65, %dma_start3A_66] : memref<80x128xi32, #tpu.memory_space<vmem>> -> memref<1x128xi32, #tpu.memory_space<vmem>>
    %dma_start3A_68 = tpu.memref_squeeze %dma_start3A_67 : memref<1x128xi32, #tpu.memory_space<vmem>> -> memref<128xi32, #tpu.memory_space<vmem>>
    %dma_start3A_69 = arith.constant 0 : i32
    %dma_start3A_70 = arith.constant 0 : i32
    %dma_start3A_71 = tpu.memref_slice %arg2[%dma_start3A_69, %dma_start3A_70] : memref<10000x32xf32, #tpu.memory_space<hbm>> -> memref<10000x32xf32, #tpu.memory_space<hbm>>
    tpu.enqueue_indirect_dma source(%dma_start3A_71 : memref<10000x32xf32, #tpu.memory_space<hbm>>) target(%arg9 : memref<128x32xf32, #tpu.memory_space<vmem>>) offsets(%dma_start3A_68 : memref<128xi32, #tpu.memory_space<vmem>>) semaphore(%arg17 : memref<!tpu.dma_semaphore, #tpu.memory_space<semaphore_mem>>)
    %add3A_72 = arith.constant 128 : i32
    %add3A_73 = arith.addi %mul3A_2, %add3A_72 : i32
    %jit3A_74 = arith.constant 12800 : i32
    %div3A_75 = arith.divsi %add3A_73, %jit3A_74 : i32
    %sign3A_76 = arith.constant 0 : i32
    %sign3A_77 = arith.cmpi sgt, %add3A_73, %sign3A_76 : i32
    %sign3A_78 = arith.extui %sign3A_77 : i1 to i32
    %sign3A_79 = arith.constant 0 : i32
    %sign3A_80 = arith.cmpi slt, %add3A_73, %sign3A_79 : i32
    %sign3A_81 = arith.extui %sign3A_80 : i1 to i32
    %sign3A_82 = arith.subi %sign3A_78, %sign3A_81 : i32
    %sign3A_83 = arith.constant 0 : i32
    %sign3A_84 = arith.cmpi sgt, %jit3A_74, %sign3A_83 : i32
    %sign3A_85 = arith.extui %sign3A_84 : i1 to i32
    %sign3A_86 = arith.constant 0 : i32
    %sign3A_87 = arith.cmpi slt, %jit3A_74, %sign3A_86 : i32
    %sign3A_88 = arith.extui %sign3A_87 : i1 to i32
    %sign3A_89 = arith.subi %sign3A_85, %sign3A_88 : i32
    %ne3A_90 = arith.cmpi ne, %sign3A_82, %sign3A_89 : i32
    %rem3A_91 = arith.remsi %add3A_73, %jit3A_74 : i32
    %ne3A_92 = arith.constant 0 : i32
    %ne3A_93 = arith.cmpi ne, %rem3A_91, %ne3A_92 : i32
    %and3A_94 = arith.andi %ne3A_90, %ne3A_93 : i1
    %sub3A_95 = arith.constant 1 : i32
    %sub3A_96 = arith.subi %div3A_75, %sub3A_95 : i32
    %select_n3A_97 = arith.select %and3A_94, %sub3A_96, %div3A_75 : i32
    %mul3A_98 = arith.constant 12800 : i32
    %mul3A_99 = arith.muli %select_n3A_97, %mul3A_98 : i32
    %sub3A_100 = arith.subi %add3A_73, %mul3A_99 : i32
    %jit3A_101 = arith.constant 3200 : i32
    %div3A_102 = arith.divsi %sub3A_100, %jit3A_101 : i32
    %sign3A_103 = arith.constant 0 : i32
    %sign3A_104 = arith.cmpi sgt, %sub3A_100, %sign3A_103 : i32
    %sign3A_105 = arith.extui %sign3A_104 : i1 to i32
    %sign3A_106 = arith.constant 0 : i32
    %sign3A_107 = arith.cmpi slt, %sub3A_100, %sign3A_106 : i32
    %sign3A_108 = arith.extui %sign3A_107 : i1 to i32
    %sign3A_109 = arith.subi %sign3A_105, %sign3A_108 : i32
    %sign3A_110 = arith.constant 0 : i32
    %sign3A_111 = arith.cmpi sgt, %jit3A_101, %sign3A_110 : i32
    %sign3A_112 = arith.extui %sign3A_111 : i1 to i32
    %sign3A_113 = arith.constant 0 : i32
    %sign3A_114 = arith.cmpi slt, %jit3A_101, %sign3A_113 : i32
    %sign3A_115 = arith.extui %sign3A_114 : i1 to i32
    %sign3A_116 = arith.subi %sign3A_112, %sign3A_115 : i32
    %ne3A_117 = arith.cmpi ne, %sign3A_109, %sign3A_116 : i32
    %rem3A_118 = arith.remsi %sub3A_100, %jit3A_101 : i32
    %ne3A_119 = arith.constant 0 : i32
    %ne3A_120 = arith.cmpi ne, %rem3A_118, %ne3A_119 : i32
    %and3A_121 = arith.andi %ne3A_117, %ne3A_120 : i1
    %sub3A_122 = arith.constant 1 : i32
    %sub3A_123 = arith.subi %div3A_102, %sub3A_122 : i32
    %select_n3A_124 = arith.select %and3A_121, %sub3A_123, %div3A_102 : i32
    %mul3A_125 = arith.constant 3200 : i32
    %mul3A_126 = arith.muli %select_n3A_97, %mul3A_125 : i32
    %mul3A_127 = arith.constant 3200 : i32
    %mul3A_128 = arith.muli %select_n3A_124, %mul3A_127 : i32
    %sub3A_129 = arith.subi %sub3A_100, %mul3A_128 : i32
    %add3A_130 = arith.addi %mul3A_126, %sub3A_129 : i32
    %mul3A_131 = arith.constant 32 : i32
    %mul3A_132 = arith.muli %select_n3A_124, %mul3A_131 : i32
    %dma_start3A_133 = tpu.memref_slice %arg3[%add3A_130, %mul3A_132] : memref<81920x128xf32, #tpu.memory_space<hbm>> -> memref<128x32xf32, #tpu.memory_space<hbm>>
    %dma_start3A_134 = tpu.memref_slice %arg3[%add3A_130, %mul3A_132] : memref<81920x128xf32, #tpu.memory_space<hbm>> -> memref<128x32xf32, #tpu.memory_space<hbm>>
    tpu.enqueue_dma source(%dma_start3A_134 : memref<128x32xf32, #tpu.memory_space<hbm>>) target(%arg12 : memref<128x32xf32, #tpu.memory_space<vmem>>) target_semaphore(%arg20 : memref<!tpu.dma_semaphore, #tpu.memory_space<semaphore_mem>>)
    %dma_start3A_135 = arith.constant 1 : i32
    %dma_start3A_136 = arith.constant 0 : i32
    %dma_start3A_137 = tpu.memref_slice %arg7[%dma_start3A_135, %dma_start3A_136] : memref<80x128xi32, #tpu.memory_space<vmem>> -> memref<1x128xi32, #tpu.memory_space<vmem>>
    %dma_start3A_138 = tpu.memref_squeeze %dma_start3A_137 : memref<1x128xi32, #tpu.memory_space<vmem>> -> memref<128xi32, #tpu.memory_space<vmem>>
    %dma_start3A_139 = arith.constant 0 : i32
    %dma_start3A_140 = arith.constant 0 : i32
    %dma_start3A_141 = tpu.memref_slice %arg2[%dma_start3A_139, %dma_start3A_140] : memref<10000x32xf32, #tpu.memory_space<hbm>> -> memref<10000x32xf32, #tpu.memory_space<hbm>>
    tpu.enqueue_indirect_dma source(%dma_start3A_141 : memref<10000x32xf32, #tpu.memory_space<hbm>>) target(%arg10 : memref<128x32xf32, #tpu.memory_space<vmem>>) offsets(%dma_start3A_138 : memref<128xi32, #tpu.memory_space<vmem>>) semaphore(%arg18 : memref<!tpu.dma_semaphore, #tpu.memory_space<semaphore_mem>>)
    %scan3A_142 = arith.constant 0 : i32
    %scan3A_143 = arith.constant 0 : i32
    %scan3A_144 = arith.constant 40 : i32
    %scan3A_145 = arith.addi %scan3A_143, %scan3A_144 : i32
    %scan3A_146 = arith.constant 1 : i32
    scf.for %scan3A_166 = %scan3A_143 to %scan3A_145 step %scan3A_146  : i32 {
      %mul3A_167 = arith.constant 2 : i32
      %mul3A_168 = arith.muli %mul3A_167, %scan3A_166 : i32
      %mul3A_169 = arith.constant 2 : i32
      %mul3A_170 = arith.muli %mul3A_169, %scan3A_166 : i32
      %add3A_171 = arith.constant 1 : i32
      %add3A_172 = arith.addi %mul3A_170, %add3A_171 : i32
      %mul3A_173 = arith.constant 128 : i32
      %mul3A_174 = arith.muli %mul3A_168, %mul3A_173 : i32
      %add3A_175 = arith.addi %mul3A_2, %mul3A_174 : i32
      %jit3A_176 = arith.constant 12800 : i32
      %div3A_177 = arith.divsi %add3A_175, %jit3A_176 : i32
      %sign3A_178 = arith.constant 0 : i32
      %sign3A_179 = arith.cmpi sgt, %add3A_175, %sign3A_178 : i32
      %sign3A_180 = arith.extui %sign3A_179 : i1 to i32
      %sign3A_181 = arith.constant 0 : i32
      %sign3A_182 = arith.cmpi slt, %add3A_175, %sign3A_181 : i32
      %sign3A_183 = arith.extui %sign3A_182 : i1 to i32
      %sign3A_184 = arith.subi %sign3A_180, %sign3A_183 : i32
      %sign3A_185 = arith.constant 0 : i32
      %sign3A_186 = arith.cmpi sgt, %jit3A_176, %sign3A_185 : i32
      %sign3A_187 = arith.extui %sign3A_186 : i1 to i32
      %sign3A_188 = arith.constant 0 : i32
      %sign3A_189 = arith.cmpi slt, %jit3A_176, %sign3A_188 : i32
      %sign3A_190 = arith.extui %sign3A_189 : i1 to i32
      %sign3A_191 = arith.subi %sign3A_187, %sign3A_190 : i32
      %ne3A_192 = arith.cmpi ne, %sign3A_184, %sign3A_191 : i32
      %rem3A_193 = arith.remsi %add3A_175, %jit3A_176 : i32
      %ne3A_194 = arith.constant 0 : i32
      %ne3A_195 = arith.cmpi ne, %rem3A_193, %ne3A_194 : i32
      %and3A_196 = arith.andi %ne3A_192, %ne3A_195 : i1
      %sub3A_197 = arith.constant 1 : i32
      %sub3A_198 = arith.subi %div3A_177, %sub3A_197 : i32
      %select_n3A_199 = arith.select %and3A_196, %sub3A_198, %div3A_177 : i32
      %mul3A_200 = arith.constant 12800 : i32
      %mul3A_201 = arith.muli %select_n3A_199, %mul3A_200 : i32
      %sub3A_202 = arith.subi %add3A_175, %mul3A_201 : i32
      %jit3A_203 = arith.constant 3200 : i32
      %div3A_204 = arith.divsi %sub3A_202, %jit3A_203 : i32
      %sign3A_205 = arith.constant 0 : i32
      %sign3A_206 = arith.cmpi sgt, %sub3A_202, %sign3A_205 : i32
      %sign3A_207 = arith.extui %sign3A_206 : i1 to i32
      %sign3A_208 = arith.constant 0 : i32
      %sign3A_209 = arith.cmpi slt, %sub3A_202, %sign3A_208 : i32
      %sign3A_210 = arith.extui %sign3A_209 : i1 to i32
      %sign3A_211 = arith.subi %sign3A_207, %sign3A_210 : i32
      %sign3A_212 = arith.constant 0 : i32
      %sign3A_213 = arith.cmpi sgt, %jit3A_203, %sign3A_212 : i32
      %sign3A_214 = arith.extui %sign3A_213 : i1 to i32
      %sign3A_215 = arith.constant 0 : i32
      %sign3A_216 = arith.cmpi slt, %jit3A_203, %sign3A_215 : i32
      %sign3A_217 = arith.extui %sign3A_216 : i1 to i32
      %sign3A_218 = arith.subi %sign3A_214, %sign3A_217 : i32
      %ne3A_219 = arith.cmpi ne, %sign3A_211, %sign3A_218 : i32
      %rem3A_220 = arith.remsi %sub3A_202, %jit3A_203 : i32
      %ne3A_221 = arith.constant 0 : i32
      %ne3A_222 = arith.cmpi ne, %rem3A_220, %ne3A_221 : i32
      %and3A_223 = arith.andi %ne3A_219, %ne3A_222 : i1
      %sub3A_224 = arith.constant 1 : i32
      %sub3A_225 = arith.subi %div3A_204, %sub3A_224 : i32
      %select_n3A_226 = arith.select %and3A_223, %sub3A_225, %div3A_204 : i32
      %mul3A_227 = arith.constant 3200 : i32
      %mul3A_228 = arith.muli %select_n3A_199, %mul3A_227 : i32
      %mul3A_229 = arith.constant 3200 : i32
      %mul3A_230 = arith.muli %select_n3A_226, %mul3A_229 : i32
      %sub3A_231 = arith.subi %sub3A_202, %mul3A_230 : i32
      %add3A_232 = arith.addi %mul3A_228, %sub3A_231 : i32
      %mul3A_233 = arith.constant 32 : i32
      %mul3A_234 = arith.muli %select_n3A_226, %mul3A_233 : i32
      %dma_wait3A_235 = tpu.memref_slice %arg3[%add3A_232, %mul3A_234] : memref<81920x128xf32, #tpu.memory_space<hbm>> -> memref<128x32xf32, #tpu.memory_space<hbm>>
      %dma_wait3A_236 = tpu.memref_slice %arg3[%add3A_232, %mul3A_234] : memref<81920x128xf32, #tpu.memory_space<hbm>> -> memref<128x32xf32, #tpu.memory_space<hbm>>
      tpu.wait_dma2 semaphore(%arg19 : memref<!tpu.dma_semaphore, #tpu.memory_space<semaphore_mem>>) src(%dma_wait3A_236 : memref<128x32xf32, #tpu.memory_space<hbm>>) dst(%arg11 : memref<128x32xf32, #tpu.memory_space<vmem>>)
      %dma_wait3A_237 = arith.constant 0 : i32
      %dma_wait3A_238 = tpu.memref_slice %arg7[%mul3A_168, %dma_wait3A_237] : memref<80x128xi32, #tpu.memory_space<vmem>> -> memref<1x128xi32, #tpu.memory_space<vmem>>
      %dma_wait3A_239 = tpu.memref_squeeze %dma_wait3A_238 : memref<1x128xi32, #tpu.memory_space<vmem>> -> memref<128xi32, #tpu.memory_space<vmem>>
      %dma_wait3A_240 = arith.constant 0 : i32
      %dma_wait3A_241 = arith.constant 0 : i32
      %dma_wait3A_242 = tpu.memref_slice %arg2[%dma_wait3A_240, %dma_wait3A_241] : memref<10000x32xf32, #tpu.memory_space<hbm>> -> memref<10000x32xf32, #tpu.memory_space<hbm>>
      tpu.wait_indirect_dma semaphore(%arg17 : memref<!tpu.dma_semaphore, #tpu.memory_space<semaphore_mem>>) src(%dma_wait3A_242 : memref<10000x32xf32, #tpu.memory_space<hbm>>) dst(%arg9 : memref<128x32xf32, #tpu.memory_space<vmem>>)
      %gt3A = arith.constant 0 : i32
      %gt3A_243 = arith.cmpi sgt, %scan3A_166, %gt3A : i32
      %convert_element_type3A = arith.extui %gt3A_243 : i1 to i32
      %cond3A = arith.constant 0 : i32
      %cond3A_244 = arith.cmpi ne, %convert_element_type3A, %cond3A : i32
      scf.if %cond3A_244 {
        %sub3A_357 = arith.constant 2 : i32
        %sub3A_358 = arith.subi %mul3A_168, %sub3A_357 : i32
        %dma_wait3A_359 = arith.constant 0 : i32
        %dma_wait3A_360 = tpu.memref_slice %arg8[%sub3A_358, %dma_wait3A_359] : memref<80x128xi32, #tpu.memory_space<vmem>> -> memref<1x128xi32, #tpu.memory_space<vmem>>
        %dma_wait3A_361 = tpu.memref_squeeze %dma_wait3A_360 : memref<1x128xi32, #tpu.memory_space<vmem>> -> memref<128xi32, #tpu.memory_space<vmem>>
        %dma_wait3A_362 = arith.constant 0 : i32
        %dma_wait3A_363 = arith.constant 0 : i32
        %dma_wait3A_364 = tpu.memref_slice %arg16[%dma_wait3A_362, %dma_wait3A_363] : memref<10240x32xf32, #tpu.memory_space<vmem_shared>> -> memref<10240x32xf32, #tpu.memory_space<vmem_shared>>
        tpu.wait_indirect_dma semaphore(%arg21 : memref<!tpu.dma_semaphore, #tpu.memory_space<semaphore_mem>>) src(%arg13 : memref<128x32xf32, #tpu.memory_space<vmem>>) dst(%dma_wait3A_364 : memref<10240x32xf32, #tpu.memory_space<vmem_shared>>)
      } else {
      }
      %scan3A_245 = arith.constant 0 : i32
      %scan3A_246 = arith.constant 0 : i32
      %scan3A_247 = arith.constant 128 : i32
      %scan3A_248 = arith.addi %scan3A_246, %scan3A_247 : i32
      %scan3A_249 = arith.constant 8 : i32
      scf.for %scan3A_357 = %scan3A_246 to %scan3A_248 step %scan3A_249  : i32 {
        %get3A = arith.index_cast %scan3A_357 : i32 to index
        %get3A_358 = arith.constant 0 : index
        %get3A_359 = tpu.vector_load %arg9[%get3A, %get3A_358] {strides = array<i32>} : memref<128x32xf32, #tpu.memory_space<vmem>>, vector<1x16xf32>,
        %get3A_360 = vector.shape_cast %get3A_359 : vector<1x16xf32> to vector<16xf32>
        %get3A_361 = arith.index_cast %scan3A_357 : i32 to index
        %get3A_362 = arith.constant 0 : index
        %get3A_363 = tpu.vector_load %arg11[%get3A_361, %get3A_362] {strides = array<i32>} : memref<128x32xf32, #tpu.memory_space<vmem>>, vector<1x16xf32>,
        %get3A_364 = vector.shape_cast %get3A_363 : vector<1x16xf32> to vector<16xf32>
        %add3A_365 = arith.addf %get3A_360, %get3A_364 : vector<16xf32>
        %max3A = arith.constant 0.000000e+00 : f32
        %max3A_366 = vector.broadcast %max3A : f32 to vector<16xf32>
        %max3A_367 = arith.maximumf %add3A_365, %max3A_366 : vector<16xf32>
        %swap3A = arith.index_cast %scan3A_357 : i32 to index
        %swap3A_368 = arith.constant 0 : index
        %swap3A_369 = tpu.vector_load %arg13[%swap3A, %swap3A_368] {strides = array<i32>} : memref<128x32xf32, #tpu.memory_space<vmem>>, vector<1x16xf32>,
        %swap3A_370 = vector.shape_cast %swap3A_369 : vector<1x16xf32> to vector<16xf32>
        %swap3A_371 = vector.shape_cast %max3A_367 : vector<16xf32> to vector<1x16xf32>
        tpu.vector_store %arg13[%swap3A, %swap3A_368], %swap3A_371 {strides = array<i32>} : memref<128x32xf32, #tpu.memory_space<vmem>>, vector<1x16xf32>,
        %get3A_372 = arith.index_cast %scan3A_357 : i32 to index
        %get3A_373 = arith.constant 16 : index
        %get3A_374 = tpu.vector_load %arg9[%get3A_372, %get3A_373] {strides = array<i32>} : memref<128x32xf32, #tpu.memory_space<vmem>>, vector<1x16xf32>,
        %get3A_375 = vector.shape_cast %get3A_374 : vector<1x16xf32> to vector<16xf32>
        %get3A_376 = arith.index_cast %scan3A_357 : i32 to index
        %get3A_377 = arith.constant 16 : index
        %get3A_378 = tpu.vector_load %arg11[%get3A_376, %get3A_377] {strides = array<i32>} : memref<128x32xf32, #tpu.memory_space<vmem>>, vector<1x16xf32>,
        %get3A_379 = vector.shape_cast %get3A_378 : vector<1x16xf32> to vector<16xf32>
        %add3A_380 = arith.addf %get3A_375, %get3A_379 : vector<16xf32>
        %max3A_381 = arith.constant 0.000000e+00 : f32
        %max3A_382 = vector.broadcast %max3A_381 : f32 to vector<16xf32>
        %max3A_383 = arith.maximumf %add3A_380, %max3A_382 : vector<16xf32>
        %swap3A_384 = arith.index_cast %scan3A_357 : i32 to index
        %swap3A_385 = arith.constant 16 : index
        %swap3A_386 = tpu.vector_load %arg13[%swap3A_384, %swap3A_385] {strides = array<i32>} : memref<128x32xf32, #tpu.memory_space<vmem>>, vector<1x16xf32>,
        %swap3A_387 = vector.shape_cast %swap3A_386 : vector<1x16xf32> to vector<16xf32>
        %swap3A_388 = vector.shape_cast %max3A_383 : vector<16xf32> to vector<1x16xf32>
        tpu.vector_store %arg13[%swap3A_384, %swap3A_385], %swap3A_388 {strides = array<i32>} : memref<128x32xf32, #tpu.memory_space<vmem>>, vector<1x16xf32>,
        %scan3A_389 = arith.constant 1 : i32
        %scan3A_390 = arith.addi %scan3A_357, %scan3A_389 : i32
        %get3A_391 = arith.index_cast %scan3A_390 : i32 to index
        %get3A_392 = arith.constant 0 : index
        %get3A_393 = tpu.vector_load %arg9[%get3A_391, %get3A_392] {strides = array<i32>} : memref<128x32xf32, #tpu.memory_space<vmem>>, vector<1x16xf32>,
        %get3A_394 = vector.shape_cast %get3A_393 : vector<1x16xf32> to vector<16xf32>
        %get3A_395 = arith.index_cast %scan3A_390 : i32 to index
        %get3A_396 = arith.constant 0 : index
        %get3A_397 = tpu.vector_load %arg11[%get3A_395, %get3A_396] {strides = array<i32>} : memref<128x32xf32, #tpu.memory_space<vmem>>, vector<1x16xf32>,
        %get3A_398 = vector.shape_cast %get3A_397 : vector<1x16xf32> to vector<16xf32>
        %add3A_399 = arith.addf %get3A_394, %get3A_398 : vector<16xf32>
        %max3A_400 = arith.constant 0.000000e+00 : f32
        %max3A_401 = vector.broadcast %max3A_400 : f32 to vector<16xf32>
        %max3A_402 = arith.maximumf %add3A_399, %max3A_401 : vector<16xf32>
        %swap3A_403 = arith.index_cast %scan3A_390 : i32 to index
        %swap3A_404 = arith.constant 0 : index
        %swap3A_405 = tpu.vector_load %arg13[%swap3A_403, %swap3A_404] {strides = array<i32>} : memref<128x32xf32, #tpu.memory_space<vmem>>, vector<1x16xf32>,
        %swap3A_406 = vector.shape_cast %swap3A_405 : vector<1x16xf32> to vector<16xf32>
        %swap3A_407 = vector.shape_cast %max3A_402 : vector<16xf32> to vector<1x16xf32>
        tpu.vector_store %arg13[%swap3A_403, %swap3A_404], %swap3A_407 {strides = array<i32>} : memref<128x32xf32, #tpu.memory_space<vmem>>, vector<1x16xf32>,
        %get3A_408 = arith.index_cast %scan3A_390 : i32 to index
        %get3A_409 = arith.constant 16 : index
        %get3A_410 = tpu.vector_load %arg9[%get3A_408, %get3A_409] {strides = array<i32>} : memref<128x32xf32, #tpu.memory_space<vmem>>, vector<1x16xf32>,
        %get3A_411 = vector.shape_cast %get3A_410 : vector<1x16xf32> to vector<16xf32>
        %get3A_412 = arith.index_cast %scan3A_390 : i32 to index
        %get3A_413 = arith.constant 16 : index
        %get3A_414 = tpu.vector_load %arg11[%get3A_412, %get3A_413] {strides = array<i32>} : memref<128x32xf32, #tpu.memory_space<vmem>>, vector<1x16xf32>,
        %get3A_415 = vector.shape_cast %get3A_414 : vector<1x16xf32> to vector<16xf32>
        %add3A_416 = arith.addf %get3A_411, %get3A_415 : vector<16xf32>
        %max3A_417 = arith.constant 0.000000e+00 : f32
        %max3A_418 = vector.broadcast %max3A_417 : f32 to vector<16xf32>
        %max3A_419 = arith.maximumf %add3A_416, %max3A_418 : vector<16xf32>
        %swap3A_420 = arith.index_cast %scan3A_390 : i32 to index
        %swap3A_421 = arith.constant 16 : index
        %swap3A_422 = tpu.vector_load %arg13[%swap3A_420, %swap3A_421] {strides = array<i32>} : memref<128x32xf32, #tpu.memory_space<vmem>>, vector<1x16xf32>,
        %swap3A_423 = vector.shape_cast %swap3A_422 : vector<1x16xf32> to vector<16xf32>
        %swap3A_424 = vector.shape_cast %max3A_419 : vector<16xf32> to vector<1x16xf32>
        tpu.vector_store %arg13[%swap3A_420, %swap3A_421], %swap3A_424 {strides = array<i32>} : memref<128x32xf32, #tpu.memory_space<vmem>>, vector<1x16xf32>,
        %scan3A_425 = arith.constant 2 : i32
        %scan3A_426 = arith.addi %scan3A_357, %scan3A_425 : i32
        %get3A_427 = arith.index_cast %scan3A_426 : i32 to index
        %get3A_428 = arith.constant 0 : index
        %get3A_429 = tpu.vector_load %arg9[%get3A_427, %get3A_428] {strides = array<i32>} : memref<128x32xf32, #tpu.memory_space<vmem>>, vector<1x16xf32>,
        %get3A_430 = vector.shape_cast %get3A_429 : vector<1x16xf32> to vector<16xf32>
        %get3A_431 = arith.index_cast %scan3A_426 : i32 to index
        %get3A_432 = arith.constant 0 : index
        %get3A_433 = tpu.vector_load %arg11[%get3A_431, %get3A_432] {strides = array<i32>} : memref<128x32xf32, #tpu.memory_space<vmem>>, vector<1x16xf32>,
        %get3A_434 = vector.shape_cast %get3A_433 : vector<1x16xf32> to vector<16xf32>
        %add3A_435 = arith.addf %get3A_430, %get3A_434 : vector<16xf32>
        %max3A_436 = arith.constant 0.000000e+00 : f32
        %max3A_437 = vector.broadcast %max3A_436 : f32 to vector<16xf32>
        %max3A_438 = arith.maximumf %add3A_435, %max3A_437 : vector<16xf32>
        %swap3A_439 = arith.index_cast %scan3A_426 : i32 to index
        %swap3A_440 = arith.constant 0 : index
        %swap3A_441 = tpu.vector_load %arg13[%swap3A_439, %swap3A_440] {strides = array<i32>} : memref<128x32xf32, #tpu.memory_space<vmem>>, vector<1x16xf32>,
        %swap3A_442 = vector.shape_cast %swap3A_441 : vector<1x16xf32> to vector<16xf32>
        %swap3A_443 = vector.shape_cast %max3A_438 : vector<16xf32> to vector<1x16xf32>
        tpu.vector_store %arg13[%swap3A_439, %swap3A_440], %swap3A_443 {strides = array<i32>} : memref<128x32xf32, #tpu.memory_space<vmem>>, vector<1x16xf32>,
        %get3A_444 = arith.index_cast %scan3A_426 : i32 to index
        %get3A_445 = arith.constant 16 : index
        %get3A_446 = tpu.vector_load %arg9[%get3A_444, %get3A_445] {strides = array<i32>} : memref<128x32xf32, #tpu.memory_space<vmem>>, vector<1x16xf32>,
        %get3A_447 = vector.shape_cast %get3A_446 : vector<1x16xf32> to vector<16xf32>
        %get3A_448 = arith.index_cast %scan3A_426 : i32 to index
        %get3A_449 = arith.constant 16 : index
        %get3A_450 = tpu.vector_load %arg11[%get3A_448, %get3A_449] {strides = array<i32>} : memref<128x32xf32, #tpu.memory_space<vmem>>, vector<1x16xf32>,
        %get3A_451 = vector.shape_cast %get3A_450 : vector<1x16xf32> to vector<16xf32>
        %add3A_452 = arith.addf %get3A_447, %get3A_451 : vector<16xf32>
        %max3A_453 = arith.constant 0.000000e+00 : f32
        %max3A_454 = vector.broadcast %max3A_453 : f32 to vector<16xf32>
        %max3A_455 = arith.maximumf %add3A_452, %max3A_454 : vector<16xf32>
        %swap3A_456 = arith.index_cast %scan3A_426 : i32 to index
        %swap3A_457 = arith.constant 16 : index
        %swap3A_458 = tpu.vector_load %arg13[%swap3A_456, %swap3A_457] {strides = array<i32>} : memref<128x32xf32, #tpu.memory_space<vmem>>, vector<1x16xf32>,
        %swap3A_459 = vector.shape_cast %swap3A_458 : vector<1x16xf32> to vector<16xf32>
        %swap3A_460 = vector.shape_cast %max3A_455 : vector<16xf32> to vector<1x16xf32>
        tpu.vector_store %arg13[%swap3A_456, %swap3A_457], %swap3A_460 {strides = array<i32>} : memref<128x32xf32, #tpu.memory_space<vmem>>, vector<1x16xf32>,
        %scan3A_461 = arith.constant 3 : i32
        %scan3A_462 = arith.addi %scan3A_357, %scan3A_461 : i32
        %get3A_463 = arith.index_cast %scan3A_462 : i32 to index
        %get3A_464 = arith.constant 0 : index
        %get3A_465 = tpu.vector_load %arg9[%get3A_463, %get3A_464] {strides = array<i32>} : memref<128x32xf32, #tpu.memory_space<vmem>>, vector<1x16xf32>,
        %get3A_466 = vector.shape_cast %get3A_465 : vector<1x16xf32> to vector<16xf32>
        %get3A_467 = arith.index_cast %scan3A_462 : i32 to index
        %get3A_468 = arith.constant 0 : index
        %get3A_469 = tpu.vector_load %arg11[%get3A_467, %get3A_468] {strides = array<i32>} : memref<128x32xf32, #tpu.memory_space<vmem>>, vector<1x16xf32>,
        %get3A_470 = vector.shape_cast %get3A_469 : vector<1x16xf32> to vector<16xf32>
        %add3A_471 = arith.addf %get3A_466, %get3A_470 : vector<16xf32>
        %max3A_472 = arith.constant 0.000000e+00 : f32
        %max3A_473 = vector.broadcast %max3A_472 : f32 to vector<16xf32>
        %max3A_474 = arith.maximumf %add3A_471, %max3A_473 : vector<16xf32>
        %swap3A_475 = arith.index_cast %scan3A_462 : i32 to index
        %swap3A_476 = arith.constant 0 : index
        %swap3A_477 = tpu.vector_load %arg13[%swap3A_475, %swap3A_476] {strides = array<i32>} : memref<128x32xf32, #tpu.memory_space<vmem>>, vector<1x16xf32>,
        %swap3A_478 = vector.shape_cast %swap3A_477 : vector<1x16xf32> to vector<16xf32>
        %swap3A_479 = vector.shape_cast %max3A_474 : vector<16xf32> to vector<1x16xf32>
        tpu.vector_store %arg13[%swap3A_475, %swap3A_476], %swap3A_479 {strides = array<i32>} : memref<128x32xf32, #tpu.memory_space<vmem>>, vector<1x16xf32>,
        %get3A_480 = arith.index_cast %scan3A_462 : i32 to index
        %get3A_481 = arith.constant 16 : index
        %get3A_482 = tpu.vector_load %arg9[%get3A_480, %get3A_481] {strides = array<i32>} : memref<128x32xf32, #tpu.memory_space<vmem>>, vector<1x16xf32>,
        %get3A_483 = vector.shape_cast %get3A_482 : vector<1x16xf32> to vector<16xf32>
        %get3A_484 = arith.index_cast %scan3A_462 : i32 to index
        %get3A_485 = arith.constant 16 : index
        %get3A_486 = tpu.vector_load %arg11[%get3A_484, %get3A_485] {strides = array<i32>} : memref<128x32xf32, #tpu.memory_space<vmem>>, vector<1x16xf32>,
        %get3A_487 = vector.shape_cast %get3A_486 : vector<1x16xf32> to vector<16xf32>
        %add3A_488 = arith.addf %get3A_483, %get3A_487 : vector<16xf32>
        %max3A_489 = arith.constant 0.000000e+00 : f32
        %max3A_490 = vector.broadcast %max3A_489 : f32 to vector<16xf32>
        %max3A_491 = arith.maximumf %add3A_488, %max3A_490 : vector<16xf32>
        %swap3A_492 = arith.index_cast %scan3A_462 : i32 to index
        %swap3A_493 = arith.constant 16 : index
        %swap3A_494 = tpu.vector_load %arg13[%swap3A_492, %swap3A_493] {strides = array<i32>} : memref<128x32xf32, #tpu.memory_space<vmem>>, vector<1x16xf32>,
        %swap3A_495 = vector.shape_cast %swap3A_494 : vector<1x16xf32> to vector<16xf32>
        %swap3A_496 = vector.shape_cast %max3A_491 : vector<16xf32> to vector<1x16xf32>
        tpu.vector_store %arg13[%swap3A_492, %swap3A_493], %swap3A_496 {strides = array<i32>} : memref<128x32xf32, #tpu.memory_space<vmem>>, vector<1x16xf32>,
        %scan3A_497 = arith.constant 4 : i32
        %scan3A_498 = arith.addi %scan3A_357, %scan3A_497 : i32
        %get3A_499 = arith.index_cast %scan3A_498 : i32 to index
        %get3A_500 = arith.constant 0 : index
        %get3A_501 = tpu.vector_load %arg9[%get3A_499, %get3A_500] {strides = array<i32>} : memref<128x32xf32, #tpu.memory_space<vmem>>, vector<1x16xf32>,
        %get3A_502 = vector.shape_cast %get3A_501 : vector<1x16xf32> to vector<16xf32>
        %get3A_503 = arith.index_cast %scan3A_498 : i32 to index
        %get3A_504 = arith.constant 0 : index
        %get3A_505 = tpu.vector_load %arg11[%get3A_503, %get3A_504] {strides = array<i32>} : memref<128x32xf32, #tpu.memory_space<vmem>>, vector<1x16xf32>,
        %get3A_506 = vector.shape_cast %get3A_505 : vector<1x16xf32> to vector<16xf32>
        %add3A_507 = arith.addf %get3A_502, %get3A_506 : vector<16xf32>
        %max3A_508 = arith.constant 0.000000e+00 : f32
        %max3A_509 = vector.broadcast %max3A_508 : f32 to vector<16xf32>
        %max3A_510 = arith.maximumf %add3A_507, %max3A_509 : vector<16xf32>
        %swap3A_511 = arith.index_cast %scan3A_498 : i32 to index
        %swap3A_512 = arith.constant 0 : index
        %swap3A_513 = tpu.vector_load %arg13[%swap3A_511, %swap3A_512] {strides = array<i32>} : memref<128x32xf32, #tpu.memory_space<vmem>>, vector<1x16xf32>,
        %swap3A_514 = vector.shape_cast %swap3A_513 : vector<1x16xf32> to vector<16xf32>
        %swap3A_515 = vector.shape_cast %max3A_510 : vector<16xf32> to vector<1x16xf32>
        tpu.vector_store %arg13[%swap3A_511, %swap3A_512], %swap3A_515 {strides = array<i32>} : memref<128x32xf32, #tpu.memory_space<vmem>>, vector<1x16xf32>,
        %get3A_516 = arith.index_cast %scan3A_498 : i32 to index
        %get3A_517 = arith.constant 16 : index
        %get3A_518 = tpu.vector_load %arg9[%get3A_516, %get3A_517] {strides = array<i32>} : memref<128x32xf32, #tpu.memory_space<vmem>>, vector<1x16xf32>,
        %get3A_519 = vector.shape_cast %get3A_518 : vector<1x16xf32> to vector<16xf32>
        %get3A_520 = arith.index_cast %scan3A_498 : i32 to index
        %get3A_521 = arith.constant 16 : index
        %get3A_522 = tpu.vector_load %arg11[%get3A_520, %get3A_521] {strides = array<i32>} : memref<128x32xf32, #tpu.memory_space<vmem>>, vector<1x16xf32>,
        %get3A_523 = vector.shape_cast %get3A_522 : vector<1x16xf32> to vector<16xf32>
        %add3A_524 = arith.addf %get3A_519, %get3A_523 : vector<16xf32>
        %max3A_525 = arith.constant 0.000000e+00 : f32
        %max3A_526 = vector.broadcast %max3A_525 : f32 to vector<16xf32>
        %max3A_527 = arith.maximumf %add3A_524, %max3A_526 : vector<16xf32>
        %swap3A_528 = arith.index_cast %scan3A_498 : i32 to index
        %swap3A_529 = arith.constant 16 : index
        %swap3A_530 = tpu.vector_load %arg13[%swap3A_528, %swap3A_529] {strides = array<i32>} : memref<128x32xf32, #tpu.memory_space<vmem>>, vector<1x16xf32>,
        %swap3A_531 = vector.shape_cast %swap3A_530 : vector<1x16xf32> to vector<16xf32>
        %swap3A_532 = vector.shape_cast %max3A_527 : vector<16xf32> to vector<1x16xf32>
        tpu.vector_store %arg13[%swap3A_528, %swap3A_529], %swap3A_532 {strides = array<i32>} : memref<128x32xf32, #tpu.memory_space<vmem>>, vector<1x16xf32>,
        %scan3A_533 = arith.constant 5 : i32
        %scan3A_534 = arith.addi %scan3A_357, %scan3A_533 : i32
        %get3A_535 = arith.index_cast %scan3A_534 : i32 to index
        %get3A_536 = arith.constant 0 : index
        %get3A_537 = tpu.vector_load %arg9[%get3A_535, %get3A_536] {strides = array<i32>} : memref<128x32xf32, #tpu.memory_space<vmem>>, vector<1x16xf32>,
        %get3A_538 = vector.shape_cast %get3A_537 : vector<1x16xf32> to vector<16xf32>
        %get3A_539 = arith.index_cast %scan3A_534 : i32 to index
        %get3A_540 = arith.constant 0 : index
        %get3A_541 = tpu.vector_load %arg11[%get3A_539, %get3A_540] {strides = array<i32>} : memref<128x32xf32, #tpu.memory_space<vmem>>, vector<1x16xf32>,
        %get3A_542 = vector.shape_cast %get3A_541 : vector<1x16xf32> to vector<16xf32>
        %add3A_543 = arith.addf %get3A_538, %get3A_542 : vector<16xf32>
        %max3A_544 = arith.constant 0.000000e+00 : f32
        %max3A_545 = vector.broadcast %max3A_544 : f32 to vector<16xf32>
        %max3A_546 = arith.maximumf %add3A_543, %max3A_545 : vector<16xf32>
        %swap3A_547 = arith.index_cast %scan3A_534 : i32 to index
        %swap3A_548 = arith.constant 0 : index
        %swap3A_549 = tpu.vector_load %arg13[%swap3A_547, %swap3A_548] {strides = array<i32>} : memref<128x32xf32, #tpu.memory_space<vmem>>, vector<1x16xf32>,
        %swap3A_550 = vector.shape_cast %swap3A_549 : vector<1x16xf32> to vector<16xf32>
        %swap3A_551 = vector.shape_cast %max3A_546 : vector<16xf32> to vector<1x16xf32>
        tpu.vector_store %arg13[%swap3A_547, %swap3A_548], %swap3A_551 {strides = array<i32>} : memref<128x32xf32, #tpu.memory_space<vmem>>, vector<1x16xf32>,
        %get3A_552 = arith.index_cast %scan3A_534 : i32 to index
        %get3A_553 = arith.constant 16 : index
        %get3A_554 = tpu.vector_load %arg9[%get3A_552, %get3A_553] {strides = array<i32>} : memref<128x32xf32, #tpu.memory_space<vmem>>, vector<1x16xf32>,
        %get3A_555 = vector.shape_cast %get3A_554 : vector<1x16xf32> to vector<16xf32>
        %get3A_556 = arith.index_cast %scan3A_534 : i32 to index
        %get3A_557 = arith.constant 16 : index
        %get3A_558 = tpu.vector_load %arg11[%get3A_556, %get3A_557] {strides = array<i32>} : memref<128x32xf32, #tpu.memory_space<vmem>>, vector<1x16xf32>,
        %get3A_559 = vector.shape_cast %get3A_558 : vector<1x16xf32> to vector<16xf32>
        %add3A_560 = arith.addf %get3A_555, %get3A_559 : vector<16xf32>
        %max3A_561 = arith.constant 0.000000e+00 : f32
        %max3A_562 = vector.broadcast %max3A_561 : f32 to vector<16xf32>
        %max3A_563 = arith.maximumf %add3A_560, %max3A_562 : vector<16xf32>
        %swap3A_564 = arith.index_cast %scan3A_534 : i32 to index
        %swap3A_565 = arith.constant 16 : index
        %swap3A_566 = tpu.vector_load %arg13[%swap3A_564, %swap3A_565] {strides = array<i32>} : memref<128x32xf32, #tpu.memory_space<vmem>>, vector<1x16xf32>,
        %swap3A_567 = vector.shape_cast %swap3A_566 : vector<1x16xf32> to vector<16xf32>
        %swap3A_568 = vector.shape_cast %max3A_563 : vector<16xf32> to vector<1x16xf32>
        tpu.vector_store %arg13[%swap3A_564, %swap3A_565], %swap3A_568 {strides = array<i32>} : memref<128x32xf32, #tpu.memory_space<vmem>>, vector<1x16xf32>,
        %scan3A_569 = arith.constant 6 : i32
        %scan3A_570 = arith.addi %scan3A_357, %scan3A_569 : i32
        %get3A_571 = arith.index_cast %scan3A_570 : i32 to index
        %get3A_572 = arith.constant 0 : index
        %get3A_573 = tpu.vector_load %arg9[%get3A_571, %get3A_572] {strides = array<i32>} : memref<128x32xf32, #tpu.memory_space<vmem>>, vector<1x16xf32>,
        %get3A_574 = vector.shape_cast %get3A_573 : vector<1x16xf32> to vector<16xf32>
        %get3A_575 = arith.index_cast %scan3A_570 : i32 to index
        %get3A_576 = arith.constant 0 : index
        %get3A_577 = tpu.vector_load %arg11[%get3A_575, %get3A_576] {strides = array<i32>} : memref<128x32xf32, #tpu.memory_space<vmem>>, vector<1x16xf32>,
        %get3A_578 = vector.shape_cast %get3A_577 : vector<1x16xf32> to vector<16xf32>
        %add3A_579 = arith.addf %get3A_574, %get3A_578 : vector<16xf32>
        %max3A_580 = arith.constant 0.000000e+00 : f32
        %max3A_581 = vector.broadcast %max3A_580 : f32 to vector<16xf32>
        %max3A_582 = arith.maximumf %add3A_579, %max3A_581 : vector<16xf32>
        %swap3A_583 = arith.index_cast %scan3A_570 : i32 to index
        %swap3A_584 = arith.constant 0 : index
        %swap3A_585 = tpu.vector_load %arg13[%swap3A_583, %swap3A_584] {strides = array<i32>} : memref<128x32xf32, #tpu.memory_space<vmem>>, vector<1x16xf32>,
        %swap3A_586 = vector.shape_cast %swap3A_585 : vector<1x16xf32> to vector<16xf32>
        %swap3A_587 = vector.shape_cast %max3A_582 : vector<16xf32> to vector<1x16xf32>
        tpu.vector_store %arg13[%swap3A_583, %swap3A_584], %swap3A_587 {strides = array<i32>} : memref<128x32xf32, #tpu.memory_space<vmem>>, vector<1x16xf32>,
        %get3A_588 = arith.index_cast %scan3A_570 : i32 to index
        %get3A_589 = arith.constant 16 : index
        %get3A_590 = tpu.vector_load %arg9[%get3A_588, %get3A_589] {strides = array<i32>} : memref<128x32xf32, #tpu.memory_space<vmem>>, vector<1x16xf32>,
        %get3A_591 = vector.shape_cast %get3A_590 : vector<1x16xf32> to vector<16xf32>
        %get3A_592 = arith.index_cast %scan3A_570 : i32 to index
        %get3A_593 = arith.constant 16 : index
        %get3A_594 = tpu.vector_load %arg11[%get3A_592, %get3A_593] {strides = array<i32>} : memref<128x32xf32, #tpu.memory_space<vmem>>, vector<1x16xf32>,
        %get3A_595 = vector.shape_cast %get3A_594 : vector<1x16xf32> to vector<16xf32>
        %add3A_596 = arith.addf %get3A_591, %get3A_595 : vector<16xf32>
        %max3A_597 = arith.constant 0.000000e+00 : f32
        %max3A_598 = vector.broadcast %max3A_597 : f32 to vector<16xf32>
        %max3A_599 = arith.maximumf %add3A_596, %max3A_598 : vector<16xf32>
        %swap3A_600 = arith.index_cast %scan3A_570 : i32 to index
        %swap3A_601 = arith.constant 16 : index
        %swap3A_602 = tpu.vector_load %arg13[%swap3A_600, %swap3A_601] {strides = array<i32>} : memref<128x32xf32, #tpu.memory_space<vmem>>, vector<1x16xf32>,
        %swap3A_603 = vector.shape_cast %swap3A_602 : vector<1x16xf32> to vector<16xf32>
        %swap3A_604 = vector.shape_cast %max3A_599 : vector<16xf32> to vector<1x16xf32>
        tpu.vector_store %arg13[%swap3A_600, %swap3A_601], %swap3A_604 {strides = array<i32>} : memref<128x32xf32, #tpu.memory_space<vmem>>, vector<1x16xf32>,
        %scan3A_605 = arith.constant 7 : i32
        %scan3A_606 = arith.addi %scan3A_357, %scan3A_605 : i32
        %get3A_607 = arith.index_cast %scan3A_606 : i32 to index
        %get3A_608 = arith.constant 0 : index
        %get3A_609 = tpu.vector_load %arg9[%get3A_607, %get3A_608] {strides = array<i32>} : memref<128x32xf32, #tpu.memory_space<vmem>>, vector<1x16xf32>,
        %get3A_610 = vector.shape_cast %get3A_609 : vector<1x16xf32> to vector<16xf32>
        %get3A_611 = arith.index_cast %scan3A_606 : i32 to index
        %get3A_612 = arith.constant 0 : index
        %get3A_613 = tpu.vector_load %arg11[%get3A_611, %get3A_612] {strides = array<i32>} : memref<128x32xf32, #tpu.memory_space<vmem>>, vector<1x16xf32>,
        %get3A_614 = vector.shape_cast %get3A_613 : vector<1x16xf32> to vector<16xf32>
        %add3A_615 = arith.addf %get3A_610, %get3A_614 : vector<16xf32>
        %max3A_616 = arith.constant 0.000000e+00 : f32
        %max3A_617 = vector.broadcast %max3A_616 : f32 to vector<16xf32>
        %max3A_618 = arith.maximumf %add3A_615, %max3A_617 : vector<16xf32>
        %swap3A_619 = arith.index_cast %scan3A_606 : i32 to index
        %swap3A_620 = arith.constant 0 : index
        %swap3A_621 = tpu.vector_load %arg13[%swap3A_619, %swap3A_620] {strides = array<i32>} : memref<128x32xf32, #tpu.memory_space<vmem>>, vector<1x16xf32>,
        %swap3A_622 = vector.shape_cast %swap3A_621 : vector<1x16xf32> to vector<16xf32>
        %swap3A_623 = vector.shape_cast %max3A_618 : vector<16xf32> to vector<1x16xf32>
        tpu.vector_store %arg13[%swap3A_619, %swap3A_620], %swap3A_623 {strides = array<i32>} : memref<128x32xf32, #tpu.memory_space<vmem>>, vector<1x16xf32>,
        %get3A_624 = arith.index_cast %scan3A_606 : i32 to index
        %get3A_625 = arith.constant 16 : index
        %get3A_626 = tpu.vector_load %arg9[%get3A_624, %get3A_625] {strides = array<i32>} : memref<128x32xf32, #tpu.memory_space<vmem>>, vector<1x16xf32>,
        %get3A_627 = vector.shape_cast %get3A_626 : vector<1x16xf32> to vector<16xf32>
        %get3A_628 = arith.index_cast %scan3A_606 : i32 to index
        %get3A_629 = arith.constant 16 : index
        %get3A_630 = tpu.vector_load %arg11[%get3A_628, %get3A_629] {strides = array<i32>} : memref<128x32xf32, #tpu.memory_space<vmem>>, vector<1x16xf32>,
        %get3A_631 = vector.shape_cast %get3A_630 : vector<1x16xf32> to vector<16xf32>
        %add3A_632 = arith.addf %get3A_627, %get3A_631 : vector<16xf32>
        %max3A_633 = arith.constant 0.000000e+00 : f32
        %max3A_634 = vector.broadcast %max3A_633 : f32 to vector<16xf32>
        %max3A_635 = arith.maximumf %add3A_632, %max3A_634 : vector<16xf32>
        %swap3A_636 = arith.index_cast %scan3A_606 : i32 to index
        %swap3A_637 = arith.constant 16 : index
        %swap3A_638 = tpu.vector_load %arg13[%swap3A_636, %swap3A_637] {strides = array<i32>} : memref<128x32xf32, #tpu.memory_space<vmem>>, vector<1x16xf32>,
        %swap3A_639 = vector.shape_cast %swap3A_638 : vector<1x16xf32> to vector<16xf32>
        %swap3A_640 = vector.shape_cast %max3A_635 : vector<16xf32> to vector<1x16xf32>
        tpu.vector_store %arg13[%swap3A_636, %swap3A_637], %swap3A_640 {strides = array<i32>} : memref<128x32xf32, #tpu.memory_space<vmem>>, vector<1x16xf32>,
      }
      %scan3A_250 = arith.constant 128 : i32
      %add3A_251 = arith.constant 2 : i32
      %add3A_252 = arith.addi %mul3A_168, %add3A_251 : i32
      %lt3A = arith.constant 80 : i32
      %lt3A_253 = arith.cmpi slt, %add3A_252, %lt3A : i32
      %convert_element_type3A_254 = arith.extui %lt3A_253 : i1 to i32
      %cond3A_255 = arith.constant 0 : i32
      %cond3A_256 = arith.cmpi ne, %convert_element_type3A_254, %cond3A_255 : i32
      scf.if %cond3A_256 {
        %add3A_357 = arith.constant 2 : i32
        %add3A_358 = arith.addi %mul3A_168, %add3A_357 : i32
        %mul3A_359 = arith.constant 128 : i32
        %mul3A_360 = arith.muli %add3A_358, %mul3A_359 : i32
        %add3A_361 = arith.addi %mul3A_2, %mul3A_360 : i32
        %jit3A_362 = arith.constant 12800 : i32
        %div3A_363 = arith.divsi %add3A_361, %jit3A_362 : i32
        %sign3A_364 = arith.constant 0 : i32
        %sign3A_365 = arith.cmpi sgt, %add3A_361, %sign3A_364 : i32
        %sign3A_366 = arith.extui %sign3A_365 : i1 to i32
        %sign3A_367 = arith.constant 0 : i32
        %sign3A_368 = arith.cmpi slt, %add3A_361, %sign3A_367 : i32
        %sign3A_369 = arith.extui %sign3A_368 : i1 to i32
        %sign3A_370 = arith.subi %sign3A_366, %sign3A_369 : i32
        %sign3A_371 = arith.constant 0 : i32
        %sign3A_372 = arith.cmpi sgt, %jit3A_362, %sign3A_371 : i32
        %sign3A_373 = arith.extui %sign3A_372 : i1 to i32
        %sign3A_374 = arith.constant 0 : i32
        %sign3A_375 = arith.cmpi slt, %jit3A_362, %sign3A_374 : i32
        %sign3A_376 = arith.extui %sign3A_375 : i1 to i32
        %sign3A_377 = arith.subi %sign3A_373, %sign3A_376 : i32
        %ne3A_378 = arith.cmpi ne, %sign3A_370, %sign3A_377 : i32
        %rem3A_379 = arith.remsi %add3A_361, %jit3A_362 : i32
        %ne3A_380 = arith.constant 0 : i32
        %ne3A_381 = arith.cmpi ne, %rem3A_379, %ne3A_380 : i32
        %and3A_382 = arith.andi %ne3A_378, %ne3A_381 : i1
        %sub3A_383 = arith.constant 1 : i32
        %sub3A_384 = arith.subi %div3A_363, %sub3A_383 : i32
        %select_n3A_385 = arith.select %and3A_382, %sub3A_384, %div3A_363 : i32
        %mul3A_386 = arith.constant 12800 : i32
        %mul3A_387 = arith.muli %select_n3A_385, %mul3A_386 : i32
        %sub3A_388 = arith.subi %add3A_361, %mul3A_387 : i32
        %jit3A_389 = arith.constant 3200 : i32
        %div3A_390 = arith.divsi %sub3A_388, %jit3A_389 : i32
        %sign3A_391 = arith.constant 0 : i32
        %sign3A_392 = arith.cmpi sgt, %sub3A_388, %sign3A_391 : i32
        %sign3A_393 = arith.extui %sign3A_392 : i1 to i32
        %sign3A_394 = arith.constant 0 : i32
        %sign3A_395 = arith.cmpi slt, %sub3A_388, %sign3A_394 : i32
        %sign3A_396 = arith.extui %sign3A_395 : i1 to i32
        %sign3A_397 = arith.subi %sign3A_393, %sign3A_396 : i32
        %sign3A_398 = arith.constant 0 : i32
        %sign3A_399 = arith.cmpi sgt, %jit3A_389, %sign3A_398 : i32
        %sign3A_400 = arith.extui %sign3A_399 : i1 to i32
        %sign3A_401 = arith.constant 0 : i32
        %sign3A_402 = arith.cmpi slt, %jit3A_389, %sign3A_401 : i32
        %sign3A_403 = arith.extui %sign3A_402 : i1 to i32
        %sign3A_404 = arith.subi %sign3A_400, %sign3A_403 : i32
        %ne3A_405 = arith.cmpi ne, %sign3A_397, %sign3A_404 : i32
        %rem3A_406 = arith.remsi %sub3A_388, %jit3A_389 : i32
        %ne3A_407 = arith.constant 0 : i32
        %ne3A_408 = arith.cmpi ne, %rem3A_406, %ne3A_407 : i32
        %and3A_409 = arith.andi %ne3A_405, %ne3A_408 : i1
        %sub3A_410 = arith.constant 1 : i32
        %sub3A_411 = arith.subi %div3A_390, %sub3A_410 : i32
        %select_n3A_412 = arith.select %and3A_409, %sub3A_411, %div3A_390 : i32
        %mul3A_413 = arith.constant 3200 : i32
        %mul3A_414 = arith.muli %select_n3A_385, %mul3A_413 : i32
        %mul3A_415 = arith.constant 3200 : i32
        %mul3A_416 = arith.muli %select_n3A_412, %mul3A_415 : i32
        %sub3A_417 = arith.subi %sub3A_388, %mul3A_416 : i32
        %add3A_418 = arith.addi %mul3A_414, %sub3A_417 : i32
        %mul3A_419 = arith.constant 32 : i32
        %mul3A_420 = arith.muli %select_n3A_412, %mul3A_419 : i32
        %dma_start3A_421 = tpu.memref_slice %arg3[%add3A_418, %mul3A_420] : memref<81920x128xf32, #tpu.memory_space<hbm>> -> memref<128x32xf32, #tpu.memory_space<hbm>>
        %dma_start3A_422 = tpu.memref_slice %arg3[%add3A_418, %mul3A_420] : memref<81920x128xf32, #tpu.memory_space<hbm>> -> memref<128x32xf32, #tpu.memory_space<hbm>>
        tpu.enqueue_dma source(%dma_start3A_422 : memref<128x32xf32, #tpu.memory_space<hbm>>) target(%arg11 : memref<128x32xf32, #tpu.memory_space<vmem>>) target_semaphore(%arg19 : memref<!tpu.dma_semaphore, #tpu.memory_space<semaphore_mem>>)
        %dma_start3A_423 = arith.constant 0 : i32
        %dma_start3A_424 = tpu.memref_slice %arg7[%add3A_358, %dma_start3A_423] : memref<80x128xi32, #tpu.memory_space<vmem>> -> memref<1x128xi32, #tpu.memory_space<vmem>>
        %dma_start3A_425 = tpu.memref_squeeze %dma_start3A_424 : memref<1x128xi32, #tpu.memory_space<vmem>> -> memref<128xi32, #tpu.memory_space<vmem>>
        %dma_start3A_426 = arith.constant 0 : i32
        %dma_start3A_427 = arith.constant 0 : i32
        %dma_start3A_428 = tpu.memref_slice %arg2[%dma_start3A_426, %dma_start3A_427] : memref<10000x32xf32, #tpu.memory_space<hbm>> -> memref<10000x32xf32, #tpu.memory_space<hbm>>
        tpu.enqueue_indirect_dma source(%dma_start3A_428 : memref<10000x32xf32, #tpu.memory_space<hbm>>) target(%arg9 : memref<128x32xf32, #tpu.memory_space<vmem>>) offsets(%dma_start3A_425 : memref<128xi32, #tpu.memory_space<vmem>>) semaphore(%arg17 : memref<!tpu.dma_semaphore, #tpu.memory_space<semaphore_mem>>)
      } else {
      }
      %dma_start3A_257 = arith.constant 0 : i32
      %dma_start3A_258 = tpu.memref_slice %arg8[%mul3A_168, %dma_start3A_257] : memref<80x128xi32, #tpu.memory_space<vmem>> -> memref<1x128xi32, #tpu.memory_space<vmem>>
      %dma_start3A_259 = tpu.memref_squeeze %dma_start3A_258 : memref<1x128xi32, #tpu.memory_space<vmem>> -> memref<128xi32, #tpu.memory_space<vmem>>
      %dma_start3A_260 = arith.constant 0 : i32
      %dma_start3A_261 = arith.constant 0 : i32
      %dma_start3A_262 = tpu.memref_slice %arg16[%dma_start3A_260, %dma_start3A_261] : memref<10240x32xf32, #tpu.memory_space<vmem_shared>> -> memref<10240x32xf32, #tpu.memory_space<vmem_shared>>
      tpu.enqueue_indirect_dma source(%arg13 : memref<128x32xf32, #tpu.memory_space<vmem>>) target(%dma_start3A_262 : memref<10240x32xf32, #tpu.memory_space<vmem_shared>>) offsets(%dma_start3A_259 : memref<128xi32, #tpu.memory_space<vmem>>) semaphore(%arg21 : memref<!tpu.dma_semaphore, #tpu.memory_space<semaphore_mem>>) {add = true}
      %mul3A_263 = arith.constant 128 : i32
      %mul3A_264 = arith.muli %add3A_172, %mul3A_263 : i32
      %add3A_265 = arith.addi %mul3A_2, %mul3A_264 : i32
      %jit3A_266 = arith.constant 12800 : i32
      %div3A_267 = arith.divsi %add3A_265, %jit3A_266 : i32
      %sign3A_268 = arith.constant 0 : i32
      %sign3A_269 = arith.cmpi sgt, %add3A_265, %sign3A_268 : i32
      %sign3A_270 = arith.extui %sign3A_269 : i1 to i32
      %sign3A_271 = arith.constant 0 : i32
      %sign3A_272 = arith.cmpi slt, %add3A_265, %sign3A_271 : i32
      %sign3A_273 = arith.extui %sign3A_272 : i1 to i32
      %sign3A_274 = arith.subi %sign3A_270, %sign3A_273 : i32
      %sign3A_275 = arith.constant 0 : i32
      %sign3A_276 = arith.cmpi sgt, %jit3A_266, %sign3A_275 : i32
      %sign3A_277 = arith.extui %sign3A_276 : i1 to i32
      %sign3A_278 = arith.constant 0 : i32
      %sign3A_279 = arith.cmpi slt, %jit3A_266, %sign3A_278 : i32
      %sign3A_280 = arith.extui %sign3A_279 : i1 to i32
      %sign3A_281 = arith.subi %sign3A_277, %sign3A_280 : i32
      %ne3A_282 = arith.cmpi ne, %sign3A_274, %sign3A_281 : i32
      %rem3A_283 = arith.remsi %add3A_265, %jit3A_266 : i32
      %ne3A_284 = arith.constant 0 : i32
      %ne3A_285 = arith.cmpi ne, %rem3A_283, %ne3A_284 : i32
      %and3A_286 = arith.andi %ne3A_282, %ne3A_285 : i1
      %sub3A_287 = arith.constant 1 : i32
      %sub3A_288 = arith.subi %div3A_267, %sub3A_287 : i32
      %select_n3A_289 = arith.select %and3A_286, %sub3A_288, %div3A_267 : i32
      %mul3A_290 = arith.constant 12800 : i32
      %mul3A_291 = arith.muli %select_n3A_289, %mul3A_290 : i32
      %sub3A_292 = arith.subi %add3A_265, %mul3A_291 : i32
      %jit3A_293 = arith.constant 3200 : i32
      %div3A_294 = arith.divsi %sub3A_292, %jit3A_293 : i32
      %sign3A_295 = arith.constant 0 : i32
      %sign3A_296 = arith.cmpi sgt, %sub3A_292, %sign3A_295 : i32
      %sign3A_297 = arith.extui %sign3A_296 : i1 to i32
      %sign3A_298 = arith.constant 0 : i32
      %sign3A_299 = arith.cmpi slt, %sub3A_292, %sign3A_298 : i32
      %sign3A_300 = arith.extui %sign3A_299 : i1 to i32
      %sign3A_301 = arith.subi %sign3A_297, %sign3A_300 : i32
      %sign3A_302 = arith.constant 0 : i32
      %sign3A_303 = arith.cmpi sgt, %jit3A_293, %sign3A_302 : i32
      %sign3A_304 = arith.extui %sign3A_303 : i1 to i32
      %sign3A_305 = arith.constant 0 : i32
      %sign3A_306 = arith.cmpi slt, %jit3A_293, %sign3A_305 : i32
      %sign3A_307 = arith.extui %sign3A_306 : i1 to i32
      %sign3A_308 = arith.subi %sign3A_304, %sign3A_307 : i32
      %ne3A_309 = arith.cmpi ne, %sign3A_301, %sign3A_308 : i32
      %rem3A_310 = arith.remsi %sub3A_292, %jit3A_293 : i32
      %ne3A_311 = arith.constant 0 : i32
      %ne3A_312 = arith.cmpi ne, %rem3A_310, %ne3A_311 : i32
      %and3A_313 = arith.andi %ne3A_309, %ne3A_312 : i1
      %sub3A_314 = arith.constant 1 : i32
      %sub3A_315 = arith.subi %div3A_294, %sub3A_314 : i32
      %select_n3A_316 = arith.select %and3A_313, %sub3A_315, %div3A_294 : i32
      %mul3A_317 = arith.constant 3200 : i32
      %mul3A_318 = arith.muli %select_n3A_289, %mul3A_317 : i32
      %mul3A_319 = arith.constant 3200 : i32
      %mul3A_320 = arith.muli %select_n3A_316, %mul3A_319 : i32
      %sub3A_321 = arith.subi %sub3A_292, %mul3A_320 : i32
      %add3A_322 = arith.addi %mul3A_318, %sub3A_321 : i32
      %mul3A_323 = arith.constant 32 : i32
      %mul3A_324 = arith.muli %select_n3A_316, %mul3A_323 : i32
      %dma_wait3A_325 = tpu.memref_slice %arg3[%add3A_322, %mul3A_324] : memref<81920x128xf32, #tpu.memory_space<hbm>> -> memref<128x32xf32, #tpu.memory_space<hbm>>
      %dma_wait3A_326 = tpu.memref_slice %arg3[%add3A_322, %mul3A_324] : memref<81920x128xf32, #tpu.memory_space<hbm>> -> memref<128x32xf32, #tpu.memory_space<hbm>>
      tpu.wait_dma2 semaphore(%arg20 : memref<!tpu.dma_semaphore, #tpu.memory_space<semaphore_mem>>) src(%dma_wait3A_326 : memref<128x32xf32, #tpu.memory_space<hbm>>) dst(%arg12 : memref<128x32xf32, #tpu.memory_space<vmem>>)
      %dma_wait3A_327 = arith.constant 0 : i32
      %dma_wait3A_328 = tpu.memref_slice %arg7[%add3A_172, %dma_wait3A_327] : memref<80x128xi32, #tpu.memory_space<vmem>> -> memref<1x128xi32, #tpu.memory_space<vmem>>
      %dma_wait3A_329 = tpu.memref_squeeze %dma_wait3A_328 : memref<1x128xi32, #tpu.memory_space<vmem>> -> memref<128xi32, #tpu.memory_space<vmem>>
      %dma_wait3A_330 = arith.constant 0 : i32
      %dma_wait3A_331 = arith.constant 0 : i32
      %dma_wait3A_332 = tpu.memref_slice %arg2[%dma_wait3A_330, %dma_wait3A_331] : memref<10000x32xf32, #tpu.memory_space<hbm>> -> memref<10000x32xf32, #tpu.memory_space<hbm>>
      tpu.wait_indirect_dma semaphore(%arg18 : memref<!tpu.dma_semaphore, #tpu.memory_space<semaphore_mem>>) src(%dma_wait3A_332 : memref<10000x32xf32, #tpu.memory_space<hbm>>) dst(%arg10 : memref<128x32xf32, #tpu.memory_space<vmem>>)
      %gt3A_333 = arith.constant 0 : i32
      %gt3A_334 = arith.cmpi sgt, %scan3A_166, %gt3A_333 : i32
      %convert_element_type3A_335 = arith.extui %gt3A_334 : i1 to i32
      %cond3A_336 = arith.constant 0 : i32
      %cond3A_337 = arith.cmpi ne, %convert_element_type3A_335, %cond3A_336 : i32
      scf.if %cond3A_337 {
        %sub3A_357 = arith.constant 2 : i32
        %sub3A_358 = arith.subi %add3A_172, %sub3A_357 : i32
        %dma_wait3A_359 = arith.constant 0 : i32
        %dma_wait3A_360 = tpu.memref_slice %arg8[%sub3A_358, %dma_wait3A_359] : memref<80x128xi32, #tpu.memory_space<vmem>> -> memref<1x128xi32, #tpu.memory_space<vmem>>
        %dma_wait3A_361 = tpu.memref_squeeze %dma_wait3A_360 : memref<1x128xi32, #tpu.memory_space<vmem>> -> memref<128xi32, #tpu.memory_space<vmem>>
        %dma_wait3A_362 = arith.constant 0 : i32
        %dma_wait3A_363 = arith.constant 0 : i32
        %dma_wait3A_364 = tpu.memref_slice %arg16[%dma_wait3A_362, %dma_wait3A_363] : memref<10240x32xf32, #tpu.memory_space<vmem_shared>> -> memref<10240x32xf32, #tpu.memory_space<vmem_shared>>
        tpu.wait_indirect_dma semaphore(%arg22 : memref<!tpu.dma_semaphore, #tpu.memory_space<semaphore_mem>>) src(%arg14 : memref<128x32xf32, #tpu.memory_space<vmem>>) dst(%dma_wait3A_364 : memref<10240x32xf32, #tpu.memory_space<vmem_shared>>)
      } else {
      }
      %scan3A_338 = arith.constant 0 : i32
      %scan3A_339 = arith.constant 0 : i32
      %scan3A_340 = arith.constant 128 : i32
      %scan3A_341 = arith.addi %scan3A_339, %scan3A_340 : i32
      %scan3A_342 = arith.constant 8 : i32
      scf.for %scan3A_357 = %scan3A_339 to %scan3A_341 step %scan3A_342  : i32 {
        %get3A = arith.index_cast %scan3A_357 : i32 to index
        %get3A_358 = arith.constant 0 : index
        %get3A_359 = tpu.vector_load %arg10[%get3A, %get3A_358] {strides = array<i32>} : memref<128x32xf32, #tpu.memory_space<vmem>>, vector<1x16xf32>,
        %get3A_360 = vector.shape_cast %get3A_359 : vector<1x16xf32> to vector<16xf32>
        %get3A_361 = arith.index_cast %scan3A_357 : i32 to index
        %get3A_362 = arith.constant 0 : index
        %get3A_363 = tpu.vector_load %arg12[%get3A_361, %get3A_362] {strides = array<i32>} : memref<128x32xf32, #tpu.memory_space<vmem>>, vector<1x16xf32>,
        %get3A_364 = vector.shape_cast %get3A_363 : vector<1x16xf32> to vector<16xf32>
        %add3A_365 = arith.addf %get3A_360, %get3A_364 : vector<16xf32>
        %max3A = arith.constant 0.000000e+00 : f32
        %max3A_366 = vector.broadcast %max3A : f32 to vector<16xf32>
        %max3A_367 = arith.maximumf %add3A_365, %max3A_366 : vector<16xf32>
        %swap3A = arith.index_cast %scan3A_357 : i32 to index
        %swap3A_368 = arith.constant 0 : index
        %swap3A_369 = tpu.vector_load %arg14[%swap3A, %swap3A_368] {strides = array<i32>} : memref<128x32xf32, #tpu.memory_space<vmem>>, vector<1x16xf32>,
        %swap3A_370 = vector.shape_cast %swap3A_369 : vector<1x16xf32> to vector<16xf32>
        %swap3A_371 = vector.shape_cast %max3A_367 : vector<16xf32> to vector<1x16xf32>
        tpu.vector_store %arg14[%swap3A, %swap3A_368], %swap3A_371 {strides = array<i32>} : memref<128x32xf32, #tpu.memory_space<vmem>>, vector<1x16xf32>,
        %get3A_372 = arith.index_cast %scan3A_357 : i32 to index
        %get3A_373 = arith.constant 16 : index
        %get3A_374 = tpu.vector_load %arg10[%get3A_372, %get3A_373] {strides = array<i32>} : memref<128x32xf32, #tpu.memory_space<vmem>>, vector<1x16xf32>,
        %get3A_375 = vector.shape_cast %get3A_374 : vector<1x16xf32> to vector<16xf32>
        %get3A_376 = arith.index_cast %scan3A_357 : i32 to index
        %get3A_377 = arith.constant 16 : index
        %get3A_378 = tpu.vector_load %arg12[%get3A_376, %get3A_377] {strides = array<i32>} : memref<128x32xf32, #tpu.memory_space<vmem>>, vector<1x16xf32>,
        %get3A_379 = vector.shape_cast %get3A_378 : vector<1x16xf32> to vector<16xf32>
        %add3A_380 = arith.addf %get3A_375, %get3A_379 : vector<16xf32>
        %max3A_381 = arith.constant 0.000000e+00 : f32
        %max3A_382 = vector.broadcast %max3A_381 : f32 to vector<16xf32>
        %max3A_383 = arith.maximumf %add3A_380, %max3A_382 : vector<16xf32>
        %swap3A_384 = arith.index_cast %scan3A_357 : i32 to index
        %swap3A_385 = arith.constant 16 : index
        %swap3A_386 = tpu.vector_load %arg14[%swap3A_384, %swap3A_385] {strides = array<i32>} : memref<128x32xf32, #tpu.memory_space<vmem>>, vector<1x16xf32>,
        %swap3A_387 = vector.shape_cast %swap3A_386 : vector<1x16xf32> to vector<16xf32>
        %swap3A_388 = vector.shape_cast %max3A_383 : vector<16xf32> to vector<1x16xf32>
        tpu.vector_store %arg14[%swap3A_384, %swap3A_385], %swap3A_388 {strides = array<i32>} : memref<128x32xf32, #tpu.memory_space<vmem>>, vector<1x16xf32>,
        %scan3A_389 = arith.constant 1 : i32
        %scan3A_390 = arith.addi %scan3A_357, %scan3A_389 : i32
        %get3A_391 = arith.index_cast %scan3A_390 : i32 to index
        %get3A_392 = arith.constant 0 : index
        %get3A_393 = tpu.vector_load %arg10[%get3A_391, %get3A_392] {strides = array<i32>} : memref<128x32xf32, #tpu.memory_space<vmem>>, vector<1x16xf32>,
        %get3A_394 = vector.shape_cast %get3A_393 : vector<1x16xf32> to vector<16xf32>
        %get3A_395 = arith.index_cast %scan3A_390 : i32 to index
        %get3A_396 = arith.constant 0 : index
        %get3A_397 = tpu.vector_load %arg12[%get3A_395, %get3A_396] {strides = array<i32>} : memref<128x32xf32, #tpu.memory_space<vmem>>, vector<1x16xf32>,
        %get3A_398 = vector.shape_cast %get3A_397 : vector<1x16xf32> to vector<16xf32>
        %add3A_399 = arith.addf %get3A_394, %get3A_398 : vector<16xf32>
        %max3A_400 = arith.constant 0.000000e+00 : f32
        %max3A_401 = vector.broadcast %max3A_400 : f32 to vector<16xf32>
        %max3A_402 = arith.maximumf %add3A_399, %max3A_401 : vector<16xf32>
        %swap3A_403 = arith.index_cast %scan3A_390 : i32 to index
        %swap3A_404 = arith.constant 0 : index
        %swap3A_405 = tpu.vector_load %arg14[%swap3A_403, %swap3A_404] {strides = array<i32>} : memref<128x32xf32, #tpu.memory_space<vmem>>, vector<1x16xf32>,
        %swap3A_406 = vector.shape_cast %swap3A_405 : vector<1x16xf32> to vector<16xf32>
        %swap3A_407 = vector.shape_cast %max3A_402 : vector<16xf32> to vector<1x16xf32>
        tpu.vector_store %arg14[%swap3A_403, %swap3A_404], %swap3A_407 {strides = array<i32>} : memref<128x32xf32, #tpu.memory_space<vmem>>, vector<1x16xf32>,
        %get3A_408 = arith.index_cast %scan3A_390 : i32 to index
        %get3A_409 = arith.constant 16 : index
        %get3A_410 = tpu.vector_load %arg10[%get3A_408, %get3A_409] {strides = array<i32>} : memref<128x32xf32, #tpu.memory_space<vmem>>, vector<1x16xf32>,
        %get3A_411 = vector.shape_cast %get3A_410 : vector<1x16xf32> to vector<16xf32>
        %get3A_412 = arith.index_cast %scan3A_390 : i32 to index
        %get3A_413 = arith.constant 16 : index
        %get3A_414 = tpu.vector_load %arg12[%get3A_412, %get3A_413] {strides = array<i32>} : memref<128x32xf32, #tpu.memory_space<vmem>>, vector<1x16xf32>,
        %get3A_415 = vector.shape_cast %get3A_414 : vector<1x16xf32> to vector<16xf32>
        %add3A_416 = arith.addf %get3A_411, %get3A_415 : vector<16xf32>
        %max3A_417 = arith.constant 0.000000e+00 : f32
        %max3A_418 = vector.broadcast %max3A_417 : f32 to vector<16xf32>
        %max3A_419 = arith.maximumf %add3A_416, %max3A_418 : vector<16xf32>
        %swap3A_420 = arith.index_cast %scan3A_390 : i32 to index
        %swap3A_421 = arith.constant 16 : index
        %swap3A_422 = tpu.vector_load %arg14[%swap3A_420, %swap3A_421] {strides = array<i32>} : memref<128x32xf32, #tpu.memory_space<vmem>>, vector<1x16xf32>,
        %swap3A_423 = vector.shape_cast %swap3A_422 : vector<1x16xf32> to vector<16xf32>
        %swap3A_424 = vector.shape_cast %max3A_419 : vector<16xf32> to vector<1x16xf32>
        tpu.vector_store %arg14[%swap3A_420, %swap3A_421], %swap3A_424 {strides = array<i32>} : memref<128x32xf32, #tpu.memory_space<vmem>>, vector<1x16xf32>,
        %scan3A_425 = arith.constant 2 : i32
        %scan3A_426 = arith.addi %scan3A_357, %scan3A_425 : i32
        %get3A_427 = arith.index_cast %scan3A_426 : i32 to index
        %get3A_428 = arith.constant 0 : index
        %get3A_429 = tpu.vector_load %arg10[%get3A_427, %get3A_428] {strides = array<i32>} : memref<128x32xf32, #tpu.memory_space<vmem>>, vector<1x16xf32>,
        %get3A_430 = vector.shape_cast %get3A_429 : vector<1x16xf32> to vector<16xf32>
        %get3A_431 = arith.index_cast %scan3A_426 : i32 to index
        %get3A_432 = arith.constant 0 : index
        %get3A_433 = tpu.vector_load %arg12[%get3A_431, %get3A_432] {strides = array<i32>} : memref<128x32xf32, #tpu.memory_space<vmem>>, vector<1x16xf32>,
        %get3A_434 = vector.shape_cast %get3A_433 : vector<1x16xf32> to vector<16xf32>
        %add3A_435 = arith.addf %get3A_430, %get3A_434 : vector<16xf32>
        %max3A_436 = arith.constant 0.000000e+00 : f32
        %max3A_437 = vector.broadcast %max3A_436 : f32 to vector<16xf32>
        %max3A_438 = arith.maximumf %add3A_435, %max3A_437 : vector<16xf32>
        %swap3A_439 = arith.index_cast %scan3A_426 : i32 to index
        %swap3A_440 = arith.constant 0 : index
        %swap3A_441 = tpu.vector_load %arg14[%swap3A_439, %swap3A_440] {strides = array<i32>} : memref<128x32xf32, #tpu.memory_space<vmem>>, vector<1x16xf32>,
        %swap3A_442 = vector.shape_cast %swap3A_441 : vector<1x16xf32> to vector<16xf32>
        %swap3A_443 = vector.shape_cast %max3A_438 : vector<16xf32> to vector<1x16xf32>
        tpu.vector_store %arg14[%swap3A_439, %swap3A_440], %swap3A_443 {strides = array<i32>} : memref<128x32xf32, #tpu.memory_space<vmem>>, vector<1x16xf32>,
        %get3A_444 = arith.index_cast %scan3A_426 : i32 to index
        %get3A_445 = arith.constant 16 : index
        %get3A_446 = tpu.vector_load %arg10[%get3A_444, %get3A_445] {strides = array<i32>} : memref<128x32xf32, #tpu.memory_space<vmem>>, vector<1x16xf32>,
        %get3A_447 = vector.shape_cast %get3A_446 : vector<1x16xf32> to vector<16xf32>
        %get3A_448 = arith.index_cast %scan3A_426 : i32 to index
        %get3A_449 = arith.constant 16 : index
        %get3A_450 = tpu.vector_load %arg12[%get3A_448, %get3A_449] {strides = array<i32>} : memref<128x32xf32, #tpu.memory_space<vmem>>, vector<1x16xf32>,
        %get3A_451 = vector.shape_cast %get3A_450 : vector<1x16xf32> to vector<16xf32>
        %add3A_452 = arith.addf %get3A_447, %get3A_451 : vector<16xf32>
        %max3A_453 = arith.constant 0.000000e+00 : f32
        %max3A_454 = vector.broadcast %max3A_453 : f32 to vector<16xf32>
        %max3A_455 = arith.maximumf %add3A_452, %max3A_454 : vector<16xf32>
        %swap3A_456 = arith.index_cast %scan3A_426 : i32 to index
        %swap3A_457 = arith.constant 16 : index
        %swap3A_458 = tpu.vector_load %arg14[%swap3A_456, %swap3A_457] {strides = array<i32>} : memref<128x32xf32, #tpu.memory_space<vmem>>, vector<1x16xf32>,
        %swap3A_459 = vector.shape_cast %swap3A_458 : vector<1x16xf32> to vector<16xf32>
        %swap3A_460 = vector.shape_cast %max3A_455 : vector<16xf32> to vector<1x16xf32>
        tpu.vector_store %arg14[%swap3A_456, %swap3A_457], %swap3A_460 {strides = array<i32>} : memref<128x32xf32, #tpu.memory_space<vmem>>, vector<1x16xf32>,
        %scan3A_461 = arith.constant 3 : i32
        %scan3A_462 = arith.addi %scan3A_357, %scan3A_461 : i32
        %get3A_463 = arith.index_cast %scan3A_462 : i32 to index
        %get3A_464 = arith.constant 0 : index
        %get3A_465 = tpu.vector_load %arg10[%get3A_463, %get3A_464] {strides = array<i32>} : memref<128x32xf32, #tpu.memory_space<vmem>>, vector<1x16xf32>,
        %get3A_466 = vector.shape_cast %get3A_465 : vector<1x16xf32> to vector<16xf32>
        %get3A_467 = arith.index_cast %scan3A_462 : i32 to index
        %get3A_468 = arith.constant 0 : index
        %get3A_469 = tpu.vector_load %arg12[%get3A_467, %get3A_468] {strides = array<i32>} : memref<128x32xf32, #tpu.memory_space<vmem>>, vector<1x16xf32>,
        %get3A_470 = vector.shape_cast %get3A_469 : vector<1x16xf32> to vector<16xf32>
        %add3A_471 = arith.addf %get3A_466, %get3A_470 : vector<16xf32>
        %max3A_472 = arith.constant 0.000000e+00 : f32
        %max3A_473 = vector.broadcast %max3A_472 : f32 to vector<16xf32>
        %max3A_474 = arith.maximumf %add3A_471, %max3A_473 : vector<16xf32>
        %swap3A_475 = arith.index_cast %scan3A_462 : i32 to index
        %swap3A_476 = arith.constant 0 : index
        %swap3A_477 = tpu.vector_load %arg14[%swap3A_475, %swap3A_476] {strides = array<i32>} : memref<128x32xf32, #tpu.memory_space<vmem>>, vector<1x16xf32>,
        %swap3A_478 = vector.shape_cast %swap3A_477 : vector<1x16xf32> to vector<16xf32>
        %swap3A_479 = vector.shape_cast %max3A_474 : vector<16xf32> to vector<1x16xf32>
        tpu.vector_store %arg14[%swap3A_475, %swap3A_476], %swap3A_479 {strides = array<i32>} : memref<128x32xf32, #tpu.memory_space<vmem>>, vector<1x16xf32>,
        %get3A_480 = arith.index_cast %scan3A_462 : i32 to index
        %get3A_481 = arith.constant 16 : index
        %get3A_482 = tpu.vector_load %arg10[%get3A_480, %get3A_481] {strides = array<i32>} : memref<128x32xf32, #tpu.memory_space<vmem>>, vector<1x16xf32>,
        %get3A_483 = vector.shape_cast %get3A_482 : vector<1x16xf32> to vector<16xf32>
        %get3A_484 = arith.index_cast %scan3A_462 : i32 to index
        %get3A_485 = arith.constant 16 : index
        %get3A_486 = tpu.vector_load %arg12[%get3A_484, %get3A_485] {strides = array<i32>} : memref<128x32xf32, #tpu.memory_space<vmem>>, vector<1x16xf32>,
        %get3A_487 = vector.shape_cast %get3A_486 : vector<1x16xf32> to vector<16xf32>
        %add3A_488 = arith.addf %get3A_483, %get3A_487 : vector<16xf32>
        %max3A_489 = arith.constant 0.000000e+00 : f32
        %max3A_490 = vector.broadcast %max3A_489 : f32 to vector<16xf32>
        %max3A_491 = arith.maximumf %add3A_488, %max3A_490 : vector<16xf32>
        %swap3A_492 = arith.index_cast %scan3A_462 : i32 to index
        %swap3A_493 = arith.constant 16 : index
        %swap3A_494 = tpu.vector_load %arg14[%swap3A_492, %swap3A_493] {strides = array<i32>} : memref<128x32xf32, #tpu.memory_space<vmem>>, vector<1x16xf32>,
        %swap3A_495 = vector.shape_cast %swap3A_494 : vector<1x16xf32> to vector<16xf32>
        %swap3A_496 = vector.shape_cast %max3A_491 : vector<16xf32> to vector<1x16xf32>
        tpu.vector_store %arg14[%swap3A_492, %swap3A_493], %swap3A_496 {strides = array<i32>} : memref<128x32xf32, #tpu.memory_space<vmem>>, vector<1x16xf32>,
        %scan3A_497 = arith.constant 4 : i32
        %scan3A_498 = arith.addi %scan3A_357, %scan3A_497 : i32
        %get3A_499 = arith.index_cast %scan3A_498 : i32 to index
        %get3A_500 = arith.constant 0 : index
        %get3A_501 = tpu.vector_load %arg10[%get3A_499, %get3A_500] {strides = array<i32>} : memref<128x32xf32, #tpu.memory_space<vmem>>, vector<1x16xf32>,
        %get3A_502 = vector.shape_cast %get3A_501 : vector<1x16xf32> to vector<16xf32>
        %get3A_503 = arith.index_cast %scan3A_498 : i32 to index
        %get3A_504 = arith.constant 0 : index
        %get3A_505 = tpu.vector_load %arg12[%get3A_503, %get3A_504] {strides = array<i32>} : memref<128x32xf32, #tpu.memory_space<vmem>>, vector<1x16xf32>,
        %get3A_506 = vector.shape_cast %get3A_505 : vector<1x16xf32> to vector<16xf32>
        %add3A_507 = arith.addf %get3A_502, %get3A_506 : vector<16xf32>
        %max3A_508 = arith.constant 0.000000e+00 : f32
        %max3A_509 = vector.broadcast %max3A_508 : f32 to vector<16xf32>
        %max3A_510 = arith.maximumf %add3A_507, %max3A_509 : vector<16xf32>
        %swap3A_511 = arith.index_cast %scan3A_498 : i32 to index
        %swap3A_512 = arith.constant 0 : index
        %swap3A_513 = tpu.vector_load %arg14[%swap3A_511, %swap3A_512] {strides = array<i32>} : memref<128x32xf32, #tpu.memory_space<vmem>>, vector<1x16xf32>,
        %swap3A_514 = vector.shape_cast %swap3A_513 : vector<1x16xf32> to vector<16xf32>
        %swap3A_515 = vector.shape_cast %max3A_510 : vector<16xf32> to vector<1x16xf32>
        tpu.vector_store %arg14[%swap3A_511, %swap3A_512], %swap3A_515 {strides = array<i32>} : memref<128x32xf32, #tpu.memory_space<vmem>>, vector<1x16xf32>,
        %get3A_516 = arith.index_cast %scan3A_498 : i32 to index
        %get3A_517 = arith.constant 16 : index
        %get3A_518 = tpu.vector_load %arg10[%get3A_516, %get3A_517] {strides = array<i32>} : memref<128x32xf32, #tpu.memory_space<vmem>>, vector<1x16xf32>,
        %get3A_519 = vector.shape_cast %get3A_518 : vector<1x16xf32> to vector<16xf32>
        %get3A_520 = arith.index_cast %scan3A_498 : i32 to index
        %get3A_521 = arith.constant 16 : index
        %get3A_522 = tpu.vector_load %arg12[%get3A_520, %get3A_521] {strides = array<i32>} : memref<128x32xf32, #tpu.memory_space<vmem>>, vector<1x16xf32>,
        %get3A_523 = vector.shape_cast %get3A_522 : vector<1x16xf32> to vector<16xf32>
        %add3A_524 = arith.addf %get3A_519, %get3A_523 : vector<16xf32>
        %max3A_525 = arith.constant 0.000000e+00 : f32
        %max3A_526 = vector.broadcast %max3A_525 : f32 to vector<16xf32>
        %max3A_527 = arith.maximumf %add3A_524, %max3A_526 : vector<16xf32>
        %swap3A_528 = arith.index_cast %scan3A_498 : i32 to index
        %swap3A_529 = arith.constant 16 : index
        %swap3A_530 = tpu.vector_load %arg14[%swap3A_528, %swap3A_529] {strides = array<i32>} : memref<128x32xf32, #tpu.memory_space<vmem>>, vector<1x16xf32>,
        %swap3A_531 = vector.shape_cast %swap3A_530 : vector<1x16xf32> to vector<16xf32>
        %swap3A_532 = vector.shape_cast %max3A_527 : vector<16xf32> to vector<1x16xf32>
        tpu.vector_store %arg14[%swap3A_528, %swap3A_529], %swap3A_532 {strides = array<i32>} : memref<128x32xf32, #tpu.memory_space<vmem>>, vector<1x16xf32>,
        %scan3A_533 = arith.constant 5 : i32
        %scan3A_534 = arith.addi %scan3A_357, %scan3A_533 : i32
        %get3A_535 = arith.index_cast %scan3A_534 : i32 to index
        %get3A_536 = arith.constant 0 : index
        %get3A_537 = tpu.vector_load %arg10[%get3A_535, %get3A_536] {strides = array<i32>} : memref<128x32xf32, #tpu.memory_space<vmem>>, vector<1x16xf32>,
        %get3A_538 = vector.shape_cast %get3A_537 : vector<1x16xf32> to vector<16xf32>
        %get3A_539 = arith.index_cast %scan3A_534 : i32 to index
        %get3A_540 = arith.constant 0 : index
        %get3A_541 = tpu.vector_load %arg12[%get3A_539, %get3A_540] {strides = array<i32>} : memref<128x32xf32, #tpu.memory_space<vmem>>, vector<1x16xf32>,
        %get3A_542 = vector.shape_cast %get3A_541 : vector<1x16xf32> to vector<16xf32>
        %add3A_543 = arith.addf %get3A_538, %get3A_542 : vector<16xf32>
        %max3A_544 = arith.constant 0.000000e+00 : f32
        %max3A_545 = vector.broadcast %max3A_544 : f32 to vector<16xf32>
        %max3A_546 = arith.maximumf %add3A_543, %max3A_545 : vector<16xf32>
        %swap3A_547 = arith.index_cast %scan3A_534 : i32 to index
        %swap3A_548 = arith.constant 0 : index
        %swap3A_549 = tpu.vector_load %arg14[%swap3A_547, %swap3A_548] {strides = array<i32>} : memref<128x32xf32, #tpu.memory_space<vmem>>, vector<1x16xf32>,
        %swap3A_550 = vector.shape_cast %swap3A_549 : vector<1x16xf32> to vector<16xf32>
        %swap3A_551 = vector.shape_cast %max3A_546 : vector<16xf32> to vector<1x16xf32>
        tpu.vector_store %arg14[%swap3A_547, %swap3A_548], %swap3A_551 {strides = array<i32>} : memref<128x32xf32, #tpu.memory_space<vmem>>, vector<1x16xf32>,
        %get3A_552 = arith.index_cast %scan3A_534 : i32 to index
        %get3A_553 = arith.constant 16 : index
        %get3A_554 = tpu.vector_load %arg10[%get3A_552, %get3A_553] {strides = array<i32>} : memref<128x32xf32, #tpu.memory_space<vmem>>, vector<1x16xf32>,
        %get3A_555 = vector.shape_cast %get3A_554 : vector<1x16xf32> to vector<16xf32>
        %get3A_556 = arith.index_cast %scan3A_534 : i32 to index
        %get3A_557 = arith.constant 16 : index
        %get3A_558 = tpu.vector_load %arg12[%get3A_556, %get3A_557] {strides = array<i32>} : memref<128x32xf32, #tpu.memory_space<vmem>>, vector<1x16xf32>,
        %get3A_559 = vector.shape_cast %get3A_558 : vector<1x16xf32> to vector<16xf32>
        %add3A_560 = arith.addf %get3A_555, %get3A_559 : vector<16xf32>
        %max3A_561 = arith.constant 0.000000e+00 : f32
        %max3A_562 = vector.broadcast %max3A_561 : f32 to vector<16xf32>
        %max3A_563 = arith.maximumf %add3A_560, %max3A_562 : vector<16xf32>
        %swap3A_564 = arith.index_cast %scan3A_534 : i32 to index
        %swap3A_565 = arith.constant 16 : index
        %swap3A_566 = tpu.vector_load %arg14[%swap3A_564, %swap3A_565] {strides = array<i32>} : memref<128x32xf32, #tpu.memory_space<vmem>>, vector<1x16xf32>,
        %swap3A_567 = vector.shape_cast %swap3A_566 : vector<1x16xf32> to vector<16xf32>
        %swap3A_568 = vector.shape_cast %max3A_563 : vector<16xf32> to vector<1x16xf32>
        tpu.vector_store %arg14[%swap3A_564, %swap3A_565], %swap3A_568 {strides = array<i32>} : memref<128x32xf32, #tpu.memory_space<vmem>>, vector<1x16xf32>,
        %scan3A_569 = arith.constant 6 : i32
        %scan3A_570 = arith.addi %scan3A_357, %scan3A_569 : i32
        %get3A_571 = arith.index_cast %scan3A_570 : i32 to index
        %get3A_572 = arith.constant 0 : index
        %get3A_573 = tpu.vector_load %arg10[%get3A_571, %get3A_572] {strides = array<i32>} : memref<128x32xf32, #tpu.memory_space<vmem>>, vector<1x16xf32>,
        %get3A_574 = vector.shape_cast %get3A_573 : vector<1x16xf32> to vector<16xf32>
        %get3A_575 = arith.index_cast %scan3A_570 : i32 to index
        %get3A_576 = arith.constant 0 : index
        %get3A_577 = tpu.vector_load %arg12[%get3A_575, %get3A_576] {strides = array<i32>} : memref<128x32xf32, #tpu.memory_space<vmem>>, vector<1x16xf32>,
        %get3A_578 = vector.shape_cast %get3A_577 : vector<1x16xf32> to vector<16xf32>
        %add3A_579 = arith.addf %get3A_574, %get3A_578 : vector<16xf32>
        %max3A_580 = arith.constant 0.000000e+00 : f32
        %max3A_581 = vector.broadcast %max3A_580 : f32 to vector<16xf32>
        %max3A_582 = arith.maximumf %add3A_579, %max3A_581 : vector<16xf32>
        %swap3A_583 = arith.index_cast %scan3A_570 : i32 to index
        %swap3A_584 = arith.constant 0 : index
        %swap3A_585 = tpu.vector_load %arg14[%swap3A_583, %swap3A_584] {strides = array<i32>} : memref<128x32xf32, #tpu.memory_space<vmem>>, vector<1x16xf32>,
        %swap3A_586 = vector.shape_cast %swap3A_585 : vector<1x16xf32> to vector<16xf32>
        %swap3A_587 = vector.shape_cast %max3A_582 : vector<16xf32> to vector<1x16xf32>
        tpu.vector_store %arg14[%swap3A_583, %swap3A_584], %swap3A_587 {strides = array<i32>} : memref<128x32xf32, #tpu.memory_space<vmem>>, vector<1x16xf32>,
        %get3A_588 = arith.index_cast %scan3A_570 : i32 to index
        %get3A_589 = arith.constant 16 : index
        %get3A_590 = tpu.vector_load %arg10[%get3A_588, %get3A_589] {strides = array<i32>} : memref<128x32xf32, #tpu.memory_space<vmem>>, vector<1x16xf32>,
        %get3A_591 = vector.shape_cast %get3A_590 : vector<1x16xf32> to vector<16xf32>
        %get3A_592 = arith.index_cast %scan3A_570 : i32 to index
        %get3A_593 = arith.constant 16 : index
        %get3A_594 = tpu.vector_load %arg12[%get3A_592, %get3A_593] {strides = array<i32>} : memref<128x32xf32, #tpu.memory_space<vmem>>, vector<1x16xf32>,
        %get3A_595 = vector.shape_cast %get3A_594 : vector<1x16xf32> to vector<16xf32>
        %add3A_596 = arith.addf %get3A_591, %get3A_595 : vector<16xf32>
        %max3A_597 = arith.constant 0.000000e+00 : f32
        %max3A_598 = vector.broadcast %max3A_597 : f32 to vector<16xf32>
        %max3A_599 = arith.maximumf %add3A_596, %max3A_598 : vector<16xf32>
        %swap3A_600 = arith.index_cast %scan3A_570 : i32 to index
        %swap3A_601 = arith.constant 16 : index
        %swap3A_602 = tpu.vector_load %arg14[%swap3A_600, %swap3A_601] {strides = array<i32>} : memref<128x32xf32, #tpu.memory_space<vmem>>, vector<1x16xf32>,
        %swap3A_603 = vector.shape_cast %swap3A_602 : vector<1x16xf32> to vector<16xf32>
        %swap3A_604 = vector.shape_cast %max3A_599 : vector<16xf32> to vector<1x16xf32>
        tpu.vector_store %arg14[%swap3A_600, %swap3A_601], %swap3A_604 {strides = array<i32>} : memref<128x32xf32, #tpu.memory_space<vmem>>, vector<1x16xf32>,
        %scan3A_605 = arith.constant 7 : i32
        %scan3A_606 = arith.addi %scan3A_357, %scan3A_605 : i32
        %get3A_607 = arith.index_cast %scan3A_606 : i32 to index
        %get3A_608 = arith.constant 0 : index
        %get3A_609 = tpu.vector_load %arg10[%get3A_607, %get3A_608] {strides = array<i32>} : memref<128x32xf32, #tpu.memory_space<vmem>>, vector<1x16xf32>,
        %get3A_610 = vector.shape_cast %get3A_609 : vector<1x16xf32> to vector<16xf32>
        %get3A_611 = arith.index_cast %scan3A_606 : i32 to index
        %get3A_612 = arith.constant 0 : index
        %get3A_613 = tpu.vector_load %arg12[%get3A_611, %get3A_612] {strides = array<i32>} : memref<128x32xf32, #tpu.memory_space<vmem>>, vector<1x16xf32>,
        %get3A_614 = vector.shape_cast %get3A_613 : vector<1x16xf32> to vector<16xf32>
        %add3A_615 = arith.addf %get3A_610, %get3A_614 : vector<16xf32>
        %max3A_616 = arith.constant 0.000000e+00 : f32
        %max3A_617 = vector.broadcast %max3A_616 : f32 to vector<16xf32>
        %max3A_618 = arith.maximumf %add3A_615, %max3A_617 : vector<16xf32>
        %swap3A_619 = arith.index_cast %scan3A_606 : i32 to index
        %swap3A_620 = arith.constant 0 : index
        %swap3A_621 = tpu.vector_load %arg14[%swap3A_619, %swap3A_620] {strides = array<i32>} : memref<128x32xf32, #tpu.memory_space<vmem>>, vector<1x16xf32>,
        %swap3A_622 = vector.shape_cast %swap3A_621 : vector<1x16xf32> to vector<16xf32>
        %swap3A_623 = vector.shape_cast %max3A_618 : vector<16xf32> to vector<1x16xf32>
        tpu.vector_store %arg14[%swap3A_619, %swap3A_620], %swap3A_623 {strides = array<i32>} : memref<128x32xf32, #tpu.memory_space<vmem>>, vector<1x16xf32>,
        %get3A_624 = arith.index_cast %scan3A_606 : i32 to index
        %get3A_625 = arith.constant 16 : index
        %get3A_626 = tpu.vector_load %arg10[%get3A_624, %get3A_625] {strides = array<i32>} : memref<128x32xf32, #tpu.memory_space<vmem>>, vector<1x16xf32>,
        %get3A_627 = vector.shape_cast %get3A_626 : vector<1x16xf32> to vector<16xf32>
        %get3A_628 = arith.index_cast %scan3A_606 : i32 to index
        %get3A_629 = arith.constant 16 : index
        %get3A_630 = tpu.vector_load %arg12[%get3A_628, %get3A_629] {strides = array<i32>} : memref<128x32xf32, #tpu.memory_space<vmem>>, vector<1x16xf32>,
        %get3A_631 = vector.shape_cast %get3A_630 : vector<1x16xf32> to vector<16xf32>
        %add3A_632 = arith.addf %get3A_627, %get3A_631 : vector<16xf32>
        %max3A_633 = arith.constant 0.000000e+00 : f32
        %max3A_634 = vector.broadcast %max3A_633 : f32 to vector<16xf32>
        %max3A_635 = arith.maximumf %add3A_632, %max3A_634 : vector<16xf32>
        %swap3A_636 = arith.index_cast %scan3A_606 : i32 to index
        %swap3A_637 = arith.constant 16 : index
        %swap3A_638 = tpu.vector_load %arg14[%swap3A_636, %swap3A_637] {strides = array<i32>} : memref<128x32xf32, #tpu.memory_space<vmem>>, vector<1x16xf32>,
        %swap3A_639 = vector.shape_cast %swap3A_638 : vector<1x16xf32> to vector<16xf32>
        %swap3A_640 = vector.shape_cast %max3A_635 : vector<16xf32> to vector<1x16xf32>
        tpu.vector_store %arg14[%swap3A_636, %swap3A_637], %swap3A_640 {strides = array<i32>} : memref<128x32xf32, #tpu.memory_space<vmem>>, vector<1x16xf32>,
      }
      %scan3A_343 = arith.constant 128 : i32
      %add3A_344 = arith.constant 2 : i32
      %add3A_345 = arith.addi %add3A_172, %add3A_344 : i32
      %lt3A_346 = arith.constant 80 : i32
      %lt3A_347 = arith.cmpi slt, %add3A_345, %lt3A_346 : i32
      %convert_element_type3A_348 = arith.extui %lt3A_347 : i1 to i32
      %cond3A_349 = arith.constant 0 : i32
      %cond3A_350 = arith.cmpi ne, %convert_element_type3A_348, %cond3A_349 : i32
      scf.if %cond3A_350 {
        %add3A_357 = arith.constant 2 : i32
        %add3A_358 = arith.addi %add3A_172, %add3A_357 : i32
        %mul3A_359 = arith.constant 128 : i32
        %mul3A_360 = arith.muli %add3A_358, %mul3A_359 : i32
        %add3A_361 = arith.addi %mul3A_2, %mul3A_360 : i32
        %jit3A_362 = arith.constant 12800 : i32
        %div3A_363 = arith.divsi %add3A_361, %jit3A_362 : i32
        %sign3A_364 = arith.constant 0 : i32
        %sign3A_365 = arith.cmpi sgt, %add3A_361, %sign3A_364 : i32
        %sign3A_366 = arith.extui %sign3A_365 : i1 to i32
        %sign3A_367 = arith.constant 0 : i32
        %sign3A_368 = arith.cmpi slt, %add3A_361, %sign3A_367 : i32
        %sign3A_369 = arith.extui %sign3A_368 : i1 to i32
        %sign3A_370 = arith.subi %sign3A_366, %sign3A_369 : i32
        %sign3A_371 = arith.constant 0 : i32
        %sign3A_372 = arith.cmpi sgt, %jit3A_362, %sign3A_371 : i32
        %sign3A_373 = arith.extui %sign3A_372 : i1 to i32
        %sign3A_374 = arith.constant 0 : i32
        %sign3A_375 = arith.cmpi slt, %jit3A_362, %sign3A_374 : i32
        %sign3A_376 = arith.extui %sign3A_375 : i1 to i32
        %sign3A_377 = arith.subi %sign3A_373, %sign3A_376 : i32
        %ne3A_378 = arith.cmpi ne, %sign3A_370, %sign3A_377 : i32
        %rem3A_379 = arith.remsi %add3A_361, %jit3A_362 : i32
        %ne3A_380 = arith.constant 0 : i32
        %ne3A_381 = arith.cmpi ne, %rem3A_379, %ne3A_380 : i32
        %and3A_382 = arith.andi %ne3A_378, %ne3A_381 : i1
        %sub3A_383 = arith.constant 1 : i32
        %sub3A_384 = arith.subi %div3A_363, %sub3A_383 : i32
        %select_n3A_385 = arith.select %and3A_382, %sub3A_384, %div3A_363 : i32
        %mul3A_386 = arith.constant 12800 : i32
        %mul3A_387 = arith.muli %select_n3A_385, %mul3A_386 : i32
        %sub3A_388 = arith.subi %add3A_361, %mul3A_387 : i32
        %jit3A_389 = arith.constant 3200 : i32
        %div3A_390 = arith.divsi %sub3A_388, %jit3A_389 : i32
        %sign3A_391 = arith.constant 0 : i32
        %sign3A_392 = arith.cmpi sgt, %sub3A_388, %sign3A_391 : i32
        %sign3A_393 = arith.extui %sign3A_392 : i1 to i32
        %sign3A_394 = arith.constant 0 : i32
        %sign3A_395 = arith.cmpi slt, %sub3A_388, %sign3A_394 : i32
        %sign3A_396 = arith.extui %sign3A_395 : i1 to i32
        %sign3A_397 = arith.subi %sign3A_393, %sign3A_396 : i32
        %sign3A_398 = arith.constant 0 : i32
        %sign3A_399 = arith.cmpi sgt, %jit3A_389, %sign3A_398 : i32
        %sign3A_400 = arith.extui %sign3A_399 : i1 to i32
        %sign3A_401 = arith.constant 0 : i32
        %sign3A_402 = arith.cmpi slt, %jit3A_389, %sign3A_401 : i32
        %sign3A_403 = arith.extui %sign3A_402 : i1 to i32
        %sign3A_404 = arith.subi %sign3A_400, %sign3A_403 : i32
        %ne3A_405 = arith.cmpi ne, %sign3A_397, %sign3A_404 : i32
        %rem3A_406 = arith.remsi %sub3A_388, %jit3A_389 : i32
        %ne3A_407 = arith.constant 0 : i32
        %ne3A_408 = arith.cmpi ne, %rem3A_406, %ne3A_407 : i32
        %and3A_409 = arith.andi %ne3A_405, %ne3A_408 : i1
        %sub3A_410 = arith.constant 1 : i32
        %sub3A_411 = arith.subi %div3A_390, %sub3A_410 : i32
        %select_n3A_412 = arith.select %and3A_409, %sub3A_411, %div3A_390 : i32
        %mul3A_413 = arith.constant 3200 : i32
        %mul3A_414 = arith.muli %select_n3A_385, %mul3A_413 : i32
        %mul3A_415 = arith.constant 3200 : i32
        %mul3A_416 = arith.muli %select_n3A_412, %mul3A_415 : i32
        %sub3A_417 = arith.subi %sub3A_388, %mul3A_416 : i32
        %add3A_418 = arith.addi %mul3A_414, %sub3A_417 : i32
        %mul3A_419 = arith.constant 32 : i32
        %mul3A_420 = arith.muli %select_n3A_412, %mul3A_419 : i32
        %dma_start3A_421 = tpu.memref_slice %arg3[%add3A_418, %mul3A_420] : memref<81920x128xf32, #tpu.memory_space<hbm>> -> memref<128x32xf32, #tpu.memory_space<hbm>>
        %dma_start3A_422 = tpu.memref_slice %arg3[%add3A_418, %mul3A_420] : memref<81920x128xf32, #tpu.memory_space<hbm>> -> memref<128x32xf32, #tpu.memory_space<hbm>>
        tpu.enqueue_dma source(%dma_start3A_422 : memref<128x32xf32, #tpu.memory_space<hbm>>) target(%arg12 : memref<128x32xf32, #tpu.memory_space<vmem>>) target_semaphore(%arg20 : memref<!tpu.dma_semaphore, #tpu.memory_space<semaphore_mem>>)
        %dma_start3A_423 = arith.constant 0 : i32
        %dma_start3A_424 = tpu.memref_slice %arg7[%add3A_358, %dma_start3A_423] : memref<80x128xi32, #tpu.memory_space<vmem>> -> memref<1x128xi32, #tpu.memory_space<vmem>>
        %dma_start3A_425 = tpu.memref_squeeze %dma_start3A_424 : memref<1x128xi32, #tpu.memory_space<vmem>> -> memref<128xi32, #tpu.memory_space<vmem>>
        %dma_start3A_426 = arith.constant 0 : i32
        %dma_start3A_427 = arith.constant 0 : i32
        %dma_start3A_428 = tpu.memref_slice %arg2[%dma_start3A_426, %dma_start3A_427] : memref<10000x32xf32, #tpu.memory_space<hbm>> -> memref<10000x32xf32, #tpu.memory_space<hbm>>
        tpu.enqueue_indirect_dma source(%dma_start3A_428 : memref<10000x32xf32, #tpu.memory_space<hbm>>) target(%arg10 : memref<128x32xf32, #tpu.memory_space<vmem>>) offsets(%dma_start3A_425 : memref<128xi32, #tpu.memory_space<vmem>>) semaphore(%arg18 : memref<!tpu.dma_semaphore, #tpu.memory_space<semaphore_mem>>)
      } else {
      }
      %dma_start3A_351 = arith.constant 0 : i32
      %dma_start3A_352 = tpu.memref_slice %arg8[%add3A_172, %dma_start3A_351] : memref<80x128xi32, #tpu.memory_space<vmem>> -> memref<1x128xi32, #tpu.memory_space<vmem>>
      %dma_start3A_353 = tpu.memref_squeeze %dma_start3A_352 : memref<1x128xi32, #tpu.memory_space<vmem>> -> memref<128xi32, #tpu.memory_space<vmem>>
      %dma_start3A_354 = arith.constant 0 : i32
      %dma_start3A_355 = arith.constant 0 : i32
      %dma_start3A_356 = tpu.memref_slice %arg16[%dma_start3A_354, %dma_start3A_355] : memref<10240x32xf32, #tpu.memory_space<vmem_shared>> -> memref<10240x32xf32, #tpu.memory_space<vmem_shared>>
      tpu.enqueue_indirect_dma source(%arg14 : memref<128x32xf32, #tpu.memory_space<vmem>>) target(%dma_start3A_356 : memref<10240x32xf32, #tpu.memory_space<vmem_shared>>) offsets(%dma_start3A_353 : memref<128xi32, #tpu.memory_space<vmem>>) semaphore(%arg22 : memref<!tpu.dma_semaphore, #tpu.memory_space<semaphore_mem>>) {add = true}
    }
    %scan3A_147 = arith.constant 40 : i32
    %dma_wait3A = arith.constant 78 : i32
    %dma_wait3A_148 = arith.constant 0 : i32
    %dma_wait3A_149 = tpu.memref_slice %arg8[%dma_wait3A, %dma_wait3A_148] : memref<80x128xi32, #tpu.memory_space<vmem>> -> memref<1x128xi32, #tpu.memory_space<vmem>>
    %dma_wait3A_150 = tpu.memref_squeeze %dma_wait3A_149 : memref<1x128xi32, #tpu.memory_space<vmem>> -> memref<128xi32, #tpu.memory_space<vmem>>
    %dma_wait3A_151 = arith.constant 0 : i32
    %dma_wait3A_152 = arith.constant 0 : i32
    %dma_wait3A_153 = tpu.memref_slice %arg16[%dma_wait3A_151, %dma_wait3A_152] : memref<10240x32xf32, #tpu.memory_space<vmem_shared>> -> memref<10240x32xf32, #tpu.memory_space<vmem_shared>>
    tpu.wait_indirect_dma semaphore(%arg21 : memref<!tpu.dma_semaphore, #tpu.memory_space<semaphore_mem>>) src(%arg13 : memref<128x32xf32, #tpu.memory_space<vmem>>) dst(%dma_wait3A_153 : memref<10240x32xf32, #tpu.memory_space<vmem_shared>>)
    %dma_wait3A_154 = arith.constant 79 : i32
    %dma_wait3A_155 = arith.constant 0 : i32
    %dma_wait3A_156 = tpu.memref_slice %arg8[%dma_wait3A_154, %dma_wait3A_155] : memref<80x128xi32, #tpu.memory_space<vmem>> -> memref<1x128xi32, #tpu.memory_space<vmem>>
    %dma_wait3A_157 = tpu.memref_squeeze %dma_wait3A_156 : memref<1x128xi32, #tpu.memory_space<vmem>> -> memref<128xi32, #tpu.memory_space<vmem>>
    %dma_wait3A_158 = arith.constant 0 : i32
    %dma_wait3A_159 = arith.constant 0 : i32
    %dma_wait3A_160 = tpu.memref_slice %arg16[%dma_wait3A_158, %dma_wait3A_159] : memref<10240x32xf32, #tpu.memory_space<vmem_shared>> -> memref<10240x32xf32, #tpu.memory_space<vmem_shared>>
    tpu.wait_indirect_dma semaphore(%arg22 : memref<!tpu.dma_semaphore, #tpu.memory_space<semaphore_mem>>) src(%arg14 : memref<128x32xf32, #tpu.memory_space<vmem>>) dst(%dma_wait3A_160 : memref<10240x32xf32, #tpu.memory_space<vmem_shared>>)
    %barrier3A_161 = arith.constant 0 : index
    tpu.barrier barrier_id(%barrier3A_161)
    %mul3A_162 = arith.constant 640 : i32
    %mul3A_163 = arith.muli %arg1, %mul3A_162 : i32
    "tpu.region"() ({
      %run_scoped3A = tpu.sem_alloc : memref<!tpu.dma_semaphore, #tpu.memory_space<semaphore_mem>>
      %dma_start3A_166 = arith.constant 0 : i32
      %dma_start3A_167 = tpu.memref_slice %arg16[%mul3A_163, %dma_start3A_166] : memref<10240x32xf32, #tpu.memory_space<vmem_shared>> -> memref<640x32xf32, #tpu.memory_space<vmem_shared>>
      %dma_start3A_168 = arith.constant 0 : i32
      %dma_start3A_169 = tpu.memref_slice %arg16[%mul3A_163, %dma_start3A_168] : memref<10240x32xf32, #tpu.memory_space<vmem_shared>> -> memref<640x32xf32, #tpu.memory_space<vmem_shared>>
      tpu.enqueue_dma source(%dma_start3A_169 : memref<640x32xf32, #tpu.memory_space<vmem_shared>>) target(%arg15 : memref<640x32xf32, #tpu.memory_space<vmem>>) target_semaphore(%run_scoped3A : memref<!tpu.dma_semaphore, #tpu.memory_space<semaphore_mem>>)
      %dma_wait3A_170 = arith.constant 0 : i32
      %dma_wait3A_171 = tpu.memref_slice %arg16[%mul3A_163, %dma_wait3A_170] : memref<10240x32xf32, #tpu.memory_space<vmem_shared>> -> memref<640x32xf32, #tpu.memory_space<vmem_shared>>
      %dma_wait3A_172 = arith.constant 0 : i32
      %dma_wait3A_173 = tpu.memref_slice %arg16[%mul3A_163, %dma_wait3A_172] : memref<10240x32xf32, #tpu.memory_space<vmem_shared>> -> memref<640x32xf32, #tpu.memory_space<vmem_shared>>
      tpu.wait_dma2 semaphore(%run_scoped3A : memref<!tpu.dma_semaphore, #tpu.memory_space<semaphore_mem>>) src(%dma_wait3A_173 : memref<640x32xf32, #tpu.memory_space<vmem_shared>>) dst(%arg15 : memref<640x32xf32, #tpu.memory_space<vmem>>)
      tpu.yield
    }) : () -> ()
    %mul3A_164 = arith.constant 640 : i32
    %mul3A_165 = arith.muli %add3A, %mul3A_164 : i32
    "tpu.region"() ({
      %run_scoped3A = tpu.sem_alloc : memref<!tpu.dma_semaphore, #tpu.memory_space<semaphore_mem>>
      %dma_start3A_166 = arith.constant 0 : i32
      %dma_start3A_167 = tpu.memref_slice %arg6[%mul3A_165, %dma_start3A_166] : memref<20480x32xf32, #tpu.memory_space<hbm>> -> memref<640x32xf32, #tpu.memory_space<hbm>>
      %dma_start3A_168 = arith.constant 0 : i32
      %dma_start3A_169 = tpu.memref_slice %arg6[%mul3A_165, %dma_start3A_168] : memref<20480x32xf32, #tpu.memory_space<hbm>> -> memref<640x32xf32, #tpu.memory_space<hbm>>
      tpu.enqueue_dma source(%arg15 : memref<640x32xf32, #tpu.memory_space<vmem>>) target(%dma_start3A_169 : memref<640x32xf32, #tpu.memory_space<hbm>>) target_semaphore(%run_scoped3A : memref<!tpu.dma_semaphore, #tpu.memory_space<semaphore_mem>>)
      %dma_wait3A_170 = arith.constant 0 : i32
      %dma_wait3A_171 = tpu.memref_slice %arg6[%mul3A_165, %dma_wait3A_170] : memref<20480x32xf32, #tpu.memory_space<hbm>> -> memref<640x32xf32, #tpu.memory_space<hbm>>
      %dma_wait3A_172 = arith.constant 0 : i32
      %dma_wait3A_173 = tpu.memref_slice %arg6[%mul3A_165, %dma_wait3A_172] : memref<20480x32xf32, #tpu.memory_space<hbm>> -> memref<640x32xf32, #tpu.memory_space<hbm>>
      tpu.wait_dma2 semaphore(%run_scoped3A : memref<!tpu.dma_semaphore, #tpu.memory_space<semaphore_mem>>) src(%arg15 : memref<640x32xf32, #tpu.memory_space<vmem>>) dst(%dma_wait3A_173 : memref<640x32xf32, #tpu.memory_space<hbm>>)
      tpu.yield
    }) : () -> ()
    return
  }
}

#map = affine_map<(d0, d1) -> (0, 0)>
#map1 = affine_map<(d0, d1) -> (0, 0, 0)>
module attributes {stable_mosaic.version = 14 : i64} {
  func.func @edge_kernel(%arg0: i32, %arg1: i32, %arg2: memref<10000x32xf32, #tpu.memory_space<hbm>>, %arg3: memref<81920x128xf32, #tpu.memory_space<hbm>>, %arg4: memref<32x80x128xi32, #tpu.memory_space<hbm>>, %arg5: memref<32x80x128xi32, #tpu.memory_space<hbm>>, %arg6: memref<20480x32xf32, #tpu.memory_space<hbm>>, %arg7: memref<80x128xi32, #tpu.memory_space<vmem>>, %arg8: memref<80x128xi32, #tpu.memory_space<vmem>>, %arg9: memref<128x32xf32, #tpu.memory_space<vmem>>, %arg10: memref<128x32xf32, #tpu.memory_space<vmem>>, %arg11: memref<128x32xf32, #tpu.memory_space<vmem>>, %arg12: memref<128x32xf32, #tpu.memory_space<vmem>>, %arg13: memref<128x32xf32, #tpu.memory_space<vmem>>, %arg14: memref<128x32xf32, #tpu.memory_space<vmem>>, %arg15: memref<640x32xf32, #tpu.memory_space<vmem>>, %arg16: memref<10240x32xf32, #tpu.memory_space<vmem_shared>>, %arg17: memref<!tpu.dma_semaphore, #tpu.memory_space<semaphore_mem>>, %arg18: memref<!tpu.dma_semaphore, #tpu.memory_space<semaphore_mem>>, %arg19: memref<!tpu.dma_semaphore, #tpu.memory_space<semaphore_mem>>, %arg20: memref<!tpu.dma_semaphore, #tpu.memory_space<semaphore_mem>>, %arg21: memref<!tpu.dma_semaphore, #tpu.memory_space<semaphore_mem>>, %arg22: memref<!tpu.dma_semaphore, #tpu.memory_space<semaphore_mem>>) attributes {dimension_semantics = [#tpu.dimension_semantics<core_parallel>, #tpu.dimension_semantics<subcore_parallel>], iteration_bounds = array<i64: 2, 16>, scalar_prefetch = 0 : i64, scratch_operands = 16 : i64, tpu.core_type = #tpu.core_type<sc_vector_subcore>, window_params = [{transform_indices = #map}, {transform_indices = #map}, {transform_indices = #map1}, {transform_indices = #map1}, {transform_indices = #map}]} {
    %mul3A = arith.constant 16 : i32
    %mul3A_0 = arith.muli %arg0, %mul3A : i32
    %add3A = arith.addi %mul3A_0, %arg1 : i32
    %mul3A_1 = arith.constant 10240 : i32
    %mul3A_2 = arith.muli %add3A, %mul3A_1 : i32
    %broadcast_in_dim3A = arith.constant 0.000000e+00 : f32
    %broadcast_in_dim3A_3 = vector.broadcast %broadcast_in_dim3A : f32 to vector<16xf32>
    %scan3A = arith.constant 0 : i32
    %scan3A_4 = arith.constant 0 : i32
    %scan3A_5 = arith.constant 640 : i32
    %scan3A_6 = arith.addi %scan3A_4, %scan3A_5 : i32
    %scan3A_7 = arith.constant 8 : i32
    scf.for %scan3A_166 = %scan3A_4 to %scan3A_6 step %scan3A_7  : i32 {
      %swap3A = arith.index_cast %scan3A_166 : i32 to index
      %swap3A_167 = arith.constant 0 : index
      %swap3A_168 = tpu.vector_load %arg15[%swap3A, %swap3A_167] {strides = array<i32>} : memref<640x32xf32, #tpu.memory_space<vmem>>, vector<1x16xf32>,
      %swap3A_169 = vector.shape_cast %swap3A_168 : vector<1x16xf32> to vector<16xf32>
      %swap3A_170 = vector.shape_cast %broadcast_in_dim3A_3 : vector<16xf32> to vector<1x16xf32>
      tpu.vector_store %arg15[%swap3A, %swap3A_167], %swap3A_170 {strides = array<i32>} : memref<640x32xf32, #tpu.memory_space<vmem>>, vector<1x16xf32>,
      %swap3A_171 = arith.index_cast %scan3A_166 : i32 to index
      %swap3A_172 = arith.constant 16 : index
      %swap3A_173 = tpu.vector_load %arg15[%swap3A_171, %swap3A_172] {strides = array<i32>} : memref<640x32xf32, #tpu.memory_space<vmem>>, vector<1x16xf32>,
      %swap3A_174 = vector.shape_cast %swap3A_173 : vector<1x16xf32> to vector<16xf32>
      %swap3A_175 = vector.shape_cast %broadcast_in_dim3A_3 : vector<16xf32> to vector<1x16xf32>
      tpu.vector_store %arg15[%swap3A_171, %swap3A_172], %swap3A_175 {strides = array<i32>} : memref<640x32xf32, #tpu.memory_space<vmem>>, vector<1x16xf32>,
      %scan3A_176 = arith.constant 1 : i32
      %scan3A_177 = arith.addi %scan3A_166, %scan3A_176 : i32
      %swap3A_178 = arith.index_cast %scan3A_177 : i32 to index
      %swap3A_179 = arith.constant 0 : index
      %swap3A_180 = tpu.vector_load %arg15[%swap3A_178, %swap3A_179] {strides = array<i32>} : memref<640x32xf32, #tpu.memory_space<vmem>>, vector<1x16xf32>,
      %swap3A_181 = vector.shape_cast %swap3A_180 : vector<1x16xf32> to vector<16xf32>
      %swap3A_182 = vector.shape_cast %broadcast_in_dim3A_3 : vector<16xf32> to vector<1x16xf32>
      tpu.vector_store %arg15[%swap3A_178, %swap3A_179], %swap3A_182 {strides = array<i32>} : memref<640x32xf32, #tpu.memory_space<vmem>>, vector<1x16xf32>,
      %swap3A_183 = arith.index_cast %scan3A_177 : i32 to index
      %swap3A_184 = arith.constant 16 : index
      %swap3A_185 = tpu.vector_load %arg15[%swap3A_183, %swap3A_184] {strides = array<i32>} : memref<640x32xf32, #tpu.memory_space<vmem>>, vector<1x16xf32>,
      %swap3A_186 = vector.shape_cast %swap3A_185 : vector<1x16xf32> to vector<16xf32>
      %swap3A_187 = vector.shape_cast %broadcast_in_dim3A_3 : vector<16xf32> to vector<1x16xf32>
      tpu.vector_store %arg15[%swap3A_183, %swap3A_184], %swap3A_187 {strides = array<i32>} : memref<640x32xf32, #tpu.memory_space<vmem>>, vector<1x16xf32>,
      %scan3A_188 = arith.constant 2 : i32
      %scan3A_189 = arith.addi %scan3A_166, %scan3A_188 : i32
      %swap3A_190 = arith.index_cast %scan3A_189 : i32 to index
      %swap3A_191 = arith.constant 0 : index
      %swap3A_192 = tpu.vector_load %arg15[%swap3A_190, %swap3A_191] {strides = array<i32>} : memref<640x32xf32, #tpu.memory_space<vmem>>, vector<1x16xf32>,
      %swap3A_193 = vector.shape_cast %swap3A_192 : vector<1x16xf32> to vector<16xf32>
      %swap3A_194 = vector.shape_cast %broadcast_in_dim3A_3 : vector<16xf32> to vector<1x16xf32>
      tpu.vector_store %arg15[%swap3A_190, %swap3A_191], %swap3A_194 {strides = array<i32>} : memref<640x32xf32, #tpu.memory_space<vmem>>, vector<1x16xf32>,
      %swap3A_195 = arith.index_cast %scan3A_189 : i32 to index
      %swap3A_196 = arith.constant 16 : index
      %swap3A_197 = tpu.vector_load %arg15[%swap3A_195, %swap3A_196] {strides = array<i32>} : memref<640x32xf32, #tpu.memory_space<vmem>>, vector<1x16xf32>,
      %swap3A_198 = vector.shape_cast %swap3A_197 : vector<1x16xf32> to vector<16xf32>
      %swap3A_199 = vector.shape_cast %broadcast_in_dim3A_3 : vector<16xf32> to vector<1x16xf32>
      tpu.vector_store %arg15[%swap3A_195, %swap3A_196], %swap3A_199 {strides = array<i32>} : memref<640x32xf32, #tpu.memory_space<vmem>>, vector<1x16xf32>,
      %scan3A_200 = arith.constant 3 : i32
      %scan3A_201 = arith.addi %scan3A_166, %scan3A_200 : i32
      %swap3A_202 = arith.index_cast %scan3A_201 : i32 to index
      %swap3A_203 = arith.constant 0 : index
      %swap3A_204 = tpu.vector_load %arg15[%swap3A_202, %swap3A_203] {strides = array<i32>} : memref<640x32xf32, #tpu.memory_space<vmem>>, vector<1x16xf32>,
      %swap3A_205 = vector.shape_cast %swap3A_204 : vector<1x16xf32> to vector<16xf32>
      %swap3A_206 = vector.shape_cast %broadcast_in_dim3A_3 : vector<16xf32> to vector<1x16xf32>
      tpu.vector_store %arg15[%swap3A_202, %swap3A_203], %swap3A_206 {strides = array<i32>} : memref<640x32xf32, #tpu.memory_space<vmem>>, vector<1x16xf32>,
      %swap3A_207 = arith.index_cast %scan3A_201 : i32 to index
      %swap3A_208 = arith.constant 16 : index
      %swap3A_209 = tpu.vector_load %arg15[%swap3A_207, %swap3A_208] {strides = array<i32>} : memref<640x32xf32, #tpu.memory_space<vmem>>, vector<1x16xf32>,
      %swap3A_210 = vector.shape_cast %swap3A_209 : vector<1x16xf32> to vector<16xf32>
      %swap3A_211 = vector.shape_cast %broadcast_in_dim3A_3 : vector<16xf32> to vector<1x16xf32>
      tpu.vector_store %arg15[%swap3A_207, %swap3A_208], %swap3A_211 {strides = array<i32>} : memref<640x32xf32, #tpu.memory_space<vmem>>, vector<1x16xf32>,
      %scan3A_212 = arith.constant 4 : i32
      %scan3A_213 = arith.addi %scan3A_166, %scan3A_212 : i32
      %swap3A_214 = arith.index_cast %scan3A_213 : i32 to index
      %swap3A_215 = arith.constant 0 : index
      %swap3A_216 = tpu.vector_load %arg15[%swap3A_214, %swap3A_215] {strides = array<i32>} : memref<640x32xf32, #tpu.memory_space<vmem>>, vector<1x16xf32>,
      %swap3A_217 = vector.shape_cast %swap3A_216 : vector<1x16xf32> to vector<16xf32>
      %swap3A_218 = vector.shape_cast %broadcast_in_dim3A_3 : vector<16xf32> to vector<1x16xf32>
      tpu.vector_store %arg15[%swap3A_214, %swap3A_215], %swap3A_218 {strides = array<i32>} : memref<640x32xf32, #tpu.memory_space<vmem>>, vector<1x16xf32>,
      %swap3A_219 = arith.index_cast %scan3A_213 : i32 to index
      %swap3A_220 = arith.constant 16 : index
      %swap3A_221 = tpu.vector_load %arg15[%swap3A_219, %swap3A_220] {strides = array<i32>} : memref<640x32xf32, #tpu.memory_space<vmem>>, vector<1x16xf32>,
      %swap3A_222 = vector.shape_cast %swap3A_221 : vector<1x16xf32> to vector<16xf32>
      %swap3A_223 = vector.shape_cast %broadcast_in_dim3A_3 : vector<16xf32> to vector<1x16xf32>
      tpu.vector_store %arg15[%swap3A_219, %swap3A_220], %swap3A_223 {strides = array<i32>} : memref<640x32xf32, #tpu.memory_space<vmem>>, vector<1x16xf32>,
      %scan3A_224 = arith.constant 5 : i32
      %scan3A_225 = arith.addi %scan3A_166, %scan3A_224 : i32
      %swap3A_226 = arith.index_cast %scan3A_225 : i32 to index
      %swap3A_227 = arith.constant 0 : index
      %swap3A_228 = tpu.vector_load %arg15[%swap3A_226, %swap3A_227] {strides = array<i32>} : memref<640x32xf32, #tpu.memory_space<vmem>>, vector<1x16xf32>,
      %swap3A_229 = vector.shape_cast %swap3A_228 : vector<1x16xf32> to vector<16xf32>
      %swap3A_230 = vector.shape_cast %broadcast_in_dim3A_3 : vector<16xf32> to vector<1x16xf32>
      tpu.vector_store %arg15[%swap3A_226, %swap3A_227], %swap3A_230 {strides = array<i32>} : memref<640x32xf32, #tpu.memory_space<vmem>>, vector<1x16xf32>,
      %swap3A_231 = arith.index_cast %scan3A_225 : i32 to index
      %swap3A_232 = arith.constant 16 : index
      %swap3A_233 = tpu.vector_load %arg15[%swap3A_231, %swap3A_232] {strides = array<i32>} : memref<640x32xf32, #tpu.memory_space<vmem>>, vector<1x16xf32>,
      %swap3A_234 = vector.shape_cast %swap3A_233 : vector<1x16xf32> to vector<16xf32>
      %swap3A_235 = vector.shape_cast %broadcast_in_dim3A_3 : vector<16xf32> to vector<1x16xf32>
      tpu.vector_store %arg15[%swap3A_231, %swap3A_232], %swap3A_235 {strides = array<i32>} : memref<640x32xf32, #tpu.memory_space<vmem>>, vector<1x16xf32>,
      %scan3A_236 = arith.constant 6 : i32
      %scan3A_237 = arith.addi %scan3A_166, %scan3A_236 : i32
      %swap3A_238 = arith.index_cast %scan3A_237 : i32 to index
      %swap3A_239 = arith.constant 0 : index
      %swap3A_240 = tpu.vector_load %arg15[%swap3A_238, %swap3A_239] {strides = array<i32>} : memref<640x32xf32, #tpu.memory_space<vmem>>, vector<1x16xf32>,
      %swap3A_241 = vector.shape_cast %swap3A_240 : vector<1x16xf32> to vector<16xf32>
      %swap3A_242 = vector.shape_cast %broadcast_in_dim3A_3 : vector<16xf32> to vector<1x16xf32>
      tpu.vector_store %arg15[%swap3A_238, %swap3A_239], %swap3A_242 {strides = array<i32>} : memref<640x32xf32, #tpu.memory_space<vmem>>, vector<1x16xf32>,
      %swap3A_243 = arith.index_cast %scan3A_237 : i32 to index
      %swap3A_244 = arith.constant 16 : index
      %swap3A_245 = tpu.vector_load %arg15[%swap3A_243, %swap3A_244] {strides = array<i32>} : memref<640x32xf32, #tpu.memory_space<vmem>>, vector<1x16xf32>,
      %swap3A_246 = vector.shape_cast %swap3A_245 : vector<1x16xf32> to vector<16xf32>
      %swap3A_247 = vector.shape_cast %broadcast_in_dim3A_3 : vector<16xf32> to vector<1x16xf32>
      tpu.vector_store %arg15[%swap3A_243, %swap3A_244], %swap3A_247 {strides = array<i32>} : memref<640x32xf32, #tpu.memory_space<vmem>>, vector<1x16xf32>,
      %scan3A_248 = arith.constant 7 : i32
      %scan3A_249 = arith.addi %scan3A_166, %scan3A_248 : i32
      %swap3A_250 = arith.index_cast %scan3A_249 : i32 to index
      %swap3A_251 = arith.constant 0 : index
      %swap3A_252 = tpu.vector_load %arg15[%swap3A_250, %swap3A_251] {strides = array<i32>} : memref<640x32xf32, #tpu.memory_space<vmem>>, vector<1x16xf32>,
      %swap3A_253 = vector.shape_cast %swap3A_252 : vector<1x16xf32> to vector<16xf32>
      %swap3A_254 = vector.shape_cast %broadcast_in_dim3A_3 : vector<16xf32> to vector<1x16xf32>
      tpu.vector_store %arg15[%swap3A_250, %swap3A_251], %swap3A_254 {strides = array<i32>} : memref<640x32xf32, #tpu.memory_space<vmem>>, vector<1x16xf32>,
      %swap3A_255 = arith.index_cast %scan3A_249 : i32 to index
      %swap3A_256 = arith.constant 16 : index
      %swap3A_257 = tpu.vector_load %arg15[%swap3A_255, %swap3A_256] {strides = array<i32>} : memref<640x32xf32, #tpu.memory_space<vmem>>, vector<1x16xf32>,
      %swap3A_258 = vector.shape_cast %swap3A_257 : vector<1x16xf32> to vector<16xf32>
      %swap3A_259 = vector.shape_cast %broadcast_in_dim3A_3 : vector<16xf32> to vector<1x16xf32>
      tpu.vector_store %arg15[%swap3A_255, %swap3A_256], %swap3A_259 {strides = array<i32>} : memref<640x32xf32, #tpu.memory_space<vmem>>, vector<1x16xf32>,
    }
    %scan3A_8 = arith.constant 640 : i32
    %mul3A_9 = arith.constant 640 : i32
    %mul3A_10 = arith.muli %arg1, %mul3A_9 : i32
    "tpu.region"() ({
      %run_scoped3A = tpu.sem_alloc : memref<!tpu.dma_semaphore, #tpu.memory_space<semaphore_mem>>
      %dma_start3A_166 = arith.constant 0 : i32
      %dma_start3A_167 = tpu.memref_slice %arg16[%mul3A_10, %dma_start3A_166] : memref<10240x32xf32, #tpu.memory_space<vmem_shared>> -> memref<640x32xf32, #tpu.memory_space<vmem_shared>>
      %dma_start3A_168 = arith.constant 0 : i32
      %dma_start3A_169 = tpu.memref_slice %arg16[%mul3A_10, %dma_start3A_168] : memref<10240x32xf32, #tpu.memory_space<vmem_shared>> -> memref<640x32xf32, #tpu.memory_space<vmem_shared>>
      tpu.enqueue_dma source(%arg15 : memref<640x32xf32, #tpu.memory_space<vmem>>) target(%dma_start3A_169 : memref<640x32xf32, #tpu.memory_space<vmem_shared>>) target_semaphore(%run_scoped3A : memref<!tpu.dma_semaphore, #tpu.memory_space<semaphore_mem>>)
      %dma_wait3A_170 = arith.constant 0 : i32
      %dma_wait3A_171 = tpu.memref_slice %arg16[%mul3A_10, %dma_wait3A_170] : memref<10240x32xf32, #tpu.memory_space<vmem_shared>> -> memref<640x32xf32, #tpu.memory_space<vmem_shared>>
      %dma_wait3A_172 = arith.constant 0 : i32
      %dma_wait3A_173 = tpu.memref_slice %arg16[%mul3A_10, %dma_wait3A_172] : memref<10240x32xf32, #tpu.memory_space<vmem_shared>> -> memref<640x32xf32, #tpu.memory_space<vmem_shared>>
      tpu.wait_dma2 semaphore(%run_scoped3A : memref<!tpu.dma_semaphore, #tpu.memory_space<semaphore_mem>>) src(%arg15 : memref<640x32xf32, #tpu.memory_space<vmem>>) dst(%dma_wait3A_173 : memref<640x32xf32, #tpu.memory_space<vmem_shared>>)
      tpu.yield
    }) : () -> ()
    "tpu.region"() ({
      %run_scoped3A = tpu.sem_alloc : memref<!tpu.dma_semaphore, #tpu.memory_space<semaphore_mem>>
      %dma_start3A_166 = arith.constant 0 : i32
      %dma_start3A_167 = arith.constant 0 : i32
      %dma_start3A_168 = tpu.memref_slice %arg4[%add3A, %dma_start3A_166, %dma_start3A_167] : memref<32x80x128xi32, #tpu.memory_space<hbm>> -> memref<1x80x128xi32, #tpu.memory_space<hbm>>
      %dma_start3A_169 = tpu.memref_squeeze %dma_start3A_168 : memref<1x80x128xi32, #tpu.memory_space<hbm>> -> memref<80x128xi32, #tpu.memory_space<hbm>>
      %dma_start3A_170 = arith.constant 0 : i32
      %dma_start3A_171 = arith.constant 0 : i32
      %dma_start3A_172 = tpu.memref_slice %arg4[%add3A, %dma_start3A_170, %dma_start3A_171] : memref<32x80x128xi32, #tpu.memory_space<hbm>> -> memref<1x80x128xi32, #tpu.memory_space<hbm>>
      %dma_start3A_173 = tpu.memref_squeeze %dma_start3A_172 : memref<1x80x128xi32, #tpu.memory_space<hbm>> -> memref<80x128xi32, #tpu.memory_space<hbm>>
      tpu.enqueue_dma source(%dma_start3A_173 : memref<80x128xi32, #tpu.memory_space<hbm>>) target(%arg7 : memref<80x128xi32, #tpu.memory_space<vmem>>) target_semaphore(%run_scoped3A : memref<!tpu.dma_semaphore, #tpu.memory_space<semaphore_mem>>)
      %dma_wait3A_174 = arith.constant 0 : i32
      %dma_wait3A_175 = arith.constant 0 : i32
      %dma_wait3A_176 = tpu.memref_slice %arg4[%add3A, %dma_wait3A_174, %dma_wait3A_175] : memref<32x80x128xi32, #tpu.memory_space<hbm>> -> memref<1x80x128xi32, #tpu.memory_space<hbm>>
      %dma_wait3A_177 = tpu.memref_squeeze %dma_wait3A_176 : memref<1x80x128xi32, #tpu.memory_space<hbm>> -> memref<80x128xi32, #tpu.memory_space<hbm>>
      %dma_wait3A_178 = arith.constant 0 : i32
      %dma_wait3A_179 = arith.constant 0 : i32
      %dma_wait3A_180 = tpu.memref_slice %arg4[%add3A, %dma_wait3A_178, %dma_wait3A_179] : memref<32x80x128xi32, #tpu.memory_space<hbm>> -> memref<1x80x128xi32, #tpu.memory_space<hbm>>
      %dma_wait3A_181 = tpu.memref_squeeze %dma_wait3A_180 : memref<1x80x128xi32, #tpu.memory_space<hbm>> -> memref<80x128xi32, #tpu.memory_space<hbm>>
      tpu.wait_dma2 semaphore(%run_scoped3A : memref<!tpu.dma_semaphore, #tpu.memory_space<semaphore_mem>>) src(%dma_wait3A_181 : memref<80x128xi32, #tpu.memory_space<hbm>>) dst(%arg7 : memref<80x128xi32, #tpu.memory_space<vmem>>)
      tpu.yield
    }) : () -> ()
    "tpu.region"() ({
      %run_scoped3A = tpu.sem_alloc : memref<!tpu.dma_semaphore, #tpu.memory_space<semaphore_mem>>
      %dma_start3A_166 = arith.constant 0 : i32
      %dma_start3A_167 = arith.constant 0 : i32
      %dma_start3A_168 = tpu.memref_slice %arg5[%add3A, %dma_start3A_166, %dma_start3A_167] : memref<32x80x128xi32, #tpu.memory_space<hbm>> -> memref<1x80x128xi32, #tpu.memory_space<hbm>>
      %dma_start3A_169 = tpu.memref_squeeze %dma_start3A_168 : memref<1x80x128xi32, #tpu.memory_space<hbm>> -> memref<80x128xi32, #tpu.memory_space<hbm>>
      %dma_start3A_170 = arith.constant 0 : i32
      %dma_start3A_171 = arith.constant 0 : i32
      %dma_start3A_172 = tpu.memref_slice %arg5[%add3A, %dma_start3A_170, %dma_start3A_171] : memref<32x80x128xi32, #tpu.memory_space<hbm>> -> memref<1x80x128xi32, #tpu.memory_space<hbm>>
      %dma_start3A_173 = tpu.memref_squeeze %dma_start3A_172 : memref<1x80x128xi32, #tpu.memory_space<hbm>> -> memref<80x128xi32, #tpu.memory_space<hbm>>
      tpu.enqueue_dma source(%dma_start3A_173 : memref<80x128xi32, #tpu.memory_space<hbm>>) target(%arg8 : memref<80x128xi32, #tpu.memory_space<vmem>>) target_semaphore(%run_scoped3A : memref<!tpu.dma_semaphore, #tpu.memory_space<semaphore_mem>>)
      %dma_wait3A_174 = arith.constant 0 : i32
      %dma_wait3A_175 = arith.constant 0 : i32
      %dma_wait3A_176 = tpu.memref_slice %arg5[%add3A, %dma_wait3A_174, %dma_wait3A_175] : memref<32x80x128xi32, #tpu.memory_space<hbm>> -> memref<1x80x128xi32, #tpu.memory_space<hbm>>
      %dma_wait3A_177 = tpu.memref_squeeze %dma_wait3A_176 : memref<1x80x128xi32, #tpu.memory_space<hbm>> -> memref<80x128xi32, #tpu.memory_space<hbm>>
      %dma_wait3A_178 = arith.constant 0 : i32
      %dma_wait3A_179 = arith.constant 0 : i32
      %dma_wait3A_180 = tpu.memref_slice %arg5[%add3A, %dma_wait3A_178, %dma_wait3A_179] : memref<32x80x128xi32, #tpu.memory_space<hbm>> -> memref<1x80x128xi32, #tpu.memory_space<hbm>>
      %dma_wait3A_181 = tpu.memref_squeeze %dma_wait3A_180 : memref<1x80x128xi32, #tpu.memory_space<hbm>> -> memref<80x128xi32, #tpu.memory_space<hbm>>
      tpu.wait_dma2 semaphore(%run_scoped3A : memref<!tpu.dma_semaphore, #tpu.memory_space<semaphore_mem>>) src(%dma_wait3A_181 : memref<80x128xi32, #tpu.memory_space<hbm>>) dst(%arg8 : memref<80x128xi32, #tpu.memory_space<vmem>>)
      tpu.yield
    }) : () -> ()
    %barrier3A = arith.constant 0 : index
    tpu.barrier barrier_id(%barrier3A)
    %add3A_11 = arith.constant 0 : i32
    %add3A_12 = arith.addi %mul3A_2, %add3A_11 : i32
    %jit3A = arith.constant 12800 : i32
    %div3A = arith.divsi %add3A_12, %jit3A : i32
    %sign3A = arith.constant 0 : i32
    %sign3A_13 = arith.cmpi sgt, %add3A_12, %sign3A : i32
    %sign3A_14 = arith.extui %sign3A_13 : i1 to i32
    %sign3A_15 = arith.constant 0 : i32
    %sign3A_16 = arith.cmpi slt, %add3A_12, %sign3A_15 : i32
    %sign3A_17 = arith.extui %sign3A_16 : i1 to i32
    %sign3A_18 = arith.subi %sign3A_14, %sign3A_17 : i32
    %sign3A_19 = arith.constant 0 : i32
    %sign3A_20 = arith.cmpi sgt, %jit3A, %sign3A_19 : i32
    %sign3A_21 = arith.extui %sign3A_20 : i1 to i32
    %sign3A_22 = arith.constant 0 : i32
    %sign3A_23 = arith.cmpi slt, %jit3A, %sign3A_22 : i32
    %sign3A_24 = arith.extui %sign3A_23 : i1 to i32
    %sign3A_25 = arith.subi %sign3A_21, %sign3A_24 : i32
    %ne3A = arith.cmpi ne, %sign3A_18, %sign3A_25 : i32
    %rem3A = arith.remsi %add3A_12, %jit3A : i32
    %ne3A_26 = arith.constant 0 : i32
    %ne3A_27 = arith.cmpi ne, %rem3A, %ne3A_26 : i32
    %and3A = arith.andi %ne3A, %ne3A_27 : i1
    %sub3A = arith.constant 1 : i32
    %sub3A_28 = arith.subi %div3A, %sub3A : i32
    %select_n3A = arith.select %and3A, %sub3A_28, %div3A : i32
    %mul3A_29 = arith.constant 12800 : i32
    %mul3A_30 = arith.muli %select_n3A, %mul3A_29 : i32
    %sub3A_31 = arith.subi %add3A_12, %mul3A_30 : i32
    %jit3A_32 = arith.constant 3200 : i32
    %div3A_33 = arith.divsi %sub3A_31, %jit3A_32 : i32
    %sign3A_34 = arith.constant 0 : i32
    %sign3A_35 = arith.cmpi sgt, %sub3A_31, %sign3A_34 : i32
    %sign3A_36 = arith.extui %sign3A_35 : i1 to i32
    %sign3A_37 = arith.constant 0 : i32
    %sign3A_38 = arith.cmpi slt, %sub3A_31, %sign3A_37 : i32
    %sign3A_39 = arith.extui %sign3A_38 : i1 to i32
    %sign3A_40 = arith.subi %sign3A_36, %sign3A_39 : i32
    %sign3A_41 = arith.constant 0 : i32
    %sign3A_42 = arith.cmpi sgt, %jit3A_32, %sign3A_41 : i32
    %sign3A_43 = arith.extui %sign3A_42 : i1 to i32
    %sign3A_44 = arith.constant 0 : i32
    %sign3A_45 = arith.cmpi slt, %jit3A_32, %sign3A_44 : i32
    %sign3A_46 = arith.extui %sign3A_45 : i1 to i32
    %sign3A_47 = arith.subi %sign3A_43, %sign3A_46 : i32
    %ne3A_48 = arith.cmpi ne, %sign3A_40, %sign3A_47 : i32
    %rem3A_49 = arith.remsi %sub3A_31, %jit3A_32 : i32
    %ne3A_50 = arith.constant 0 : i32
    %ne3A_51 = arith.cmpi ne, %rem3A_49, %ne3A_50 : i32
    %and3A_52 = arith.andi %ne3A_48, %ne3A_51 : i1
    %sub3A_53 = arith.constant 1 : i32
    %sub3A_54 = arith.subi %div3A_33, %sub3A_53 : i32
    %select_n3A_55 = arith.select %and3A_52, %sub3A_54, %div3A_33 : i32
    %mul3A_56 = arith.constant 3200 : i32
    %mul3A_57 = arith.muli %select_n3A, %mul3A_56 : i32
    %mul3A_58 = arith.constant 3200 : i32
    %mul3A_59 = arith.muli %select_n3A_55, %mul3A_58 : i32
    %sub3A_60 = arith.subi %sub3A_31, %mul3A_59 : i32
    %add3A_61 = arith.addi %mul3A_57, %sub3A_60 : i32
    %mul3A_62 = arith.constant 32 : i32
    %mul3A_63 = arith.muli %select_n3A_55, %mul3A_62 : i32
    %dma_start3A = tpu.memref_slice %arg3[%add3A_61, %mul3A_63] : memref<81920x128xf32, #tpu.memory_space<hbm>> -> memref<128x32xf32, #tpu.memory_space<hbm>>
    %dma_start3A_64 = tpu.memref_slice %arg3[%add3A_61, %mul3A_63] : memref<81920x128xf32, #tpu.memory_space<hbm>> -> memref<128x32xf32, #tpu.memory_space<hbm>>
    tpu.enqueue_dma source(%dma_start3A_64 : memref<128x32xf32, #tpu.memory_space<hbm>>) target(%arg11 : memref<128x32xf32, #tpu.memory_space<vmem>>) target_semaphore(%arg19 : memref<!tpu.dma_semaphore, #tpu.memory_space<semaphore_mem>>)
    %dma_start3A_65 = arith.constant 0 : i32
    %dma_start3A_66 = arith.constant 0 : i32
    %dma_start3A_67 = tpu.memref_slice %arg7[%dma_start3A_65, %dma_start3A_66] : memref<80x128xi32, #tpu.memory_space<vmem>> -> memref<1x128xi32, #tpu.memory_space<vmem>>
    %dma_start3A_68 = tpu.memref_squeeze %dma_start3A_67 : memref<1x128xi32, #tpu.memory_space<vmem>> -> memref<128xi32, #tpu.memory_space<vmem>>
    %dma_start3A_69 = arith.constant 0 : i32
    %dma_start3A_70 = arith.constant 0 : i32
    %dma_start3A_71 = tpu.memref_slice %arg2[%dma_start3A_69, %dma_start3A_70] : memref<10000x32xf32, #tpu.memory_space<hbm>> -> memref<10000x32xf32, #tpu.memory_space<hbm>>
    tpu.enqueue_indirect_dma source(%dma_start3A_71 : memref<10000x32xf32, #tpu.memory_space<hbm>>) target(%arg9 : memref<128x32xf32, #tpu.memory_space<vmem>>) offsets(%dma_start3A_68 : memref<128xi32, #tpu.memory_space<vmem>>) semaphore(%arg17 : memref<!tpu.dma_semaphore, #tpu.memory_space<semaphore_mem>>)
    %add3A_72 = arith.constant 128 : i32
    %add3A_73 = arith.addi %mul3A_2, %add3A_72 : i32
    %jit3A_74 = arith.constant 12800 : i32
    %div3A_75 = arith.divsi %add3A_73, %jit3A_74 : i32
    %sign3A_76 = arith.constant 0 : i32
    %sign3A_77 = arith.cmpi sgt, %add3A_73, %sign3A_76 : i32
    %sign3A_78 = arith.extui %sign3A_77 : i1 to i32
    %sign3A_79 = arith.constant 0 : i32
    %sign3A_80 = arith.cmpi slt, %add3A_73, %sign3A_79 : i32
    %sign3A_81 = arith.extui %sign3A_80 : i1 to i32
    %sign3A_82 = arith.subi %sign3A_78, %sign3A_81 : i32
    %sign3A_83 = arith.constant 0 : i32
    %sign3A_84 = arith.cmpi sgt, %jit3A_74, %sign3A_83 : i32
    %sign3A_85 = arith.extui %sign3A_84 : i1 to i32
    %sign3A_86 = arith.constant 0 : i32
    %sign3A_87 = arith.cmpi slt, %jit3A_74, %sign3A_86 : i32
    %sign3A_88 = arith.extui %sign3A_87 : i1 to i32
    %sign3A_89 = arith.subi %sign3A_85, %sign3A_88 : i32
    %ne3A_90 = arith.cmpi ne, %sign3A_82, %sign3A_89 : i32
    %rem3A_91 = arith.remsi %add3A_73, %jit3A_74 : i32
    %ne3A_92 = arith.constant 0 : i32
    %ne3A_93 = arith.cmpi ne, %rem3A_91, %ne3A_92 : i32
    %and3A_94 = arith.andi %ne3A_90, %ne3A_93 : i1
    %sub3A_95 = arith.constant 1 : i32
    %sub3A_96 = arith.subi %div3A_75, %sub3A_95 : i32
    %select_n3A_97 = arith.select %and3A_94, %sub3A_96, %div3A_75 : i32
    %mul3A_98 = arith.constant 12800 : i32
    %mul3A_99 = arith.muli %select_n3A_97, %mul3A_98 : i32
    %sub3A_100 = arith.subi %add3A_73, %mul3A_99 : i32
    %jit3A_101 = arith.constant 3200 : i32
    %div3A_102 = arith.divsi %sub3A_100, %jit3A_101 : i32
    %sign3A_103 = arith.constant 0 : i32
    %sign3A_104 = arith.cmpi sgt, %sub3A_100, %sign3A_103 : i32
    %sign3A_105 = arith.extui %sign3A_104 : i1 to i32
    %sign3A_106 = arith.constant 0 : i32
    %sign3A_107 = arith.cmpi slt, %sub3A_100, %sign3A_106 : i32
    %sign3A_108 = arith.extui %sign3A_107 : i1 to i32
    %sign3A_109 = arith.subi %sign3A_105, %sign3A_108 : i32
    %sign3A_110 = arith.constant 0 : i32
    %sign3A_111 = arith.cmpi sgt, %jit3A_101, %sign3A_110 : i32
    %sign3A_112 = arith.extui %sign3A_111 : i1 to i32
    %sign3A_113 = arith.constant 0 : i32
    %sign3A_114 = arith.cmpi slt, %jit3A_101, %sign3A_113 : i32
    %sign3A_115 = arith.extui %sign3A_114 : i1 to i32
    %sign3A_116 = arith.subi %sign3A_112, %sign3A_115 : i32
    %ne3A_117 = arith.cmpi ne, %sign3A_109, %sign3A_116 : i32
    %rem3A_118 = arith.remsi %sub3A_100, %jit3A_101 : i32
    %ne3A_119 = arith.constant 0 : i32
    %ne3A_120 = arith.cmpi ne, %rem3A_118, %ne3A_119 : i32
    %and3A_121 = arith.andi %ne3A_117, %ne3A_120 : i1
    %sub3A_122 = arith.constant 1 : i32
    %sub3A_123 = arith.subi %div3A_102, %sub3A_122 : i32
    %select_n3A_124 = arith.select %and3A_121, %sub3A_123, %div3A_102 : i32
    %mul3A_125 = arith.constant 3200 : i32
    %mul3A_126 = arith.muli %select_n3A_97, %mul3A_125 : i32
    %mul3A_127 = arith.constant 3200 : i32
    %mul3A_128 = arith.muli %select_n3A_124, %mul3A_127 : i32
    %sub3A_129 = arith.subi %sub3A_100, %mul3A_128 : i32
    %add3A_130 = arith.addi %mul3A_126, %sub3A_129 : i32
    %mul3A_131 = arith.constant 32 : i32
    %mul3A_132 = arith.muli %select_n3A_124, %mul3A_131 : i32
    %dma_start3A_133 = tpu.memref_slice %arg3[%add3A_130, %mul3A_132] : memref<81920x128xf32, #tpu.memory_space<hbm>> -> memref<128x32xf32, #tpu.memory_space<hbm>>
    %dma_start3A_134 = tpu.memref_slice %arg3[%add3A_130, %mul3A_132] : memref<81920x128xf32, #tpu.memory_space<hbm>> -> memref<128x32xf32, #tpu.memory_space<hbm>>
    tpu.enqueue_dma source(%dma_start3A_134 : memref<128x32xf32, #tpu.memory_space<hbm>>) target(%arg12 : memref<128x32xf32, #tpu.memory_space<vmem>>) target_semaphore(%arg20 : memref<!tpu.dma_semaphore, #tpu.memory_space<semaphore_mem>>)
    %dma_start3A_135 = arith.constant 1 : i32
    %dma_start3A_136 = arith.constant 0 : i32
    %dma_start3A_137 = tpu.memref_slice %arg7[%dma_start3A_135, %dma_start3A_136] : memref<80x128xi32, #tpu.memory_space<vmem>> -> memref<1x128xi32, #tpu.memory_space<vmem>>
    %dma_start3A_138 = tpu.memref_squeeze %dma_start3A_137 : memref<1x128xi32, #tpu.memory_space<vmem>> -> memref<128xi32, #tpu.memory_space<vmem>>
    %dma_start3A_139 = arith.constant 0 : i32
    %dma_start3A_140 = arith.constant 0 : i32
    %dma_start3A_141 = tpu.memref_slice %arg2[%dma_start3A_139, %dma_start3A_140] : memref<10000x32xf32, #tpu.memory_space<hbm>> -> memref<10000x32xf32, #tpu.memory_space<hbm>>
    tpu.enqueue_indirect_dma source(%dma_start3A_141 : memref<10000x32xf32, #tpu.memory_space<hbm>>) target(%arg10 : memref<128x32xf32, #tpu.memory_space<vmem>>) offsets(%dma_start3A_138 : memref<128xi32, #tpu.memory_space<vmem>>) semaphore(%arg18 : memref<!tpu.dma_semaphore, #tpu.memory_space<semaphore_mem>>)
    %scan3A_142 = arith.constant 0 : i32
    %scan3A_143 = arith.constant 0 : i32
    %scan3A_144 = arith.constant 40 : i32
    %scan3A_145 = arith.addi %scan3A_143, %scan3A_144 : i32
    %scan3A_146 = arith.constant 1 : i32
    scf.for %scan3A_166 = %scan3A_143 to %scan3A_145 step %scan3A_146  : i32 {
      %mul3A_167 = arith.constant 2 : i32
      %mul3A_168 = arith.muli %mul3A_167, %scan3A_166 : i32
      %mul3A_169 = arith.constant 2 : i32
      %mul3A_170 = arith.muli %mul3A_169, %scan3A_166 : i32
      %add3A_171 = arith.constant 1 : i32
      %add3A_172 = arith.addi %mul3A_170, %add3A_171 : i32
      %mul3A_173 = arith.constant 128 : i32
      %mul3A_174 = arith.muli %mul3A_168, %mul3A_173 : i32
      %add3A_175 = arith.addi %mul3A_2, %mul3A_174 : i32
      %jit3A_176 = arith.constant 12800 : i32
      %div3A_177 = arith.divsi %add3A_175, %jit3A_176 : i32
      %sign3A_178 = arith.constant 0 : i32
      %sign3A_179 = arith.cmpi sgt, %add3A_175, %sign3A_178 : i32
      %sign3A_180 = arith.extui %sign3A_179 : i1 to i32
      %sign3A_181 = arith.constant 0 : i32
      %sign3A_182 = arith.cmpi slt, %add3A_175, %sign3A_181 : i32
      %sign3A_183 = arith.extui %sign3A_182 : i1 to i32
      %sign3A_184 = arith.subi %sign3A_180, %sign3A_183 : i32
      %sign3A_185 = arith.constant 0 : i32
      %sign3A_186 = arith.cmpi sgt, %jit3A_176, %sign3A_185 : i32
      %sign3A_187 = arith.extui %sign3A_186 : i1 to i32
      %sign3A_188 = arith.constant 0 : i32
      %sign3A_189 = arith.cmpi slt, %jit3A_176, %sign3A_188 : i32
      %sign3A_190 = arith.extui %sign3A_189 : i1 to i32
      %sign3A_191 = arith.subi %sign3A_187, %sign3A_190 : i32
      %ne3A_192 = arith.cmpi ne, %sign3A_184, %sign3A_191 : i32
      %rem3A_193 = arith.remsi %add3A_175, %jit3A_176 : i32
      %ne3A_194 = arith.constant 0 : i32
      %ne3A_195 = arith.cmpi ne, %rem3A_193, %ne3A_194 : i32
      %and3A_196 = arith.andi %ne3A_192, %ne3A_195 : i1
      %sub3A_197 = arith.constant 1 : i32
      %sub3A_198 = arith.subi %div3A_177, %sub3A_197 : i32
      %select_n3A_199 = arith.select %and3A_196, %sub3A_198, %div3A_177 : i32
      %mul3A_200 = arith.constant 12800 : i32
      %mul3A_201 = arith.muli %select_n3A_199, %mul3A_200 : i32
      %sub3A_202 = arith.subi %add3A_175, %mul3A_201 : i32
      %jit3A_203 = arith.constant 3200 : i32
      %div3A_204 = arith.divsi %sub3A_202, %jit3A_203 : i32
      %sign3A_205 = arith.constant 0 : i32
      %sign3A_206 = arith.cmpi sgt, %sub3A_202, %sign3A_205 : i32
      %sign3A_207 = arith.extui %sign3A_206 : i1 to i32
      %sign3A_208 = arith.constant 0 : i32
      %sign3A_209 = arith.cmpi slt, %sub3A_202, %sign3A_208 : i32
      %sign3A_210 = arith.extui %sign3A_209 : i1 to i32
      %sign3A_211 = arith.subi %sign3A_207, %sign3A_210 : i32
      %sign3A_212 = arith.constant 0 : i32
      %sign3A_213 = arith.cmpi sgt, %jit3A_203, %sign3A_212 : i32
      %sign3A_214 = arith.extui %sign3A_213 : i1 to i32
      %sign3A_215 = arith.constant 0 : i32
      %sign3A_216 = arith.cmpi slt, %jit3A_203, %sign3A_215 : i32
      %sign3A_217 = arith.extui %sign3A_216 : i1 to i32
      %sign3A_218 = arith.subi %sign3A_214, %sign3A_217 : i32
      %ne3A_219 = arith.cmpi ne, %sign3A_211, %sign3A_218 : i32
      %rem3A_220 = arith.remsi %sub3A_202, %jit3A_203 : i32
      %ne3A_221 = arith.constant 0 : i32
      %ne3A_222 = arith.cmpi ne, %rem3A_220, %ne3A_221 : i32
      %and3A_223 = arith.andi %ne3A_219, %ne3A_222 : i1
      %sub3A_224 = arith.constant 1 : i32
      %sub3A_225 = arith.subi %div3A_204, %sub3A_224 : i32
      %select_n3A_226 = arith.select %and3A_223, %sub3A_225, %div3A_204 : i32
      %mul3A_227 = arith.constant 3200 : i32
      %mul3A_228 = arith.muli %select_n3A_199, %mul3A_227 : i32
      %mul3A_229 = arith.constant 3200 : i32
      %mul3A_230 = arith.muli %select_n3A_226, %mul3A_229 : i32
      %sub3A_231 = arith.subi %sub3A_202, %mul3A_230 : i32
      %add3A_232 = arith.addi %mul3A_228, %sub3A_231 : i32
      %mul3A_233 = arith.constant 32 : i32
      %mul3A_234 = arith.muli %select_n3A_226, %mul3A_233 : i32
      %dma_wait3A_235 = tpu.memref_slice %arg3[%add3A_232, %mul3A_234] : memref<81920x128xf32, #tpu.memory_space<hbm>> -> memref<128x32xf32, #tpu.memory_space<hbm>>
      %dma_wait3A_236 = tpu.memref_slice %arg3[%add3A_232, %mul3A_234] : memref<81920x128xf32, #tpu.memory_space<hbm>> -> memref<128x32xf32, #tpu.memory_space<hbm>>
      tpu.wait_dma2 semaphore(%arg19 : memref<!tpu.dma_semaphore, #tpu.memory_space<semaphore_mem>>) src(%dma_wait3A_236 : memref<128x32xf32, #tpu.memory_space<hbm>>) dst(%arg11 : memref<128x32xf32, #tpu.memory_space<vmem>>)
      %dma_wait3A_237 = arith.constant 0 : i32
      %dma_wait3A_238 = tpu.memref_slice %arg7[%mul3A_168, %dma_wait3A_237] : memref<80x128xi32, #tpu.memory_space<vmem>> -> memref<1x128xi32, #tpu.memory_space<vmem>>
      %dma_wait3A_239 = tpu.memref_squeeze %dma_wait3A_238 : memref<1x128xi32, #tpu.memory_space<vmem>> -> memref<128xi32, #tpu.memory_space<vmem>>
      %dma_wait3A_240 = arith.constant 0 : i32
      %dma_wait3A_241 = arith.constant 0 : i32
      %dma_wait3A_242 = tpu.memref_slice %arg2[%dma_wait3A_240, %dma_wait3A_241] : memref<10000x32xf32, #tpu.memory_space<hbm>> -> memref<10000x32xf32, #tpu.memory_space<hbm>>
      tpu.wait_indirect_dma semaphore(%arg17 : memref<!tpu.dma_semaphore, #tpu.memory_space<semaphore_mem>>) src(%dma_wait3A_242 : memref<10000x32xf32, #tpu.memory_space<hbm>>) dst(%arg9 : memref<128x32xf32, #tpu.memory_space<vmem>>)
      %gt3A = arith.constant 0 : i32
      %gt3A_243 = arith.cmpi sgt, %scan3A_166, %gt3A : i32
      %convert_element_type3A = arith.extui %gt3A_243 : i1 to i32
      %cond3A = arith.constant 0 : i32
      %cond3A_244 = arith.cmpi ne, %convert_element_type3A, %cond3A : i32
      scf.if %cond3A_244 {
        %sub3A_357 = arith.constant 2 : i32
        %sub3A_358 = arith.subi %mul3A_168, %sub3A_357 : i32
        %dma_wait3A_359 = arith.constant 0 : i32
        %dma_wait3A_360 = tpu.memref_slice %arg8[%sub3A_358, %dma_wait3A_359] : memref<80x128xi32, #tpu.memory_space<vmem>> -> memref<1x128xi32, #tpu.memory_space<vmem>>
        %dma_wait3A_361 = tpu.memref_squeeze %dma_wait3A_360 : memref<1x128xi32, #tpu.memory_space<vmem>> -> memref<128xi32, #tpu.memory_space<vmem>>
        %dma_wait3A_362 = arith.constant 0 : i32
        %dma_wait3A_363 = arith.constant 0 : i32
        %dma_wait3A_364 = tpu.memref_slice %arg16[%dma_wait3A_362, %dma_wait3A_363] : memref<10240x32xf32, #tpu.memory_space<vmem_shared>> -> memref<10240x32xf32, #tpu.memory_space<vmem_shared>>
        tpu.wait_indirect_dma semaphore(%arg21 : memref<!tpu.dma_semaphore, #tpu.memory_space<semaphore_mem>>) src(%arg13 : memref<128x32xf32, #tpu.memory_space<vmem>>) dst(%dma_wait3A_364 : memref<10240x32xf32, #tpu.memory_space<vmem_shared>>)
      } else {
      }
      %scan3A_245 = arith.constant 0 : i32
      %scan3A_246 = arith.constant 0 : i32
      %scan3A_247 = arith.constant 128 : i32
      %scan3A_248 = arith.addi %scan3A_246, %scan3A_247 : i32
      %scan3A_249 = arith.constant 8 : i32
      scf.for %scan3A_357 = %scan3A_246 to %scan3A_248 step %scan3A_249  : i32 {
        %get3A = arith.index_cast %scan3A_357 : i32 to index
        %get3A_358 = arith.constant 0 : index
        %get3A_359 = tpu.vector_load %arg9[%get3A, %get3A_358] {strides = array<i32>} : memref<128x32xf32, #tpu.memory_space<vmem>>, vector<1x16xf32>,
        %get3A_360 = vector.shape_cast %get3A_359 : vector<1x16xf32> to vector<16xf32>
        %get3A_361 = arith.index_cast %scan3A_357 : i32 to index
        %get3A_362 = arith.constant 0 : index
        %get3A_363 = tpu.vector_load %arg11[%get3A_361, %get3A_362] {strides = array<i32>} : memref<128x32xf32, #tpu.memory_space<vmem>>, vector<1x16xf32>,
        %get3A_364 = vector.shape_cast %get3A_363 : vector<1x16xf32> to vector<16xf32>
        %add3A_365 = arith.addf %get3A_360, %get3A_364 : vector<16xf32>
        %max3A = arith.constant 0.000000e+00 : f32
        %max3A_366 = vector.broadcast %max3A : f32 to vector<16xf32>
        %max3A_367 = arith.maximumf %add3A_365, %max3A_366 : vector<16xf32>
        %swap3A = arith.index_cast %scan3A_357 : i32 to index
        %swap3A_368 = arith.constant 0 : index
        %swap3A_369 = tpu.vector_load %arg13[%swap3A, %swap3A_368] {strides = array<i32>} : memref<128x32xf32, #tpu.memory_space<vmem>>, vector<1x16xf32>,
        %swap3A_370 = vector.shape_cast %swap3A_369 : vector<1x16xf32> to vector<16xf32>
        %swap3A_371 = vector.shape_cast %max3A_367 : vector<16xf32> to vector<1x16xf32>
        tpu.vector_store %arg13[%swap3A, %swap3A_368], %swap3A_371 {strides = array<i32>} : memref<128x32xf32, #tpu.memory_space<vmem>>, vector<1x16xf32>,
        %get3A_372 = arith.index_cast %scan3A_357 : i32 to index
        %get3A_373 = arith.constant 16 : index
        %get3A_374 = tpu.vector_load %arg9[%get3A_372, %get3A_373] {strides = array<i32>} : memref<128x32xf32, #tpu.memory_space<vmem>>, vector<1x16xf32>,
        %get3A_375 = vector.shape_cast %get3A_374 : vector<1x16xf32> to vector<16xf32>
        %get3A_376 = arith.index_cast %scan3A_357 : i32 to index
        %get3A_377 = arith.constant 16 : index
        %get3A_378 = tpu.vector_load %arg11[%get3A_376, %get3A_377] {strides = array<i32>} : memref<128x32xf32, #tpu.memory_space<vmem>>, vector<1x16xf32>,
        %get3A_379 = vector.shape_cast %get3A_378 : vector<1x16xf32> to vector<16xf32>
        %add3A_380 = arith.addf %get3A_375, %get3A_379 : vector<16xf32>
        %max3A_381 = arith.constant 0.000000e+00 : f32
        %max3A_382 = vector.broadcast %max3A_381 : f32 to vector<16xf32>
        %max3A_383 = arith.maximumf %add3A_380, %max3A_382 : vector<16xf32>
        %swap3A_384 = arith.index_cast %scan3A_357 : i32 to index
        %swap3A_385 = arith.constant 16 : index
        %swap3A_386 = tpu.vector_load %arg13[%swap3A_384, %swap3A_385] {strides = array<i32>} : memref<128x32xf32, #tpu.memory_space<vmem>>, vector<1x16xf32>,
        %swap3A_387 = vector.shape_cast %swap3A_386 : vector<1x16xf32> to vector<16xf32>
        %swap3A_388 = vector.shape_cast %max3A_383 : vector<16xf32> to vector<1x16xf32>
        tpu.vector_store %arg13[%swap3A_384, %swap3A_385], %swap3A_388 {strides = array<i32>} : memref<128x32xf32, #tpu.memory_space<vmem>>, vector<1x16xf32>,
        %scan3A_389 = arith.constant 1 : i32
        %scan3A_390 = arith.addi %scan3A_357, %scan3A_389 : i32
        %get3A_391 = arith.index_cast %scan3A_390 : i32 to index
        %get3A_392 = arith.constant 0 : index
        %get3A_393 = tpu.vector_load %arg9[%get3A_391, %get3A_392] {strides = array<i32>} : memref<128x32xf32, #tpu.memory_space<vmem>>, vector<1x16xf32>,
        %get3A_394 = vector.shape_cast %get3A_393 : vector<1x16xf32> to vector<16xf32>
        %get3A_395 = arith.index_cast %scan3A_390 : i32 to index
        %get3A_396 = arith.constant 0 : index
        %get3A_397 = tpu.vector_load %arg11[%get3A_395, %get3A_396] {strides = array<i32>} : memref<128x32xf32, #tpu.memory_space<vmem>>, vector<1x16xf32>,
        %get3A_398 = vector.shape_cast %get3A_397 : vector<1x16xf32> to vector<16xf32>
        %add3A_399 = arith.addf %get3A_394, %get3A_398 : vector<16xf32>
        %max3A_400 = arith.constant 0.000000e+00 : f32
        %max3A_401 = vector.broadcast %max3A_400 : f32 to vector<16xf32>
        %max3A_402 = arith.maximumf %add3A_399, %max3A_401 : vector<16xf32>
        %swap3A_403 = arith.index_cast %scan3A_390 : i32 to index
        %swap3A_404 = arith.constant 0 : index
        %swap3A_405 = tpu.vector_load %arg13[%swap3A_403, %swap3A_404] {strides = array<i32>} : memref<128x32xf32, #tpu.memory_space<vmem>>, vector<1x16xf32>,
        %swap3A_406 = vector.shape_cast %swap3A_405 : vector<1x16xf32> to vector<16xf32>
        %swap3A_407 = vector.shape_cast %max3A_402 : vector<16xf32> to vector<1x16xf32>
        tpu.vector_store %arg13[%swap3A_403, %swap3A_404], %swap3A_407 {strides = array<i32>} : memref<128x32xf32, #tpu.memory_space<vmem>>, vector<1x16xf32>,
        %get3A_408 = arith.index_cast %scan3A_390 : i32 to index
        %get3A_409 = arith.constant 16 : index
        %get3A_410 = tpu.vector_load %arg9[%get3A_408, %get3A_409] {strides = array<i32>} : memref<128x32xf32, #tpu.memory_space<vmem>>, vector<1x16xf32>,
        %get3A_411 = vector.shape_cast %get3A_410 : vector<1x16xf32> to vector<16xf32>
        %get3A_412 = arith.index_cast %scan3A_390 : i32 to index
        %get3A_413 = arith.constant 16 : index
        %get3A_414 = tpu.vector_load %arg11[%get3A_412, %get3A_413] {strides = array<i32>} : memref<128x32xf32, #tpu.memory_space<vmem>>, vector<1x16xf32>,
        %get3A_415 = vector.shape_cast %get3A_414 : vector<1x16xf32> to vector<16xf32>
        %add3A_416 = arith.addf %get3A_411, %get3A_415 : vector<16xf32>
        %max3A_417 = arith.constant 0.000000e+00 : f32
        %max3A_418 = vector.broadcast %max3A_417 : f32 to vector<16xf32>
        %max3A_419 = arith.maximumf %add3A_416, %max3A_418 : vector<16xf32>
        %swap3A_420 = arith.index_cast %scan3A_390 : i32 to index
        %swap3A_421 = arith.constant 16 : index
        %swap3A_422 = tpu.vector_load %arg13[%swap3A_420, %swap3A_421] {strides = array<i32>} : memref<128x32xf32, #tpu.memory_space<vmem>>, vector<1x16xf32>,
        %swap3A_423 = vector.shape_cast %swap3A_422 : vector<1x16xf32> to vector<16xf32>
        %swap3A_424 = vector.shape_cast %max3A_419 : vector<16xf32> to vector<1x16xf32>
        tpu.vector_store %arg13[%swap3A_420, %swap3A_421], %swap3A_424 {strides = array<i32>} : memref<128x32xf32, #tpu.memory_space<vmem>>, vector<1x16xf32>,
        %scan3A_425 = arith.constant 2 : i32
        %scan3A_426 = arith.addi %scan3A_357, %scan3A_425 : i32
        %get3A_427 = arith.index_cast %scan3A_426 : i32 to index
        %get3A_428 = arith.constant 0 : index
        %get3A_429 = tpu.vector_load %arg9[%get3A_427, %get3A_428] {strides = array<i32>} : memref<128x32xf32, #tpu.memory_space<vmem>>, vector<1x16xf32>,
        %get3A_430 = vector.shape_cast %get3A_429 : vector<1x16xf32> to vector<16xf32>
        %get3A_431 = arith.index_cast %scan3A_426 : i32 to index
        %get3A_432 = arith.constant 0 : index
        %get3A_433 = tpu.vector_load %arg11[%get3A_431, %get3A_432] {strides = array<i32>} : memref<128x32xf32, #tpu.memory_space<vmem>>, vector<1x16xf32>,
        %get3A_434 = vector.shape_cast %get3A_433 : vector<1x16xf32> to vector<16xf32>
        %add3A_435 = arith.addf %get3A_430, %get3A_434 : vector<16xf32>
        %max3A_436 = arith.constant 0.000000e+00 : f32
        %max3A_437 = vector.broadcast %max3A_436 : f32 to vector<16xf32>
        %max3A_438 = arith.maximumf %add3A_435, %max3A_437 : vector<16xf32>
        %swap3A_439 = arith.index_cast %scan3A_426 : i32 to index
        %swap3A_440 = arith.constant 0 : index
        %swap3A_441 = tpu.vector_load %arg13[%swap3A_439, %swap3A_440] {strides = array<i32>} : memref<128x32xf32, #tpu.memory_space<vmem>>, vector<1x16xf32>,
        %swap3A_442 = vector.shape_cast %swap3A_441 : vector<1x16xf32> to vector<16xf32>
        %swap3A_443 = vector.shape_cast %max3A_438 : vector<16xf32> to vector<1x16xf32>
        tpu.vector_store %arg13[%swap3A_439, %swap3A_440], %swap3A_443 {strides = array<i32>} : memref<128x32xf32, #tpu.memory_space<vmem>>, vector<1x16xf32>,
        %get3A_444 = arith.index_cast %scan3A_426 : i32 to index
        %get3A_445 = arith.constant 16 : index
        %get3A_446 = tpu.vector_load %arg9[%get3A_444, %get3A_445] {strides = array<i32>} : memref<128x32xf32, #tpu.memory_space<vmem>>, vector<1x16xf32>,
        %get3A_447 = vector.shape_cast %get3A_446 : vector<1x16xf32> to vector<16xf32>
        %get3A_448 = arith.index_cast %scan3A_426 : i32 to index
        %get3A_449 = arith.constant 16 : index
        %get3A_450 = tpu.vector_load %arg11[%get3A_448, %get3A_449] {strides = array<i32>} : memref<128x32xf32, #tpu.memory_space<vmem>>, vector<1x16xf32>,
        %get3A_451 = vector.shape_cast %get3A_450 : vector<1x16xf32> to vector<16xf32>
        %add3A_452 = arith.addf %get3A_447, %get3A_451 : vector<16xf32>
        %max3A_453 = arith.constant 0.000000e+00 : f32
        %max3A_454 = vector.broadcast %max3A_453 : f32 to vector<16xf32>
        %max3A_455 = arith.maximumf %add3A_452, %max3A_454 : vector<16xf32>
        %swap3A_456 = arith.index_cast %scan3A_426 : i32 to index
        %swap3A_457 = arith.constant 16 : index
        %swap3A_458 = tpu.vector_load %arg13[%swap3A_456, %swap3A_457] {strides = array<i32>} : memref<128x32xf32, #tpu.memory_space<vmem>>, vector<1x16xf32>,
        %swap3A_459 = vector.shape_cast %swap3A_458 : vector<1x16xf32> to vector<16xf32>
        %swap3A_460 = vector.shape_cast %max3A_455 : vector<16xf32> to vector<1x16xf32>
        tpu.vector_store %arg13[%swap3A_456, %swap3A_457], %swap3A_460 {strides = array<i32>} : memref<128x32xf32, #tpu.memory_space<vmem>>, vector<1x16xf32>,
        %scan3A_461 = arith.constant 3 : i32
        %scan3A_462 = arith.addi %scan3A_357, %scan3A_461 : i32
        %get3A_463 = arith.index_cast %scan3A_462 : i32 to index
        %get3A_464 = arith.constant 0 : index
        %get3A_465 = tpu.vector_load %arg9[%get3A_463, %get3A_464] {strides = array<i32>} : memref<128x32xf32, #tpu.memory_space<vmem>>, vector<1x16xf32>,
        %get3A_466 = vector.shape_cast %get3A_465 : vector<1x16xf32> to vector<16xf32>
        %get3A_467 = arith.index_cast %scan3A_462 : i32 to index
        %get3A_468 = arith.constant 0 : index
        %get3A_469 = tpu.vector_load %arg11[%get3A_467, %get3A_468] {strides = array<i32>} : memref<128x32xf32, #tpu.memory_space<vmem>>, vector<1x16xf32>,
        %get3A_470 = vector.shape_cast %get3A_469 : vector<1x16xf32> to vector<16xf32>
        %add3A_471 = arith.addf %get3A_466, %get3A_470 : vector<16xf32>
        %max3A_472 = arith.constant 0.000000e+00 : f32
        %max3A_473 = vector.broadcast %max3A_472 : f32 to vector<16xf32>
        %max3A_474 = arith.maximumf %add3A_471, %max3A_473 : vector<16xf32>
        %swap3A_475 = arith.index_cast %scan3A_462 : i32 to index
        %swap3A_476 = arith.constant 0 : index
        %swap3A_477 = tpu.vector_load %arg13[%swap3A_475, %swap3A_476] {strides = array<i32>} : memref<128x32xf32, #tpu.memory_space<vmem>>, vector<1x16xf32>,
        %swap3A_478 = vector.shape_cast %swap3A_477 : vector<1x16xf32> to vector<16xf32>
        %swap3A_479 = vector.shape_cast %max3A_474 : vector<16xf32> to vector<1x16xf32>
        tpu.vector_store %arg13[%swap3A_475, %swap3A_476], %swap3A_479 {strides = array<i32>} : memref<128x32xf32, #tpu.memory_space<vmem>>, vector<1x16xf32>,
        %get3A_480 = arith.index_cast %scan3A_462 : i32 to index
        %get3A_481 = arith.constant 16 : index
        %get3A_482 = tpu.vector_load %arg9[%get3A_480, %get3A_481] {strides = array<i32>} : memref<128x32xf32, #tpu.memory_space<vmem>>, vector<1x16xf32>,
        %get3A_483 = vector.shape_cast %get3A_482 : vector<1x16xf32> to vector<16xf32>
        %get3A_484 = arith.index_cast %scan3A_462 : i32 to index
        %get3A_485 = arith.constant 16 : index
        %get3A_486 = tpu.vector_load %arg11[%get3A_484, %get3A_485] {strides = array<i32>} : memref<128x32xf32, #tpu.memory_space<vmem>>, vector<1x16xf32>,
        %get3A_487 = vector.shape_cast %get3A_486 : vector<1x16xf32> to vector<16xf32>
        %add3A_488 = arith.addf %get3A_483, %get3A_487 : vector<16xf32>
        %max3A_489 = arith.constant 0.000000e+00 : f32
        %max3A_490 = vector.broadcast %max3A_489 : f32 to vector<16xf32>
        %max3A_491 = arith.maximumf %add3A_488, %max3A_490 : vector<16xf32>
        %swap3A_492 = arith.index_cast %scan3A_462 : i32 to index
        %swap3A_493 = arith.constant 16 : index
        %swap3A_494 = tpu.vector_load %arg13[%swap3A_492, %swap3A_493] {strides = array<i32>} : memref<128x32xf32, #tpu.memory_space<vmem>>, vector<1x16xf32>,
        %swap3A_495 = vector.shape_cast %swap3A_494 : vector<1x16xf32> to vector<16xf32>
        %swap3A_496 = vector.shape_cast %max3A_491 : vector<16xf32> to vector<1x16xf32>
        tpu.vector_store %arg13[%swap3A_492, %swap3A_493], %swap3A_496 {strides = array<i32>} : memref<128x32xf32, #tpu.memory_space<vmem>>, vector<1x16xf32>,
        %scan3A_497 = arith.constant 4 : i32
        %scan3A_498 = arith.addi %scan3A_357, %scan3A_497 : i32
        %get3A_499 = arith.index_cast %scan3A_498 : i32 to index
        %get3A_500 = arith.constant 0 : index
        %get3A_501 = tpu.vector_load %arg9[%get3A_499, %get3A_500] {strides = array<i32>} : memref<128x32xf32, #tpu.memory_space<vmem>>, vector<1x16xf32>,
        %get3A_502 = vector.shape_cast %get3A_501 : vector<1x16xf32> to vector<16xf32>
        %get3A_503 = arith.index_cast %scan3A_498 : i32 to index
        %get3A_504 = arith.constant 0 : index
        %get3A_505 = tpu.vector_load %arg11[%get3A_503, %get3A_504] {strides = array<i32>} : memref<128x32xf32, #tpu.memory_space<vmem>>, vector<1x16xf32>,
        %get3A_506 = vector.shape_cast %get3A_505 : vector<1x16xf32> to vector<16xf32>
        %add3A_507 = arith.addf %get3A_502, %get3A_506 : vector<16xf32>
        %max3A_508 = arith.constant 0.000000e+00 : f32
        %max3A_509 = vector.broadcast %max3A_508 : f32 to vector<16xf32>
        %max3A_510 = arith.maximumf %add3A_507, %max3A_509 : vector<16xf32>
        %swap3A_511 = arith.index_cast %scan3A_498 : i32 to index
        %swap3A_512 = arith.constant 0 : index
        %swap3A_513 = tpu.vector_load %arg13[%swap3A_511, %swap3A_512] {strides = array<i32>} : memref<128x32xf32, #tpu.memory_space<vmem>>, vector<1x16xf32>,
        %swap3A_514 = vector.shape_cast %swap3A_513 : vector<1x16xf32> to vector<16xf32>
        %swap3A_515 = vector.shape_cast %max3A_510 : vector<16xf32> to vector<1x16xf32>
        tpu.vector_store %arg13[%swap3A_511, %swap3A_512], %swap3A_515 {strides = array<i32>} : memref<128x32xf32, #tpu.memory_space<vmem>>, vector<1x16xf32>,
        %get3A_516 = arith.index_cast %scan3A_498 : i32 to index
        %get3A_517 = arith.constant 16 : index
        %get3A_518 = tpu.vector_load %arg9[%get3A_516, %get3A_517] {strides = array<i32>} : memref<128x32xf32, #tpu.memory_space<vmem>>, vector<1x16xf32>,
        %get3A_519 = vector.shape_cast %get3A_518 : vector<1x16xf32> to vector<16xf32>
        %get3A_520 = arith.index_cast %scan3A_498 : i32 to index
        %get3A_521 = arith.constant 16 : index
        %get3A_522 = tpu.vector_load %arg11[%get3A_520, %get3A_521] {strides = array<i32>} : memref<128x32xf32, #tpu.memory_space<vmem>>, vector<1x16xf32>,
        %get3A_523 = vector.shape_cast %get3A_522 : vector<1x16xf32> to vector<16xf32>
        %add3A_524 = arith.addf %get3A_519, %get3A_523 : vector<16xf32>
        %max3A_525 = arith.constant 0.000000e+00 : f32
        %max3A_526 = vector.broadcast %max3A_525 : f32 to vector<16xf32>
        %max3A_527 = arith.maximumf %add3A_524, %max3A_526 : vector<16xf32>
        %swap3A_528 = arith.index_cast %scan3A_498 : i32 to index
        %swap3A_529 = arith.constant 16 : index
        %swap3A_530 = tpu.vector_load %arg13[%swap3A_528, %swap3A_529] {strides = array<i32>} : memref<128x32xf32, #tpu.memory_space<vmem>>, vector<1x16xf32>,
        %swap3A_531 = vector.shape_cast %swap3A_530 : vector<1x16xf32> to vector<16xf32>
        %swap3A_532 = vector.shape_cast %max3A_527 : vector<16xf32> to vector<1x16xf32>
        tpu.vector_store %arg13[%swap3A_528, %swap3A_529], %swap3A_532 {strides = array<i32>} : memref<128x32xf32, #tpu.memory_space<vmem>>, vector<1x16xf32>,
        %scan3A_533 = arith.constant 5 : i32
        %scan3A_534 = arith.addi %scan3A_357, %scan3A_533 : i32
        %get3A_535 = arith.index_cast %scan3A_534 : i32 to index
        %get3A_536 = arith.constant 0 : index
        %get3A_537 = tpu.vector_load %arg9[%get3A_535, %get3A_536] {strides = array<i32>} : memref<128x32xf32, #tpu.memory_space<vmem>>, vector<1x16xf32>,
        %get3A_538 = vector.shape_cast %get3A_537 : vector<1x16xf32> to vector<16xf32>
        %get3A_539 = arith.index_cast %scan3A_534 : i32 to index
        %get3A_540 = arith.constant 0 : index
        %get3A_541 = tpu.vector_load %arg11[%get3A_539, %get3A_540] {strides = array<i32>} : memref<128x32xf32, #tpu.memory_space<vmem>>, vector<1x16xf32>,
        %get3A_542 = vector.shape_cast %get3A_541 : vector<1x16xf32> to vector<16xf32>
        %add3A_543 = arith.addf %get3A_538, %get3A_542 : vector<16xf32>
        %max3A_544 = arith.constant 0.000000e+00 : f32
        %max3A_545 = vector.broadcast %max3A_544 : f32 to vector<16xf32>
        %max3A_546 = arith.maximumf %add3A_543, %max3A_545 : vector<16xf32>
        %swap3A_547 = arith.index_cast %scan3A_534 : i32 to index
        %swap3A_548 = arith.constant 0 : index
        %swap3A_549 = tpu.vector_load %arg13[%swap3A_547, %swap3A_548] {strides = array<i32>} : memref<128x32xf32, #tpu.memory_space<vmem>>, vector<1x16xf32>,
        %swap3A_550 = vector.shape_cast %swap3A_549 : vector<1x16xf32> to vector<16xf32>
        %swap3A_551 = vector.shape_cast %max3A_546 : vector<16xf32> to vector<1x16xf32>
        tpu.vector_store %arg13[%swap3A_547, %swap3A_548], %swap3A_551 {strides = array<i32>} : memref<128x32xf32, #tpu.memory_space<vmem>>, vector<1x16xf32>,
        %get3A_552 = arith.index_cast %scan3A_534 : i32 to index
        %get3A_553 = arith.constant 16 : index
        %get3A_554 = tpu.vector_load %arg9[%get3A_552, %get3A_553] {strides = array<i32>} : memref<128x32xf32, #tpu.memory_space<vmem>>, vector<1x16xf32>,
        %get3A_555 = vector.shape_cast %get3A_554 : vector<1x16xf32> to vector<16xf32>
        %get3A_556 = arith.index_cast %scan3A_534 : i32 to index
        %get3A_557 = arith.constant 16 : index
        %get3A_558 = tpu.vector_load %arg11[%get3A_556, %get3A_557] {strides = array<i32>} : memref<128x32xf32, #tpu.memory_space<vmem>>, vector<1x16xf32>,
        %get3A_559 = vector.shape_cast %get3A_558 : vector<1x16xf32> to vector<16xf32>
        %add3A_560 = arith.addf %get3A_555, %get3A_559 : vector<16xf32>
        %max3A_561 = arith.constant 0.000000e+00 : f32
        %max3A_562 = vector.broadcast %max3A_561 : f32 to vector<16xf32>
        %max3A_563 = arith.maximumf %add3A_560, %max3A_562 : vector<16xf32>
        %swap3A_564 = arith.index_cast %scan3A_534 : i32 to index
        %swap3A_565 = arith.constant 16 : index
        %swap3A_566 = tpu.vector_load %arg13[%swap3A_564, %swap3A_565] {strides = array<i32>} : memref<128x32xf32, #tpu.memory_space<vmem>>, vector<1x16xf32>,
        %swap3A_567 = vector.shape_cast %swap3A_566 : vector<1x16xf32> to vector<16xf32>
        %swap3A_568 = vector.shape_cast %max3A_563 : vector<16xf32> to vector<1x16xf32>
        tpu.vector_store %arg13[%swap3A_564, %swap3A_565], %swap3A_568 {strides = array<i32>} : memref<128x32xf32, #tpu.memory_space<vmem>>, vector<1x16xf32>,
        %scan3A_569 = arith.constant 6 : i32
        %scan3A_570 = arith.addi %scan3A_357, %scan3A_569 : i32
        %get3A_571 = arith.index_cast %scan3A_570 : i32 to index
        %get3A_572 = arith.constant 0 : index
        %get3A_573 = tpu.vector_load %arg9[%get3A_571, %get3A_572] {strides = array<i32>} : memref<128x32xf32, #tpu.memory_space<vmem>>, vector<1x16xf32>,
        %get3A_574 = vector.shape_cast %get3A_573 : vector<1x16xf32> to vector<16xf32>
        %get3A_575 = arith.index_cast %scan3A_570 : i32 to index
        %get3A_576 = arith.constant 0 : index
        %get3A_577 = tpu.vector_load %arg11[%get3A_575, %get3A_576] {strides = array<i32>} : memref<128x32xf32, #tpu.memory_space<vmem>>, vector<1x16xf32>,
        %get3A_578 = vector.shape_cast %get3A_577 : vector<1x16xf32> to vector<16xf32>
        %add3A_579 = arith.addf %get3A_574, %get3A_578 : vector<16xf32>
        %max3A_580 = arith.constant 0.000000e+00 : f32
        %max3A_581 = vector.broadcast %max3A_580 : f32 to vector<16xf32>
        %max3A_582 = arith.maximumf %add3A_579, %max3A_581 : vector<16xf32>
        %swap3A_583 = arith.index_cast %scan3A_570 : i32 to index
        %swap3A_584 = arith.constant 0 : index
        %swap3A_585 = tpu.vector_load %arg13[%swap3A_583, %swap3A_584] {strides = array<i32>} : memref<128x32xf32, #tpu.memory_space<vmem>>, vector<1x16xf32>,
        %swap3A_586 = vector.shape_cast %swap3A_585 : vector<1x16xf32> to vector<16xf32>
        %swap3A_587 = vector.shape_cast %max3A_582 : vector<16xf32> to vector<1x16xf32>
        tpu.vector_store %arg13[%swap3A_583, %swap3A_584], %swap3A_587 {strides = array<i32>} : memref<128x32xf32, #tpu.memory_space<vmem>>, vector<1x16xf32>,
        %get3A_588 = arith.index_cast %scan3A_570 : i32 to index
        %get3A_589 = arith.constant 16 : index
        %get3A_590 = tpu.vector_load %arg9[%get3A_588, %get3A_589] {strides = array<i32>} : memref<128x32xf32, #tpu.memory_space<vmem>>, vector<1x16xf32>,
        %get3A_591 = vector.shape_cast %get3A_590 : vector<1x16xf32> to vector<16xf32>
        %get3A_592 = arith.index_cast %scan3A_570 : i32 to index
        %get3A_593 = arith.constant 16 : index
        %get3A_594 = tpu.vector_load %arg11[%get3A_592, %get3A_593] {strides = array<i32>} : memref<128x32xf32, #tpu.memory_space<vmem>>, vector<1x16xf32>,
        %get3A_595 = vector.shape_cast %get3A_594 : vector<1x16xf32> to vector<16xf32>
        %add3A_596 = arith.addf %get3A_591, %get3A_595 : vector<16xf32>
        %max3A_597 = arith.constant 0.000000e+00 : f32
        %max3A_598 = vector.broadcast %max3A_597 : f32 to vector<16xf32>
        %max3A_599 = arith.maximumf %add3A_596, %max3A_598 : vector<16xf32>
        %swap3A_600 = arith.index_cast %scan3A_570 : i32 to index
        %swap3A_601 = arith.constant 16 : index
        %swap3A_602 = tpu.vector_load %arg13[%swap3A_600, %swap3A_601] {strides = array<i32>} : memref<128x32xf32, #tpu.memory_space<vmem>>, vector<1x16xf32>,
        %swap3A_603 = vector.shape_cast %swap3A_602 : vector<1x16xf32> to vector<16xf32>
        %swap3A_604 = vector.shape_cast %max3A_599 : vector<16xf32> to vector<1x16xf32>
        tpu.vector_store %arg13[%swap3A_600, %swap3A_601], %swap3A_604 {strides = array<i32>} : memref<128x32xf32, #tpu.memory_space<vmem>>, vector<1x16xf32>,
        %scan3A_605 = arith.constant 7 : i32
        %scan3A_606 = arith.addi %scan3A_357, %scan3A_605 : i32
        %get3A_607 = arith.index_cast %scan3A_606 : i32 to index
        %get3A_608 = arith.constant 0 : index
        %get3A_609 = tpu.vector_load %arg9[%get3A_607, %get3A_608] {strides = array<i32>} : memref<128x32xf32, #tpu.memory_space<vmem>>, vector<1x16xf32>,
        %get3A_610 = vector.shape_cast %get3A_609 : vector<1x16xf32> to vector<16xf32>
        %get3A_611 = arith.index_cast %scan3A_606 : i32 to index
        %get3A_612 = arith.constant 0 : index
        %get3A_613 = tpu.vector_load %arg11[%get3A_611, %get3A_612] {strides = array<i32>} : memref<128x32xf32, #tpu.memory_space<vmem>>, vector<1x16xf32>,
        %get3A_614 = vector.shape_cast %get3A_613 : vector<1x16xf32> to vector<16xf32>
        %add3A_615 = arith.addf %get3A_610, %get3A_614 : vector<16xf32>
        %max3A_616 = arith.constant 0.000000e+00 : f32
        %max3A_617 = vector.broadcast %max3A_616 : f32 to vector<16xf32>
        %max3A_618 = arith.maximumf %add3A_615, %max3A_617 : vector<16xf32>
        %swap3A_619 = arith.index_cast %scan3A_606 : i32 to index
        %swap3A_620 = arith.constant 0 : index
        %swap3A_621 = tpu.vector_load %arg13[%swap3A_619, %swap3A_620] {strides = array<i32>} : memref<128x32xf32, #tpu.memory_space<vmem>>, vector<1x16xf32>,
        %swap3A_622 = vector.shape_cast %swap3A_621 : vector<1x16xf32> to vector<16xf32>
        %swap3A_623 = vector.shape_cast %max3A_618 : vector<16xf32> to vector<1x16xf32>
        tpu.vector_store %arg13[%swap3A_619, %swap3A_620], %swap3A_623 {strides = array<i32>} : memref<128x32xf32, #tpu.memory_space<vmem>>, vector<1x16xf32>,
        %get3A_624 = arith.index_cast %scan3A_606 : i32 to index
        %get3A_625 = arith.constant 16 : index
        %get3A_626 = tpu.vector_load %arg9[%get3A_624, %get3A_625] {strides = array<i32>} : memref<128x32xf32, #tpu.memory_space<vmem>>, vector<1x16xf32>,
        %get3A_627 = vector.shape_cast %get3A_626 : vector<1x16xf32> to vector<16xf32>
        %get3A_628 = arith.index_cast %scan3A_606 : i32 to index
        %get3A_629 = arith.constant 16 : index
        %get3A_630 = tpu.vector_load %arg11[%get3A_628, %get3A_629] {strides = array<i32>} : memref<128x32xf32, #tpu.memory_space<vmem>>, vector<1x16xf32>,
        %get3A_631 = vector.shape_cast %get3A_630 : vector<1x16xf32> to vector<16xf32>
        %add3A_632 = arith.addf %get3A_627, %get3A_631 : vector<16xf32>
        %max3A_633 = arith.constant 0.000000e+00 : f32
        %max3A_634 = vector.broadcast %max3A_633 : f32 to vector<16xf32>
        %max3A_635 = arith.maximumf %add3A_632, %max3A_634 : vector<16xf32>
        %swap3A_636 = arith.index_cast %scan3A_606 : i32 to index
        %swap3A_637 = arith.constant 16 : index
        %swap3A_638 = tpu.vector_load %arg13[%swap3A_636, %swap3A_637] {strides = array<i32>} : memref<128x32xf32, #tpu.memory_space<vmem>>, vector<1x16xf32>,
        %swap3A_639 = vector.shape_cast %swap3A_638 : vector<1x16xf32> to vector<16xf32>
        %swap3A_640 = vector.shape_cast %max3A_635 : vector<16xf32> to vector<1x16xf32>
        tpu.vector_store %arg13[%swap3A_636, %swap3A_637], %swap3A_640 {strides = array<i32>} : memref<128x32xf32, #tpu.memory_space<vmem>>, vector<1x16xf32>,
      }
      %scan3A_250 = arith.constant 128 : i32
      %add3A_251 = arith.constant 2 : i32
      %add3A_252 = arith.addi %mul3A_168, %add3A_251 : i32
      %lt3A = arith.constant 80 : i32
      %lt3A_253 = arith.cmpi slt, %add3A_252, %lt3A : i32
      %convert_element_type3A_254 = arith.extui %lt3A_253 : i1 to i32
      %cond3A_255 = arith.constant 0 : i32
      %cond3A_256 = arith.cmpi ne, %convert_element_type3A_254, %cond3A_255 : i32
      scf.if %cond3A_256 {
        %add3A_357 = arith.constant 2 : i32
        %add3A_358 = arith.addi %mul3A_168, %add3A_357 : i32
        %mul3A_359 = arith.constant 128 : i32
        %mul3A_360 = arith.muli %add3A_358, %mul3A_359 : i32
        %add3A_361 = arith.addi %mul3A_2, %mul3A_360 : i32
        %jit3A_362 = arith.constant 12800 : i32
        %div3A_363 = arith.divsi %add3A_361, %jit3A_362 : i32
        %sign3A_364 = arith.constant 0 : i32
        %sign3A_365 = arith.cmpi sgt, %add3A_361, %sign3A_364 : i32
        %sign3A_366 = arith.extui %sign3A_365 : i1 to i32
        %sign3A_367 = arith.constant 0 : i32
        %sign3A_368 = arith.cmpi slt, %add3A_361, %sign3A_367 : i32
        %sign3A_369 = arith.extui %sign3A_368 : i1 to i32
        %sign3A_370 = arith.subi %sign3A_366, %sign3A_369 : i32
        %sign3A_371 = arith.constant 0 : i32
        %sign3A_372 = arith.cmpi sgt, %jit3A_362, %sign3A_371 : i32
        %sign3A_373 = arith.extui %sign3A_372 : i1 to i32
        %sign3A_374 = arith.constant 0 : i32
        %sign3A_375 = arith.cmpi slt, %jit3A_362, %sign3A_374 : i32
        %sign3A_376 = arith.extui %sign3A_375 : i1 to i32
        %sign3A_377 = arith.subi %sign3A_373, %sign3A_376 : i32
        %ne3A_378 = arith.cmpi ne, %sign3A_370, %sign3A_377 : i32
        %rem3A_379 = arith.remsi %add3A_361, %jit3A_362 : i32
        %ne3A_380 = arith.constant 0 : i32
        %ne3A_381 = arith.cmpi ne, %rem3A_379, %ne3A_380 : i32
        %and3A_382 = arith.andi %ne3A_378, %ne3A_381 : i1
        %sub3A_383 = arith.constant 1 : i32
        %sub3A_384 = arith.subi %div3A_363, %sub3A_383 : i32
        %select_n3A_385 = arith.select %and3A_382, %sub3A_384, %div3A_363 : i32
        %mul3A_386 = arith.constant 12800 : i32
        %mul3A_387 = arith.muli %select_n3A_385, %mul3A_386 : i32
        %sub3A_388 = arith.subi %add3A_361, %mul3A_387 : i32
        %jit3A_389 = arith.constant 3200 : i32
        %div3A_390 = arith.divsi %sub3A_388, %jit3A_389 : i32
        %sign3A_391 = arith.constant 0 : i32
        %sign3A_392 = arith.cmpi sgt, %sub3A_388, %sign3A_391 : i32
        %sign3A_393 = arith.extui %sign3A_392 : i1 to i32
        %sign3A_394 = arith.constant 0 : i32
        %sign3A_395 = arith.cmpi slt, %sub3A_388, %sign3A_394 : i32
        %sign3A_396 = arith.extui %sign3A_395 : i1 to i32
        %sign3A_397 = arith.subi %sign3A_393, %sign3A_396 : i32
        %sign3A_398 = arith.constant 0 : i32
        %sign3A_399 = arith.cmpi sgt, %jit3A_389, %sign3A_398 : i32
        %sign3A_400 = arith.extui %sign3A_399 : i1 to i32
        %sign3A_401 = arith.constant 0 : i32
        %sign3A_402 = arith.cmpi slt, %jit3A_389, %sign3A_401 : i32
        %sign3A_403 = arith.extui %sign3A_402 : i1 to i32
        %sign3A_404 = arith.subi %sign3A_400, %sign3A_403 : i32
        %ne3A_405 = arith.cmpi ne, %sign3A_397, %sign3A_404 : i32
        %rem3A_406 = arith.remsi %sub3A_388, %jit3A_389 : i32
        %ne3A_407 = arith.constant 0 : i32
        %ne3A_408 = arith.cmpi ne, %rem3A_406, %ne3A_407 : i32
        %and3A_409 = arith.andi %ne3A_405, %ne3A_408 : i1
        %sub3A_410 = arith.constant 1 : i32
        %sub3A_411 = arith.subi %div3A_390, %sub3A_410 : i32
        %select_n3A_412 = arith.select %and3A_409, %sub3A_411, %div3A_390 : i32
        %mul3A_413 = arith.constant 3200 : i32
        %mul3A_414 = arith.muli %select_n3A_385, %mul3A_413 : i32
        %mul3A_415 = arith.constant 3200 : i32
        %mul3A_416 = arith.muli %select_n3A_412, %mul3A_415 : i32
        %sub3A_417 = arith.subi %sub3A_388, %mul3A_416 : i32
        %add3A_418 = arith.addi %mul3A_414, %sub3A_417 : i32
        %mul3A_419 = arith.constant 32 : i32
        %mul3A_420 = arith.muli %select_n3A_412, %mul3A_419 : i32
        %dma_start3A_421 = tpu.memref_slice %arg3[%add3A_418, %mul3A_420] : memref<81920x128xf32, #tpu.memory_space<hbm>> -> memref<128x32xf32, #tpu.memory_space<hbm>>
        %dma_start3A_422 = tpu.memref_slice %arg3[%add3A_418, %mul3A_420] : memref<81920x128xf32, #tpu.memory_space<hbm>> -> memref<128x32xf32, #tpu.memory_space<hbm>>
        tpu.enqueue_dma source(%dma_start3A_422 : memref<128x32xf32, #tpu.memory_space<hbm>>) target(%arg11 : memref<128x32xf32, #tpu.memory_space<vmem>>) target_semaphore(%arg19 : memref<!tpu.dma_semaphore, #tpu.memory_space<semaphore_mem>>)
        %dma_start3A_423 = arith.constant 0 : i32
        %dma_start3A_424 = tpu.memref_slice %arg7[%add3A_358, %dma_start3A_423] : memref<80x128xi32, #tpu.memory_space<vmem>> -> memref<1x128xi32, #tpu.memory_space<vmem>>
        %dma_start3A_425 = tpu.memref_squeeze %dma_start3A_424 : memref<1x128xi32, #tpu.memory_space<vmem>> -> memref<128xi32, #tpu.memory_space<vmem>>
        %dma_start3A_426 = arith.constant 0 : i32
        %dma_start3A_427 = arith.constant 0 : i32
        %dma_start3A_428 = tpu.memref_slice %arg2[%dma_start3A_426, %dma_start3A_427] : memref<10000x32xf32, #tpu.memory_space<hbm>> -> memref<10000x32xf32, #tpu.memory_space<hbm>>
        tpu.enqueue_indirect_dma source(%dma_start3A_428 : memref<10000x32xf32, #tpu.memory_space<hbm>>) target(%arg9 : memref<128x32xf32, #tpu.memory_space<vmem>>) offsets(%dma_start3A_425 : memref<128xi32, #tpu.memory_space<vmem>>) semaphore(%arg17 : memref<!tpu.dma_semaphore, #tpu.memory_space<semaphore_mem>>)
      } else {
      }
      %dma_start3A_257 = arith.constant 0 : i32
      %dma_start3A_258 = tpu.memref_slice %arg8[%mul3A_168, %dma_start3A_257] : memref<80x128xi32, #tpu.memory_space<vmem>> -> memref<1x128xi32, #tpu.memory_space<vmem>>
      %dma_start3A_259 = tpu.memref_squeeze %dma_start3A_258 : memref<1x128xi32, #tpu.memory_space<vmem>> -> memref<128xi32, #tpu.memory_space<vmem>>
      %dma_start3A_260 = arith.constant 0 : i32
      %dma_start3A_261 = arith.constant 0 : i32
      %dma_start3A_262 = tpu.memref_slice %arg16[%dma_start3A_260, %dma_start3A_261] : memref<10240x32xf32, #tpu.memory_space<vmem_shared>> -> memref<10240x32xf32, #tpu.memory_space<vmem_shared>>
      tpu.enqueue_indirect_dma source(%arg13 : memref<128x32xf32, #tpu.memory_space<vmem>>) target(%dma_start3A_262 : memref<10240x32xf32, #tpu.memory_space<vmem_shared>>) offsets(%dma_start3A_259 : memref<128xi32, #tpu.memory_space<vmem>>) semaphore(%arg21 : memref<!tpu.dma_semaphore, #tpu.memory_space<semaphore_mem>>) {add = true}
      %mul3A_263 = arith.constant 128 : i32
      %mul3A_264 = arith.muli %add3A_172, %mul3A_263 : i32
      %add3A_265 = arith.addi %mul3A_2, %mul3A_264 : i32
      %jit3A_266 = arith.constant 12800 : i32
      %div3A_267 = arith.divsi %add3A_265, %jit3A_266 : i32
      %sign3A_268 = arith.constant 0 : i32
      %sign3A_269 = arith.cmpi sgt, %add3A_265, %sign3A_268 : i32
      %sign3A_270 = arith.extui %sign3A_269 : i1 to i32
      %sign3A_271 = arith.constant 0 : i32
      %sign3A_272 = arith.cmpi slt, %add3A_265, %sign3A_271 : i32
      %sign3A_273 = arith.extui %sign3A_272 : i1 to i32
      %sign3A_274 = arith.subi %sign3A_270, %sign3A_273 : i32
      %sign3A_275 = arith.constant 0 : i32
      %sign3A_276 = arith.cmpi sgt, %jit3A_266, %sign3A_275 : i32
      %sign3A_277 = arith.extui %sign3A_276 : i1 to i32
      %sign3A_278 = arith.constant 0 : i32
      %sign3A_279 = arith.cmpi slt, %jit3A_266, %sign3A_278 : i32
      %sign3A_280 = arith.extui %sign3A_279 : i1 to i32
      %sign3A_281 = arith.subi %sign3A_277, %sign3A_280 : i32
      %ne3A_282 = arith.cmpi ne, %sign3A_274, %sign3A_281 : i32
      %rem3A_283 = arith.remsi %add3A_265, %jit3A_266 : i32
      %ne3A_284 = arith.constant 0 : i32
      %ne3A_285 = arith.cmpi ne, %rem3A_283, %ne3A_284 : i32
      %and3A_286 = arith.andi %ne3A_282, %ne3A_285 : i1
      %sub3A_287 = arith.constant 1 : i32
      %sub3A_288 = arith.subi %div3A_267, %sub3A_287 : i32
      %select_n3A_289 = arith.select %and3A_286, %sub3A_288, %div3A_267 : i32
      %mul3A_290 = arith.constant 12800 : i32
      %mul3A_291 = arith.muli %select_n3A_289, %mul3A_290 : i32
      %sub3A_292 = arith.subi %add3A_265, %mul3A_291 : i32
      %jit3A_293 = arith.constant 3200 : i32
      %div3A_294 = arith.divsi %sub3A_292, %jit3A_293 : i32
      %sign3A_295 = arith.constant 0 : i32
      %sign3A_296 = arith.cmpi sgt, %sub3A_292, %sign3A_295 : i32
      %sign3A_297 = arith.extui %sign3A_296 : i1 to i32
      %sign3A_298 = arith.constant 0 : i32
      %sign3A_299 = arith.cmpi slt, %sub3A_292, %sign3A_298 : i32
      %sign3A_300 = arith.extui %sign3A_299 : i1 to i32
      %sign3A_301 = arith.subi %sign3A_297, %sign3A_300 : i32
      %sign3A_302 = arith.constant 0 : i32
      %sign3A_303 = arith.cmpi sgt, %jit3A_293, %sign3A_302 : i32
      %sign3A_304 = arith.extui %sign3A_303 : i1 to i32
      %sign3A_305 = arith.constant 0 : i32
      %sign3A_306 = arith.cmpi slt, %jit3A_293, %sign3A_305 : i32
      %sign3A_307 = arith.extui %sign3A_306 : i1 to i32
      %sign3A_308 = arith.subi %sign3A_304, %sign3A_307 : i32
      %ne3A_309 = arith.cmpi ne, %sign3A_301, %sign3A_308 : i32
      %rem3A_310 = arith.remsi %sub3A_292, %jit3A_293 : i32
      %ne3A_311 = arith.constant 0 : i32
      %ne3A_312 = arith.cmpi ne, %rem3A_310, %ne3A_311 : i32
      %and3A_313 = arith.andi %ne3A_309, %ne3A_312 : i1
      %sub3A_314 = arith.constant 1 : i32
      %sub3A_315 = arith.subi %div3A_294, %sub3A_314 : i32
      %select_n3A_316 = arith.select %and3A_313, %sub3A_315, %div3A_294 : i32
      %mul3A_317 = arith.constant 3200 : i32
      %mul3A_318 = arith.muli %select_n3A_289, %mul3A_317 : i32
      %mul3A_319 = arith.constant 3200 : i32
      %mul3A_320 = arith.muli %select_n3A_316, %mul3A_319 : i32
      %sub3A_321 = arith.subi %sub3A_292, %mul3A_320 : i32
      %add3A_322 = arith.addi %mul3A_318, %sub3A_321 : i32
      %mul3A_323 = arith.constant 32 : i32
      %mul3A_324 = arith.muli %select_n3A_316, %mul3A_323 : i32
      %dma_wait3A_325 = tpu.memref_slice %arg3[%add3A_322, %mul3A_324] : memref<81920x128xf32, #tpu.memory_space<hbm>> -> memref<128x32xf32, #tpu.memory_space<hbm>>
      %dma_wait3A_326 = tpu.memref_slice %arg3[%add3A_322, %mul3A_324] : memref<81920x128xf32, #tpu.memory_space<hbm>> -> memref<128x32xf32, #tpu.memory_space<hbm>>
      tpu.wait_dma2 semaphore(%arg20 : memref<!tpu.dma_semaphore, #tpu.memory_space<semaphore_mem>>) src(%dma_wait3A_326 : memref<128x32xf32, #tpu.memory_space<hbm>>) dst(%arg12 : memref<128x32xf32, #tpu.memory_space<vmem>>)
      %dma_wait3A_327 = arith.constant 0 : i32
      %dma_wait3A_328 = tpu.memref_slice %arg7[%add3A_172, %dma_wait3A_327] : memref<80x128xi32, #tpu.memory_space<vmem>> -> memref<1x128xi32, #tpu.memory_space<vmem>>
      %dma_wait3A_329 = tpu.memref_squeeze %dma_wait3A_328 : memref<1x128xi32, #tpu.memory_space<vmem>> -> memref<128xi32, #tpu.memory_space<vmem>>
      %dma_wait3A_330 = arith.constant 0 : i32
      %dma_wait3A_331 = arith.constant 0 : i32
      %dma_wait3A_332 = tpu.memref_slice %arg2[%dma_wait3A_330, %dma_wait3A_331] : memref<10000x32xf32, #tpu.memory_space<hbm>> -> memref<10000x32xf32, #tpu.memory_space<hbm>>
      tpu.wait_indirect_dma semaphore(%arg18 : memref<!tpu.dma_semaphore, #tpu.memory_space<semaphore_mem>>) src(%dma_wait3A_332 : memref<10000x32xf32, #tpu.memory_space<hbm>>) dst(%arg10 : memref<128x32xf32, #tpu.memory_space<vmem>>)
      %gt3A_333 = arith.constant 0 : i32
      %gt3A_334 = arith.cmpi sgt, %scan3A_166, %gt3A_333 : i32
      %convert_element_type3A_335 = arith.extui %gt3A_334 : i1 to i32
      %cond3A_336 = arith.constant 0 : i32
      %cond3A_337 = arith.cmpi ne, %convert_element_type3A_335, %cond3A_336 : i32
      scf.if %cond3A_337 {
        %sub3A_357 = arith.constant 2 : i32
        %sub3A_358 = arith.subi %add3A_172, %sub3A_357 : i32
        %dma_wait3A_359 = arith.constant 0 : i32
        %dma_wait3A_360 = tpu.memref_slice %arg8[%sub3A_358, %dma_wait3A_359] : memref<80x128xi32, #tpu.memory_space<vmem>> -> memref<1x128xi32, #tpu.memory_space<vmem>>
        %dma_wait3A_361 = tpu.memref_squeeze %dma_wait3A_360 : memref<1x128xi32, #tpu.memory_space<vmem>> -> memref<128xi32, #tpu.memory_space<vmem>>
        %dma_wait3A_362 = arith.constant 0 : i32
        %dma_wait3A_363 = arith.constant 0 : i32
        %dma_wait3A_364 = tpu.memref_slice %arg16[%dma_wait3A_362, %dma_wait3A_363] : memref<10240x32xf32, #tpu.memory_space<vmem_shared>> -> memref<10240x32xf32, #tpu.memory_space<vmem_shared>>
        tpu.wait_indirect_dma semaphore(%arg22 : memref<!tpu.dma_semaphore, #tpu.memory_space<semaphore_mem>>) src(%arg14 : memref<128x32xf32, #tpu.memory_space<vmem>>) dst(%dma_wait3A_364 : memref<10240x32xf32, #tpu.memory_space<vmem_shared>>)
      } else {
      }
      %scan3A_338 = arith.constant 0 : i32
      %scan3A_339 = arith.constant 0 : i32
      %scan3A_340 = arith.constant 128 : i32
      %scan3A_341 = arith.addi %scan3A_339, %scan3A_340 : i32
      %scan3A_342 = arith.constant 8 : i32
      scf.for %scan3A_357 = %scan3A_339 to %scan3A_341 step %scan3A_342  : i32 {
        %get3A = arith.index_cast %scan3A_357 : i32 to index
        %get3A_358 = arith.constant 0 : index
        %get3A_359 = tpu.vector_load %arg10[%get3A, %get3A_358] {strides = array<i32>} : memref<128x32xf32, #tpu.memory_space<vmem>>, vector<1x16xf32>,
        %get3A_360 = vector.shape_cast %get3A_359 : vector<1x16xf32> to vector<16xf32>
        %get3A_361 = arith.index_cast %scan3A_357 : i32 to index
        %get3A_362 = arith.constant 0 : index
        %get3A_363 = tpu.vector_load %arg12[%get3A_361, %get3A_362] {strides = array<i32>} : memref<128x32xf32, #tpu.memory_space<vmem>>, vector<1x16xf32>,
        %get3A_364 = vector.shape_cast %get3A_363 : vector<1x16xf32> to vector<16xf32>
        %add3A_365 = arith.addf %get3A_360, %get3A_364 : vector<16xf32>
        %max3A = arith.constant 0.000000e+00 : f32
        %max3A_366 = vector.broadcast %max3A : f32 to vector<16xf32>
        %max3A_367 = arith.maximumf %add3A_365, %max3A_366 : vector<16xf32>
        %swap3A = arith.index_cast %scan3A_357 : i32 to index
        %swap3A_368 = arith.constant 0 : index
        %swap3A_369 = tpu.vector_load %arg14[%swap3A, %swap3A_368] {strides = array<i32>} : memref<128x32xf32, #tpu.memory_space<vmem>>, vector<1x16xf32>,
        %swap3A_370 = vector.shape_cast %swap3A_369 : vector<1x16xf32> to vector<16xf32>
        %swap3A_371 = vector.shape_cast %max3A_367 : vector<16xf32> to vector<1x16xf32>
        tpu.vector_store %arg14[%swap3A, %swap3A_368], %swap3A_371 {strides = array<i32>} : memref<128x32xf32, #tpu.memory_space<vmem>>, vector<1x16xf32>,
        %get3A_372 = arith.index_cast %scan3A_357 : i32 to index
        %get3A_373 = arith.constant 16 : index
        %get3A_374 = tpu.vector_load %arg10[%get3A_372, %get3A_373] {strides = array<i32>} : memref<128x32xf32, #tpu.memory_space<vmem>>, vector<1x16xf32>,
        %get3A_375 = vector.shape_cast %get3A_374 : vector<1x16xf32> to vector<16xf32>
        %get3A_376 = arith.index_cast %scan3A_357 : i32 to index
        %get3A_377 = arith.constant 16 : index
        %get3A_378 = tpu.vector_load %arg12[%get3A_376, %get3A_377] {strides = array<i32>} : memref<128x32xf32, #tpu.memory_space<vmem>>, vector<1x16xf32>,
        %get3A_379 = vector.shape_cast %get3A_378 : vector<1x16xf32> to vector<16xf32>
        %add3A_380 = arith.addf %get3A_375, %get3A_379 : vector<16xf32>
        %max3A_381 = arith.constant 0.000000e+00 : f32
        %max3A_382 = vector.broadcast %max3A_381 : f32 to vector<16xf32>
        %max3A_383 = arith.maximumf %add3A_380, %max3A_382 : vector<16xf32>
        %swap3A_384 = arith.index_cast %scan3A_357 : i32 to index
        %swap3A_385 = arith.constant 16 : index
        %swap3A_386 = tpu.vector_load %arg14[%swap3A_384, %swap3A_385] {strides = array<i32>} : memref<128x32xf32, #tpu.memory_space<vmem>>, vector<1x16xf32>,
        %swap3A_387 = vector.shape_cast %swap3A_386 : vector<1x16xf32> to vector<16xf32>
        %swap3A_388 = vector.shape_cast %max3A_383 : vector<16xf32> to vector<1x16xf32>
        tpu.vector_store %arg14[%swap3A_384, %swap3A_385], %swap3A_388 {strides = array<i32>} : memref<128x32xf32, #tpu.memory_space<vmem>>, vector<1x16xf32>,
        %scan3A_389 = arith.constant 1 : i32
        %scan3A_390 = arith.addi %scan3A_357, %scan3A_389 : i32
        %get3A_391 = arith.index_cast %scan3A_390 : i32 to index
        %get3A_392 = arith.constant 0 : index
        %get3A_393 = tpu.vector_load %arg10[%get3A_391, %get3A_392] {strides = array<i32>} : memref<128x32xf32, #tpu.memory_space<vmem>>, vector<1x16xf32>,
        %get3A_394 = vector.shape_cast %get3A_393 : vector<1x16xf32> to vector<16xf32>
        %get3A_395 = arith.index_cast %scan3A_390 : i32 to index
        %get3A_396 = arith.constant 0 : index
        %get3A_397 = tpu.vector_load %arg12[%get3A_395, %get3A_396] {strides = array<i32>} : memref<128x32xf32, #tpu.memory_space<vmem>>, vector<1x16xf32>,
        %get3A_398 = vector.shape_cast %get3A_397 : vector<1x16xf32> to vector<16xf32>
        %add3A_399 = arith.addf %get3A_394, %get3A_398 : vector<16xf32>
        %max3A_400 = arith.constant 0.000000e+00 : f32
        %max3A_401 = vector.broadcast %max3A_400 : f32 to vector<16xf32>
        %max3A_402 = arith.maximumf %add3A_399, %max3A_401 : vector<16xf32>
        %swap3A_403 = arith.index_cast %scan3A_390 : i32 to index
        %swap3A_404 = arith.constant 0 : index
        %swap3A_405 = tpu.vector_load %arg14[%swap3A_403, %swap3A_404] {strides = array<i32>} : memref<128x32xf32, #tpu.memory_space<vmem>>, vector<1x16xf32>,
        %swap3A_406 = vector.shape_cast %swap3A_405 : vector<1x16xf32> to vector<16xf32>
        %swap3A_407 = vector.shape_cast %max3A_402 : vector<16xf32> to vector<1x16xf32>
        tpu.vector_store %arg14[%swap3A_403, %swap3A_404], %swap3A_407 {strides = array<i32>} : memref<128x32xf32, #tpu.memory_space<vmem>>, vector<1x16xf32>,
        %get3A_408 = arith.index_cast %scan3A_390 : i32 to index
        %get3A_409 = arith.constant 16 : index
        %get3A_410 = tpu.vector_load %arg10[%get3A_408, %get3A_409] {strides = array<i32>} : memref<128x32xf32, #tpu.memory_space<vmem>>, vector<1x16xf32>,
        %get3A_411 = vector.shape_cast %get3A_410 : vector<1x16xf32> to vector<16xf32>
        %get3A_412 = arith.index_cast %scan3A_390 : i32 to index
        %get3A_413 = arith.constant 16 : index
        %get3A_414 = tpu.vector_load %arg12[%get3A_412, %get3A_413] {strides = array<i32>} : memref<128x32xf32, #tpu.memory_space<vmem>>, vector<1x16xf32>,
        %get3A_415 = vector.shape_cast %get3A_414 : vector<1x16xf32> to vector<16xf32>
        %add3A_416 = arith.addf %get3A_411, %get3A_415 : vector<16xf32>
        %max3A_417 = arith.constant 0.000000e+00 : f32
        %max3A_418 = vector.broadcast %max3A_417 : f32 to vector<16xf32>
        %max3A_419 = arith.maximumf %add3A_416, %max3A_418 : vector<16xf32>
        %swap3A_420 = arith.index_cast %scan3A_390 : i32 to index
        %swap3A_421 = arith.constant 16 : index
        %swap3A_422 = tpu.vector_load %arg14[%swap3A_420, %swap3A_421] {strides = array<i32>} : memref<128x32xf32, #tpu.memory_space<vmem>>, vector<1x16xf32>,
        %swap3A_423 = vector.shape_cast %swap3A_422 : vector<1x16xf32> to vector<16xf32>
        %swap3A_424 = vector.shape_cast %max3A_419 : vector<16xf32> to vector<1x16xf32>
        tpu.vector_store %arg14[%swap3A_420, %swap3A_421], %swap3A_424 {strides = array<i32>} : memref<128x32xf32, #tpu.memory_space<vmem>>, vector<1x16xf32>,
        %scan3A_425 = arith.constant 2 : i32
        %scan3A_426 = arith.addi %scan3A_357, %scan3A_425 : i32
        %get3A_427 = arith.index_cast %scan3A_426 : i32 to index
        %get3A_428 = arith.constant 0 : index
        %get3A_429 = tpu.vector_load %arg10[%get3A_427, %get3A_428] {strides = array<i32>} : memref<128x32xf32, #tpu.memory_space<vmem>>, vector<1x16xf32>,
        %get3A_430 = vector.shape_cast %get3A_429 : vector<1x16xf32> to vector<16xf32>
        %get3A_431 = arith.index_cast %scan3A_426 : i32 to index
        %get3A_432 = arith.constant 0 : index
        %get3A_433 = tpu.vector_load %arg12[%get3A_431, %get3A_432] {strides = array<i32>} : memref<128x32xf32, #tpu.memory_space<vmem>>, vector<1x16xf32>,
        %get3A_434 = vector.shape_cast %get3A_433 : vector<1x16xf32> to vector<16xf32>
        %add3A_435 = arith.addf %get3A_430, %get3A_434 : vector<16xf32>
        %max3A_436 = arith.constant 0.000000e+00 : f32
        %max3A_437 = vector.broadcast %max3A_436 : f32 to vector<16xf32>
        %max3A_438 = arith.maximumf %add3A_435, %max3A_437 : vector<16xf32>
        %swap3A_439 = arith.index_cast %scan3A_426 : i32 to index
        %swap3A_440 = arith.constant 0 : index
        %swap3A_441 = tpu.vector_load %arg14[%swap3A_439, %swap3A_440] {strides = array<i32>} : memref<128x32xf32, #tpu.memory_space<vmem>>, vector<1x16xf32>,
        %swap3A_442 = vector.shape_cast %swap3A_441 : vector<1x16xf32> to vector<16xf32>
        %swap3A_443 = vector.shape_cast %max3A_438 : vector<16xf32> to vector<1x16xf32>
        tpu.vector_store %arg14[%swap3A_439, %swap3A_440], %swap3A_443 {strides = array<i32>} : memref<128x32xf32, #tpu.memory_space<vmem>>, vector<1x16xf32>,
        %get3A_444 = arith.index_cast %scan3A_426 : i32 to index
        %get3A_445 = arith.constant 16 : index
        %get3A_446 = tpu.vector_load %arg10[%get3A_444, %get3A_445] {strides = array<i32>} : memref<128x32xf32, #tpu.memory_space<vmem>>, vector<1x16xf32>,
        %get3A_447 = vector.shape_cast %get3A_446 : vector<1x16xf32> to vector<16xf32>
        %get3A_448 = arith.index_cast %scan3A_426 : i32 to index
        %get3A_449 = arith.constant 16 : index
        %get3A_450 = tpu.vector_load %arg12[%get3A_448, %get3A_449] {strides = array<i32>} : memref<128x32xf32, #tpu.memory_space<vmem>>, vector<1x16xf32>,
        %get3A_451 = vector.shape_cast %get3A_450 : vector<1x16xf32> to vector<16xf32>
        %add3A_452 = arith.addf %get3A_447, %get3A_451 : vector<16xf32>
        %max3A_453 = arith.constant 0.000000e+00 : f32
        %max3A_454 = vector.broadcast %max3A_453 : f32 to vector<16xf32>
        %max3A_455 = arith.maximumf %add3A_452, %max3A_454 : vector<16xf32>
        %swap3A_456 = arith.index_cast %scan3A_426 : i32 to index
        %swap3A_457 = arith.constant 16 : index
        %swap3A_458 = tpu.vector_load %arg14[%swap3A_456, %swap3A_457] {strides = array<i32>} : memref<128x32xf32, #tpu.memory_space<vmem>>, vector<1x16xf32>,
        %swap3A_459 = vector.shape_cast %swap3A_458 : vector<1x16xf32> to vector<16xf32>
        %swap3A_460 = vector.shape_cast %max3A_455 : vector<16xf32> to vector<1x16xf32>
        tpu.vector_store %arg14[%swap3A_456, %swap3A_457], %swap3A_460 {strides = array<i32>} : memref<128x32xf32, #tpu.memory_space<vmem>>, vector<1x16xf32>,
        %scan3A_461 = arith.constant 3 : i32
        %scan3A_462 = arith.addi %scan3A_357, %scan3A_461 : i32
        %get3A_463 = arith.index_cast %scan3A_462 : i32 to index
        %get3A_464 = arith.constant 0 : index
        %get3A_465 = tpu.vector_load %arg10[%get3A_463, %get3A_464] {strides = array<i32>} : memref<128x32xf32, #tpu.memory_space<vmem>>, vector<1x16xf32>,
        %get3A_466 = vector.shape_cast %get3A_465 : vector<1x16xf32> to vector<16xf32>
        %get3A_467 = arith.index_cast %scan3A_462 : i32 to index
        %get3A_468 = arith.constant 0 : index
        %get3A_469 = tpu.vector_load %arg12[%get3A_467, %get3A_468] {strides = array<i32>} : memref<128x32xf32, #tpu.memory_space<vmem>>, vector<1x16xf32>,
        %get3A_470 = vector.shape_cast %get3A_469 : vector<1x16xf32> to vector<16xf32>
        %add3A_471 = arith.addf %get3A_466, %get3A_470 : vector<16xf32>
        %max3A_472 = arith.constant 0.000000e+00 : f32
        %max3A_473 = vector.broadcast %max3A_472 : f32 to vector<16xf32>
        %max3A_474 = arith.maximumf %add3A_471, %max3A_473 : vector<16xf32>
        %swap3A_475 = arith.index_cast %scan3A_462 : i32 to index
        %swap3A_476 = arith.constant 0 : index
        %swap3A_477 = tpu.vector_load %arg14[%swap3A_475, %swap3A_476] {strides = array<i32>} : memref<128x32xf32, #tpu.memory_space<vmem>>, vector<1x16xf32>,
        %swap3A_478 = vector.shape_cast %swap3A_477 : vector<1x16xf32> to vector<16xf32>
        %swap3A_479 = vector.shape_cast %max3A_474 : vector<16xf32> to vector<1x16xf32>
        tpu.vector_store %arg14[%swap3A_475, %swap3A_476], %swap3A_479 {strides = array<i32>} : memref<128x32xf32, #tpu.memory_space<vmem>>, vector<1x16xf32>,
        %get3A_480 = arith.index_cast %scan3A_462 : i32 to index
        %get3A_481 = arith.constant 16 : index
        %get3A_482 = tpu.vector_load %arg10[%get3A_480, %get3A_481] {strides = array<i32>} : memref<128x32xf32, #tpu.memory_space<vmem>>, vector<1x16xf32>,
        %get3A_483 = vector.shape_cast %get3A_482 : vector<1x16xf32> to vector<16xf32>
        %get3A_484 = arith.index_cast %scan3A_462 : i32 to index
        %get3A_485 = arith.constant 16 : index
        %get3A_486 = tpu.vector_load %arg12[%get3A_484, %get3A_485] {strides = array<i32>} : memref<128x32xf32, #tpu.memory_space<vmem>>, vector<1x16xf32>,
        %get3A_487 = vector.shape_cast %get3A_486 : vector<1x16xf32> to vector<16xf32>
        %add3A_488 = arith.addf %get3A_483, %get3A_487 : vector<16xf32>
        %max3A_489 = arith.constant 0.000000e+00 : f32
        %max3A_490 = vector.broadcast %max3A_489 : f32 to vector<16xf32>
        %max3A_491 = arith.maximumf %add3A_488, %max3A_490 : vector<16xf32>
        %swap3A_492 = arith.index_cast %scan3A_462 : i32 to index
        %swap3A_493 = arith.constant 16 : index
        %swap3A_494 = tpu.vector_load %arg14[%swap3A_492, %swap3A_493] {strides = array<i32>} : memref<128x32xf32, #tpu.memory_space<vmem>>, vector<1x16xf32>,
        %swap3A_495 = vector.shape_cast %swap3A_494 : vector<1x16xf32> to vector<16xf32>
        %swap3A_496 = vector.shape_cast %max3A_491 : vector<16xf32> to vector<1x16xf32>
        tpu.vector_store %arg14[%swap3A_492, %swap3A_493], %swap3A_496 {strides = array<i32>} : memref<128x32xf32, #tpu.memory_space<vmem>>, vector<1x16xf32>,
        %scan3A_497 = arith.constant 4 : i32
        %scan3A_498 = arith.addi %scan3A_357, %scan3A_497 : i32
        %get3A_499 = arith.index_cast %scan3A_498 : i32 to index
        %get3A_500 = arith.constant 0 : index
        %get3A_501 = tpu.vector_load %arg10[%get3A_499, %get3A_500] {strides = array<i32>} : memref<128x32xf32, #tpu.memory_space<vmem>>, vector<1x16xf32>,
        %get3A_502 = vector.shape_cast %get3A_501 : vector<1x16xf32> to vector<16xf32>
        %get3A_503 = arith.index_cast %scan3A_498 : i32 to index
        %get3A_504 = arith.constant 0 : index
        %get3A_505 = tpu.vector_load %arg12[%get3A_503, %get3A_504] {strides = array<i32>} : memref<128x32xf32, #tpu.memory_space<vmem>>, vector<1x16xf32>,
        %get3A_506 = vector.shape_cast %get3A_505 : vector<1x16xf32> to vector<16xf32>
        %add3A_507 = arith.addf %get3A_502, %get3A_506 : vector<16xf32>
        %max3A_508 = arith.constant 0.000000e+00 : f32
        %max3A_509 = vector.broadcast %max3A_508 : f32 to vector<16xf32>
        %max3A_510 = arith.maximumf %add3A_507, %max3A_509 : vector<16xf32>
        %swap3A_511 = arith.index_cast %scan3A_498 : i32 to index
        %swap3A_512 = arith.constant 0 : index
        %swap3A_513 = tpu.vector_load %arg14[%swap3A_511, %swap3A_512] {strides = array<i32>} : memref<128x32xf32, #tpu.memory_space<vmem>>, vector<1x16xf32>,
        %swap3A_514 = vector.shape_cast %swap3A_513 : vector<1x16xf32> to vector<16xf32>
        %swap3A_515 = vector.shape_cast %max3A_510 : vector<16xf32> to vector<1x16xf32>
        tpu.vector_store %arg14[%swap3A_511, %swap3A_512], %swap3A_515 {strides = array<i32>} : memref<128x32xf32, #tpu.memory_space<vmem>>, vector<1x16xf32>,
        %get3A_516 = arith.index_cast %scan3A_498 : i32 to index
        %get3A_517 = arith.constant 16 : index
        %get3A_518 = tpu.vector_load %arg10[%get3A_516, %get3A_517] {strides = array<i32>} : memref<128x32xf32, #tpu.memory_space<vmem>>, vector<1x16xf32>,
        %get3A_519 = vector.shape_cast %get3A_518 : vector<1x16xf32> to vector<16xf32>
        %get3A_520 = arith.index_cast %scan3A_498 : i32 to index
        %get3A_521 = arith.constant 16 : index
        %get3A_522 = tpu.vector_load %arg12[%get3A_520, %get3A_521] {strides = array<i32>} : memref<128x32xf32, #tpu.memory_space<vmem>>, vector<1x16xf32>,
        %get3A_523 = vector.shape_cast %get3A_522 : vector<1x16xf32> to vector<16xf32>
        %add3A_524 = arith.addf %get3A_519, %get3A_523 : vector<16xf32>
        %max3A_525 = arith.constant 0.000000e+00 : f32
        %max3A_526 = vector.broadcast %max3A_525 : f32 to vector<16xf32>
        %max3A_527 = arith.maximumf %add3A_524, %max3A_526 : vector<16xf32>
        %swap3A_528 = arith.index_cast %scan3A_498 : i32 to index
        %swap3A_529 = arith.constant 16 : index
        %swap3A_530 = tpu.vector_load %arg14[%swap3A_528, %swap3A_529] {strides = array<i32>} : memref<128x32xf32, #tpu.memory_space<vmem>>, vector<1x16xf32>,
        %swap3A_531 = vector.shape_cast %swap3A_530 : vector<1x16xf32> to vector<16xf32>
        %swap3A_532 = vector.shape_cast %max3A_527 : vector<16xf32> to vector<1x16xf32>
        tpu.vector_store %arg14[%swap3A_528, %swap3A_529], %swap3A_532 {strides = array<i32>} : memref<128x32xf32, #tpu.memory_space<vmem>>, vector<1x16xf32>,
        %scan3A_533 = arith.constant 5 : i32
        %scan3A_534 = arith.addi %scan3A_357, %scan3A_533 : i32
        %get3A_535 = arith.index_cast %scan3A_534 : i32 to index
        %get3A_536 = arith.constant 0 : index
        %get3A_537 = tpu.vector_load %arg10[%get3A_535, %get3A_536] {strides = array<i32>} : memref<128x32xf32, #tpu.memory_space<vmem>>, vector<1x16xf32>,
        %get3A_538 = vector.shape_cast %get3A_537 : vector<1x16xf32> to vector<16xf32>
        %get3A_539 = arith.index_cast %scan3A_534 : i32 to index
        %get3A_540 = arith.constant 0 : index
        %get3A_541 = tpu.vector_load %arg12[%get3A_539, %get3A_540] {strides = array<i32>} : memref<128x32xf32, #tpu.memory_space<vmem>>, vector<1x16xf32>,
        %get3A_542 = vector.shape_cast %get3A_541 : vector<1x16xf32> to vector<16xf32>
        %add3A_543 = arith.addf %get3A_538, %get3A_542 : vector<16xf32>
        %max3A_544 = arith.constant 0.000000e+00 : f32
        %max3A_545 = vector.broadcast %max3A_544 : f32 to vector<16xf32>
        %max3A_546 = arith.maximumf %add3A_543, %max3A_545 : vector<16xf32>
        %swap3A_547 = arith.index_cast %scan3A_534 : i32 to index
        %swap3A_548 = arith.constant 0 : index
        %swap3A_549 = tpu.vector_load %arg14[%swap3A_547, %swap3A_548] {strides = array<i32>} : memref<128x32xf32, #tpu.memory_space<vmem>>, vector<1x16xf32>,
        %swap3A_550 = vector.shape_cast %swap3A_549 : vector<1x16xf32> to vector<16xf32>
        %swap3A_551 = vector.shape_cast %max3A_546 : vector<16xf32> to vector<1x16xf32>
        tpu.vector_store %arg14[%swap3A_547, %swap3A_548], %swap3A_551 {strides = array<i32>} : memref<128x32xf32, #tpu.memory_space<vmem>>, vector<1x16xf32>,
        %get3A_552 = arith.index_cast %scan3A_534 : i32 to index
        %get3A_553 = arith.constant 16 : index
        %get3A_554 = tpu.vector_load %arg10[%get3A_552, %get3A_553] {strides = array<i32>} : memref<128x32xf32, #tpu.memory_space<vmem>>, vector<1x16xf32>,
        %get3A_555 = vector.shape_cast %get3A_554 : vector<1x16xf32> to vector<16xf32>
        %get3A_556 = arith.index_cast %scan3A_534 : i32 to index
        %get3A_557 = arith.constant 16 : index
        %get3A_558 = tpu.vector_load %arg12[%get3A_556, %get3A_557] {strides = array<i32>} : memref<128x32xf32, #tpu.memory_space<vmem>>, vector<1x16xf32>,
        %get3A_559 = vector.shape_cast %get3A_558 : vector<1x16xf32> to vector<16xf32>
        %add3A_560 = arith.addf %get3A_555, %get3A_559 : vector<16xf32>
        %max3A_561 = arith.constant 0.000000e+00 : f32
        %max3A_562 = vector.broadcast %max3A_561 : f32 to vector<16xf32>
        %max3A_563 = arith.maximumf %add3A_560, %max3A_562 : vector<16xf32>
        %swap3A_564 = arith.index_cast %scan3A_534 : i32 to index
        %swap3A_565 = arith.constant 16 : index
        %swap3A_566 = tpu.vector_load %arg14[%swap3A_564, %swap3A_565] {strides = array<i32>} : memref<128x32xf32, #tpu.memory_space<vmem>>, vector<1x16xf32>,
        %swap3A_567 = vector.shape_cast %swap3A_566 : vector<1x16xf32> to vector<16xf32>
        %swap3A_568 = vector.shape_cast %max3A_563 : vector<16xf32> to vector<1x16xf32>
        tpu.vector_store %arg14[%swap3A_564, %swap3A_565], %swap3A_568 {strides = array<i32>} : memref<128x32xf32, #tpu.memory_space<vmem>>, vector<1x16xf32>,
        %scan3A_569 = arith.constant 6 : i32
        %scan3A_570 = arith.addi %scan3A_357, %scan3A_569 : i32
        %get3A_571 = arith.index_cast %scan3A_570 : i32 to index
        %get3A_572 = arith.constant 0 : index
        %get3A_573 = tpu.vector_load %arg10[%get3A_571, %get3A_572] {strides = array<i32>} : memref<128x32xf32, #tpu.memory_space<vmem>>, vector<1x16xf32>,
        %get3A_574 = vector.shape_cast %get3A_573 : vector<1x16xf32> to vector<16xf32>
        %get3A_575 = arith.index_cast %scan3A_570 : i32 to index
        %get3A_576 = arith.constant 0 : index
        %get3A_577 = tpu.vector_load %arg12[%get3A_575, %get3A_576] {strides = array<i32>} : memref<128x32xf32, #tpu.memory_space<vmem>>, vector<1x16xf32>,
        %get3A_578 = vector.shape_cast %get3A_577 : vector<1x16xf32> to vector<16xf32>
        %add3A_579 = arith.addf %get3A_574, %get3A_578 : vector<16xf32>
        %max3A_580 = arith.constant 0.000000e+00 : f32
        %max3A_581 = vector.broadcast %max3A_580 : f32 to vector<16xf32>
        %max3A_582 = arith.maximumf %add3A_579, %max3A_581 : vector<16xf32>
        %swap3A_583 = arith.index_cast %scan3A_570 : i32 to index
        %swap3A_584 = arith.constant 0 : index
        %swap3A_585 = tpu.vector_load %arg14[%swap3A_583, %swap3A_584] {strides = array<i32>} : memref<128x32xf32, #tpu.memory_space<vmem>>, vector<1x16xf32>,
        %swap3A_586 = vector.shape_cast %swap3A_585 : vector<1x16xf32> to vector<16xf32>
        %swap3A_587 = vector.shape_cast %max3A_582 : vector<16xf32> to vector<1x16xf32>
        tpu.vector_store %arg14[%swap3A_583, %swap3A_584], %swap3A_587 {strides = array<i32>} : memref<128x32xf32, #tpu.memory_space<vmem>>, vector<1x16xf32>,
        %get3A_588 = arith.index_cast %scan3A_570 : i32 to index
        %get3A_589 = arith.constant 16 : index
        %get3A_590 = tpu.vector_load %arg10[%get3A_588, %get3A_589] {strides = array<i32>} : memref<128x32xf32, #tpu.memory_space<vmem>>, vector<1x16xf32>,
        %get3A_591 = vector.shape_cast %get3A_590 : vector<1x16xf32> to vector<16xf32>
        %get3A_592 = arith.index_cast %scan3A_570 : i32 to index
        %get3A_593 = arith.constant 16 : index
        %get3A_594 = tpu.vector_load %arg12[%get3A_592, %get3A_593] {strides = array<i32>} : memref<128x32xf32, #tpu.memory_space<vmem>>, vector<1x16xf32>,
        %get3A_595 = vector.shape_cast %get3A_594 : vector<1x16xf32> to vector<16xf32>
        %add3A_596 = arith.addf %get3A_591, %get3A_595 : vector<16xf32>
        %max3A_597 = arith.constant 0.000000e+00 : f32
        %max3A_598 = vector.broadcast %max3A_597 : f32 to vector<16xf32>
        %max3A_599 = arith.maximumf %add3A_596, %max3A_598 : vector<16xf32>
        %swap3A_600 = arith.index_cast %scan3A_570 : i32 to index
        %swap3A_601 = arith.constant 16 : index
        %swap3A_602 = tpu.vector_load %arg14[%swap3A_600, %swap3A_601] {strides = array<i32>} : memref<128x32xf32, #tpu.memory_space<vmem>>, vector<1x16xf32>,
        %swap3A_603 = vector.shape_cast %swap3A_602 : vector<1x16xf32> to vector<16xf32>
        %swap3A_604 = vector.shape_cast %max3A_599 : vector<16xf32> to vector<1x16xf32>
        tpu.vector_store %arg14[%swap3A_600, %swap3A_601], %swap3A_604 {strides = array<i32>} : memref<128x32xf32, #tpu.memory_space<vmem>>, vector<1x16xf32>,
        %scan3A_605 = arith.constant 7 : i32
        %scan3A_606 = arith.addi %scan3A_357, %scan3A_605 : i32
        %get3A_607 = arith.index_cast %scan3A_606 : i32 to index
        %get3A_608 = arith.constant 0 : index
        %get3A_609 = tpu.vector_load %arg10[%get3A_607, %get3A_608] {strides = array<i32>} : memref<128x32xf32, #tpu.memory_space<vmem>>, vector<1x16xf32>,
        %get3A_610 = vector.shape_cast %get3A_609 : vector<1x16xf32> to vector<16xf32>
        %get3A_611 = arith.index_cast %scan3A_606 : i32 to index
        %get3A_612 = arith.constant 0 : index
        %get3A_613 = tpu.vector_load %arg12[%get3A_611, %get3A_612] {strides = array<i32>} : memref<128x32xf32, #tpu.memory_space<vmem>>, vector<1x16xf32>,
        %get3A_614 = vector.shape_cast %get3A_613 : vector<1x16xf32> to vector<16xf32>
        %add3A_615 = arith.addf %get3A_610, %get3A_614 : vector<16xf32>
        %max3A_616 = arith.constant 0.000000e+00 : f32
        %max3A_617 = vector.broadcast %max3A_616 : f32 to vector<16xf32>
        %max3A_618 = arith.maximumf %add3A_615, %max3A_617 : vector<16xf32>
        %swap3A_619 = arith.index_cast %scan3A_606 : i32 to index
        %swap3A_620 = arith.constant 0 : index
        %swap3A_621 = tpu.vector_load %arg14[%swap3A_619, %swap3A_620] {strides = array<i32>} : memref<128x32xf32, #tpu.memory_space<vmem>>, vector<1x16xf32>,
        %swap3A_622 = vector.shape_cast %swap3A_621 : vector<1x16xf32> to vector<16xf32>
        %swap3A_623 = vector.shape_cast %max3A_618 : vector<16xf32> to vector<1x16xf32>
        tpu.vector_store %arg14[%swap3A_619, %swap3A_620], %swap3A_623 {strides = array<i32>} : memref<128x32xf32, #tpu.memory_space<vmem>>, vector<1x16xf32>,
        %get3A_624 = arith.index_cast %scan3A_606 : i32 to index
        %get3A_625 = arith.constant 16 : index
        %get3A_626 = tpu.vector_load %arg10[%get3A_624, %get3A_625] {strides = array<i32>} : memref<128x32xf32, #tpu.memory_space<vmem>>, vector<1x16xf32>,
        %get3A_627 = vector.shape_cast %get3A_626 : vector<1x16xf32> to vector<16xf32>
        %get3A_628 = arith.index_cast %scan3A_606 : i32 to index
        %get3A_629 = arith.constant 16 : index
        %get3A_630 = tpu.vector_load %arg12[%get3A_628, %get3A_629] {strides = array<i32>} : memref<128x32xf32, #tpu.memory_space<vmem>>, vector<1x16xf32>,
        %get3A_631 = vector.shape_cast %get3A_630 : vector<1x16xf32> to vector<16xf32>
        %add3A_632 = arith.addf %get3A_627, %get3A_631 : vector<16xf32>
        %max3A_633 = arith.constant 0.000000e+00 : f32
        %max3A_634 = vector.broadcast %max3A_633 : f32 to vector<16xf32>
        %max3A_635 = arith.maximumf %add3A_632, %max3A_634 : vector<16xf32>
        %swap3A_636 = arith.index_cast %scan3A_606 : i32 to index
        %swap3A_637 = arith.constant 16 : index
        %swap3A_638 = tpu.vector_load %arg14[%swap3A_636, %swap3A_637] {strides = array<i32>} : memref<128x32xf32, #tpu.memory_space<vmem>>, vector<1x16xf32>,
        %swap3A_639 = vector.shape_cast %swap3A_638 : vector<1x16xf32> to vector<16xf32>
        %swap3A_640 = vector.shape_cast %max3A_635 : vector<16xf32> to vector<1x16xf32>
        tpu.vector_store %arg14[%swap3A_636, %swap3A_637], %swap3A_640 {strides = array<i32>} : memref<128x32xf32, #tpu.memory_space<vmem>>, vector<1x16xf32>,
      }
      %scan3A_343 = arith.constant 128 : i32
      %add3A_344 = arith.constant 2 : i32
      %add3A_345 = arith.addi %add3A_172, %add3A_344 : i32
      %lt3A_346 = arith.constant 80 : i32
      %lt3A_347 = arith.cmpi slt, %add3A_345, %lt3A_346 : i32
      %convert_element_type3A_348 = arith.extui %lt3A_347 : i1 to i32
      %cond3A_349 = arith.constant 0 : i32
      %cond3A_350 = arith.cmpi ne, %convert_element_type3A_348, %cond3A_349 : i32
      scf.if %cond3A_350 {
        %add3A_357 = arith.constant 2 : i32
        %add3A_358 = arith.addi %add3A_172, %add3A_357 : i32
        %mul3A_359 = arith.constant 128 : i32
        %mul3A_360 = arith.muli %add3A_358, %mul3A_359 : i32
        %add3A_361 = arith.addi %mul3A_2, %mul3A_360 : i32
        %jit3A_362 = arith.constant 12800 : i32
        %div3A_363 = arith.divsi %add3A_361, %jit3A_362 : i32
        %sign3A_364 = arith.constant 0 : i32
        %sign3A_365 = arith.cmpi sgt, %add3A_361, %sign3A_364 : i32
        %sign3A_366 = arith.extui %sign3A_365 : i1 to i32
        %sign3A_367 = arith.constant 0 : i32
        %sign3A_368 = arith.cmpi slt, %add3A_361, %sign3A_367 : i32
        %sign3A_369 = arith.extui %sign3A_368 : i1 to i32
        %sign3A_370 = arith.subi %sign3A_366, %sign3A_369 : i32
        %sign3A_371 = arith.constant 0 : i32
        %sign3A_372 = arith.cmpi sgt, %jit3A_362, %sign3A_371 : i32
        %sign3A_373 = arith.extui %sign3A_372 : i1 to i32
        %sign3A_374 = arith.constant 0 : i32
        %sign3A_375 = arith.cmpi slt, %jit3A_362, %sign3A_374 : i32
        %sign3A_376 = arith.extui %sign3A_375 : i1 to i32
        %sign3A_377 = arith.subi %sign3A_373, %sign3A_376 : i32
        %ne3A_378 = arith.cmpi ne, %sign3A_370, %sign3A_377 : i32
        %rem3A_379 = arith.remsi %add3A_361, %jit3A_362 : i32
        %ne3A_380 = arith.constant 0 : i32
        %ne3A_381 = arith.cmpi ne, %rem3A_379, %ne3A_380 : i32
        %and3A_382 = arith.andi %ne3A_378, %ne3A_381 : i1
        %sub3A_383 = arith.constant 1 : i32
        %sub3A_384 = arith.subi %div3A_363, %sub3A_383 : i32
        %select_n3A_385 = arith.select %and3A_382, %sub3A_384, %div3A_363 : i32
        %mul3A_386 = arith.constant 12800 : i32
        %mul3A_387 = arith.muli %select_n3A_385, %mul3A_386 : i32
        %sub3A_388 = arith.subi %add3A_361, %mul3A_387 : i32
        %jit3A_389 = arith.constant 3200 : i32
        %div3A_390 = arith.divsi %sub3A_388, %jit3A_389 : i32
        %sign3A_391 = arith.constant 0 : i32
        %sign3A_392 = arith.cmpi sgt, %sub3A_388, %sign3A_391 : i32
        %sign3A_393 = arith.extui %sign3A_392 : i1 to i32
        %sign3A_394 = arith.constant 0 : i32
        %sign3A_395 = arith.cmpi slt, %sub3A_388, %sign3A_394 : i32
        %sign3A_396 = arith.extui %sign3A_395 : i1 to i32
        %sign3A_397 = arith.subi %sign3A_393, %sign3A_396 : i32
        %sign3A_398 = arith.constant 0 : i32
        %sign3A_399 = arith.cmpi sgt, %jit3A_389, %sign3A_398 : i32
        %sign3A_400 = arith.extui %sign3A_399 : i1 to i32
        %sign3A_401 = arith.constant 0 : i32
        %sign3A_402 = arith.cmpi slt, %jit3A_389, %sign3A_401 : i32
        %sign3A_403 = arith.extui %sign3A_402 : i1 to i32
        %sign3A_404 = arith.subi %sign3A_400, %sign3A_403 : i32
        %ne3A_405 = arith.cmpi ne, %sign3A_397, %sign3A_404 : i32
        %rem3A_406 = arith.remsi %sub3A_388, %jit3A_389 : i32
        %ne3A_407 = arith.constant 0 : i32
        %ne3A_408 = arith.cmpi ne, %rem3A_406, %ne3A_407 : i32
        %and3A_409 = arith.andi %ne3A_405, %ne3A_408 : i1
        %sub3A_410 = arith.constant 1 : i32
        %sub3A_411 = arith.subi %div3A_390, %sub3A_410 : i32
        %select_n3A_412 = arith.select %and3A_409, %sub3A_411, %div3A_390 : i32
        %mul3A_413 = arith.constant 3200 : i32
        %mul3A_414 = arith.muli %select_n3A_385, %mul3A_413 : i32
        %mul3A_415 = arith.constant 3200 : i32
        %mul3A_416 = arith.muli %select_n3A_412, %mul3A_415 : i32
        %sub3A_417 = arith.subi %sub3A_388, %mul3A_416 : i32
        %add3A_418 = arith.addi %mul3A_414, %sub3A_417 : i32
        %mul3A_419 = arith.constant 32 : i32
        %mul3A_420 = arith.muli %select_n3A_412, %mul3A_419 : i32
        %dma_start3A_421 = tpu.memref_slice %arg3[%add3A_418, %mul3A_420] : memref<81920x128xf32, #tpu.memory_space<hbm>> -> memref<128x32xf32, #tpu.memory_space<hbm>>
        %dma_start3A_422 = tpu.memref_slice %arg3[%add3A_418, %mul3A_420] : memref<81920x128xf32, #tpu.memory_space<hbm>> -> memref<128x32xf32, #tpu.memory_space<hbm>>
        tpu.enqueue_dma source(%dma_start3A_422 : memref<128x32xf32, #tpu.memory_space<hbm>>) target(%arg12 : memref<128x32xf32, #tpu.memory_space<vmem>>) target_semaphore(%arg20 : memref<!tpu.dma_semaphore, #tpu.memory_space<semaphore_mem>>)
        %dma_start3A_423 = arith.constant 0 : i32
        %dma_start3A_424 = tpu.memref_slice %arg7[%add3A_358, %dma_start3A_423] : memref<80x128xi32, #tpu.memory_space<vmem>> -> memref<1x128xi32, #tpu.memory_space<vmem>>
        %dma_start3A_425 = tpu.memref_squeeze %dma_start3A_424 : memref<1x128xi32, #tpu.memory_space<vmem>> -> memref<128xi32, #tpu.memory_space<vmem>>
        %dma_start3A_426 = arith.constant 0 : i32
        %dma_start3A_427 = arith.constant 0 : i32
        %dma_start3A_428 = tpu.memref_slice %arg2[%dma_start3A_426, %dma_start3A_427] : memref<10000x32xf32, #tpu.memory_space<hbm>> -> memref<10000x32xf32, #tpu.memory_space<hbm>>
        tpu.enqueue_indirect_dma source(%dma_start3A_428 : memref<10000x32xf32, #tpu.memory_space<hbm>>) target(%arg10 : memref<128x32xf32, #tpu.memory_space<vmem>>) offsets(%dma_start3A_425 : memref<128xi32, #tpu.memory_space<vmem>>) semaphore(%arg18 : memref<!tpu.dma_semaphore, #tpu.memory_space<semaphore_mem>>)
      } else {
      }
      %dma_start3A_351 = arith.constant 0 : i32
      %dma_start3A_352 = tpu.memref_slice %arg8[%add3A_172, %dma_start3A_351] : memref<80x128xi32, #tpu.memory_space<vmem>> -> memref<1x128xi32, #tpu.memory_space<vmem>>
      %dma_start3A_353 = tpu.memref_squeeze %dma_start3A_352 : memref<1x128xi32, #tpu.memory_space<vmem>> -> memref<128xi32, #tpu.memory_space<vmem>>
      %dma_start3A_354 = arith.constant 0 : i32
      %dma_start3A_355 = arith.constant 0 : i32
      %dma_start3A_356 = tpu.memref_slice %arg16[%dma_start3A_354, %dma_start3A_355] : memref<10240x32xf32, #tpu.memory_space<vmem_shared>> -> memref<10240x32xf32, #tpu.memory_space<vmem_shared>>
      tpu.enqueue_indirect_dma source(%arg14 : memref<128x32xf32, #tpu.memory_space<vmem>>) target(%dma_start3A_356 : memref<10240x32xf32, #tpu.memory_space<vmem_shared>>) offsets(%dma_start3A_353 : memref<128xi32, #tpu.memory_space<vmem>>) semaphore(%arg22 : memref<!tpu.dma_semaphore, #tpu.memory_space<semaphore_mem>>) {add = true}
    }
    %scan3A_147 = arith.constant 40 : i32
    %dma_wait3A = arith.constant 78 : i32
    %dma_wait3A_148 = arith.constant 0 : i32
    %dma_wait3A_149 = tpu.memref_slice %arg8[%dma_wait3A, %dma_wait3A_148] : memref<80x128xi32, #tpu.memory_space<vmem>> -> memref<1x128xi32, #tpu.memory_space<vmem>>
    %dma_wait3A_150 = tpu.memref_squeeze %dma_wait3A_149 : memref<1x128xi32, #tpu.memory_space<vmem>> -> memref<128xi32, #tpu.memory_space<vmem>>
    %dma_wait3A_151 = arith.constant 0 : i32
    %dma_wait3A_152 = arith.constant 0 : i32
    %dma_wait3A_153 = tpu.memref_slice %arg16[%dma_wait3A_151, %dma_wait3A_152] : memref<10240x32xf32, #tpu.memory_space<vmem_shared>> -> memref<10240x32xf32, #tpu.memory_space<vmem_shared>>
    tpu.wait_indirect_dma semaphore(%arg21 : memref<!tpu.dma_semaphore, #tpu.memory_space<semaphore_mem>>) src(%arg13 : memref<128x32xf32, #tpu.memory_space<vmem>>) dst(%dma_wait3A_153 : memref<10240x32xf32, #tpu.memory_space<vmem_shared>>)
    %dma_wait3A_154 = arith.constant 79 : i32
    %dma_wait3A_155 = arith.constant 0 : i32
    %dma_wait3A_156 = tpu.memref_slice %arg8[%dma_wait3A_154, %dma_wait3A_155] : memref<80x128xi32, #tpu.memory_space<vmem>> -> memref<1x128xi32, #tpu.memory_space<vmem>>
    %dma_wait3A_157 = tpu.memref_squeeze %dma_wait3A_156 : memref<1x128xi32, #tpu.memory_space<vmem>> -> memref<128xi32, #tpu.memory_space<vmem>>
    %dma_wait3A_158 = arith.constant 0 : i32
    %dma_wait3A_159 = arith.constant 0 : i32
    %dma_wait3A_160 = tpu.memref_slice %arg16[%dma_wait3A_158, %dma_wait3A_159] : memref<10240x32xf32, #tpu.memory_space<vmem_shared>> -> memref<10240x32xf32, #tpu.memory_space<vmem_shared>>
    tpu.wait_indirect_dma semaphore(%arg22 : memref<!tpu.dma_semaphore, #tpu.memory_space<semaphore_mem>>) src(%arg14 : memref<128x32xf32, #tpu.memory_space<vmem>>) dst(%dma_wait3A_160 : memref<10240x32xf32, #tpu.memory_space<vmem_shared>>)
    %barrier3A_161 = arith.constant 0 : index
    tpu.barrier barrier_id(%barrier3A_161)
    %mul3A_162 = arith.constant 640 : i32
    %mul3A_163 = arith.muli %arg1, %mul3A_162 : i32
    "tpu.region"() ({
      %run_scoped3A = tpu.sem_alloc : memref<!tpu.dma_semaphore, #tpu.memory_space<semaphore_mem>>
      %dma_start3A_166 = arith.constant 0 : i32
      %dma_start3A_167 = tpu.memref_slice %arg16[%mul3A_163, %dma_start3A_166] : memref<10240x32xf32, #tpu.memory_space<vmem_shared>> -> memref<640x32xf32, #tpu.memory_space<vmem_shared>>
      %dma_start3A_168 = arith.constant 0 : i32
      %dma_start3A_169 = tpu.memref_slice %arg16[%mul3A_163, %dma_start3A_168] : memref<10240x32xf32, #tpu.memory_space<vmem_shared>> -> memref<640x32xf32, #tpu.memory_space<vmem_shared>>
      tpu.enqueue_dma source(%dma_start3A_169 : memref<640x32xf32, #tpu.memory_space<vmem_shared>>) target(%arg15 : memref<640x32xf32, #tpu.memory_space<vmem>>) target_semaphore(%run_scoped3A : memref<!tpu.dma_semaphore, #tpu.memory_space<semaphore_mem>>)
      %dma_wait3A_170 = arith.constant 0 : i32
      %dma_wait3A_171 = tpu.memref_slice %arg16[%mul3A_163, %dma_wait3A_170] : memref<10240x32xf32, #tpu.memory_space<vmem_shared>> -> memref<640x32xf32, #tpu.memory_space<vmem_shared>>
      %dma_wait3A_172 = arith.constant 0 : i32
      %dma_wait3A_173 = tpu.memref_slice %arg16[%mul3A_163, %dma_wait3A_172] : memref<10240x32xf32, #tpu.memory_space<vmem_shared>> -> memref<640x32xf32, #tpu.memory_space<vmem_shared>>
      tpu.wait_dma2 semaphore(%run_scoped3A : memref<!tpu.dma_semaphore, #tpu.memory_space<semaphore_mem>>) src(%dma_wait3A_173 : memref<640x32xf32, #tpu.memory_space<vmem_shared>>) dst(%arg15 : memref<640x32xf32, #tpu.memory_space<vmem>>)
      tpu.yield
    }) : () -> ()
    %mul3A_164 = arith.constant 640 : i32
    %mul3A_165 = arith.muli %add3A, %mul3A_164 : i32
    "tpu.region"() ({
      %run_scoped3A = tpu.sem_alloc : memref<!tpu.dma_semaphore, #tpu.memory_space<semaphore_mem>>
      %dma_start3A_166 = arith.constant 0 : i32
      %dma_start3A_167 = tpu.memref_slice %arg6[%mul3A_165, %dma_start3A_166] : memref<20480x32xf32, #tpu.memory_space<hbm>> -> memref<640x32xf32, #tpu.memory_space<hbm>>
      %dma_start3A_168 = arith.constant 0 : i32
      %dma_start3A_169 = tpu.memref_slice %arg6[%mul3A_165, %dma_start3A_168] : memref<20480x32xf32, #tpu.memory_space<hbm>> -> memref<640x32xf32, #tpu.memory_space<hbm>>
      tpu.enqueue_dma source(%arg15 : memref<640x32xf32, #tpu.memory_space<vmem>>) target(%dma_start3A_169 : memref<640x32xf32, #tpu.memory_space<hbm>>) target_semaphore(%run_scoped3A : memref<!tpu.dma_semaphore, #tpu.memory_space<semaphore_mem>>)
      %dma_wait3A_170 = arith.constant 0 : i32
      %dma_wait3A_171 = tpu.memref_slice %arg6[%mul3A_165, %dma_wait3A_170] : memref<20480x32xf32, #tpu.memory_space<hbm>> -> memref<640x32xf32, #tpu.memory_space<hbm>>
      %dma_wait3A_172 = arith.constant 0 : i32
      %dma_wait3A_173 = tpu.memref_slice %arg6[%mul3A_165, %dma_wait3A_172] : memref<20480x32xf32, #tpu.memory_space<hbm>> -> memref<640x32xf32, #tpu.memory_space<hbm>>
      tpu.wait_dma2 semaphore(%run_scoped3A : memref<!tpu.dma_semaphore, #tpu.memory_space<semaphore_mem>>) src(%arg15 : memref<640x32xf32, #tpu.memory_space<vmem>>) dst(%dma_wait3A_173 : memref<640x32xf32, #tpu.memory_space<hbm>>)
      tpu.yield
    }) : () -> ()
    return
  }
}

module attributes {stable_mosaic.version = 14 : i64} {
  func.func @body(%arg0: i32, %arg1: memref<16x12800xf32, #tpu.memory_space<vmem>>, %arg2: memref<16x32xf32, #tpu.memory_space<vmem>>, %arg3: memref<1x32xf32, #tpu.memory_space<vmem>>, %arg4: memref<3200x128xf32, #tpu.memory_space<vmem>>) attributes {dimension_semantics = [#tpu.dimension_semantics<arbitrary>], iteration_bounds = array<i64: 25>, scalar_prefetch = 0 : i64, scratch_operands = 0 : i64, tpu.core_type = #tpu.core_type<tc>, window_params = [{transform_indices = @transform_0, window_bounds = array<i64: 16, 12800>}, {pipeline_mode = #tpu.pipeline_mode<synchronous>, transform_indices = @transform_1, window_bounds = array<i64: 16, 32>}, {pipeline_mode = #tpu.pipeline_mode<synchronous>, transform_indices = @transform_2, window_bounds = array<i64: 1, 32>}, {transform_indices = @transform_3, window_bounds = array<i64: 3200, 128>}]} {
    %get3A = arith.constant 0 : index
    %get3A_0 = arith.constant 0 : index
    %get3A_1 = vector.load %arg1[%get3A, %get3A_0] : memref<16x12800xf32, #tpu.memory_space<vmem>>, vector<16x12800xf32>
    %get3A_2 = arith.constant 0 : index
    %get3A_3 = arith.constant 0 : index
    %get3A_4 = vector.load %arg2[%get3A_2, %get3A_3] : memref<16x32xf32, #tpu.memory_space<vmem>>, vector<16x32xf32>
    %dot_general3A = arith.constant dense<0.000000e+00> : vector<12800x32xf32>
    %dot_general3A_5 = tpu.matmul %get3A_1, %get3A_4, %dot_general3A {dimension_numbers = #tpu.dot_dimension_numbers<[0], [0], [1], [1], [0, 1, 1, 1], [], []>, transpose_lhs_hint = false} : vector<16x12800xf32>, vector<16x32xf32>, vector<12800x32xf32> -> vector<12800x32xf32>
    %get3A_6 = arith.constant 0 : index
    %get3A_7 = arith.constant 0 : index
    %get3A_8 = vector.load %arg3[%get3A_6, %get3A_7] : memref<1x32xf32, #tpu.memory_space<vmem>>, vector<1x32xf32>
    %add3A = vector.broadcast %get3A_8 : vector<1x32xf32> to vector<12800x32xf32>
    %add3A_9 = arith.addf %dot_general3A_5, %add3A : vector<12800x32xf32>
    %slice3A = vector.extract_strided_slice %add3A_9 {offsets = [0, 0], sizes = [3200, 32], strides = [1, 1]} : vector<12800x32xf32> to vector<3200x32xf32>
    %slice3A_10 = vector.extract_strided_slice %add3A_9 {offsets = [3200, 0], sizes = [3200, 32], strides = [1, 1]} : vector<12800x32xf32> to vector<3200x32xf32>
    %slice3A_11 = vector.extract_strided_slice %add3A_9 {offsets = [6400, 0], sizes = [3200, 32], strides = [1, 1]} : vector<12800x32xf32> to vector<3200x32xf32>
    %slice3A_12 = vector.extract_strided_slice %add3A_9 {offsets = [9600, 0], sizes = [3200, 32], strides = [1, 1]} : vector<12800x32xf32> to vector<3200x32xf32>
    %concatenate3A = tpu.concatenate %slice3A, %slice3A_10, %slice3A_11, %slice3A_12 in 1 : vector<3200x32xf32>, vector<3200x32xf32>, vector<3200x32xf32>, vector<3200x32xf32> -> vector<3200x128xf32>
    %swap3A = arith.constant 0 : index
    %swap3A_13 = arith.constant 0 : index
    %swap3A_14 = vector.load %arg4[%swap3A, %swap3A_13] : memref<3200x128xf32, #tpu.memory_space<vmem>>, vector<3200x128xf32>
    tpu.vector_store %arg4[%swap3A, %swap3A_13], %concatenate3A {strides = array<i32>} : memref<3200x128xf32, #tpu.memory_space<vmem>>, vector<3200x128xf32>,
    return
  }
  func.func @transform_0(%arg0: i32) -> (i32, i32) {
    %c0_i32 = arith.constant 0 : i32
    %c0_i32_0 = arith.constant 0 : i32
    return %c0_i32, %arg0 : i32, i32
  }
  func.func @transform_1(%arg0: i32) -> (i32, i32) {
    %c0_i32 = arith.constant 0 : i32
    %c0_i32_0 = arith.constant 0 : i32
    %c0_i32_1 = arith.constant 0 : i32
    return %c0_i32, %c0_i32_0 : i32, i32
  }
  func.func @transform_2(%arg0: i32) -> (i32, i32) {
    %c0_i32 = arith.constant 0 : i32
    %c0_i32_0 = arith.constant 0 : i32
    %c0_i32_1 = arith.constant 0 : i32
    return %c0_i32, %c0_i32_0 : i32, i32
  }
  func.func @transform_3(%arg0: i32) -> (i32, i32) {
    %c0_i32 = arith.constant 0 : i32
    %c0_i32_0 = arith.constant 0 : i32
    return %arg0, %c0_i32 : i32, i32
  }
}

module attributes {stable_mosaic.version = 14 : i64} {
  func.func @body(%arg0: memref<10000x128xf32, #tpu.memory_space<vmem>>, %arg1: memref<128x32xf32, #tpu.memory_space<vmem>>, %arg2: memref<1x32xf32, #tpu.memory_space<vmem>>, %arg3: memref<2500x128xf32, #tpu.memory_space<vmem>>) attributes {dimension_semantics = [], scalar_prefetch = 0 : i64, scratch_operands = 0 : i64, tpu.core_type = #tpu.core_type<tc>} {
    %get3A = arith.constant 0 : index
    %get3A_0 = arith.constant 0 : index
    %get3A_1 = vector.load %arg0[%get3A, %get3A_0] : memref<10000x128xf32, #tpu.memory_space<vmem>>, vector<10000x128xf32>
    %get3A_2 = arith.constant 0 : index
    %get3A_3 = arith.constant 0 : index
    %get3A_4 = vector.load %arg1[%get3A_2, %get3A_3] : memref<128x32xf32, #tpu.memory_space<vmem>>, vector<128x32xf32>
    %dot_general3A = arith.constant dense<0.000000e+00> : vector<10000x32xf32>
    %dot_general3A_5 = tpu.matmul %get3A_1, %get3A_4, %dot_general3A {dimension_numbers = #tpu.dot_dimension_numbers<[1], [0], [0], [1], [0, 0, 1, 1], [], []>, transpose_lhs_hint = false} : vector<10000x128xf32>, vector<128x32xf32>, vector<10000x32xf32> -> vector<10000x32xf32>
    %get3A_6 = arith.constant 0 : index
    %get3A_7 = arith.constant 0 : index
    %get3A_8 = vector.load %arg2[%get3A_6, %get3A_7] : memref<1x32xf32, #tpu.memory_space<vmem>>, vector<1x32xf32>
    %add3A = vector.broadcast %get3A_8 : vector<1x32xf32> to vector<10000x32xf32>
    %add3A_9 = arith.addf %dot_general3A_5, %add3A : vector<10000x32xf32>
    %slice3A = vector.extract_strided_slice %add3A_9 {offsets = [0, 0], sizes = [2500, 32], strides = [1, 1]} : vector<10000x32xf32> to vector<2500x32xf32>
    %slice3A_10 = vector.extract_strided_slice %add3A_9 {offsets = [2500, 0], sizes = [2500, 32], strides = [1, 1]} : vector<10000x32xf32> to vector<2500x32xf32>
    %slice3A_11 = vector.extract_strided_slice %add3A_9 {offsets = [5000, 0], sizes = [2500, 32], strides = [1, 1]} : vector<10000x32xf32> to vector<2500x32xf32>
    %slice3A_12 = vector.extract_strided_slice %add3A_9 {offsets = [7500, 0], sizes = [2500, 32], strides = [1, 1]} : vector<10000x32xf32> to vector<2500x32xf32>
    %concatenate3A = tpu.concatenate %slice3A, %slice3A_10, %slice3A_11, %slice3A_12 in 1 : vector<2500x32xf32>, vector<2500x32xf32>, vector<2500x32xf32>, vector<2500x32xf32> -> vector<2500x128xf32>
    %swap3A = arith.constant 0 : index
    %swap3A_13 = arith.constant 0 : index
    %swap3A_14 = vector.load %arg3[%swap3A, %swap3A_13] : memref<2500x128xf32, #tpu.memory_space<vmem>>, vector<2500x128xf32>
    tpu.vector_store %arg3[%swap3A, %swap3A_13], %concatenate3A {strides = array<i32>} : memref<2500x128xf32, #tpu.memory_space<vmem>>, vector<2500x128xf32>,
    return
  }
}

module attributes {stable_mosaic.version = 14 : i64} {
  func.func @body(%arg0: memref<2500x128xf32, #tpu.memory_space<vmem>>, %arg1: memref<2500x128xf32, #tpu.memory_space<vmem>>, %arg2: memref<2500x128xf32, #tpu.memory_space<vmem>>, %arg3: memref<128x256xf32, #tpu.memory_space<vmem>>, %arg4: memref<1x256xf32, #tpu.memory_space<vmem>>, %arg5: memref<256x128xf32, #tpu.memory_space<vmem>>, %arg6: memref<1x128xf32, #tpu.memory_space<vmem>>, %arg7: memref<1x128xf32, #tpu.memory_space<vmem>>, %arg8: memref<1x128xf32, #tpu.memory_space<vmem>>, %arg9: memref<2500x128xf32, #tpu.memory_space<vmem>>) attributes {dimension_semantics = [], scalar_prefetch = 0 : i64, scratch_operands = 0 : i64, tpu.core_type = #tpu.core_type<tc>} {
    %get3A = arith.constant 0 : index
    %get3A_0 = arith.constant 0 : index
    %get3A_1 = vector.load %arg0[%get3A, %get3A_0] : memref<2500x128xf32, #tpu.memory_space<vmem>>, vector<2500x128xf32>
    %get3A_2 = arith.constant 0 : index
    %get3A_3 = arith.constant 0 : index
    %get3A_4 = vector.load %arg1[%get3A_2, %get3A_3] : memref<2500x128xf32, #tpu.memory_space<vmem>>, vector<2500x128xf32>
    %get3A_5 = arith.constant 0 : index
    %get3A_6 = arith.constant 0 : index
    %get3A_7 = vector.load %arg2[%get3A_5, %get3A_6] : memref<2500x128xf32, #tpu.memory_space<vmem>>, vector<2500x128xf32>
    %get3A_8 = arith.constant 0 : index
    %get3A_9 = arith.constant 0 : index
    %get3A_10 = vector.load %arg3[%get3A_8, %get3A_9] : memref<128x256xf32, #tpu.memory_space<vmem>>, vector<128x256xf32>
    %get3A_11 = arith.constant 0 : index
    %get3A_12 = arith.constant 0 : index
    %get3A_13 = vector.load %arg4[%get3A_11, %get3A_12] : memref<1x256xf32, #tpu.memory_space<vmem>>, vector<1x256xf32>
    %get3A_14 = arith.constant 0 : index
    %get3A_15 = arith.constant 0 : index
    %get3A_16 = vector.load %arg5[%get3A_14, %get3A_15] : memref<256x128xf32, #tpu.memory_space<vmem>>, vector<256x128xf32>
    %get3A_17 = arith.constant 0 : index
    %get3A_18 = arith.constant 0 : index
    %get3A_19 = vector.load %arg6[%get3A_17, %get3A_18] : memref<1x128xf32, #tpu.memory_space<vmem>>, vector<1x128xf32>
    %get3A_20 = arith.constant 0 : index
    %get3A_21 = arith.constant 0 : index
    %get3A_22 = vector.load %arg7[%get3A_20, %get3A_21] : memref<1x128xf32, #tpu.memory_space<vmem>>, vector<1x128xf32>
    %get3A_23 = arith.constant 0 : index
    %get3A_24 = arith.constant 0 : index
    %get3A_25 = vector.load %arg8[%get3A_23, %get3A_24] : memref<1x128xf32, #tpu.memory_space<vmem>>, vector<1x128xf32>
    %add3A = arith.addf %get3A_1, %get3A_4 : vector<2500x128xf32>
    %add3A_26 = arith.addf %add3A, %get3A_7 : vector<2500x128xf32>
    %dot_general3A = arith.constant dense<0.000000e+00> : vector<2500x256xf32>
    %dot_general3A_27 = tpu.matmul %add3A_26, %get3A_10, %dot_general3A {dimension_numbers = #tpu.dot_dimension_numbers<[1], [0], [0], [1], [0, 0, 1, 1], [], []>, transpose_lhs_hint = false} : vector<2500x128xf32>, vector<128x256xf32>, vector<2500x256xf32> -> vector<2500x256xf32>
    %add3A_28 = vector.broadcast %get3A_13 : vector<1x256xf32> to vector<2500x256xf32>
    %add3A_29 = arith.addf %dot_general3A_27, %add3A_28 : vector<2500x256xf32>
    %max3A = arith.constant 0.000000e+00 : f32
    %max3A_30 = vector.broadcast %max3A : f32 to vector<2500x256xf32>
    %max3A_31 = arith.maximumf %add3A_29, %max3A_30 : vector<2500x256xf32>
    %dot_general3A_32 = arith.constant dense<0.000000e+00> : vector<2500x128xf32>
    %dot_general3A_33 = tpu.matmul %max3A_31, %get3A_16, %dot_general3A_32 {dimension_numbers = #tpu.dot_dimension_numbers<[1], [0], [0], [1], [0, 0, 1, 1], [], []>, transpose_lhs_hint = false} : vector<2500x256xf32>, vector<256x128xf32>, vector<2500x128xf32> -> vector<2500x128xf32>
    %add3A_34 = vector.broadcast %get3A_19 : vector<1x128xf32> to vector<2500x128xf32>
    %add3A_35 = arith.addf %dot_general3A_33, %add3A_34 : vector<2500x128xf32>
    %reduce_sum3A = arith.constant dense<0.000000e+00> : vector<128xf32>
    %reduce_sum3A_36 = vector.multi_reduction <add>, %add3A_35, %reduce_sum3A [0] : vector<2500x128xf32> to vector<128xf32>
    %broadcast_in_dim3A = vector.shape_cast %reduce_sum3A_36 : vector<128xf32> to vector<1x128xf32>
    %slice3A = vector.extract_strided_slice %broadcast_in_dim3A {offsets = [0, 0], sizes = [1, 32], strides = [1, 1]} : vector<1x128xf32> to vector<1x32xf32>
    %slice3A_37 = vector.extract_strided_slice %broadcast_in_dim3A {offsets = [0, 32], sizes = [1, 32], strides = [1, 1]} : vector<1x128xf32> to vector<1x32xf32>
    %add3A_38 = arith.addf %slice3A, %slice3A_37 : vector<1x32xf32>
    %slice3A_39 = vector.extract_strided_slice %broadcast_in_dim3A {offsets = [0, 64], sizes = [1, 32], strides = [1, 1]} : vector<1x128xf32> to vector<1x32xf32>
    %add3A_40 = arith.addf %add3A_38, %slice3A_39 : vector<1x32xf32>
    %slice3A_41 = vector.extract_strided_slice %broadcast_in_dim3A {offsets = [0, 96], sizes = [1, 32], strides = [1, 1]} : vector<1x128xf32> to vector<1x32xf32>
    %add3A_42 = arith.addf %add3A_40, %slice3A_41 : vector<1x32xf32>
    %div3A = arith.constant 1.000000e+04 : f32
    %div3A_43 = vector.broadcast %div3A : f32 to vector<1x32xf32>
    %div3A_44 = arith.divf %add3A_42, %div3A_43 : vector<1x32xf32>
    %concatenate3A = tpu.concatenate %div3A_44, %div3A_44, %div3A_44, %div3A_44 in 1 : vector<1x32xf32>, vector<1x32xf32>, vector<1x32xf32>, vector<1x32xf32> -> vector<1x128xf32>
    %sub3A = vector.broadcast %concatenate3A : vector<1x128xf32> to vector<2500x128xf32>
    %sub3A_45 = arith.subf %add3A_35, %sub3A : vector<2500x128xf32>
    %mul3A = arith.mulf %sub3A_45, %sub3A_45 : vector<2500x128xf32>
    %reduce_sum3A_46 = arith.constant dense<0.000000e+00> : vector<128xf32>
    %reduce_sum3A_47 = vector.multi_reduction <add>, %mul3A, %reduce_sum3A_46 [0] : vector<2500x128xf32> to vector<128xf32>
    %broadcast_in_dim3A_48 = vector.shape_cast %reduce_sum3A_47 : vector<128xf32> to vector<1x128xf32>
    %slice3A_49 = vector.extract_strided_slice %broadcast_in_dim3A_48 {offsets = [0, 0], sizes = [1, 32], strides = [1, 1]} : vector<1x128xf32> to vector<1x32xf32>
    %slice3A_50 = vector.extract_strided_slice %broadcast_in_dim3A_48 {offsets = [0, 32], sizes = [1, 32], strides = [1, 1]} : vector<1x128xf32> to vector<1x32xf32>
    %add3A_51 = arith.addf %slice3A_49, %slice3A_50 : vector<1x32xf32>
    %slice3A_52 = vector.extract_strided_slice %broadcast_in_dim3A_48 {offsets = [0, 64], sizes = [1, 32], strides = [1, 1]} : vector<1x128xf32> to vector<1x32xf32>
    %add3A_53 = arith.addf %add3A_51, %slice3A_52 : vector<1x32xf32>
    %slice3A_54 = vector.extract_strided_slice %broadcast_in_dim3A_48 {offsets = [0, 96], sizes = [1, 32], strides = [1, 1]} : vector<1x128xf32> to vector<1x32xf32>
    %add3A_55 = arith.addf %add3A_53, %slice3A_54 : vector<1x32xf32>
    %div3A_56 = arith.constant 1.000000e+04 : f32
    %div3A_57 = vector.broadcast %div3A_56 : f32 to vector<1x32xf32>
    %div3A_58 = arith.divf %add3A_55, %div3A_57 : vector<1x32xf32>
    %concatenate3A_59 = tpu.concatenate %div3A_58, %div3A_58, %div3A_58, %div3A_58 in 1 : vector<1x32xf32>, vector<1x32xf32>, vector<1x32xf32>, vector<1x32xf32> -> vector<1x128xf32>
    %mul3A_60 = vector.broadcast %get3A_22 : vector<1x128xf32> to vector<2500x128xf32>
    %mul3A_61 = arith.mulf %mul3A_60, %sub3A_45 : vector<2500x128xf32>
    %add3A_62 = arith.constant 9.99999974E-6 : f32
    %add3A_63 = vector.broadcast %add3A_62 : f32 to vector<1x128xf32>
    %add3A_64 = arith.addf %concatenate3A_59, %add3A_63 : vector<1x128xf32>
    %rsqrt3A = math.rsqrt %add3A_64 : vector<1x128xf32>
    %mul3A_65 = vector.broadcast %rsqrt3A : vector<1x128xf32> to vector<2500x128xf32>
    %mul3A_66 = arith.mulf %mul3A_61, %mul3A_65 : vector<2500x128xf32>
    %add3A_67 = vector.broadcast %get3A_25 : vector<1x128xf32> to vector<2500x128xf32>
    %add3A_68 = arith.addf %mul3A_66, %add3A_67 : vector<2500x128xf32>
    %max3A_69 = arith.constant 0.000000e+00 : f32
    %max3A_70 = vector.broadcast %max3A_69 : f32 to vector<2500x128xf32>
    %max3A_71 = arith.maximumf %add3A_68, %max3A_70 : vector<2500x128xf32>
    %swap3A = arith.constant 0 : index
    %swap3A_72 = arith.constant 0 : index
    %swap3A_73 = vector.load %arg9[%swap3A, %swap3A_72] : memref<2500x128xf32, #tpu.memory_space<vmem>>, vector<2500x128xf32>
    tpu.vector_store %arg9[%swap3A, %swap3A_72], %max3A_71 {strides = array<i32>} : memref<2500x128xf32, #tpu.memory_space<vmem>>, vector<2500x128xf32>,
    return
  }
}

module attributes {stable_mosaic.version = 14 : i64} {
  func.func @body(%arg0: memref<2500x128xf32, #tpu.memory_space<vmem>>, %arg1: memref<2500x128xf32, #tpu.memory_space<vmem>>, %arg2: memref<2500x128xf32, #tpu.memory_space<vmem>>, %arg3: memref<128x256xf32, #tpu.memory_space<vmem>>, %arg4: memref<1x256xf32, #tpu.memory_space<vmem>>, %arg5: memref<256x128xf32, #tpu.memory_space<vmem>>, %arg6: memref<1x128xf32, #tpu.memory_space<vmem>>, %arg7: memref<1x128xf32, #tpu.memory_space<vmem>>, %arg8: memref<1x128xf32, #tpu.memory_space<vmem>>, %arg9: memref<32x16xf32, #tpu.memory_space<vmem>>, %arg10: memref<1x16xf32, #tpu.memory_space<vmem>>, %arg11: memref<16x1xf32, #tpu.memory_space<vmem>>, %arg12: memref<1x1xf32, #tpu.memory_space<vmem>>, %arg13: memref<1x1xf32, #tpu.memory_space<vmem>>) attributes {dimension_semantics = [], scalar_prefetch = 0 : i64, scratch_operands = 0 : i64, tpu.core_type = #tpu.core_type<tc>} {
    %get3A = arith.constant 0 : index
    %get3A_0 = arith.constant 0 : index
    %get3A_1 = vector.load %arg0[%get3A, %get3A_0] : memref<2500x128xf32, #tpu.memory_space<vmem>>, vector<2500x128xf32>
    %get3A_2 = arith.constant 0 : index
    %get3A_3 = arith.constant 0 : index
    %get3A_4 = vector.load %arg1[%get3A_2, %get3A_3] : memref<2500x128xf32, #tpu.memory_space<vmem>>, vector<2500x128xf32>
    %get3A_5 = arith.constant 0 : index
    %get3A_6 = arith.constant 0 : index
    %get3A_7 = vector.load %arg2[%get3A_5, %get3A_6] : memref<2500x128xf32, #tpu.memory_space<vmem>>, vector<2500x128xf32>
    %get3A_8 = arith.constant 0 : index
    %get3A_9 = arith.constant 0 : index
    %get3A_10 = vector.load %arg3[%get3A_8, %get3A_9] : memref<128x256xf32, #tpu.memory_space<vmem>>, vector<128x256xf32>
    %get3A_11 = arith.constant 0 : index
    %get3A_12 = arith.constant 0 : index
    %get3A_13 = vector.load %arg4[%get3A_11, %get3A_12] : memref<1x256xf32, #tpu.memory_space<vmem>>, vector<1x256xf32>
    %get3A_14 = arith.constant 0 : index
    %get3A_15 = arith.constant 0 : index
    %get3A_16 = vector.load %arg5[%get3A_14, %get3A_15] : memref<256x128xf32, #tpu.memory_space<vmem>>, vector<256x128xf32>
    %get3A_17 = arith.constant 0 : index
    %get3A_18 = arith.constant 0 : index
    %get3A_19 = vector.load %arg6[%get3A_17, %get3A_18] : memref<1x128xf32, #tpu.memory_space<vmem>>, vector<1x128xf32>
    %get3A_20 = arith.constant 0 : index
    %get3A_21 = arith.constant 0 : index
    %get3A_22 = vector.load %arg7[%get3A_20, %get3A_21] : memref<1x128xf32, #tpu.memory_space<vmem>>, vector<1x128xf32>
    %get3A_23 = arith.constant 0 : index
    %get3A_24 = arith.constant 0 : index
    %get3A_25 = vector.load %arg8[%get3A_23, %get3A_24] : memref<1x128xf32, #tpu.memory_space<vmem>>, vector<1x128xf32>
    %add3A = arith.addf %get3A_1, %get3A_4 : vector<2500x128xf32>
    %add3A_26 = arith.addf %add3A, %get3A_7 : vector<2500x128xf32>
    %dot_general3A = arith.constant dense<0.000000e+00> : vector<2500x256xf32>
    %dot_general3A_27 = tpu.matmul %add3A_26, %get3A_10, %dot_general3A {dimension_numbers = #tpu.dot_dimension_numbers<[1], [0], [0], [1], [0, 0, 1, 1], [], []>, transpose_lhs_hint = false} : vector<2500x128xf32>, vector<128x256xf32>, vector<2500x256xf32> -> vector<2500x256xf32>
    %add3A_28 = vector.broadcast %get3A_13 : vector<1x256xf32> to vector<2500x256xf32>
    %add3A_29 = arith.addf %dot_general3A_27, %add3A_28 : vector<2500x256xf32>
    %max3A = arith.constant 0.000000e+00 : f32
    %max3A_30 = vector.broadcast %max3A : f32 to vector<2500x256xf32>
    %max3A_31 = arith.maximumf %add3A_29, %max3A_30 : vector<2500x256xf32>
    %dot_general3A_32 = arith.constant dense<0.000000e+00> : vector<2500x128xf32>
    %dot_general3A_33 = tpu.matmul %max3A_31, %get3A_16, %dot_general3A_32 {dimension_numbers = #tpu.dot_dimension_numbers<[1], [0], [0], [1], [0, 0, 1, 1], [], []>, transpose_lhs_hint = false} : vector<2500x256xf32>, vector<256x128xf32>, vector<2500x128xf32> -> vector<2500x128xf32>
    %add3A_34 = vector.broadcast %get3A_19 : vector<1x128xf32> to vector<2500x128xf32>
    %add3A_35 = arith.addf %dot_general3A_33, %add3A_34 : vector<2500x128xf32>
    %reduce_sum3A = arith.constant dense<0.000000e+00> : vector<128xf32>
    %reduce_sum3A_36 = vector.multi_reduction <add>, %add3A_35, %reduce_sum3A [0] : vector<2500x128xf32> to vector<128xf32>
    %broadcast_in_dim3A = vector.shape_cast %reduce_sum3A_36 : vector<128xf32> to vector<1x128xf32>
    %slice3A = vector.extract_strided_slice %broadcast_in_dim3A {offsets = [0, 0], sizes = [1, 32], strides = [1, 1]} : vector<1x128xf32> to vector<1x32xf32>
    %slice3A_37 = vector.extract_strided_slice %broadcast_in_dim3A {offsets = [0, 32], sizes = [1, 32], strides = [1, 1]} : vector<1x128xf32> to vector<1x32xf32>
    %add3A_38 = arith.addf %slice3A, %slice3A_37 : vector<1x32xf32>
    %slice3A_39 = vector.extract_strided_slice %broadcast_in_dim3A {offsets = [0, 64], sizes = [1, 32], strides = [1, 1]} : vector<1x128xf32> to vector<1x32xf32>
    %add3A_40 = arith.addf %add3A_38, %slice3A_39 : vector<1x32xf32>
    %slice3A_41 = vector.extract_strided_slice %broadcast_in_dim3A {offsets = [0, 96], sizes = [1, 32], strides = [1, 1]} : vector<1x128xf32> to vector<1x32xf32>
    %add3A_42 = arith.addf %add3A_40, %slice3A_41 : vector<1x32xf32>
    %div3A = arith.constant 1.000000e+04 : f32
    %div3A_43 = vector.broadcast %div3A : f32 to vector<1x32xf32>
    %div3A_44 = arith.divf %add3A_42, %div3A_43 : vector<1x32xf32>
    %concatenate3A = tpu.concatenate %div3A_44, %div3A_44, %div3A_44, %div3A_44 in 1 : vector<1x32xf32>, vector<1x32xf32>, vector<1x32xf32>, vector<1x32xf32> -> vector<1x128xf32>
    %sub3A = vector.broadcast %concatenate3A : vector<1x128xf32> to vector<2500x128xf32>
    %sub3A_45 = arith.subf %add3A_35, %sub3A : vector<2500x128xf32>
    %mul3A = arith.mulf %sub3A_45, %sub3A_45 : vector<2500x128xf32>
    %reduce_sum3A_46 = arith.constant dense<0.000000e+00> : vector<128xf32>
    %reduce_sum3A_47 = vector.multi_reduction <add>, %mul3A, %reduce_sum3A_46 [0] : vector<2500x128xf32> to vector<128xf32>
    %broadcast_in_dim3A_48 = vector.shape_cast %reduce_sum3A_47 : vector<128xf32> to vector<1x128xf32>
    %slice3A_49 = vector.extract_strided_slice %broadcast_in_dim3A_48 {offsets = [0, 0], sizes = [1, 32], strides = [1, 1]} : vector<1x128xf32> to vector<1x32xf32>
    %slice3A_50 = vector.extract_strided_slice %broadcast_in_dim3A_48 {offsets = [0, 32], sizes = [1, 32], strides = [1, 1]} : vector<1x128xf32> to vector<1x32xf32>
    %add3A_51 = arith.addf %slice3A_49, %slice3A_50 : vector<1x32xf32>
    %slice3A_52 = vector.extract_strided_slice %broadcast_in_dim3A_48 {offsets = [0, 64], sizes = [1, 32], strides = [1, 1]} : vector<1x128xf32> to vector<1x32xf32>
    %add3A_53 = arith.addf %add3A_51, %slice3A_52 : vector<1x32xf32>
    %slice3A_54 = vector.extract_strided_slice %broadcast_in_dim3A_48 {offsets = [0, 96], sizes = [1, 32], strides = [1, 1]} : vector<1x128xf32> to vector<1x32xf32>
    %add3A_55 = arith.addf %add3A_53, %slice3A_54 : vector<1x32xf32>
    %div3A_56 = arith.constant 1.000000e+04 : f32
    %div3A_57 = vector.broadcast %div3A_56 : f32 to vector<1x32xf32>
    %div3A_58 = arith.divf %add3A_55, %div3A_57 : vector<1x32xf32>
    %concatenate3A_59 = tpu.concatenate %div3A_58, %div3A_58, %div3A_58, %div3A_58 in 1 : vector<1x32xf32>, vector<1x32xf32>, vector<1x32xf32>, vector<1x32xf32> -> vector<1x128xf32>
    %mul3A_60 = vector.broadcast %get3A_22 : vector<1x128xf32> to vector<2500x128xf32>
    %mul3A_61 = arith.mulf %mul3A_60, %sub3A_45 : vector<2500x128xf32>
    %add3A_62 = arith.constant 9.99999974E-6 : f32
    %add3A_63 = vector.broadcast %add3A_62 : f32 to vector<1x128xf32>
    %add3A_64 = arith.addf %concatenate3A_59, %add3A_63 : vector<1x128xf32>
    %rsqrt3A = math.rsqrt %add3A_64 : vector<1x128xf32>
    %mul3A_65 = vector.broadcast %rsqrt3A : vector<1x128xf32> to vector<2500x128xf32>
    %mul3A_66 = arith.mulf %mul3A_61, %mul3A_65 : vector<2500x128xf32>
    %add3A_67 = vector.broadcast %get3A_25 : vector<1x128xf32> to vector<2500x128xf32>
    %add3A_68 = arith.addf %mul3A_66, %add3A_67 : vector<2500x128xf32>
    %max3A_69 = arith.constant 0.000000e+00 : f32
    %max3A_70 = vector.broadcast %max3A_69 : f32 to vector<2500x128xf32>
    %max3A_71 = arith.maximumf %add3A_68, %max3A_70 : vector<2500x128xf32>
    %reduce_sum3A_72 = arith.constant dense<0.000000e+00> : vector<128xf32>
    %reduce_sum3A_73 = vector.multi_reduction <add>, %max3A_71, %reduce_sum3A_72 [0] : vector<2500x128xf32> to vector<128xf32>
    %broadcast_in_dim3A_74 = vector.shape_cast %reduce_sum3A_73 : vector<128xf32> to vector<1x128xf32>
    %slice3A_75 = vector.extract_strided_slice %broadcast_in_dim3A_74 {offsets = [0, 0], sizes = [1, 32], strides = [1, 1]} : vector<1x128xf32> to vector<1x32xf32>
    %slice3A_76 = vector.extract_strided_slice %broadcast_in_dim3A_74 {offsets = [0, 32], sizes = [1, 32], strides = [1, 1]} : vector<1x128xf32> to vector<1x32xf32>
    %add3A_77 = arith.addf %slice3A_75, %slice3A_76 : vector<1x32xf32>
    %slice3A_78 = vector.extract_strided_slice %broadcast_in_dim3A_74 {offsets = [0, 64], sizes = [1, 32], strides = [1, 1]} : vector<1x128xf32> to vector<1x32xf32>
    %add3A_79 = arith.addf %add3A_77, %slice3A_78 : vector<1x32xf32>
    %slice3A_80 = vector.extract_strided_slice %broadcast_in_dim3A_74 {offsets = [0, 96], sizes = [1, 32], strides = [1, 1]} : vector<1x128xf32> to vector<1x32xf32>
    %add3A_81 = arith.addf %add3A_79, %slice3A_80 : vector<1x32xf32>
    %get3A_82 = arith.constant 0 : index
    %get3A_83 = arith.constant 0 : index
    %get3A_84 = vector.load %arg9[%get3A_82, %get3A_83] : memref<32x16xf32, #tpu.memory_space<vmem>>, vector<32x16xf32>
    %dot_general3A_85 = arith.constant dense<0.000000e+00> : vector<1x16xf32>
    %dot_general3A_86 = tpu.matmul %add3A_81, %get3A_84, %dot_general3A_85 {dimension_numbers = #tpu.dot_dimension_numbers<[1], [0], [0], [1], [0, 0, 1, 1], [], []>, transpose_lhs_hint = false} : vector<1x32xf32>, vector<32x16xf32>, vector<1x16xf32> -> vector<1x16xf32>
    %get3A_87 = arith.constant 0 : index
    %get3A_88 = arith.constant 0 : index
    %get3A_89 = vector.load %arg10[%get3A_87, %get3A_88] : memref<1x16xf32, #tpu.memory_space<vmem>>, vector<1x16xf32>
    %add3A_90 = arith.addf %dot_general3A_86, %get3A_89 : vector<1x16xf32>
    %max3A_91 = arith.constant 0.000000e+00 : f32
    %max3A_92 = vector.broadcast %max3A_91 : f32 to vector<1x16xf32>
    %max3A_93 = arith.maximumf %add3A_90, %max3A_92 : vector<1x16xf32>
    %get3A_94 = arith.constant 0 : index
    %get3A_95 = arith.constant 0 : index
    %get3A_96 = vector.load %arg11[%get3A_94, %get3A_95] : memref<16x1xf32, #tpu.memory_space<vmem>>, vector<16x1xf32>
    %dot_general3A_97 = arith.constant dense<0.000000e+00> : vector<1x1xf32>
    %dot_general3A_98 = tpu.matmul %max3A_93, %get3A_96, %dot_general3A_97 {dimension_numbers = #tpu.dot_dimension_numbers<[1], [0], [0], [1], [0, 0, 1, 1], [], []>, transpose_lhs_hint = false} : vector<1x16xf32>, vector<16x1xf32>, vector<1x1xf32> -> vector<1x1xf32>
    %get3A_99 = arith.constant 0 : index
    %get3A_100 = arith.constant 0 : index
    %get3A_101 = vector.load %arg12[%get3A_99, %get3A_100] : memref<1x1xf32, #tpu.memory_space<vmem>>, vector<1x1xf32>
    %add3A_102 = arith.addf %dot_general3A_98, %get3A_101 : vector<1x1xf32>
    %swap3A = arith.constant 0 : index
    %swap3A_103 = arith.constant 0 : index
    %swap3A_104 = vector.load %arg13[%swap3A, %swap3A_103] : memref<1x1xf32, #tpu.memory_space<vmem>>, vector<1x1xf32>
    tpu.vector_store %arg13[%swap3A, %swap3A_103], %add3A_102 {strides = array<i32>} : memref<1x1xf32, #tpu.memory_space<vmem>>, vector<1x1xf32>,
    return
  }
}

</mosaic_0001>

<sc_bundles>
// kernel: kernel.10.cloned.1.call-start
scs
__scs_entry_jumppad:
0x0: {  	(pc) =	sbr.rel $0x88, $3  }
0x1: {  	(tag) =	ssettag $0x0;
	lr =	simm.s32 $0x1  }
0x2: {  	[smem:$0x3F90] =	sst lr;
	_ =	strace $0xD0000000  }
0x3: {  	_ = 	snop  }
0x4: {  	_ = 	snop  }
0x5: {  	_ = 	snop  }
0x6: {  	_ = 	snop  }
0x7: {  	_ = 	snop  }
__scs_overlays_trampoline_lowered:
0x8: {  	[smem:$0x3F9F] =	sst s0  }
0x9: {  	[smem:$0x3FA0] =	sst s1  }
0xa: {  	[smem:$0x3FA1] =	sst s2  }
0xb: {  	[smem:$0x3FA2] =	sst s3  }
0xc: {  	[smem:$0x3FA3] =	sst s4  }
0xd: {  	[smem:$0x3FA4] =	sst s5  }
0xe: {  	[smem:$0x3FA5] =	sst s6  }
0xf: {  	[smem:$0x3FA6] =	sst s7  }
0x10: {  	[smem:$0x3FA7] =	sst s8  }
0x11: {  	[smem:$0x3FA8] =	sst s9;
	s0 =	simm.s32 @!p0 $0x0  }
0x12: {  	s1 =	sld [smem:$0x3F8E];
	s0 =	simm.s32 @p0 $0x1  }
0x13: {  	[smem:$0x3FA9] =	sst s0;
	s0 =	simm.s32 @!p1 $0x0  }
0x14: {  	s2 =	sld [smem:$0x3F8D];
	s0 =	simm.s32 @p1 $0x1  }
0x15: {  	[smem:$0x3FAA] =	sst s0;
	s0 =	simm.s32 @!p2 $0x0  }
0x16: {  	s3 =	sld [smem:$0x3FDB];
	s0 =	simm.s32 @p2 $0x1  }
0x17: {  	s4 =	simm.s32 $0x1BF5;
	[smem:$0x3FAC] =	sst s0  }
0x18: {  	s0 =	sld [smem:$0x3F8F];
	_ =	swait.ge [sflag:s4], $0x0  }
0x19: {  	s7 =	sld [smem:$0x3F90]  }
0x1a: {  	s8 =	sadd.s32 $0xFFFFE003, lr  }
0x1b: {  	s9 =	sadd.s32 $0xFFFFFEF7, lr;
	s5 =	simm.s32 $0xFFFFFFFF;
	p2 =	slt.u32 s8, $0xFFFFF086  }
0x1c: {  	p1 =	slt.u32 s9, $0xF7A;
	s5 =	simm.s32 @!p2 $0x0  }
0x1d: {  	s5 =	simm.s32 @p1 $0x1;
	p0 =	seq.s32 s7, s2  }
0x1e: {  	s7 =	smul.u32 @!p0 $0xF7A, s2;
	p2 =	seq.s32 @!p0 s5, $0x0  }
0x1f: {  	s9 =	smul.u32 $0xF7A, s1;
	s8 =	simm.s32 @!p0 $0x1BF5;
	p2 =	por !p2, p0  }
0x20: {  	[sflag:s8] =	ssyncset.s32 @!p0 $0xFFFFF086;
	s6 =	sadd.s32 @!p0 s3, s7;
	s7 =	simm.s32 @!p0 $0x108  }
0x21: {  	s3 =	sadd.s32 s3, s9;
	s6 =	sadd.s32 @!p0 $0x88, s6;
	s7 =	simm.s32 @p2 $0x1082  }
0x22: {  	[simem:s7], [sflag:s8] =	dma.local @!p0 [hbm:s6], $0xF7A  }
0x23: {  	s9 =	sor.u32 $0xD0000000, s2;
	s6 =	simm.s32 $0x108;
	_ =	swait.ge @!p0 [sflag:s8], $0x0  }
0x24: {  	s3 =	sadd.s32 $0x88, s3;
	s6 =	simm.s32 @!p1 $0x1082;
	[sflag:s4] =	ssyncset.s32 $0xFFFFF086  }
0x25: {  	[simem:s6], [sflag:s4] =	dma.local [hbm:s3], $0xF7A  }
0x26: {  	[smem:$0x3F90] =	sst s1;
	(tag) =	ssettag s2;
	_ =	strace s9  }
0x27: {  	s1 =	sld [smem:$0x3FA0]  }
0x28: {  	s2 =	sld [smem:$0x3FA1]  }
0x29: {  	s4 =	sld [smem:$0x3FA3]  }
0x2a: {  	p0 =	seq.s32 s5, $0x0;
	s5 =	sld [smem:$0x3FA4]  }
0x2b: {  	s6 =	sld [smem:$0x3FA5]  }
0x2c: {  	s7 =	sld [smem:$0x3FA6]  }
0x2d: {  	s3 =	simm.s32 $0x108;
	s8 =	sld [smem:$0x3FA7]  }
0x2e: {  	s3 =	simm.s32 @!p0 $0x1082;
	s9 =	sld [smem:$0x3FA8]  }
0x2f: {  	lr =	sadd.s32 s0, s3;
	s0 =	sld [smem:$0x3F9F]  }
0x30: {  	s3 =	sld [smem:$0x3FA2]  }
0x31: {  	[smem:$0x3FAB] =	sst s10  }
0x32: {  	s10 =	sld [smem:$0x3FA9];
	_ =	sdelay $0x3  }
0x33: {  	p0 =	seq.s32 s10, $0x1;
	s10 =	sld [smem:$0x3FAB];
	_ =	sdelay $0x3  }
0x34: {  	[smem:$0x3FAB] =	sst s10  }
0x35: {  	s10 =	sld [smem:$0x3FAA];
	_ =	sdelay $0x3  }
0x36: {  	p1 =	seq.s32 s10, $0x1;
	s10 =	sld [smem:$0x3FAB];
	_ =	sdelay $0x3  }
0x37: {  	[smem:$0x3FAB] =	sst s10  }
0x38: {  	s10 =	sld [smem:$0x3FAC]  }
0x39: {  	_ = 	snop;
	(pc) =	sbr.ind lr, $3  }
0x3a: {  	_ = 	snop  }
0x3b: {  	_ = 	snop  }
0x3c: {  	p2 =	seq.s32 s10, $0x1;
	s10 =	sld [smem:$0x3FAB]  }
0x3d: {  	_ =	shalt  }
0x3e: {  	_ =	shalt  }
0x3f: {  	_ =	shalt  }
0x40: {  	_ =	shalt  }
0x41: {  	_ =	shalt  }
0x42: {  	_ =	shalt  }
0x43: {  	_ =	shalt  }
0x44: {  	_ =	shalt  }
0x45: {  	_ =	shalt  }
0x46: {  	_ =	shalt  }
0x47: {  	_ =	shalt  }
0x48: {  	_ =	shalt  }
0x49: {  	_ =	shalt  }
0x4a: {  	_ =	shalt  }
0x4b: {  	_ =	shalt  }
0x4c: {  	_ =	shalt  }
0x4d: {  	_ =	shalt  }
0x4e: {  	_ =	shalt  }
0x4f: {  	_ =	shalt  }
0x50: {  	_ =	shalt  }
0x51: {  	_ =	shalt  }
0x52: {  	_ =	shalt  }
0x53: {  	_ =	shalt  }
0x54: {  	_ =	shalt  }
0x55: {  	_ =	shalt  }
0x56: {  	_ =	shalt  }
0x57: {  	_ =	shalt  }
0x58: {  	_ =	shalt  }
0x59: {  	_ =	shalt  }
0x5a: {  	_ =	shalt  }
0x5b: {  	_ =	shalt  }
0x5c: {  	_ =	shalt  }
0x5d: {  	_ =	shalt  }
0x5e: {  	_ =	shalt  }
0x5f: {  	_ =	shalt  }
0x60: {  	_ =	shalt  }
0x61: {  	_ =	shalt  }
0x62: {  	_ =	shalt  }
0x63: {  	_ =	shalt  }
0x64: {  	_ =	shalt  }
0x65: {  	_ =	shalt  }
0x66: {  	_ =	shalt  }
0x67: {  	_ =	shalt  }
0x68: {  	_ =	shalt  }
0x69: {  	_ =	shalt  }
0x6a: {  	_ =	shalt  }
0x6b: {  	_ =	shalt  }
0x6c: {  	_ =	shalt  }
0x6d: {  	_ =	shalt  }
0x6e: {  	_ =	shalt  }
0x6f: {  	_ =	shalt  }
0x70: {  	_ =	shalt  }
0x71: {  	_ =	shalt  }
0x72: {  	_ =	shalt  }
0x73: {  	_ =	shalt  }
0x74: {  	_ =	shalt  }
0x75: {  	_ =	shalt  }
0x76: {  	_ =	shalt  }
0x77: {  	_ =	shalt  }
0x78: {  	_ =	shalt  }
0x79: {  	_ =	shalt  }
0x7a: {  	_ =	shalt  }
0x7b: {  	_ =	shalt  }
0x7c: {  	_ =	shalt  }
0x7d: {  	_ =	shalt  }
0x7e: {  	_ =	shalt  }
0x7f: {  	_ =	shalt  }
0x80: {  	_ =	shalt  }
0x81: {  	_ =	shalt  }
0x82: {  	_ =	shalt  }
0x83: {  	_ =	shalt  }
0x84: {  	_ =	shalt  }
0x85: {  	_ =	shalt  }
0x86: {  	_ =	shalt  }
0x87: {  	_ =	shalt  }
.Lfunc_end0:
.L_simem_size_0:
called_computation_lowered:
.L_overlay_start_0:
0x88: {  	s2 =	sld [smem:$0x3FD9]  }
0x89: {  	s3 =	sld [smem:$0x3FFE];
	_ =	sdelay $0x1  }
0x8a: {  	s1 =	srdreg.scid  }
0x8b: {  	s0 =	sand.u32 $0x1, s1  }
0x8c: {  	s16 =	sshll.u32 s0, $0xA;
	s2 =	sadd.s32 s3, s2  }
0x8d: {  	s2 =	sadd.s32 s2, s16  }
0x8e: {  	[smem:$0x3FB7] =	sst s2  }
0x8f: {  	_ = 	snop  }
0x90: {  	(tm) =	ssettm $0x1  }
0x91: {  	s17 =	sld [smem:$0x3FFB];
	_ =	sdelay $0x3  }
0x92: {  	_ =	strace s17  }
0x93: {  	s2 =	sld [smem:$0x3FFC];
	_ =	sdelay $0x3  }
0x94: {  	_ =	strace s2  }
0x95: {  	s2 =	sld [smem:$0x3FFD];
	_ =	sdelay $0x3  }
0x96: {  	_ =	strace s2  }
0x97: {  	_ =	strace $0x8FFFFFFF  }
0x98: {  	s18 =	sld [smem:$0x3FDB];
	_ =	sdelay $0x1  }
0x99: {  	s19 =	simm.s32 $_scs_section_size  }
0x9a: {  	s4 =	simm.s32 $_size__tile_overlayer_lowered;
	s5 =	simm.s32 $_tile_overlayer_lowered  }
0x9b: {  	s22 =	simm.s32 $0x1BFF;
	s21 =	sshll.u32 s5, $0x1;
	s2 =	sadd.s32 s19, s18  }
0x9c: {  	s6 =	simm.s32 $0x0;
	s20 =	sshll.u32 s4, $0x1;
	s4 =	sadd.s32 s21, s2  }
0x9d: {  	[timem:s6], [sflag:s22] =	dma.local [hbm:s4], s20  }
0x9e: {  	_ =	swait.ge [sflag:s22], s20  }
0x9f: {  	s3 =	ssub.s32 $0x0, s20;
	[sflag:s22] =	ssyncset.done $0x0  }
0xa0: {  	[sflag:s22] =	ssyncadd.s32 s3;
	_ =	sdelay $0x1  }
0xa1: {  	s23 =	simm.s32 $0x1B8B  }
0xa2: {  	_ =	swait.ge [sflag:s23], $0x1  }
0xa3: {  	[sflag:s23] =	ssyncset.done $0x0  }
0xa4: {  	s25 =	simm.s32 $0x1B8E;
	s24 =	sld [smem:$0x3FFE];
	[sflag:s23] =	ssyncadd.s32 $0xFFFFFFFF  }
0xa5: {  	s26 =	simm.s32 $execute0_lowered;
	[smem:$0x3FD2] =	sst s25  }
0xa6: {  	s4 =	sshll.u32 s26, $0x1;
	_ =	strace $0x80000046;
	[dreg:$0x1] =	wrdreg $0xFFFFFFFF  }
0xa7: {  	s28 =	simm.s32 $_size_execute0_lowered;
	s2 =	sadd.s32 s2, s4;
	[dreg:$0x0] =	wrdreg $0x0  }
0xa8: {  	s4 =	sshll.u32 s28, $0x1;
	[dreg:$0x2] =	wrdreg s2  }
0xa9: {  	[dreg:$0x3] =	wrdreg s4  }
0xaa: {  	[dreg:$0x4] =	wrdreg $0xC0  }
0xab: {  	_ =	task [dreg:s6], $0x5FFFF  }
0xac: {  	[dreg:$0x1] =	wrdreg $0xFFFFFFFF  }
0xad: {  	[dreg:$0x0] =	wrdreg $0x60  }
0xae: {  	[dreg:$0x2] =	wrdreg s24  }
0xaf: {  	[dreg:$0x3] =	wrdreg $0x100000  }
0xb0: {  	[dreg:$0x4] =	wrdreg $0x9  }
0xb1: {  	_ =	task.clear_ibuf [dreg:s6], $0x5FFFF;
	_ =	strace $0x90000046  }
0xb2: {  	s29 =	simm.s32 $0x9;
	_ =	strace $0x80000048  }
0xb3: {  	_ =	swait.ge [sflag:s29], $0x1  }
0xb4: {  	[sflag:s29] =	ssyncadd.s32 $0xFFFFFFFF  }
0xb5: {  	_ =	strace $0x90000048  }
0xb6: {  	_ =	sfence  }
0xb7: {  	s30 =	sld [smem:$0x0];
	_ =	sdelay $0x2  }
0xb8: {  	s31 =	sshll.u32 s1, $0xD;
	s1 =	sshrl.u32 s1, $0x2  }
0xb9: {  	s3 =	sand.u32 $0x4000, s31;
	s1 =	sadd.s32 s1, s30  }
0xba: {  	s0 =	sor.u32 s3, s0;
	s1 =	sshll.u32 s1, $0x11  }
0xbb: {  	s0 =	sor.u32 s1, s0  }
0xbc: {  	s0 =	sadd.s32 $0x8F2B, s0  }
0xbd: {  	[sflag:s0] =	ssyncadd.remote.s32 $0x1  }
0xbe: {  	_ =	sfence.sel $0xFFFF  }
0xbf: {  	[dreg:$0x0] =	wrdreg $0xFFFFFFFF;
	(pc) =	sbr.abs _section_cstart, $3  }
0xc0: {  	[dreg:$0x1] =	wrdreg $0xFFFFFFFF  }
0xc1: {  	_ =	task.clear_ibuf [dreg:s6], $0x2FFFF;
	_ =	strace $0x9FFFFFFF  }
0xc2: {  	(tm) =	ssettm $0x7FFFFFFF  }
0xc3: {  	_ =	shalt  }
tec
execute0_lowered:
.L_overlay_start_1:
0x0: {  	(tag) =	ssettag $0x1  }
0x1: {  	s0 =	srdreg.scid  }
0x2: {  	s0 =	sand.u32 $0x1, s0  }
0x3: {  	s13 =	stileid.u32;
	s1 =	sshll.u32 s0, $0x4  }
0x4: {  	s2 =	sor.u32 s13, s1  }
0x5: {  	s8 =	rddreg [dreg:$0x0];
	s12 =	simm.s32 $0x0;
	s1 =	smul.u32 $0x2800, s2  }
0x6: {  	s14 =	simm.s32 $0x1;
	s15 =	simm.s32 $0x1;
	s28 =	simm.s32 $0x2  }
0x7: {  	s29 =	simm.s32 $0xA000;
	s30 =	simm.s32 $0x5;
	s3 =	smulhi.u32 $0xA3D71, s1  }
0x8: {  	s31 =	simm.s32 $0x6;
	s0 =	ssub.s32 $0x2, s0;
	s13 =	smul.u32 $0x14000, s13  }
0x9: {  	s21 =	sshrl.u32 s0, $0x1;
	s2 =	smul.u32 $0xA00, s2;
	s4 =	sshrl.u32 s3, $0x1  }
0xa: {  	[smem:$0x7FF] =	sst s12;
	s0 =	ssub.s32 s0, s21;
	s3 =	smul.u32 $0xFFFFCE00, s4  }
0xb: {  	s13 =	sshrl.u32 s13, $0x2;
	s0 =	smax.u32 s0, $0x1;
	s2 =	sadd.s32 s2, s8  }
0xc: {  	s2 =	sadd.s32 $0x161600, s2;
	s4 =	smul.u32 $0xC80, s4;
	s7 =	sadd.s32 s1, s3  }
0xd: {  	s20 =	sshrl.u32 s1, $0x3;
	s5 =	smulhi.u32 $0x51EB851F, s7;
	s3 =	sshra.s32 s7, $0x1F  }
0xe: {  	s9 =	sor.u32 $0x80, s7;
	s18 =	ssub.s32 $0x0, s7;
	p0 =	slt.s32 s7, $0x1  }
0xf: {  	s23 =	sadd.s32 s4, s7;
	s6 =	smul.u32 $0x51EB851F, s3;
	s3 =	rddreg [dreg:$0x1]  }
0x10: {  	s10 =	smulhi.u32 $0x51EB851F, s9;
	_ =	strace $0x80000047;
	s19 =	ssub.s32 $0x0, s9  }
0x11: {  	p6 =	slt.s32 s9, $0x0;
	s4 =	sadd.s32 s4, s9;
	s5 =	sadd.s32 s6, s5  }
0x12: {  	s6 =	sadd.s32 s6, s10;
	s11 =	sshrl.u32 s5, $0x1F;
	s5 =	sshra.s32 s5, $0xA  }
0x13: {  	s16 =	sshrl.u32 s6, $0x1F;
	s6 =	sshra.s32 s6, $0xA;
	s26 =	sadd.s32 s11, s5  }
0x14: {  	[dreg:$0x7] =	wrdreg s2;
	s17 =	sadd.s32 s16, s6;
	s11 =	smul.u32 $0xFFFFF380, s26  }
0x15: {  	[dreg:$0x8] =	wrdreg s0;
	s2 =	simm.s32 $0x0;
	s6 =	smul.u32 $0xFFFFF380, s17  }
0x16: {  	s7 =	sadd.s32 s13, s3;
	s5 =	sadd.s32 $0x157800, s8;
	s16 =	simm.s32 $0x7  }
0x17: {  	p1 =	sne.s32 s11, s18;
	p2 =	sne.s32 s6, s19;
	s6 =	sadd.s32 $0x3800, s8  }
0x18: {  	s11 =	sadd.s32 s20, s8;
	s18 =	simm.s32 $0x20;
	p0 =	por !p0, !p1  }
0x19: {  	s19 =	simm.s32 $0x80;
	p1 =	por !p6, !p2;
	p0 =	por !p0, !p0  }
0x1a: {  	s24 =	sadd.s32 $0x143800, s11;
	s14 =	simm.s32 @!p0 $0x0;
	p0 =	por !p1, !p1  }
0x1b: {  	s11 =	sadd.s32 $0x14D800, s11;
	s10 =	ssub.s32 s26, s14;
	s15 =	simm.s32 @!p0 $0x0  }
0x1c: {  	[dreg:$0x3] =	wrdreg s24;
	s22 =	smul.u32 $0xFFFFF380, s10;
	s12 =	ssub.s32 s17, s15  }
0x1d: {  	[dreg:$0x4] =	wrdreg s11;
	s24 =	simm.s32 $0x3;
	s15 =	smul.u32 $0xFFFFF380, s12  }
0x1e: {  	s25 =	sshll.u32 s10, $0x5;
	s10 =	simm.s32 $0x1;
	s8 =	sadd.s32 s22, s23  }
0x1f: {  	s26 =	sshll.u32 s12, $0x5;
	s8 =	sshll.u32 s8, $0x7;
	s4 =	sadd.s32 s15, s4  }
.Ltmp0:
0x20: {  	s4 =	sshll.u32 s4, $0x7;
	s8 =	sadd.s32 s25, s8;
	(pc) =	sbr.rel .LBB2_1-.Ltmp0, $4  }
0x21: {  	s22 =	simm.s32 $0x8000;
	s4 =	sadd.s32 s26, s4;
	s8 =	sshrl.u32 s8, $0x3  }
0x22: {  	s23 =	simm.s32 $0x6000;
	s4 =	sshrl.u32 s4, $0x3;
	s8 =	sadd.s32 s6, s8  }
0x23: {  	s15 =	simm.s32 $0xB000;
	[dreg:$0x5] =	wrdreg s8;
	s4 =	sadd.s32 s6, s4  }
0x24: {  	v0 =	vimm.f32 $0.0e+00;
	s25 =	simm.s32 $0x9000;
	s26 =	simm.s32 $0x4;
	[dreg:$0x6] =	wrdreg s4  }
.LBB2_10:
0x25: {  	[spmem:s3] =	stream.indirect.scatter.add.f32 [tilespmem:s29], [sflag:$0x6], $0x20, s8, s19, $0xb8;
	[tilespmem:$0x15000] =	vst v63  }
0x26: {  	_ =	swait.ge [sflag:s30], $0x1000  }
0x27: {  	[sflag:s30] =	ssyncset.done $0x0  }
0x28: {  	[sflag:s30] =	ssyncadd.s32 $0xFFFFF000  }
0x29: {  	_ =	swait.ge [sflag:s31], $0x1000  }
0x2a: {  	[sflag:s31] =	ssyncset.done $0x0  }
0x2b: {  	[sflag:s31] =	ssyncadd.s32 $0xFFFFF000  }
0x2c: {  	[bflag:$0x0] =	sbarrier.arrive $0xFFFF  }
0x2d: {  	[tilespmem:s15], [sflag:$0x7] =	stream.linear.gather [spmem:s7], $0x5000, $0x38;
	[tilespmem:$0x15000] =	vst v63  }
0x2e: {  	_ =	swait.ge [sflag:s16], $0x5000  }
0x2f: {  	[sflag:s16] =	ssyncset.done $0x0  }
0x30: {  	s0 =	simm.s32 $0x0;
	s4 =	rddreg [dreg:$0x7];
	[sflag:s16] =	ssyncadd.s32 $0xFFFFB000  }
0x31: {  	[hbm4b:s4+s0] =	stream.linear.scatter [tilespmem:s15], [sflag:$0x7], $0x5000, $0x38;
	[tilespmem:$0x15000] =	vst v63  }
0x32: {  	_ =	swait.ge [sflag:s16], $0x5000  }
0x33: {  	s2 =	sadd.s32 $0x1, s2;
	s21 =	rddreg [dreg:$0x8]  }
0x34: {  	p0 =	sne.s32 s2, s21  }
.Ltmp1:
0x35: {  	_ = 	snop;
	(pc) =	sbr.rel @!p0 .LBB2_11-.Ltmp1, $3  }
0x36: {  	_ =	sdelay $0x1  }
0x37: {  	[sflag:s16] =	ssyncset.done $0x0  }
0x38: {  	[sflag:s16] =	ssyncadd.s32 $0xFFFFB000  }
.LBB2_1:
0x39: {  	s0 =	simm.s32 $0xB080  }
0x3a: {  	[tilespmem:s0+$0xFFFFFF80] =	vst v0  }
0x3b: {  	[tilespmem:s0+$0x70] =	vst v0  }
0x3c: {  	[tilespmem:s0+$0x60] =	vst v0  }
0x3d: {  	[tilespmem:s0+$0x50] =	vst v0  }
0x3e: {  	[tilespmem:s0+$0x40] =	vst v0  }
0x3f: {  	[tilespmem:s0+$0x30] =	vst v0  }
0x40: {  	[tilespmem:s0+$0x20] =	vst v0  }
0x41: {  	[tilespmem:s0+$0x10] =	vst v0  }
0x42: {  	[tilespmem:s0+$0x0] =	vst v0  }
0x43: {  	[tilespmem:s0+$0xFFFFFFF0] =	vst v0  }
0x44: {  	[tilespmem:s0+$0xFFFFFFE0] =	vst v0  }
0x45: {  	[tilespmem:s0+$0xFFFFFFD0] =	vst v0  }
0x46: {  	[tilespmem:s0+$0xFFFFFFC0] =	vst v0  }
0x47: {  	[tilespmem:s0+$0xFFFFFFB0] =	vst v0  }
0x48: {  	s4 =	simm.s32 $0x0;
	[tilespmem:s0+$0xFFFFFFA0] =	vst v0  }
.LBB2_2:
0x49: {  	s4 =	sadd.s32 $0x8, s4;
	[tilespmem:s0+$0xFFFFFF90] =	vst v0;
	s0 =	sadd.s32 $0x100, s0  }
0x4a: {  	[tilespmem:s0+$0xFFFFFF80] =	vst v0;
	p0 =	slt.u32 s4, $0x278  }
0x4b: {  	[tilespmem:s0+$0x70] =	vst v0  }
0x4c: {  	[tilespmem:s0+$0x60] =	vst v0  }
0x4d: {  	[tilespmem:s0+$0x50] =	vst v0  }
0x4e: {  	[tilespmem:s0+$0x40] =	vst v0  }
0x4f: {  	[tilespmem:s0+$0x30] =	vst v0  }
0x50: {  	[tilespmem:s0+$0x20] =	vst v0  }
0x51: {  	[tilespmem:s0+$0x10] =	vst v0  }
0x52: {  	[tilespmem:s0+$0x0] =	vst v0  }
0x53: {  	[tilespmem:s0+$0xFFFFFFF0] =	vst v0  }
.Ltmp2:
0x54: {  	[tilespmem:s0+$0xFFFFFFE0] =	vst v0;
	(pc) =	sbr.rel @p0 .LBB2_2-.Ltmp2, $4  }
0x55: {  	[tilespmem:s0+$0xFFFFFFD0] =	vst v0  }
0x56: {  	[tilespmem:s0+$0xFFFFFFC0] =	vst v0  }
0x57: {  	[tilespmem:s0+$0xFFFFFFB0] =	vst v0  }
0x58: {  	[tilespmem:s0+$0xFFFFFFA0] =	vst v0  }
0x59: {  	[tilespmem:s0+$0xFFFFFF90] =	vst v0  }
0x5a: {  	[spmem:s7] =	stream.linear.scatter [tilespmem:s15], [sflag:$0x7], $0x5000, $0x38;
	[tilespmem:$0x15000] =	vst v63  }
0x5b: {  	_ =	swait.ge [sflag:s16], $0x5000  }
0x5c: {  	[sflag:s16] =	ssyncset.done $0x0  }
0x5d: {  	s0 =	simm.s32 $0x0;
	s4 =	rddreg [dreg:$0x3];
	[sflag:s16] =	ssyncadd.s32 $0xFFFFB000  }
0x5e: {  	[tilespmem:s0], [sflag:$0x7] =	stream.linear.gather [hbm4b:s4+s0], $0x2800, $0x38;
	[tilespmem:$0x15000] =	vst v63  }
0x5f: {  	_ =	swait.ge [sflag:s16], $0x2800  }
0x60: {  	[sflag:s16] =	ssyncset.done $0x0  }
0x61: {  	s8 =	simm.s32 $0x2800;
	s13 =	rddreg [dreg:$0x4];
	[sflag:s16] =	ssyncadd.s32 $0xFFFFD800  }
0x62: {  	[tilespmem:s8], [sflag:$0x7] =	stream.linear.gather [hbm4b:s13+s0], $0x2800, $0x38;
	[tilespmem:$0x15000] =	vst v63  }
0x63: {  	_ =	swait.ge [sflag:s16], $0x2800  }
0x64: {  	[sflag:s16] =	ssyncset.done $0x0  }
0x65: {  	[sflag:s16] =	ssyncadd.s32 $0xFFFFD800  }
0x66: {  	[bflag:$0x0] =	sbarrier.arrive $0xFFFF  }
0x67: {  	s17 =	simm.s32 $0x7000;
	s14 =	rddreg [dreg:$0x5]  }
0x68: {  	[tilespmem:s17], [sflag:$0x3] =	stream.strided.gather [hbm4b:s14+s18], $0x1000, s19, s18, $0x38;
	[tilespmem:$0x15000] =	vst v63  }
0x69: {  	s20 =	simm.s32 $0x5000  }
0x6a: {  	[tilespmem:s20], [sflag:$0x1] =	stream.indirect.gather [hbm4b:s5+s19], $0x20, s0, s19, $0xb8;
	[tilespmem:$0x15000] =	vst v63  }
0x6b: {  	s21 =	rddreg [dreg:$0x6]  }
0x6c: {  	[tilespmem:s22], [sflag:$0x4] =	stream.strided.gather [hbm4b:s21+s18], $0x1000, s19, s18, $0x38;
	[tilespmem:$0x15000] =	vst v63  }
0x6d: {  	_ = 	snop  }
0x6e: {  	[tilespmem:s23], [sflag:$0x2] =	stream.indirect.gather [hbm4b:s5+s19], $0x20, s19, s19, $0xb8;
	[tilespmem:$0x15000] =	vst v63  }
.LBB2_4:
0x6f: {  	_ =	swait.ge [sflag:s24], $0x1000  }
0x70: {  	[sflag:s24] =	ssyncset.done $0x0  }
0x71: {  	[sflag:s24] =	ssyncadd.s32 $0xFFFFF000  }
0x72: {  	_ =	swait.ge [sflag:s10], $0x1000  }
0x73: {  	p1 =	seq.s32 s0, $0x0;
	[sflag:s10] =	ssyncset.done $0x0  }
0x74: {  	s4 =	simm.s32 @!p1 $0x5;
	[sflag:s10] =	ssyncadd.s32 $0xFFFFF000  }
0x75: {  	_ =	swait.ge @!p1 [sflag:s4], $0x1000  }
0x76: {  	[sflag:s4] =	ssyncset.done @!p1 $0x0  }
0x77: {  	s20 =	simm.s32 $0x5080;
	[sflag:s4] =	ssyncadd.s32 @!p1 $0xFFFFF000  }
0x78: {  	s21 =	simm.s32 $0x7080;
	v1 =	vld [tilespmem:s20+$0xFFFFFF80]  }
0x79: {  	v2 =	vld [tilespmem:s21+$0xFFFFFF80];
	_ =	sdelay $0x4  }
0x7a: {  	v1 =	vadd.f32 v2, v1;
	_ =	sdelay $0x1  }
0x7b: {  	s17 =	simm.s32 $0x9080;
	v1 =	vmax.f32 v1, $0.0e+00  }
0x7c: {  	[tilespmem:s17+$0xFFFFFF80] =	vst v1  }
0x7d: {  	v1 =	vld [tilespmem:s20+$0xFFFFFF90]  }
0x7e: {  	v2 =	vld [tilespmem:s21+$0xFFFFFF90];
	_ =	sdelay $0x4  }
0x7f: {  	v1 =	vadd.f32 v2, v1;
	_ =	sdelay $0x1  }
0x80: {  	v1 =	vmax.f32 v1, $0.0e+00  }
0x81: {  	[tilespmem:s17+$0xFFFFFF90] =	vst v1  }
0x82: {  	v1 =	vld [tilespmem:s20+$0xFFFFFFA0]  }
0x83: {  	v2 =	vld [tilespmem:s21+$0xFFFFFFA0];
	_ =	sdelay $0x4  }
0x84: {  	v1 =	vadd.f32 v2, v1;
	_ =	sdelay $0x1  }
0x85: {  	v1 =	vmax.f32 v1, $0.0e+00  }
0x86: {  	[tilespmem:s17+$0xFFFFFFA0] =	vst v1  }
0x87: {  	v1 =	vld [tilespmem:s20+$0xFFFFFFB0]  }
0x88: {  	v2 =	vld [tilespmem:s21+$0xFFFFFFB0];
	_ =	sdelay $0x4  }
0x89: {  	v1 =	vadd.f32 v2, v1;
	_ =	sdelay $0x1  }
0x8a: {  	v1 =	vmax.f32 v1, $0.0e+00  }
0x8b: {  	[tilespmem:s17+$0xFFFFFFB0] =	vst v1  }
0x8c: {  	v1 =	vld [tilespmem:s20+$0xFFFFFFC0]  }
0x8d: {  	v2 =	vld [tilespmem:s21+$0xFFFFFFC0];
	_ =	sdelay $0x4  }
0x8e: {  	v1 =	vadd.f32 v2, v1;
	_ =	sdelay $0x1  }
0x8f: {  	v1 =	vmax.f32 v1, $0.0e+00  }
0x90: {  	[tilespmem:s17+$0xFFFFFFC0] =	vst v1  }
0x91: {  	v1 =	vld [tilespmem:s20+$0xFFFFFFD0]  }
0x92: {  	v2 =	vld [tilespmem:s21+$0xFFFFFFD0];
	_ =	sdelay $0x4  }
0x93: {  	v1 =	vadd.f32 v2, v1;
	_ =	sdelay $0x1  }
0x94: {  	v1 =	vmax.f32 v1, $0.0e+00  }
0x95: {  	[tilespmem:s17+$0xFFFFFFD0] =	vst v1  }
0x96: {  	v1 =	vld [tilespmem:s20+$0xFFFFFFE0]  }
0x97: {  	v2 =	vld [tilespmem:s21+$0xFFFFFFE0];
	_ =	sdelay $0x4  }
0x98: {  	v1 =	vadd.f32 v2, v1;
	_ =	sdelay $0x1  }
0x99: {  	v1 =	vmax.f32 v1, $0.0e+00  }
0x9a: {  	[tilespmem:s17+$0xFFFFFFE0] =	vst v1  }
0x9b: {  	v1 =	vld [tilespmem:s20+$0xFFFFFFF0]  }
0x9c: {  	v2 =	vld [tilespmem:s21+$0xFFFFFFF0];
	_ =	sdelay $0x4  }
0x9d: {  	v1 =	vadd.f32 v2, v1;
	_ =	sdelay $0x1  }
0x9e: {  	v1 =	vmax.f32 v1, $0.0e+00  }
0x9f: {  	[tilespmem:s17+$0xFFFFFFF0] =	vst v1  }
0xa0: {  	v1 =	vld [tilespmem:s20+$0x0]  }
0xa1: {  	v2 =	vld [tilespmem:s21+$0x0];
	_ =	sdelay $0x4  }
0xa2: {  	v1 =	vadd.f32 v2, v1;
	_ =	sdelay $0x1  }
0xa3: {  	v1 =	vmax.f32 v1, $0.0e+00  }
0xa4: {  	[tilespmem:s17+$0x0] =	vst v1  }
0xa5: {  	v1 =	vld [tilespmem:s20+$0x10]  }
0xa6: {  	v2 =	vld [tilespmem:s21+$0x10];
	_ =	sdelay $0x4  }
0xa7: {  	v1 =	vadd.f32 v2, v1;
	_ =	sdelay $0x1  }
0xa8: {  	v1 =	vmax.f32 v1, $0.0e+00  }
0xa9: {  	[tilespmem:s17+$0x10] =	vst v1  }
0xaa: {  	v1 =	vld [tilespmem:s20+$0x20]  }
0xab: {  	v2 =	vld [tilespmem:s21+$0x20];
	_ =	sdelay $0x4  }
0xac: {  	v1 =	vadd.f32 v2, v1;
	_ =	sdelay $0x1  }
0xad: {  	v1 =	vmax.f32 v1, $0.0e+00  }
0xae: {  	[tilespmem:s17+$0x20] =	vst v1  }
0xaf: {  	v1 =	vld [tilespmem:s20+$0x30]  }
0xb0: {  	v2 =	vld [tilespmem:s21+$0x30];
	_ =	sdelay $0x4  }
0xb1: {  	v1 =	vadd.f32 v2, v1;
	_ =	sdelay $0x1  }
0xb2: {  	v1 =	vmax.f32 v1, $0.0e+00  }
0xb3: {  	[tilespmem:s17+$0x30] =	vst v1  }
0xb4: {  	v1 =	vld [tilespmem:s20+$0x40]  }
0xb5: {  	v2 =	vld [tilespmem:s21+$0x40];
	_ =	sdelay $0x4  }
0xb6: {  	v1 =	vadd.f32 v2, v1;
	_ =	sdelay $0x1  }
0xb7: {  	v1 =	vmax.f32 v1, $0.0e+00  }
0xb8: {  	[tilespmem:s17+$0x40] =	vst v1  }
0xb9: {  	v1 =	vld [tilespmem:s20+$0x50]  }
0xba: {  	v2 =	vld [tilespmem:s21+$0x50];
	_ =	sdelay $0x4  }
0xbb: {  	v1 =	vadd.f32 v2, v1;
	_ =	sdelay $0x1  }
0xbc: {  	v1 =	vmax.f32 v1, $0.0e+00  }
0xbd: {  	[tilespmem:s17+$0x50] =	vst v1  }
0xbe: {  	v1 =	vld [tilespmem:s20+$0x60]  }
0xbf: {  	v2 =	vld [tilespmem:s21+$0x60]  }
0xc0: {  	s11 =	simm.s32 $0x0;
	s12 =	simm.s32 $0x9180  }
0xc1: {  	s9 =	simm.s32 $0x5080;
	s8 =	simm.s32 $0x7080;
	s4 =	sshll.u32 s0, $0x8  }
.LBB2_5:
0xc2: {  	s11 =	sadd.s32 $0x8, s11;
	s20 =	sadd.s32 $0x100, s20;
	s21 =	sadd.s32 $0x100, s21  }
0xc3: {  	p0 =	slt.u32 s11, $0x78  }
0xc4: {  	v1 =	vadd.f32 v2, v1;
	_ =	sdelay $0x1  }
0xc5: {  	v1 =	vmax.f32 v1, $0.0e+00  }
0xc6: {  	[tilespmem:s17+$0x60] =	vst v1  }
0xc7: {  	v1 =	vld [tilespmem:s9+$0x70];
	s9 =	smov.u32 s20  }
0xc8: {  	v2 =	vld [tilespmem:s8+$0x70];
	s8 =	smov.u32 s21;
	_ =	sdelay $0x4  }
0xc9: {  	v1 =	vadd.f32 v2, v1;
	_ =	sdelay $0x1  }
0xca: {  	v1 =	vmax.f32 v1, $0.0e+00  }
0xcb: {  	[tilespmem:s17+$0x70] =	vst v1;
	s17 =	smov.u32 s12  }
0xcc: {  	v1 =	vld [tilespmem:s20+$0xFFFFFF80]  }
0xcd: {  	v2 =	vld [tilespmem:s21+$0xFFFFFF80];
	_ =	sdelay $0x4  }
0xce: {  	v1 =	vadd.f32 v2, v1;
	_ =	sdelay $0x1  }
0xcf: {  	v1 =	vmax.f32 v1, $0.0e+00  }
0xd0: {  	[tilespmem:s12+$0xFFFFFF80] =	vst v1  }
0xd1: {  	v1 =	vld [tilespmem:s20+$0xFFFFFF90]  }
0xd2: {  	v2 =	vld [tilespmem:s21+$0xFFFFFF90];
	_ =	sdelay $0x4  }
0xd3: {  	v1 =	vadd.f32 v2, v1;
	_ =	sdelay $0x1  }
0xd4: {  	v1 =	vmax.f32 v1, $0.0e+00  }
0xd5: {  	[tilespmem:s12+$0xFFFFFF90] =	vst v1  }
0xd6: {  	v1 =	vld [tilespmem:s20+$0xFFFFFFA0]  }
0xd7: {  	v2 =	vld [tilespmem:s21+$0xFFFFFFA0];
	_ =	sdelay $0x4  }
0xd8: {  	v1 =	vadd.f32 v2, v1;
	_ =	sdelay $0x1  }
0xd9: {  	v1 =	vmax.f32 v1, $0.0e+00  }
0xda: {  	[tilespmem:s12+$0xFFFFFFA0] =	vst v1  }
0xdb: {  	v1 =	vld [tilespmem:s20+$0xFFFFFFB0]  }
0xdc: {  	v2 =	vld [tilespmem:s21+$0xFFFFFFB0];
	_ =	sdelay $0x4  }
0xdd: {  	v1 =	vadd.f32 v2, v1;
	_ =	sdelay $0x1  }
0xde: {  	v1 =	vmax.f32 v1, $0.0e+00  }
0xdf: {  	[tilespmem:s12+$0xFFFFFFB0] =	vst v1  }
0xe0: {  	v1 =	vld [tilespmem:s20+$0xFFFFFFC0]  }
0xe1: {  	v2 =	vld [tilespmem:s21+$0xFFFFFFC0];
	_ =	sdelay $0x4  }
0xe2: {  	v1 =	vadd.f32 v2, v1;
	_ =	sdelay $0x1  }
0xe3: {  	v1 =	vmax.f32 v1, $0.0e+00  }
0xe4: {  	[tilespmem:s12+$0xFFFFFFC0] =	vst v1  }
0xe5: {  	v1 =	vld [tilespmem:s20+$0xFFFFFFD0]  }
0xe6: {  	v2 =	vld [tilespmem:s21+$0xFFFFFFD0];
	_ =	sdelay $0x4  }
0xe7: {  	v1 =	vadd.f32 v2, v1;
	_ =	sdelay $0x1  }
0xe8: {  	v1 =	vmax.f32 v1, $0.0e+00  }
0xe9: {  	[tilespmem:s12+$0xFFFFFFD0] =	vst v1  }
0xea: {  	v1 =	vld [tilespmem:s20+$0xFFFFFFE0]  }
0xeb: {  	v2 =	vld [tilespmem:s21+$0xFFFFFFE0];
	_ =	sdelay $0x4  }
0xec: {  	v1 =	vadd.f32 v2, v1;
	_ =	sdelay $0x1  }
0xed: {  	v1 =	vmax.f32 v1, $0.0e+00  }
0xee: {  	[tilespmem:s12+$0xFFFFFFE0] =	vst v1  }
0xef: {  	v1 =	vld [tilespmem:s20+$0xFFFFFFF0]  }
0xf0: {  	v2 =	vld [tilespmem:s21+$0xFFFFFFF0];
	_ =	sdelay $0x4  }
0xf1: {  	v1 =	vadd.f32 v2, v1;
	_ =	sdelay $0x1  }
0xf2: {  	v1 =	vmax.f32 v1, $0.0e+00  }
0xf3: {  	[tilespmem:s12+$0xFFFFFFF0] =	vst v1  }
0xf4: {  	v1 =	vld [tilespmem:s20+$0x0]  }
0xf5: {  	v2 =	vld [tilespmem:s21+$0x0];
	_ =	sdelay $0x4  }
0xf6: {  	v1 =	vadd.f32 v2, v1;
	_ =	sdelay $0x1  }
0xf7: {  	v1 =	vmax.f32 v1, $0.0e+00  }
0xf8: {  	[tilespmem:s12+$0x0] =	vst v1  }
0xf9: {  	v1 =	vld [tilespmem:s20+$0x10]  }
0xfa: {  	v2 =	vld [tilespmem:s21+$0x10];
	_ =	sdelay $0x4  }
0xfb: {  	v1 =	vadd.f32 v2, v1;
	_ =	sdelay $0x1  }
0xfc: {  	v1 =	vmax.f32 v1, $0.0e+00  }
0xfd: {  	[tilespmem:s12+$0x10] =	vst v1  }
0xfe: {  	v1 =	vld [tilespmem:s20+$0x20]  }
0xff: {  	v2 =	vld [tilespmem:s21+$0x20];
	_ =	sdelay $0x4  }
0x100: {  	v1 =	vadd.f32 v2, v1;
	_ =	sdelay $0x1  }
0x101: {  	v1 =	vmax.f32 v1, $0.0e+00  }
0x102: {  	[tilespmem:s12+$0x20] =	vst v1  }
0x103: {  	v1 =	vld [tilespmem:s20+$0x30]  }
0x104: {  	v2 =	vld [tilespmem:s21+$0x30];
	_ =	sdelay $0x4  }
0x105: {  	v1 =	vadd.f32 v2, v1;
	_ =	sdelay $0x1  }
0x106: {  	v1 =	vmax.f32 v1, $0.0e+00  }
0x107: {  	[tilespmem:s12+$0x30] =	vst v1  }
0x108: {  	v1 =	vld [tilespmem:s20+$0x40]  }
0x109: {  	v2 =	vld [tilespmem:s21+$0x40];
	_ =	sdelay $0x4  }
0x10a: {  	v1 =	vadd.f32 v2, v1;
	_ =	sdelay $0x1  }
0x10b: {  	v1 =	vmax.f32 v1, $0.0e+00  }
0x10c: {  	[tilespmem:s12+$0x40] =	vst v1  }
0x10d: {  	v1 =	vld [tilespmem:s20+$0x50]  }
0x10e: {  	v2 =	vld [tilespmem:s21+$0x50];
	_ =	sdelay $0x4  }
0x10f: {  	v1 =	vadd.f32 v2, v1;
	_ =	sdelay $0x1  }
0x110: {  	v1 =	vmax.f32 v1, $0.0e+00  }
.Ltmp3:
0x111: {  	[tilespmem:s12+$0x50] =	vst v1;
	(pc) =	sbr.rel @p0 .LBB2_5-.Ltmp3, $3  }
0x112: {  	v1 =	vld [tilespmem:s20+$0x60]  }
0x113: {  	v2 =	vld [tilespmem:s21+$0x60];
	_ =	sdelay $0x1  }
0x114: {  	s12 =	sadd.s32 $0x100, s12  }
0x115: {  	p0 =	seq.s32 s0, $0x27  }
0x116: {  	s11 =	sadd.s32 @!p0 $0x100, s4  }
0x117: {  	s12 =	sadd.s32 @!p0 s1, s11  }
0x118: {  	s13 =	smulhi.u32 @!p0 $0x51EB851F, s12;
	_ =	sdelay $0x1  }
0x119: {  	s13 =	sshrl.u32 @!p0 s13, $0xC  }
0x11a: {  	s20 =	smul.u32 @!p0 $0xFFFFCE00, s13;
	_ =	sdelay $0x1  }
0x11b: {  	s12 =	sadd.s32 @!p0 s12, s20  }
0x11c: {  	s20 =	smulhi.u32 @!p0 $0x51EB851F, s12;
	s21 =	sshra.s32 @!p0 s12, $0x1F  }
0x11d: {  	s21 =	smul.u32 @!p0 $0x51EB851F, s21;
	_ =	sdelay $0x1  }
0x11e: {  	s20 =	sadd.s32 @!p0 s21, s20  }
0x11f: {  	s21 =	sshrl.u32 @!p0 s20, $0x1F;
	s20 =	sshra.s32 @!p0 s20, $0xA  }
0x120: {  	s20 =	sadd.s32 @!p0 s21, s20  }
0x121: {  	s21 =	smul.u32 @!p0 $0xFFFFF380, s20  }
0x122: {  	s14 =	ssub.s32 @!p0 $0x0, s12  }
0x123: {  	v1 =	vadd.f32 v2, v1;
	p3 =	slt.s32 @!p0 s12, $0x1;
	p2 =	sne.s32 @!p0 s21, s14  }
0x124: {  	p2 =	por @!p0 !p3, !p2  }
0x125: {  	v1 =	vmax.f32 v1, $0.0e+00;
	p2 =	por @!p0 !p2, !p2  }
0x126: {  	[tilespmem:s17+$0x60] =	vst v1;
	s14 =	simm.s32 @!p0 $0x1;
	p2 =	por !p2, p0  }
0x127: {  	v1 =	vld [tilespmem:s9+$0x70];
	s14 =	simm.s32 @p2 $0x0  }
0x128: {  	v2 =	vld [tilespmem:s8+$0x70];
	s9 =	ssub.s32 @!p0 s20, s14  }
0x129: {  	s8 =	ssub.s32 @!p0 s13, s9  }
0x12a: {  	s8 =	smul.u32 @!p0 $0xC80, s8;
	_ =	sdelay $0x1  }
0x12b: {  	s8 =	sadd.s32 @!p0 s12, s8  }
0x12c: {  	v1 =	vadd.f32 v2, v1;
	s9 =	sshll.u32 @!p0 s9, $0x5;
	s8 =	sshll.u32 @!p0 s8, $0x7  }
0x12d: {  	s8 =	sadd.s32 @!p0 s9, s8  }
0x12e: {  	v1 =	vmax.f32 v1, $0.0e+00;
	s13 =	simm.s32 @!p0 $0x7000;
	s8 =	sshrl.u32 @!p0 s8, $0x3  }
0x12f: {  	[tilespmem:s17+$0x70] =	vst v1;
	s12 =	simm.s32 @!p0 $0x80;
	s9 =	simm.s32 @!p0 $0x20;
	s8 =	sadd.s32 @!p0 s6, s8  }
0x130: {  	[tilespmem:s13], [sflag:$0x3] =	stream.strided.gather @!p0 [hbm4b:s8+s9], $0x1000, s12, s9, $0x38;
	[tilespmem:$0x15000] =	vst v63  }
0x131: {  	s17 =	sand.u32 $0x3FFFFF00, s4;
	s8 =	simm.s32 @!p0 $0x5000  }
0x132: {  	[tilespmem:s8], [sflag:$0x1] =	stream.indirect.gather @!p0 [hbm4b:s5+s12], $0x20, s11, s12, $0xb8;
	[tilespmem:$0x15000] =	vst v63  }
0x133: {  	s21 =	sadd.s32 $0x2800, s17  }
0x134: {  	[spmem:s3] =	stream.indirect.scatter.add.f32 [tilespmem:s25], [sflag:$0x5], $0x20, s21, s19, $0xb8;
	[tilespmem:$0x15000] =	vst v63  }
0x135: {  	_ =	swait.ge [sflag:s26], $0x1000  }
0x136: {  	[sflag:s26] =	ssyncset.done $0x0  }
0x137: {  	[sflag:s26] =	ssyncadd.s32 $0xFFFFF000  }
0x138: {  	_ =	swait.ge [sflag:s28], $0x1000  }
0x139: {  	[sflag:s28] =	ssyncset.done $0x0  }
0x13a: {  	s8 =	simm.s32 @!p1 $0x6;
	[sflag:s28] =	ssyncadd.s32 $0xFFFFF000  }
0x13b: {  	_ =	swait.ge @!p1 [sflag:s8], $0x1000  }
0x13c: {  	[sflag:s8] =	ssyncset.done @!p1 $0x0  }
0x13d: {  	s21 =	simm.s32 $0x6080;
	[sflag:s8] =	ssyncadd.s32 @!p1 $0xFFFFF000  }
0x13e: {  	s8 =	simm.s32 $0x8080;
	v1 =	vld [tilespmem:s21+$0xFFFFFF80]  }
0x13f: {  	v2 =	vld [tilespmem:s8+$0xFFFFFF80];
	_ =	sdelay $0x4  }
0x140: {  	v1 =	vadd.f32 v2, v1;
	_ =	sdelay $0x1  }
0x141: {  	s20 =	simm.s32 $0xA080;
	v1 =	vmax.f32 v1, $0.0e+00  }
0x142: {  	[tilespmem:s20+$0xFFFFFF80] =	vst v1  }
0x143: {  	v1 =	vld [tilespmem:s21+$0xFFFFFF90]  }
0x144: {  	v2 =	vld [tilespmem:s8+$0xFFFFFF90];
	_ =	sdelay $0x4  }
0x145: {  	v1 =	vadd.f32 v2, v1;
	_ =	sdelay $0x1  }
0x146: {  	v1 =	vmax.f32 v1, $0.0e+00  }
0x147: {  	[tilespmem:s20+$0xFFFFFF90] =	vst v1  }
0x148: {  	v1 =	vld [tilespmem:s21+$0xFFFFFFA0]  }
0x149: {  	v2 =	vld [tilespmem:s8+$0xFFFFFFA0];
	_ =	sdelay $0x4  }
0x14a: {  	v1 =	vadd.f32 v2, v1;
	_ =	sdelay $0x1  }
0x14b: {  	v1 =	vmax.f32 v1, $0.0e+00  }
0x14c: {  	[tilespmem:s20+$0xFFFFFFA0] =	vst v1  }
0x14d: {  	v1 =	vld [tilespmem:s21+$0xFFFFFFB0]  }
0x14e: {  	v2 =	vld [tilespmem:s8+$0xFFFFFFB0];
	_ =	sdelay $0x4  }
0x14f: {  	v1 =	vadd.f32 v2, v1;
	_ =	sdelay $0x1  }
0x150: {  	v1 =	vmax.f32 v1, $0.0e+00  }
0x151: {  	[tilespmem:s20+$0xFFFFFFB0] =	vst v1  }
0x152: {  	v1 =	vld [tilespmem:s21+$0xFFFFFFC0]  }
0x153: {  	v2 =	vld [tilespmem:s8+$0xFFFFFFC0];
	_ =	sdelay $0x4  }
0x154: {  	v1 =	vadd.f32 v2, v1;
	_ =	sdelay $0x1  }
0x155: {  	v1 =	vmax.f32 v1, $0.0e+00  }
0x156: {  	[tilespmem:s20+$0xFFFFFFC0] =	vst v1  }
0x157: {  	v1 =	vld [tilespmem:s21+$0xFFFFFFD0]  }
0x158: {  	v2 =	vld [tilespmem:s8+$0xFFFFFFD0];
	_ =	sdelay $0x4  }
0x159: {  	v1 =	vadd.f32 v2, v1;
	_ =	sdelay $0x1  }
0x15a: {  	v1 =	vmax.f32 v1, $0.0e+00  }
0x15b: {  	[tilespmem:s20+$0xFFFFFFD0] =	vst v1  }
0x15c: {  	v1 =	vld [tilespmem:s21+$0xFFFFFFE0]  }
0x15d: {  	v2 =	vld [tilespmem:s8+$0xFFFFFFE0];
	_ =	sdelay $0x4  }
0x15e: {  	v1 =	vadd.f32 v2, v1;
	_ =	sdelay $0x1  }
0x15f: {  	v1 =	vmax.f32 v1, $0.0e+00  }
0x160: {  	[tilespmem:s20+$0xFFFFFFE0] =	vst v1  }
0x161: {  	v1 =	vld [tilespmem:s21+$0xFFFFFFF0]  }
0x162: {  	v2 =	vld [tilespmem:s8+$0xFFFFFFF0];
	_ =	sdelay $0x4  }
0x163: {  	v1 =	vadd.f32 v2, v1;
	_ =	sdelay $0x1  }
0x164: {  	v1 =	vmax.f32 v1, $0.0e+00  }
0x165: {  	[tilespmem:s20+$0xFFFFFFF0] =	vst v1  }
0x166: {  	v1 =	vld [tilespmem:s21+$0x0]  }
0x167: {  	v2 =	vld [tilespmem:s8+$0x0];
	_ =	sdelay $0x4  }
0x168: {  	v1 =	vadd.f32 v2, v1;
	_ =	sdelay $0x1  }
0x169: {  	v1 =	vmax.f32 v1, $0.0e+00  }
0x16a: {  	[tilespmem:s20+$0x0] =	vst v1  }
0x16b: {  	v1 =	vld [tilespmem:s21+$0x10]  }
0x16c: {  	v2 =	vld [tilespmem:s8+$0x10];
	_ =	sdelay $0x4  }
0x16d: {  	v1 =	vadd.f32 v2, v1;
	_ =	sdelay $0x1  }
0x16e: {  	v1 =	vmax.f32 v1, $0.0e+00  }
0x16f: {  	[tilespmem:s20+$0x10] =	vst v1  }
0x170: {  	v1 =	vld [tilespmem:s21+$0x20]  }
0x171: {  	v2 =	vld [tilespmem:s8+$0x20];
	_ =	sdelay $0x4  }
0x172: {  	v1 =	vadd.f32 v2, v1;
	_ =	sdelay $0x1  }
0x173: {  	v1 =	vmax.f32 v1, $0.0e+00  }
0x174: {  	[tilespmem:s20+$0x20] =	vst v1  }
0x175: {  	v1 =	vld [tilespmem:s21+$0x30]  }
0x176: {  	v2 =	vld [tilespmem:s8+$0x30];
	_ =	sdelay $0x4  }
0x177: {  	v1 =	vadd.f32 v2, v1;
	_ =	sdelay $0x1  }
0x178: {  	v1 =	vmax.f32 v1, $0.0e+00  }
0x179: {  	[tilespmem:s20+$0x30] =	vst v1  }
0x17a: {  	v1 =	vld [tilespmem:s21+$0x40]  }
0x17b: {  	v2 =	vld [tilespmem:s8+$0x40];
	_ =	sdelay $0x4  }
0x17c: {  	v1 =	vadd.f32 v2, v1;
	_ =	sdelay $0x1  }
0x17d: {  	v1 =	vmax.f32 v1, $0.0e+00  }
0x17e: {  	[tilespmem:s20+$0x40] =	vst v1  }
0x17f: {  	v1 =	vld [tilespmem:s21+$0x50]  }
0x180: {  	v2 =	vld [tilespmem:s8+$0x50];
	_ =	sdelay $0x4  }
0x181: {  	v1 =	vadd.f32 v2, v1;
	_ =	sdelay $0x1  }
0x182: {  	v1 =	vmax.f32 v1, $0.0e+00  }
0x183: {  	[tilespmem:s20+$0x50] =	vst v1  }
0x184: {  	v1 =	vld [tilespmem:s21+$0x60]  }
0x185: {  	v2 =	vld [tilespmem:s8+$0x60]  }
0x186: {  	s9 =	simm.s32 $0x0  }
0x187: {  	s13 =	simm.s32 $0xA180;
	s11 =	simm.s32 $0x6080;
	s12 =	simm.s32 $0x8080  }
.LBB2_7:
0x188: {  	s9 =	sadd.s32 $0x8, s9;
	s21 =	sadd.s32 $0x100, s21;
	s8 =	sadd.s32 $0x100, s8  }
0x189: {  	p1 =	slt.u32 s9, $0x78  }
0x18a: {  	v1 =	vadd.f32 v2, v1;
	_ =	sdelay $0x1  }
0x18b: {  	v1 =	vmax.f32 v1, $0.0e+00  }
0x18c: {  	[tilespmem:s20+$0x60] =	vst v1  }
0x18d: {  	v1 =	vld [tilespmem:s11+$0x70];
	s11 =	smov.u32 s21  }
0x18e: {  	v2 =	vld [tilespmem:s12+$0x70];
	s12 =	smov.u32 s8;
	_ =	sdelay $0x4  }
0x18f: {  	v1 =	vadd.f32 v2, v1;
	_ =	sdelay $0x1  }
0x190: {  	v1 =	vmax.f32 v1, $0.0e+00  }
0x191: {  	[tilespmem:s20+$0x70] =	vst v1;
	s20 =	smov.u32 s13  }
0x192: {  	v1 =	vld [tilespmem:s21+$0xFFFFFF80]  }
0x193: {  	v2 =	vld [tilespmem:s8+$0xFFFFFF80];
	_ =	sdelay $0x4  }
0x194: {  	v1 =	vadd.f32 v2, v1;
	_ =	sdelay $0x1  }
0x195: {  	v1 =	vmax.f32 v1, $0.0e+00  }
0x196: {  	[tilespmem:s13+$0xFFFFFF80] =	vst v1  }
0x197: {  	v1 =	vld [tilespmem:s21+$0xFFFFFF90]  }
0x198: {  	v2 =	vld [tilespmem:s8+$0xFFFFFF90];
	_ =	sdelay $0x4  }
0x199: {  	v1 =	vadd.f32 v2, v1;
	_ =	sdelay $0x1  }
0x19a: {  	v1 =	vmax.f32 v1, $0.0e+00  }
0x19b: {  	[tilespmem:s13+$0xFFFFFF90] =	vst v1  }
0x19c: {  	v1 =	vld [tilespmem:s21+$0xFFFFFFA0]  }
0x19d: {  	v2 =	vld [tilespmem:s8+$0xFFFFFFA0];
	_ =	sdelay $0x4  }
0x19e: {  	v1 =	vadd.f32 v2, v1;
	_ =	sdelay $0x1  }
0x19f: {  	v1 =	vmax.f32 v1, $0.0e+00  }
0x1a0: {  	[tilespmem:s13+$0xFFFFFFA0] =	vst v1  }
0x1a1: {  	v1 =	vld [tilespmem:s21+$0xFFFFFFB0]  }
0x1a2: {  	v2 =	vld [tilespmem:s8+$0xFFFFFFB0];
	_ =	sdelay $0x4  }
0x1a3: {  	v1 =	vadd.f32 v2, v1;
	_ =	sdelay $0x1  }
0x1a4: {  	v1 =	vmax.f32 v1, $0.0e+00  }
0x1a5: {  	[tilespmem:s13+$0xFFFFFFB0] =	vst v1  }
0x1a6: {  	v1 =	vld [tilespmem:s21+$0xFFFFFFC0]  }
0x1a7: {  	v2 =	vld [tilespmem:s8+$0xFFFFFFC0];
	_ =	sdelay $0x4  }
0x1a8: {  	v1 =	vadd.f32 v2, v1;
	_ =	sdelay $0x1  }
0x1a9: {  	v1 =	vmax.f32 v1, $0.0e+00  }
0x1aa: {  	[tilespmem:s13+$0xFFFFFFC0] =	vst v1  }
0x1ab: {  	v1 =	vld [tilespmem:s21+$0xFFFFFFD0]  }
0x1ac: {  	v2 =	vld [tilespmem:s8+$0xFFFFFFD0];
	_ =	sdelay $0x4  }
0x1ad: {  	v1 =	vadd.f32 v2, v1;
	_ =	sdelay $0x1  }
0x1ae: {  	v1 =	vmax.f32 v1, $0.0e+00  }
0x1af: {  	[tilespmem:s13+$0xFFFFFFD0] =	vst v1  }
0x1b0: {  	v1 =	vld [tilespmem:s21+$0xFFFFFFE0]  }
0x1b1: {  	v2 =	vld [tilespmem:s8+$0xFFFFFFE0];
	_ =	sdelay $0x4  }
0x1b2: {  	v1 =	vadd.f32 v2, v1;
	_ =	sdelay $0x1  }
0x1b3: {  	v1 =	vmax.f32 v1, $0.0e+00  }
0x1b4: {  	[tilespmem:s13+$0xFFFFFFE0] =	vst v1  }
0x1b5: {  	v1 =	vld [tilespmem:s21+$0xFFFFFFF0]  }
0x1b6: {  	v2 =	vld [tilespmem:s8+$0xFFFFFFF0];
	_ =	sdelay $0x4  }
0x1b7: {  	v1 =	vadd.f32 v2, v1;
	_ =	sdelay $0x1  }
0x1b8: {  	v1 =	vmax.f32 v1, $0.0e+00  }
0x1b9: {  	[tilespmem:s13+$0xFFFFFFF0] =	vst v1  }
0x1ba: {  	v1 =	vld [tilespmem:s21+$0x0]  }
0x1bb: {  	v2 =	vld [tilespmem:s8+$0x0];
	_ =	sdelay $0x4  }
0x1bc: {  	v1 =	vadd.f32 v2, v1;
	_ =	sdelay $0x1  }
0x1bd: {  	v1 =	vmax.f32 v1, $0.0e+00  }
0x1be: {  	[tilespmem:s13+$0x0] =	vst v1  }
0x1bf: {  	v1 =	vld [tilespmem:s21+$0x10]  }
0x1c0: {  	v2 =	vld [tilespmem:s8+$0x10];
	_ =	sdelay $0x4  }
0x1c1: {  	v1 =	vadd.f32 v2, v1;
	_ =	sdelay $0x1  }
0x1c2: {  	v1 =	vmax.f32 v1, $0.0e+00  }
0x1c3: {  	[tilespmem:s13+$0x10] =	vst v1  }
0x1c4: {  	v1 =	vld [tilespmem:s21+$0x20]  }
0x1c5: {  	v2 =	vld [tilespmem:s8+$0x20];
	_ =	sdelay $0x4  }
0x1c6: {  	v1 =	vadd.f32 v2, v1;
	_ =	sdelay $0x1  }
0x1c7: {  	v1 =	vmax.f32 v1, $0.0e+00  }
0x1c8: {  	[tilespmem:s13+$0x20] =	vst v1  }
0x1c9: {  	v1 =	vld [tilespmem:s21+$0x30]  }
0x1ca: {  	v2 =	vld [tilespmem:s8+$0x30];
	_ =	sdelay $0x4  }
0x1cb: {  	v1 =	vadd.f32 v2, v1;
	_ =	sdelay $0x1  }
0x1cc: {  	v1 =	vmax.f32 v1, $0.0e+00  }
0x1cd: {  	[tilespmem:s13+$0x30] =	vst v1  }
0x1ce: {  	v1 =	vld [tilespmem:s21+$0x40]  }
0x1cf: {  	v2 =	vld [tilespmem:s8+$0x40];
	_ =	sdelay $0x4  }
0x1d0: {  	v1 =	vadd.f32 v2, v1;
	_ =	sdelay $0x1  }
0x1d1: {  	v1 =	vmax.f32 v1, $0.0e+00  }
0x1d2: {  	[tilespmem:s13+$0x40] =	vst v1  }
0x1d3: {  	v1 =	vld [tilespmem:s21+$0x50]  }
0x1d4: {  	v2 =	vld [tilespmem:s8+$0x50];
	_ =	sdelay $0x4  }
0x1d5: {  	v1 =	vadd.f32 v2, v1;
	_ =	sdelay $0x1  }
0x1d6: {  	v1 =	vmax.f32 v1, $0.0e+00  }
.Ltmp4:
0x1d7: {  	[tilespmem:s13+$0x50] =	vst v1;
	(pc) =	sbr.rel @p1 .LBB2_7-.Ltmp4, $3  }
0x1d8: {  	v1 =	vld [tilespmem:s21+$0x60]  }
0x1d9: {  	v2 =	vld [tilespmem:s8+$0x60];
	_ =	sdelay $0x1  }
0x1da: {  	s13 =	sadd.s32 $0x100, s13  }
0x1db: {  	_ =	sdelay $0x1  }
0x1dc: {  	v1 =	vadd.f32 v2, v1;
	_ =	sdelay $0x1  }
0x1dd: {  	v1 =	vmax.f32 v1, $0.0e+00  }
0x1de: {  	[tilespmem:s20+$0x60] =	vst v1  }
0x1df: {  	v1 =	vld [tilespmem:s11+$0x70]  }
0x1e0: {  	v2 =	vld [tilespmem:s12+$0x70];
	_ =	sdelay $0x3  }
.Ltmp5:
0x1e1: {  	_ = 	snop;
	(pc) =	sbr.rel @p0 .LBB2_10-.Ltmp5, $3  }
0x1e2: {  	v1 =	vadd.f32 v2, v1;
	_ =	sdelay $0x1  }
0x1e3: {  	v1 =	vmax.f32 v1, $0.0e+00  }
0x1e4: {  	s8 =	sadd.s32 $0x2880, s17;
	[tilespmem:s20+$0x70] =	vst v1  }
0x1e5: {  	s4 =	sadd.s32 $0x180, s4  }
0x1e6: {  	s9 =	sadd.s32 s1, s4  }
0x1e7: {  	s11 =	smulhi.u32 $0x51EB851F, s9;
	_ =	sdelay $0x1  }
0x1e8: {  	s11 =	sshrl.u32 s11, $0xC  }
0x1e9: {  	s12 =	smul.u32 $0xFFFFCE00, s11;
	_ =	sdelay $0x1  }
0x1ea: {  	s9 =	sadd.s32 s9, s12  }
0x1eb: {  	s12 =	smulhi.u32 $0x51EB851F, s9;
	s13 =	sshra.s32 s9, $0x1F  }
0x1ec: {  	s13 =	smul.u32 $0x51EB851F, s13;
	_ =	sdelay $0x1  }
0x1ed: {  	s12 =	sadd.s32 s13, s12  }
0x1ee: {  	s13 =	sshrl.u32 s12, $0x1F;
	s12 =	sshra.s32 s12, $0xA  }
0x1ef: {  	s12 =	sadd.s32 s13, s12  }
0x1f0: {  	s13 =	smul.u32 $0xFFFFF380, s12  }
0x1f1: {  	s14 =	ssub.s32 $0x0, s9  }
0x1f2: {  	p0 =	slt.s32 s9, $0x0;
	p1 =	sne.s32 s13, s14  }
0x1f3: {  	p0 =	por !p0, !p1  }
0x1f4: {  	s13 =	simm.s32 $0x1;
	p0 =	por !p0, !p0  }
0x1f5: {  	s13 =	simm.s32 @!p0 $0x0  }
0x1f6: {  	s12 =	ssub.s32 s12, s13  }
0x1f7: {  	s11 =	ssub.s32 s11, s12  }
0x1f8: {  	s11 =	smul.u32 $0xC80, s11;
	_ =	sdelay $0x1  }
0x1f9: {  	s9 =	sadd.s32 s9, s11  }
0x1fa: {  	s21 =	sshll.u32 s12, $0x5;
	s9 =	sshll.u32 s9, $0x7  }
0x1fb: {  	s9 =	sadd.s32 s21, s9  }
0x1fc: {  	s9 =	sshrl.u32 s9, $0x3  }
0x1fd: {  	s9 =	sadd.s32 s6, s9  }
0x1fe: {  	[tilespmem:s22], [sflag:$0x4] =	stream.strided.gather [hbm4b:s9+s18], $0x1000, s19, s18, $0x38;
	[tilespmem:$0x15000] =	vst v63  }
.Ltmp6:
0x1ff: {  	_ = 	snop;
	(pc) =	sbr.rel .LBB2_4-.Ltmp6, $4  }
0x200: {  	_ = 	snop  }
0x201: {  	[tilespmem:s23], [sflag:$0x2] =	stream.indirect.gather [hbm4b:s5+s19], $0x20, s4, s19, $0xb8;
	[tilespmem:$0x15000] =	vst v63  }
0x202: {  	s0 =	sadd.s32 $0x1, s0  }
0x203: {  	[spmem:s3] =	stream.indirect.scatter.add.f32 [tilespmem:s29], [sflag:$0x6], $0x20, s8, s19, $0xb8;
	[tilespmem:$0x15000] =	vst v63  }
.LBB2_11:
0x204: {  	_ =	sfence.sel $0x180000  }
0x205: {  	[bflag:$0x0] =	sbarrier.arrive $0xFFFF  }
0x206: {  	_ =	strace $0x90000047  }
0x207: {  	s0 =	stileid.u32;
	[bflag:$0x2] =	sbarrier.arrive $0xFFFF  }
0x208: {  	p0 =	sne.s32 s0, $0x0;
	s0 =	rddreg [dreg:$0x2]  }
0x209: {  	s0 =	sadd.s32 @!p0 $0x100000, s0  }
0x20a: {  	[sflag:s0] =	ssyncadd.tile.s32 @!p0 $0x1;
	_ =	shalt  }
.Lfunc_end2:
_tile_overlayer_lowered:
.L_overlay_start_2:
0x20b: {  	(tag) =	ssettag $0x2  }
0x20c: {  	s0 =	rddreg [dreg:$0x0];
	s2 =	stileid.u32  }
0x20d: {  	s1 =	rddreg [dreg:$0x1];
	p0 =	sne.s32 s2, $0x0  }
0x20e: {  	s3 =	rddreg [dreg:$0x2];
	[bflag:$0x3] =	sbarrier.arrive $0xFFFF;
	s2 =	simm.s32 @!p0 $0x1C07  }
0x20f: {  	[timem:s3], [sflag:s2] =	dma.local @!p0 [hbm:s0], s1  }
0x210: {  	s0 =	simm.s32 @!p0 $0x7  }
0x211: {  	_ =	swait.ge @!p0 [sflag:s0], s1  }
0x212: {  	s1 =	ssub.s32 @!p0 $0x0, s1;
	[sflag:s0] =	ssyncset.done @!p0 $0x0  }
0x213: {  	[sflag:s0] =	ssyncadd.s32 @!p0 s1  }
0x214: {  	[bflag:$0x3] =	sbarrier.arrive $0xFFFF  }
0x215: {  	_ =	shalt  }

// kernel: kernel.13.cloned.1.call-start
scs
__scs_entry_jumppad:
0x0: {  	(pc) =	sbr.rel $0x88, $3  }
0x1: {  	(tag) =	ssettag $0x0;
	lr =	simm.s32 $0x1  }
0x2: {  	[smem:$0x3F90] =	sst lr;
	_ =	strace $0xD0000000  }
0x3: {  	_ = 	snop  }
0x4: {  	_ = 	snop  }
0x5: {  	_ = 	snop  }
0x6: {  	_ = 	snop  }
0x7: {  	_ = 	snop  }
__scs_overlays_trampoline_lowered:
0x8: {  	[smem:$0x3F9F] =	sst s0  }
0x9: {  	[smem:$0x3FA0] =	sst s1  }
0xa: {  	[smem:$0x3FA1] =	sst s2  }
0xb: {  	[smem:$0x3FA2] =	sst s3  }
0xc: {  	[smem:$0x3FA3] =	sst s4  }
0xd: {  	[smem:$0x3FA4] =	sst s5  }
0xe: {  	[smem:$0x3FA5] =	sst s6  }
0xf: {  	[smem:$0x3FA6] =	sst s7  }
0x10: {  	[smem:$0x3FA7] =	sst s8  }
0x11: {  	[smem:$0x3FA8] =	sst s9;
	s0 =	simm.s32 @!p0 $0x0  }
0x12: {  	s1 =	sld [smem:$0x3F8E];
	s0 =	simm.s32 @p0 $0x1  }
0x13: {  	[smem:$0x3FA9] =	sst s0;
	s0 =	simm.s32 @!p1 $0x0  }
0x14: {  	s2 =	sld [smem:$0x3F8D];
	s0 =	simm.s32 @p1 $0x1  }
0x15: {  	[smem:$0x3FAA] =	sst s0;
	s0 =	simm.s32 @!p2 $0x0  }
0x16: {  	s3 =	sld [smem:$0x3FDB];
	s0 =	simm.s32 @p2 $0x1  }
0x17: {  	s4 =	simm.s32 $0x1BF5;
	[smem:$0x3FAC] =	sst s0  }
0x18: {  	s0 =	sld [smem:$0x3F8F];
	_ =	swait.ge [sflag:s4], $0x0  }
0x19: {  	s7 =	sld [smem:$0x3F90]  }
0x1a: {  	s8 =	sadd.s32 $0xFFFFE003, lr  }
0x1b: {  	s9 =	sadd.s32 $0xFFFFFEF7, lr;
	s5 =	simm.s32 $0xFFFFFFFF;
	p2 =	slt.u32 s8, $0xFFFFF086  }
0x1c: {  	p1 =	slt.u32 s9, $0xF7A;
	s5 =	simm.s32 @!p2 $0x0  }
0x1d: {  	s5 =	simm.s32 @p1 $0x1;
	p0 =	seq.s32 s7, s2  }
0x1e: {  	s7 =	smul.u32 @!p0 $0xF7A, s2;
	p2 =	seq.s32 @!p0 s5, $0x0  }
0x1f: {  	s9 =	smul.u32 $0xF7A, s1;
	s8 =	simm.s32 @!p0 $0x1BF5;
	p2 =	por !p2, p0  }
0x20: {  	[sflag:s8] =	ssyncset.s32 @!p0 $0xFFFFF086;
	s6 =	sadd.s32 @!p0 s3, s7;
	s7 =	simm.s32 @!p0 $0x108  }
0x21: {  	s3 =	sadd.s32 s3, s9;
	s6 =	sadd.s32 @!p0 $0x88, s6;
	s7 =	simm.s32 @p2 $0x1082  }
0x22: {  	[simem:s7], [sflag:s8] =	dma.local @!p0 [hbm:s6], $0xF7A  }
0x23: {  	s9 =	sor.u32 $0xD0000000, s2;
	s6 =	simm.s32 $0x108;
	_ =	swait.ge @!p0 [sflag:s8], $0x0  }
0x24: {  	s3 =	sadd.s32 $0x88, s3;
	s6 =	simm.s32 @!p1 $0x1082;
	[sflag:s4] =	ssyncset.s32 $0xFFFFF086  }
0x25: {  	[simem:s6], [sflag:s4] =	dma.local [hbm:s3], $0xF7A  }
0x26: {  	[smem:$0x3F90] =	sst s1;
	(tag) =	ssettag s2;
	_ =	strace s9  }
0x27: {  	s1 =	sld [smem:$0x3FA0]  }
0x28: {  	s2 =	sld [smem:$0x3FA1]  }
0x29: {  	s4 =	sld [smem:$0x3FA3]  }
0x2a: {  	p0 =	seq.s32 s5, $0x0;
	s5 =	sld [smem:$0x3FA4]  }
0x2b: {  	s6 =	sld [smem:$0x3FA5]  }
0x2c: {  	s7 =	sld [smem:$0x3FA6]  }
0x2d: {  	s3 =	simm.s32 $0x108;
	s8 =	sld [smem:$0x3FA7]  }
0x2e: {  	s3 =	simm.s32 @!p0 $0x1082;
	s9 =	sld [smem:$0x3FA8]  }
0x2f: {  	lr =	sadd.s32 s0, s3;
	s0 =	sld [smem:$0x3F9F]  }
0x30: {  	s3 =	sld [smem:$0x3FA2]  }
0x31: {  	[smem:$0x3FAB] =	sst s10  }
0x32: {  	s10 =	sld [smem:$0x3FA9];
	_ =	sdelay $0x3  }
0x33: {  	p0 =	seq.s32 s10, $0x1;
	s10 =	sld [smem:$0x3FAB];
	_ =	sdelay $0x3  }
0x34: {  	[smem:$0x3FAB] =	sst s10  }
0x35: {  	s10 =	sld [smem:$0x3FAA];
	_ =	sdelay $0x3  }
0x36: {  	p1 =	seq.s32 s10, $0x1;
	s10 =	sld [smem:$0x3FAB];
	_ =	sdelay $0x3  }
0x37: {  	[smem:$0x3FAB] =	sst s10  }
0x38: {  	s10 =	sld [smem:$0x3FAC]  }
0x39: {  	_ = 	snop;
	(pc) =	sbr.ind lr, $3  }
0x3a: {  	_ = 	snop  }
0x3b: {  	_ = 	snop  }
0x3c: {  	p2 =	seq.s32 s10, $0x1;
	s10 =	sld [smem:$0x3FAB]  }
0x3d: {  	_ =	shalt  }
0x3e: {  	_ =	shalt  }
0x3f: {  	_ =	shalt  }
0x40: {  	_ =	shalt  }
0x41: {  	_ =	shalt  }
0x42: {  	_ =	shalt  }
0x43: {  	_ =	shalt  }
0x44: {  	_ =	shalt  }
0x45: {  	_ =	shalt  }
0x46: {  	_ =	shalt  }
0x47: {  	_ =	shalt  }
0x48: {  	_ =	shalt  }
0x49: {  	_ =	shalt  }
0x4a: {  	_ =	shalt  }
0x4b: {  	_ =	shalt  }
0x4c: {  	_ =	shalt  }
0x4d: {  	_ =	shalt  }
0x4e: {  	_ =	shalt  }
0x4f: {  	_ =	shalt  }
0x50: {  	_ =	shalt  }
0x51: {  	_ =	shalt  }
0x52: {  	_ =	shalt  }
0x53: {  	_ =	shalt  }
0x54: {  	_ =	shalt  }
0x55: {  	_ =	shalt  }
0x56: {  	_ =	shalt  }
0x57: {  	_ =	shalt  }
0x58: {  	_ =	shalt  }
0x59: {  	_ =	shalt  }
0x5a: {  	_ =	shalt  }
0x5b: {  	_ =	shalt  }
0x5c: {  	_ =	shalt  }
0x5d: {  	_ =	shalt  }
0x5e: {  	_ =	shalt  }
0x5f: {  	_ =	shalt  }
0x60: {  	_ =	shalt  }
0x61: {  	_ =	shalt  }
0x62: {  	_ =	shalt  }
0x63: {  	_ =	shalt  }
0x64: {  	_ =	shalt  }
0x65: {  	_ =	shalt  }
0x66: {  	_ =	shalt  }
0x67: {  	_ =	shalt  }
0x68: {  	_ =	shalt  }
0x69: {  	_ =	shalt  }
0x6a: {  	_ =	shalt  }
0x6b: {  	_ =	shalt  }
0x6c: {  	_ =	shalt  }
0x6d: {  	_ =	shalt  }
0x6e: {  	_ =	shalt  }
0x6f: {  	_ =	shalt  }
0x70: {  	_ =	shalt  }
0x71: {  	_ =	shalt  }
0x72: {  	_ =	shalt  }
0x73: {  	_ =	shalt  }
0x74: {  	_ =	shalt  }
0x75: {  	_ =	shalt  }
0x76: {  	_ =	shalt  }
0x77: {  	_ =	shalt  }
0x78: {  	_ =	shalt  }
0x79: {  	_ =	shalt  }
0x7a: {  	_ =	shalt  }
0x7b: {  	_ =	shalt  }
0x7c: {  	_ =	shalt  }
0x7d: {  	_ =	shalt  }
0x7e: {  	_ =	shalt  }
0x7f: {  	_ =	shalt  }
0x80: {  	_ =	shalt  }
0x81: {  	_ =	shalt  }
0x82: {  	_ =	shalt  }
0x83: {  	_ =	shalt  }
0x84: {  	_ =	shalt  }
0x85: {  	_ =	shalt  }
0x86: {  	_ =	shalt  }
0x87: {  	_ =	shalt  }
.Lfunc_end0:
.L_simem_size_0:
called_computation.1_lowered:
.L_overlay_start_0:
0x88: {  	s2 =	sld [smem:$0x3FD9]  }
0x89: {  	s3 =	sld [smem:$0x3FFE];
	_ =	sdelay $0x1  }
0x8a: {  	s1 =	srdreg.scid  }
0x8b: {  	s0 =	sand.u32 $0x1, s1  }
0x8c: {  	s16 =	sshll.u32 s0, $0xA;
	s2 =	sadd.s32 s3, s2  }
0x8d: {  	s2 =	sadd.s32 s2, s16  }
0x8e: {  	[smem:$0x3FB7] =	sst s2  }
0x8f: {  	_ = 	snop  }
0x90: {  	(tm) =	ssettm $0x1  }
0x91: {  	s17 =	sld [smem:$0x3FFB];
	_ =	sdelay $0x3  }
0x92: {  	_ =	strace s17  }
0x93: {  	s2 =	sld [smem:$0x3FFC];
	_ =	sdelay $0x3  }
0x94: {  	_ =	strace s2  }
0x95: {  	s2 =	sld [smem:$0x3FFD];
	_ =	sdelay $0x3  }
0x96: {  	_ =	strace s2  }
0x97: {  	_ =	strace $0x8FFFFFFF  }
0x98: {  	s18 =	sld [smem:$0x3FDB];
	_ =	sdelay $0x1  }
0x99: {  	s19 =	simm.s32 $_scs_section_size  }
0x9a: {  	s4 =	simm.s32 $_size__tile_overlayer_lowered;
	s5 =	simm.s32 $_tile_overlayer_lowered  }
0x9b: {  	s22 =	simm.s32 $0x1BFF;
	s21 =	sshll.u32 s5, $0x1;
	s2 =	sadd.s32 s19, s18  }
0x9c: {  	s6 =	simm.s32 $0x0;
	s20 =	sshll.u32 s4, $0x1;
	s4 =	sadd.s32 s21, s2  }
0x9d: {  	[timem:s6], [sflag:s22] =	dma.local [hbm:s4], s20  }
0x9e: {  	_ =	swait.ge [sflag:s22], s20  }
0x9f: {  	s3 =	ssub.s32 $0x0, s20;
	[sflag:s22] =	ssyncset.done $0x0  }
0xa0: {  	[sflag:s22] =	ssyncadd.s32 s3;
	_ =	sdelay $0x1  }
0xa1: {  	s23 =	simm.s32 $0x1B8B  }
0xa2: {  	_ =	swait.ge [sflag:s23], $0x1  }
0xa3: {  	[sflag:s23] =	ssyncset.done $0x0  }
0xa4: {  	s25 =	simm.s32 $0x1B8E;
	s24 =	sld [smem:$0x3FFE];
	[sflag:s23] =	ssyncadd.s32 $0xFFFFFFFF  }
0xa5: {  	s26 =	simm.s32 $execute0_lowered;
	[smem:$0x3FD2] =	sst s25  }
0xa6: {  	s4 =	sshll.u32 s26, $0x1;
	_ =	strace $0x80000049;
	[dreg:$0x1] =	wrdreg $0xFFFFFFFF  }
0xa7: {  	s28 =	simm.s32 $_size_execute0_lowered;
	s2 =	sadd.s32 s2, s4;
	[dreg:$0x0] =	wrdreg $0x0  }
0xa8: {  	s4 =	sshll.u32 s28, $0x1;
	[dreg:$0x2] =	wrdreg s2  }
0xa9: {  	[dreg:$0x3] =	wrdreg s4  }
0xaa: {  	[dreg:$0x4] =	wrdreg $0xC0  }
0xab: {  	_ =	task [dreg:s6], $0x5FFFF  }
0xac: {  	[dreg:$0x1] =	wrdreg $0xFFFFFFFF  }
0xad: {  	[dreg:$0x0] =	wrdreg $0x60  }
0xae: {  	[dreg:$0x2] =	wrdreg s24  }
0xaf: {  	[dreg:$0x3] =	wrdreg $0x100000  }
0xb0: {  	[dreg:$0x4] =	wrdreg $0x9  }
0xb1: {  	_ =	task.clear_ibuf [dreg:s6], $0x5FFFF;
	_ =	strace $0x90000049  }
0xb2: {  	s29 =	simm.s32 $0x9;
	_ =	strace $0x8000004B  }
0xb3: {  	_ =	swait.ge [sflag:s29], $0x1  }
0xb4: {  	[sflag:s29] =	ssyncadd.s32 $0xFFFFFFFF  }
0xb5: {  	_ =	strace $0x9000004B  }
0xb6: {  	_ =	sfence  }
0xb7: {  	s30 =	sld [smem:$0x0];
	_ =	sdelay $0x2  }
0xb8: {  	s31 =	sshll.u32 s1, $0xD;
	s1 =	sshrl.u32 s1, $0x2  }
0xb9: {  	s3 =	sand.u32 $0x4000, s31;
	s1 =	sadd.s32 s1, s30  }
0xba: {  	s0 =	sor.u32 s3, s0;
	s1 =	sshll.u32 s1, $0x11  }
0xbb: {  	s0 =	sor.u32 s1, s0  }
0xbc: {  	s0 =	sadd.s32 $0x8F2B, s0  }
0xbd: {  	[sflag:s0] =	ssyncadd.remote.s32 $0x1  }
0xbe: {  	_ =	sfence.sel $0xFFFF  }
0xbf: {  	[dreg:$0x0] =	wrdreg $0xFFFFFFFF;
	(pc) =	sbr.abs _section_cstart, $3  }
0xc0: {  	[dreg:$0x1] =	wrdreg $0xFFFFFFFF  }
0xc1: {  	_ =	task.clear_ibuf [dreg:s6], $0x2FFFF;
	_ =	strace $0x9FFFFFFF  }
0xc2: {  	(tm) =	ssettm $0x7FFFFFFF  }
0xc3: {  	_ =	shalt  }
tec
execute0_lowered:
.L_overlay_start_1:
0x0: {  	(tag) =	ssettag $0x1  }
0x1: {  	s0 =	srdreg.scid  }
0x2: {  	s0 =	sand.u32 $0x1, s0  }
0x3: {  	s13 =	stileid.u32;
	s1 =	sshll.u32 s0, $0x4  }
0x4: {  	s2 =	sor.u32 s13, s1  }
0x5: {  	s8 =	rddreg [dreg:$0x0];
	s12 =	simm.s32 $0x0;
	s1 =	smul.u32 $0x2800, s2  }
0x6: {  	s14 =	simm.s32 $0x1;
	s15 =	simm.s32 $0x1;
	s28 =	simm.s32 $0x2  }
0x7: {  	s29 =	simm.s32 $0xA000;
	s30 =	simm.s32 $0x5;
	s3 =	smulhi.u32 $0xA3D71, s1  }
0x8: {  	s31 =	simm.s32 $0x6;
	s0 =	ssub.s32 $0x2, s0;
	s13 =	smul.u32 $0x14000, s13  }
0x9: {  	s21 =	sshrl.u32 s0, $0x1;
	s2 =	smul.u32 $0xA00, s2;
	s4 =	sshrl.u32 s3, $0x1  }
0xa: {  	[smem:$0x7FF] =	sst s12;
	s0 =	ssub.s32 s0, s21;
	s3 =	smul.u32 $0xFFFFCE00, s4  }
0xb: {  	s13 =	sshrl.u32 s13, $0x2;
	s0 =	smax.u32 s0, $0x1;
	s2 =	sadd.s32 s2, s8  }
0xc: {  	s2 =	sadd.s32 $0x161600, s2;
	s4 =	smul.u32 $0xC80, s4;
	s7 =	sadd.s32 s1, s3  }
0xd: {  	s20 =	sshrl.u32 s1, $0x3;
	s5 =	smulhi.u32 $0x51EB851F, s7;
	s3 =	sshra.s32 s7, $0x1F  }
0xe: {  	s9 =	sor.u32 $0x80, s7;
	s18 =	ssub.s32 $0x0, s7;
	p0 =	slt.s32 s7, $0x1  }
0xf: {  	s23 =	sadd.s32 s4, s7;
	s6 =	smul.u32 $0x51EB851F, s3;
	s3 =	rddreg [dreg:$0x1]  }
0x10: {  	s10 =	smulhi.u32 $0x51EB851F, s9;
	_ =	strace $0x8000004A;
	s19 =	ssub.s32 $0x0, s9  }
0x11: {  	p6 =	slt.s32 s9, $0x0;
	s4 =	sadd.s32 s4, s9;
	s5 =	sadd.s32 s6, s5  }
0x12: {  	s6 =	sadd.s32 s6, s10;
	s11 =	sshrl.u32 s5, $0x1F;
	s5 =	sshra.s32 s5, $0xA  }
0x13: {  	s16 =	sshrl.u32 s6, $0x1F;
	s6 =	sshra.s32 s6, $0xA;
	s26 =	sadd.s32 s11, s5  }
0x14: {  	[dreg:$0x7] =	wrdreg s2;
	s17 =	sadd.s32 s16, s6;
	s11 =	smul.u32 $0xFFFFF380, s26  }
0x15: {  	[dreg:$0x8] =	wrdreg s0;
	s2 =	simm.s32 $0x0;
	s6 =	smul.u32 $0xFFFFF380, s17  }
0x16: {  	s7 =	sadd.s32 s13, s3;
	s5 =	sadd.s32 $0x157800, s8;
	s16 =	simm.s32 $0x7  }
0x17: {  	p1 =	sne.s32 s11, s18;
	p2 =	sne.s32 s6, s19;
	s6 =	sadd.s32 $0x3800, s8  }
0x18: {  	s11 =	sadd.s32 s20, s8;
	s18 =	simm.s32 $0x20;
	p0 =	por !p0, !p1  }
0x19: {  	s19 =	simm.s32 $0x80;
	p1 =	por !p6, !p2;
	p0 =	por !p0, !p0  }
0x1a: {  	s24 =	sadd.s32 $0x143800, s11;
	s14 =	simm.s32 @!p0 $0x0;
	p0 =	por !p1, !p1  }
0x1b: {  	s11 =	sadd.s32 $0x14D800, s11;
	s10 =	ssub.s32 s26, s14;
	s15 =	simm.s32 @!p0 $0x0  }
0x1c: {  	[dreg:$0x3] =	wrdreg s24;
	s22 =	smul.u32 $0xFFFFF380, s10;
	s12 =	ssub.s32 s17, s15  }
0x1d: {  	[dreg:$0x4] =	wrdreg s11;
	s24 =	simm.s32 $0x3;
	s15 =	smul.u32 $0xFFFFF380, s12  }
0x1e: {  	s25 =	sshll.u32 s10, $0x5;
	s10 =	simm.s32 $0x1;
	s8 =	sadd.s32 s22, s23  }
0x1f: {  	s26 =	sshll.u32 s12, $0x5;
	s8 =	sshll.u32 s8, $0x7;
	s4 =	sadd.s32 s15, s4  }
.Ltmp0:
0x20: {  	s4 =	sshll.u32 s4, $0x7;
	s8 =	sadd.s32 s25, s8;
	(pc) =	sbr.rel .LBB2_1-.Ltmp0, $4  }
0x21: {  	s22 =	simm.s32 $0x8000;
	s4 =	sadd.s32 s26, s4;
	s8 =	sshrl.u32 s8, $0x3  }
0x22: {  	s23 =	simm.s32 $0x6000;
	s4 =	sshrl.u32 s4, $0x3;
	s8 =	sadd.s32 s6, s8  }
0x23: {  	s15 =	simm.s32 $0xB000;
	[dreg:$0x5] =	wrdreg s8;
	s4 =	sadd.s32 s6, s4  }
0x24: {  	v0 =	vimm.f32 $0.0e+00;
	s25 =	simm.s32 $0x9000;
	s26 =	simm.s32 $0x4;
	[dreg:$0x6] =	wrdreg s4  }
.LBB2_10:
0x25: {  	[spmem:s3] =	stream.indirect.scatter.add.f32 [tilespmem:s29], [sflag:$0x6], $0x20, s8, s19, $0xb8;
	[tilespmem:$0x15000] =	vst v63  }
0x26: {  	_ =	swait.ge [sflag:s30], $0x1000  }
0x27: {  	[sflag:s30] =	ssyncset.done $0x0  }
0x28: {  	[sflag:s30] =	ssyncadd.s32 $0xFFFFF000  }
0x29: {  	_ =	swait.ge [sflag:s31], $0x1000  }
0x2a: {  	[sflag:s31] =	ssyncset.done $0x0  }
0x2b: {  	[sflag:s31] =	ssyncadd.s32 $0xFFFFF000  }
0x2c: {  	[bflag:$0x0] =	sbarrier.arrive $0xFFFF  }
0x2d: {  	[tilespmem:s15], [sflag:$0x7] =	stream.linear.gather [spmem:s7], $0x5000, $0x38;
	[tilespmem:$0x15000] =	vst v63  }
0x2e: {  	_ =	swait.ge [sflag:s16], $0x5000  }
0x2f: {  	[sflag:s16] =	ssyncset.done $0x0  }
0x30: {  	s0 =	simm.s32 $0x0;
	s4 =	rddreg [dreg:$0x7];
	[sflag:s16] =	ssyncadd.s32 $0xFFFFB000  }
0x31: {  	[hbm4b:s4+s0] =	stream.linear.scatter [tilespmem:s15], [sflag:$0x7], $0x5000, $0x38;
	[tilespmem:$0x15000] =	vst v63  }
0x32: {  	_ =	swait.ge [sflag:s16], $0x5000  }
0x33: {  	s2 =	sadd.s32 $0x1, s2;
	s21 =	rddreg [dreg:$0x8]  }
0x34: {  	p0 =	sne.s32 s2, s21  }
.Ltmp1:
0x35: {  	_ = 	snop;
	(pc) =	sbr.rel @!p0 .LBB2_11-.Ltmp1, $3  }
0x36: {  	_ =	sdelay $0x1  }
0x37: {  	[sflag:s16] =	ssyncset.done $0x0  }
0x38: {  	[sflag:s16] =	ssyncadd.s32 $0xFFFFB000  }
.LBB2_1:
0x39: {  	s0 =	simm.s32 $0xB080  }
0x3a: {  	[tilespmem:s0+$0xFFFFFF80] =	vst v0  }
0x3b: {  	[tilespmem:s0+$0x70] =	vst v0  }
0x3c: {  	[tilespmem:s0+$0x60] =	vst v0  }
0x3d: {  	[tilespmem:s0+$0x50] =	vst v0  }
0x3e: {  	[tilespmem:s0+$0x40] =	vst v0  }
0x3f: {  	[tilespmem:s0+$0x30] =	vst v0  }
0x40: {  	[tilespmem:s0+$0x20] =	vst v0  }
0x41: {  	[tilespmem:s0+$0x10] =	vst v0  }
0x42: {  	[tilespmem:s0+$0x0] =	vst v0  }
0x43: {  	[tilespmem:s0+$0xFFFFFFF0] =	vst v0  }
0x44: {  	[tilespmem:s0+$0xFFFFFFE0] =	vst v0  }
0x45: {  	[tilespmem:s0+$0xFFFFFFD0] =	vst v0  }
0x46: {  	[tilespmem:s0+$0xFFFFFFC0] =	vst v0  }
0x47: {  	[tilespmem:s0+$0xFFFFFFB0] =	vst v0  }
0x48: {  	s4 =	simm.s32 $0x0;
	[tilespmem:s0+$0xFFFFFFA0] =	vst v0  }
.LBB2_2:
0x49: {  	s4 =	sadd.s32 $0x8, s4;
	[tilespmem:s0+$0xFFFFFF90] =	vst v0;
	s0 =	sadd.s32 $0x100, s0  }
0x4a: {  	[tilespmem:s0+$0xFFFFFF80] =	vst v0;
	p0 =	slt.u32 s4, $0x278  }
0x4b: {  	[tilespmem:s0+$0x70] =	vst v0  }
0x4c: {  	[tilespmem:s0+$0x60] =	vst v0  }
0x4d: {  	[tilespmem:s0+$0x50] =	vst v0  }
0x4e: {  	[tilespmem:s0+$0x40] =	vst v0  }
0x4f: {  	[tilespmem:s0+$0x30] =	vst v0  }
0x50: {  	[tilespmem:s0+$0x20] =	vst v0  }
0x51: {  	[tilespmem:s0+$0x10] =	vst v0  }
0x52: {  	[tilespmem:s0+$0x0] =	vst v0  }
0x53: {  	[tilespmem:s0+$0xFFFFFFF0] =	vst v0  }
.Ltmp2:
0x54: {  	[tilespmem:s0+$0xFFFFFFE0] =	vst v0;
	(pc) =	sbr.rel @p0 .LBB2_2-.Ltmp2, $4  }
0x55: {  	[tilespmem:s0+$0xFFFFFFD0] =	vst v0  }
0x56: {  	[tilespmem:s0+$0xFFFFFFC0] =	vst v0  }
0x57: {  	[tilespmem:s0+$0xFFFFFFB0] =	vst v0  }
0x58: {  	[tilespmem:s0+$0xFFFFFFA0] =	vst v0  }
0x59: {  	[tilespmem:s0+$0xFFFFFF90] =	vst v0  }
0x5a: {  	[spmem:s7] =	stream.linear.scatter [tilespmem:s15], [sflag:$0x7], $0x5000, $0x38;
	[tilespmem:$0x15000] =	vst v63  }
0x5b: {  	_ =	swait.ge [sflag:s16], $0x5000  }
0x5c: {  	[sflag:s16] =	ssyncset.done $0x0  }
0x5d: {  	s0 =	simm.s32 $0x0;
	s4 =	rddreg [dreg:$0x3];
	[sflag:s16] =	ssyncadd.s32 $0xFFFFB000  }
0x5e: {  	[tilespmem:s0], [sflag:$0x7] =	stream.linear.gather [hbm4b:s4+s0], $0x2800, $0x38;
	[tilespmem:$0x15000] =	vst v63  }
0x5f: {  	_ =	swait.ge [sflag:s16], $0x2800  }
0x60: {  	[sflag:s16] =	ssyncset.done $0x0  }
0x61: {  	s8 =	simm.s32 $0x2800;
	s13 =	rddreg [dreg:$0x4];
	[sflag:s16] =	ssyncadd.s32 $0xFFFFD800  }
0x62: {  	[tilespmem:s8], [sflag:$0x7] =	stream.linear.gather [hbm4b:s13+s0], $0x2800, $0x38;
	[tilespmem:$0x15000] =	vst v63  }
0x63: {  	_ =	swait.ge [sflag:s16], $0x2800  }
0x64: {  	[sflag:s16] =	ssyncset.done $0x0  }
0x65: {  	[sflag:s16] =	ssyncadd.s32 $0xFFFFD800  }
0x66: {  	[bflag:$0x0] =	sbarrier.arrive $0xFFFF  }
0x67: {  	s17 =	simm.s32 $0x7000;
	s14 =	rddreg [dreg:$0x5]  }
0x68: {  	[tilespmem:s17], [sflag:$0x3] =	stream.strided.gather [hbm4b:s14+s18], $0x1000, s19, s18, $0x38;
	[tilespmem:$0x15000] =	vst v63  }
0x69: {  	s20 =	simm.s32 $0x5000  }
0x6a: {  	[tilespmem:s20], [sflag:$0x1] =	stream.indirect.gather [hbm4b:s5+s19], $0x20, s0, s19, $0xb8;
	[tilespmem:$0x15000] =	vst v63  }
0x6b: {  	s21 =	rddreg [dreg:$0x6]  }
0x6c: {  	[tilespmem:s22], [sflag:$0x4] =	stream.strided.gather [hbm4b:s21+s18], $0x1000, s19, s18, $0x38;
	[tilespmem:$0x15000] =	vst v63  }
0x6d: {  	_ = 	snop  }
0x6e: {  	[tilespmem:s23], [sflag:$0x2] =	stream.indirect.gather [hbm4b:s5+s19], $0x20, s19, s19, $0xb8;
	[tilespmem:$0x15000] =	vst v63  }
.LBB2_4:
0x6f: {  	_ =	swait.ge [sflag:s24], $0x1000  }
0x70: {  	[sflag:s24] =	ssyncset.done $0x0  }
0x71: {  	[sflag:s24] =	ssyncadd.s32 $0xFFFFF000  }
0x72: {  	_ =	swait.ge [sflag:s10], $0x1000  }
0x73: {  	p1 =	seq.s32 s0, $0x0;
	[sflag:s10] =	ssyncset.done $0x0  }
0x74: {  	s4 =	simm.s32 @!p1 $0x5;
	[sflag:s10] =	ssyncadd.s32 $0xFFFFF000  }
0x75: {  	_ =	swait.ge @!p1 [sflag:s4], $0x1000  }
0x76: {  	[sflag:s4] =	ssyncset.done @!p1 $0x0  }
0x77: {  	s20 =	simm.s32 $0x5080;
	[sflag:s4] =	ssyncadd.s32 @!p1 $0xFFFFF000  }
0x78: {  	s21 =	simm.s32 $0x7080;
	v1 =	vld [tilespmem:s20+$0xFFFFFF80]  }
0x79: {  	v2 =	vld [tilespmem:s21+$0xFFFFFF80];
	_ =	sdelay $0x4  }
0x7a: {  	v1 =	vadd.f32 v2, v1;
	_ =	sdelay $0x1  }
0x7b: {  	s17 =	simm.s32 $0x9080;
	v1 =	vmax.f32 v1, $0.0e+00  }
0x7c: {  	[tilespmem:s17+$0xFFFFFF80] =	vst v1  }
0x7d: {  	v1 =	vld [tilespmem:s20+$0xFFFFFF90]  }
0x7e: {  	v2 =	vld [tilespmem:s21+$0xFFFFFF90];
	_ =	sdelay $0x4  }
0x7f: {  	v1 =	vadd.f32 v2, v1;
	_ =	sdelay $0x1  }
0x80: {  	v1 =	vmax.f32 v1, $0.0e+00  }
0x81: {  	[tilespmem:s17+$0xFFFFFF90] =	vst v1  }
0x82: {  	v1 =	vld [tilespmem:s20+$0xFFFFFFA0]  }
0x83: {  	v2 =	vld [tilespmem:s21+$0xFFFFFFA0];
	_ =	sdelay $0x4  }
0x84: {  	v1 =	vadd.f32 v2, v1;
	_ =	sdelay $0x1  }
0x85: {  	v1 =	vmax.f32 v1, $0.0e+00  }
0x86: {  	[tilespmem:s17+$0xFFFFFFA0] =	vst v1  }
0x87: {  	v1 =	vld [tilespmem:s20+$0xFFFFFFB0]  }
0x88: {  	v2 =	vld [tilespmem:s21+$0xFFFFFFB0];
	_ =	sdelay $0x4  }
0x89: {  	v1 =	vadd.f32 v2, v1;
	_ =	sdelay $0x1  }
0x8a: {  	v1 =	vmax.f32 v1, $0.0e+00  }
0x8b: {  	[tilespmem:s17+$0xFFFFFFB0] =	vst v1  }
0x8c: {  	v1 =	vld [tilespmem:s20+$0xFFFFFFC0]  }
0x8d: {  	v2 =	vld [tilespmem:s21+$0xFFFFFFC0];
	_ =	sdelay $0x4  }
0x8e: {  	v1 =	vadd.f32 v2, v1;
	_ =	sdelay $0x1  }
0x8f: {  	v1 =	vmax.f32 v1, $0.0e+00  }
0x90: {  	[tilespmem:s17+$0xFFFFFFC0] =	vst v1  }
0x91: {  	v1 =	vld [tilespmem:s20+$0xFFFFFFD0]  }
0x92: {  	v2 =	vld [tilespmem:s21+$0xFFFFFFD0];
	_ =	sdelay $0x4  }
0x93: {  	v1 =	vadd.f32 v2, v1;
	_ =	sdelay $0x1  }
0x94: {  	v1 =	vmax.f32 v1, $0.0e+00  }
0x95: {  	[tilespmem:s17+$0xFFFFFFD0] =	vst v1  }
0x96: {  	v1 =	vld [tilespmem:s20+$0xFFFFFFE0]  }
0x97: {  	v2 =	vld [tilespmem:s21+$0xFFFFFFE0];
	_ =	sdelay $0x4  }
0x98: {  	v1 =	vadd.f32 v2, v1;
	_ =	sdelay $0x1  }
0x99: {  	v1 =	vmax.f32 v1, $0.0e+00  }
0x9a: {  	[tilespmem:s17+$0xFFFFFFE0] =	vst v1  }
0x9b: {  	v1 =	vld [tilespmem:s20+$0xFFFFFFF0]  }
0x9c: {  	v2 =	vld [tilespmem:s21+$0xFFFFFFF0];
	_ =	sdelay $0x4  }
0x9d: {  	v1 =	vadd.f32 v2, v1;
	_ =	sdelay $0x1  }
0x9e: {  	v1 =	vmax.f32 v1, $0.0e+00  }
0x9f: {  	[tilespmem:s17+$0xFFFFFFF0] =	vst v1  }
0xa0: {  	v1 =	vld [tilespmem:s20+$0x0]  }
0xa1: {  	v2 =	vld [tilespmem:s21+$0x0];
	_ =	sdelay $0x4  }
0xa2: {  	v1 =	vadd.f32 v2, v1;
	_ =	sdelay $0x1  }
0xa3: {  	v1 =	vmax.f32 v1, $0.0e+00  }
0xa4: {  	[tilespmem:s17+$0x0] =	vst v1  }
0xa5: {  	v1 =	vld [tilespmem:s20+$0x10]  }
0xa6: {  	v2 =	vld [tilespmem:s21+$0x10];
	_ =	sdelay $0x4  }
0xa7: {  	v1 =	vadd.f32 v2, v1;
	_ =	sdelay $0x1  }
0xa8: {  	v1 =	vmax.f32 v1, $0.0e+00  }
0xa9: {  	[tilespmem:s17+$0x10] =	vst v1  }
0xaa: {  	v1 =	vld [tilespmem:s20+$0x20]  }
0xab: {  	v2 =	vld [tilespmem:s21+$0x20];
	_ =	sdelay $0x4  }
0xac: {  	v1 =	vadd.f32 v2, v1;
	_ =	sdelay $0x1  }
0xad: {  	v1 =	vmax.f32 v1, $0.0e+00  }
0xae: {  	[tilespmem:s17+$0x20] =	vst v1  }
0xaf: {  	v1 =	vld [tilespmem:s20+$0x30]  }
0xb0: {  	v2 =	vld [tilespmem:s21+$0x30];
	_ =	sdelay $0x4  }
0xb1: {  	v1 =	vadd.f32 v2, v1;
	_ =	sdelay $0x1  }
0xb2: {  	v1 =	vmax.f32 v1, $0.0e+00  }
0xb3: {  	[tilespmem:s17+$0x30] =	vst v1  }
0xb4: {  	v1 =	vld [tilespmem:s20+$0x40]  }
0xb5: {  	v2 =	vld [tilespmem:s21+$0x40];
	_ =	sdelay $0x4  }
0xb6: {  	v1 =	vadd.f32 v2, v1;
	_ =	sdelay $0x1  }
0xb7: {  	v1 =	vmax.f32 v1, $0.0e+00  }
0xb8: {  	[tilespmem:s17+$0x40] =	vst v1  }
0xb9: {  	v1 =	vld [tilespmem:s20+$0x50]  }
0xba: {  	v2 =	vld [tilespmem:s21+$0x50];
	_ =	sdelay $0x4  }
0xbb: {  	v1 =	vadd.f32 v2, v1;
	_ =	sdelay $0x1  }
0xbc: {  	v1 =	vmax.f32 v1, $0.0e+00  }
0xbd: {  	[tilespmem:s17+$0x50] =	vst v1  }
0xbe: {  	v1 =	vld [tilespmem:s20+$0x60]  }
0xbf: {  	v2 =	vld [tilespmem:s21+$0x60]  }
0xc0: {  	s11 =	simm.s32 $0x0;
	s12 =	simm.s32 $0x9180  }
0xc1: {  	s9 =	simm.s32 $0x5080;
	s8 =	simm.s32 $0x7080;
	s4 =	sshll.u32 s0, $0x8  }
.LBB2_5:
0xc2: {  	s11 =	sadd.s32 $0x8, s11;
	s20 =	sadd.s32 $0x100, s20;
	s21 =	sadd.s32 $0x100, s21  }
0xc3: {  	p0 =	slt.u32 s11, $0x78  }
0xc4: {  	v1 =	vadd.f32 v2, v1;
	_ =	sdelay $0x1  }
0xc5: {  	v1 =	vmax.f32 v1, $0.0e+00  }
0xc6: {  	[tilespmem:s17+$0x60] =	vst v1  }
0xc7: {  	v1 =	vld [tilespmem:s9+$0x70];
	s9 =	smov.u32 s20  }
0xc8: {  	v2 =	vld [tilespmem:s8+$0x70];
	s8 =	smov.u32 s21;
	_ =	sdelay $0x4  }
0xc9: {  	v1 =	vadd.f32 v2, v1;
	_ =	sdelay $0x1  }
0xca: {  	v1 =	vmax.f32 v1, $0.0e+00  }
0xcb: {  	[tilespmem:s17+$0x70] =	vst v1;
	s17 =	smov.u32 s12  }
0xcc: {  	v1 =	vld [tilespmem:s20+$0xFFFFFF80]  }
0xcd: {  	v2 =	vld [tilespmem:s21+$0xFFFFFF80];
	_ =	sdelay $0x4  }
0xce: {  	v1 =	vadd.f32 v2, v1;
	_ =	sdelay $0x1  }
0xcf: {  	v1 =	vmax.f32 v1, $0.0e+00  }
0xd0: {  	[tilespmem:s12+$0xFFFFFF80] =	vst v1  }
0xd1: {  	v1 =	vld [tilespmem:s20+$0xFFFFFF90]  }
0xd2: {  	v2 =	vld [tilespmem:s21+$0xFFFFFF90];
	_ =	sdelay $0x4  }
0xd3: {  	v1 =	vadd.f32 v2, v1;
	_ =	sdelay $0x1  }
0xd4: {  	v1 =	vmax.f32 v1, $0.0e+00  }
0xd5: {  	[tilespmem:s12+$0xFFFFFF90] =	vst v1  }
0xd6: {  	v1 =	vld [tilespmem:s20+$0xFFFFFFA0]  }
0xd7: {  	v2 =	vld [tilespmem:s21+$0xFFFFFFA0];
	_ =	sdelay $0x4  }
0xd8: {  	v1 =	vadd.f32 v2, v1;
	_ =	sdelay $0x1  }
0xd9: {  	v1 =	vmax.f32 v1, $0.0e+00  }
0xda: {  	[tilespmem:s12+$0xFFFFFFA0] =	vst v1  }
0xdb: {  	v1 =	vld [tilespmem:s20+$0xFFFFFFB0]  }
0xdc: {  	v2 =	vld [tilespmem:s21+$0xFFFFFFB0];
	_ =	sdelay $0x4  }
0xdd: {  	v1 =	vadd.f32 v2, v1;
	_ =	sdelay $0x1  }
0xde: {  	v1 =	vmax.f32 v1, $0.0e+00  }
0xdf: {  	[tilespmem:s12+$0xFFFFFFB0] =	vst v1  }
0xe0: {  	v1 =	vld [tilespmem:s20+$0xFFFFFFC0]  }
0xe1: {  	v2 =	vld [tilespmem:s21+$0xFFFFFFC0];
	_ =	sdelay $0x4  }
0xe2: {  	v1 =	vadd.f32 v2, v1;
	_ =	sdelay $0x1  }
0xe3: {  	v1 =	vmax.f32 v1, $0.0e+00  }
0xe4: {  	[tilespmem:s12+$0xFFFFFFC0] =	vst v1  }
0xe5: {  	v1 =	vld [tilespmem:s20+$0xFFFFFFD0]  }
0xe6: {  	v2 =	vld [tilespmem:s21+$0xFFFFFFD0];
	_ =	sdelay $0x4  }
0xe7: {  	v1 =	vadd.f32 v2, v1;
	_ =	sdelay $0x1  }
0xe8: {  	v1 =	vmax.f32 v1, $0.0e+00  }
0xe9: {  	[tilespmem:s12+$0xFFFFFFD0] =	vst v1  }
0xea: {  	v1 =	vld [tilespmem:s20+$0xFFFFFFE0]  }
0xeb: {  	v2 =	vld [tilespmem:s21+$0xFFFFFFE0];
	_ =	sdelay $0x4  }
0xec: {  	v1 =	vadd.f32 v2, v1;
	_ =	sdelay $0x1  }
0xed: {  	v1 =	vmax.f32 v1, $0.0e+00  }
0xee: {  	[tilespmem:s12+$0xFFFFFFE0] =	vst v1  }
0xef: {  	v1 =	vld [tilespmem:s20+$0xFFFFFFF0]  }
0xf0: {  	v2 =	vld [tilespmem:s21+$0xFFFFFFF0];
	_ =	sdelay $0x4  }
0xf1: {  	v1 =	vadd.f32 v2, v1;
	_ =	sdelay $0x1  }
0xf2: {  	v1 =	vmax.f32 v1, $0.0e+00  }
0xf3: {  	[tilespmem:s12+$0xFFFFFFF0] =	vst v1  }
0xf4: {  	v1 =	vld [tilespmem:s20+$0x0]  }
0xf5: {  	v2 =	vld [tilespmem:s21+$0x0];
	_ =	sdelay $0x4  }
0xf6: {  	v1 =	vadd.f32 v2, v1;
	_ =	sdelay $0x1  }
0xf7: {  	v1 =	vmax.f32 v1, $0.0e+00  }
0xf8: {  	[tilespmem:s12+$0x0] =	vst v1  }
0xf9: {  	v1 =	vld [tilespmem:s20+$0x10]  }
0xfa: {  	v2 =	vld [tilespmem:s21+$0x10];
	_ =	sdelay $0x4  }
0xfb: {  	v1 =	vadd.f32 v2, v1;
	_ =	sdelay $0x1  }
0xfc: {  	v1 =	vmax.f32 v1, $0.0e+00  }
0xfd: {  	[tilespmem:s12+$0x10] =	vst v1  }
0xfe: {  	v1 =	vld [tilespmem:s20+$0x20]  }
0xff: {  	v2 =	vld [tilespmem:s21+$0x20];
	_ =	sdelay $0x4  }
0x100: {  	v1 =	vadd.f32 v2, v1;
	_ =	sdelay $0x1  }
0x101: {  	v1 =	vmax.f32 v1, $0.0e+00  }
0x102: {  	[tilespmem:s12+$0x20] =	vst v1  }
0x103: {  	v1 =	vld [tilespmem:s20+$0x30]  }
0x104: {  	v2 =	vld [tilespmem:s21+$0x30];
	_ =	sdelay $0x4  }
0x105: {  	v1 =	vadd.f32 v2, v1;
	_ =	sdelay $0x1  }
0x106: {  	v1 =	vmax.f32 v1, $0.0e+00  }
0x107: {  	[tilespmem:s12+$0x30] =	vst v1  }
0x108: {  	v1 =	vld [tilespmem:s20+$0x40]  }
0x109: {  	v2 =	vld [tilespmem:s21+$0x40];
	_ =	sdelay $0x4  }
0x10a: {  	v1 =	vadd.f32 v2, v1;
	_ =	sdelay $0x1  }
0x10b: {  	v1 =	vmax.f32 v1, $0.0e+00  }
0x10c: {  	[tilespmem:s12+$0x40] =	vst v1  }
0x10d: {  	v1 =	vld [tilespmem:s20+$0x50]  }
0x10e: {  	v2 =	vld [tilespmem:s21+$0x50];
	_ =	sdelay $0x4  }
0x10f: {  	v1 =	vadd.f32 v2, v1;
	_ =	sdelay $0x1  }
0x110: {  	v1 =	vmax.f32 v1, $0.0e+00  }
.Ltmp3:
0x111: {  	[tilespmem:s12+$0x50] =	vst v1;
	(pc) =	sbr.rel @p0 .LBB2_5-.Ltmp3, $3  }
0x112: {  	v1 =	vld [tilespmem:s20+$0x60]  }
0x113: {  	v2 =	vld [tilespmem:s21+$0x60];
	_ =	sdelay $0x1  }
0x114: {  	s12 =	sadd.s32 $0x100, s12  }
0x115: {  	p0 =	seq.s32 s0, $0x27  }
0x116: {  	s11 =	sadd.s32 @!p0 $0x100, s4  }
0x117: {  	s12 =	sadd.s32 @!p0 s1, s11  }
0x118: {  	s13 =	smulhi.u32 @!p0 $0x51EB851F, s12;
	_ =	sdelay $0x1  }
0x119: {  	s13 =	sshrl.u32 @!p0 s13, $0xC  }
0x11a: {  	s20 =	smul.u32 @!p0 $0xFFFFCE00, s13;
	_ =	sdelay $0x1  }
0x11b: {  	s12 =	sadd.s32 @!p0 s12, s20  }
0x11c: {  	s20 =	smulhi.u32 @!p0 $0x51EB851F, s12;
	s21 =	sshra.s32 @!p0 s12, $0x1F  }
0x11d: {  	s21 =	smul.u32 @!p0 $0x51EB851F, s21;
	_ =	sdelay $0x1  }
0x11e: {  	s20 =	sadd.s32 @!p0 s21, s20  }
0x11f: {  	s21 =	sshrl.u32 @!p0 s20, $0x1F;
	s20 =	sshra.s32 @!p0 s20, $0xA  }
0x120: {  	s20 =	sadd.s32 @!p0 s21, s20  }
0x121: {  	s21 =	smul.u32 @!p0 $0xFFFFF380, s20  }
0x122: {  	s14 =	ssub.s32 @!p0 $0x0, s12  }
0x123: {  	v1 =	vadd.f32 v2, v1;
	p3 =	slt.s32 @!p0 s12, $0x1;
	p2 =	sne.s32 @!p0 s21, s14  }
0x124: {  	p2 =	por @!p0 !p3, !p2  }
0x125: {  	v1 =	vmax.f32 v1, $0.0e+00;
	p2 =	por @!p0 !p2, !p2  }
0x126: {  	[tilespmem:s17+$0x60] =	vst v1;
	s14 =	simm.s32 @!p0 $0x1;
	p2 =	por !p2, p0  }
0x127: {  	v1 =	vld [tilespmem:s9+$0x70];
	s14 =	simm.s32 @p2 $0x0  }
0x128: {  	v2 =	vld [tilespmem:s8+$0x70];
	s9 =	ssub.s32 @!p0 s20, s14  }
0x129: {  	s8 =	ssub.s32 @!p0 s13, s9  }
0x12a: {  	s8 =	smul.u32 @!p0 $0xC80, s8;
	_ =	sdelay $0x1  }
0x12b: {  	s8 =	sadd.s32 @!p0 s12, s8  }
0x12c: {  	v1 =	vadd.f32 v2, v1;
	s9 =	sshll.u32 @!p0 s9, $0x5;
	s8 =	sshll.u32 @!p0 s8, $0x7  }
0x12d: {  	s8 =	sadd.s32 @!p0 s9, s8  }
0x12e: {  	v1 =	vmax.f32 v1, $0.0e+00;
	s13 =	simm.s32 @!p0 $0x7000;
	s8 =	sshrl.u32 @!p0 s8, $0x3  }
0x12f: {  	[tilespmem:s17+$0x70] =	vst v1;
	s12 =	simm.s32 @!p0 $0x80;
	s9 =	simm.s32 @!p0 $0x20;
	s8 =	sadd.s32 @!p0 s6, s8  }
0x130: {  	[tilespmem:s13], [sflag:$0x3] =	stream.strided.gather @!p0 [hbm4b:s8+s9], $0x1000, s12, s9, $0x38;
	[tilespmem:$0x15000] =	vst v63  }
0x131: {  	s17 =	sand.u32 $0x3FFFFF00, s4;
	s8 =	simm.s32 @!p0 $0x5000  }
0x132: {  	[tilespmem:s8], [sflag:$0x1] =	stream.indirect.gather @!p0 [hbm4b:s5+s12], $0x20, s11, s12, $0xb8;
	[tilespmem:$0x15000] =	vst v63  }
0x133: {  	s21 =	sadd.s32 $0x2800, s17  }
0x134: {  	[spmem:s3] =	stream.indirect.scatter.add.f32 [tilespmem:s25], [sflag:$0x5], $0x20, s21, s19, $0xb8;
	[tilespmem:$0x15000] =	vst v63  }
0x135: {  	_ =	swait.ge [sflag:s26], $0x1000  }
0x136: {  	[sflag:s26] =	ssyncset.done $0x0  }
0x137: {  	[sflag:s26] =	ssyncadd.s32 $0xFFFFF000  }
0x138: {  	_ =	swait.ge [sflag:s28], $0x1000  }
0x139: {  	[sflag:s28] =	ssyncset.done $0x0  }
0x13a: {  	s8 =	simm.s32 @!p1 $0x6;
	[sflag:s28] =	ssyncadd.s32 $0xFFFFF000  }
0x13b: {  	_ =	swait.ge @!p1 [sflag:s8], $0x1000  }
0x13c: {  	[sflag:s8] =	ssyncset.done @!p1 $0x0  }
0x13d: {  	s21 =	simm.s32 $0x6080;
	[sflag:s8] =	ssyncadd.s32 @!p1 $0xFFFFF000  }
0x13e: {  	s8 =	simm.s32 $0x8080;
	v1 =	vld [tilespmem:s21+$0xFFFFFF80]  }
0x13f: {  	v2 =	vld [tilespmem:s8+$0xFFFFFF80];
	_ =	sdelay $0x4  }
0x140: {  	v1 =	vadd.f32 v2, v1;
	_ =	sdelay $0x1  }
0x141: {  	s20 =	simm.s32 $0xA080;
	v1 =	vmax.f32 v1, $0.0e+00  }
0x142: {  	[tilespmem:s20+$0xFFFFFF80] =	vst v1  }
0x143: {  	v1 =	vld [tilespmem:s21+$0xFFFFFF90]  }
0x144: {  	v2 =	vld [tilespmem:s8+$0xFFFFFF90];
	_ =	sdelay $0x4  }
0x145: {  	v1 =	vadd.f32 v2, v1;
	_ =	sdelay $0x1  }
0x146: {  	v1 =	vmax.f32 v1, $0.0e+00  }
0x147: {  	[tilespmem:s20+$0xFFFFFF90] =	vst v1  }
0x148: {  	v1 =	vld [tilespmem:s21+$0xFFFFFFA0]  }
0x149: {  	v2 =	vld [tilespmem:s8+$0xFFFFFFA0];
	_ =	sdelay $0x4  }
0x14a: {  	v1 =	vadd.f32 v2, v1;
	_ =	sdelay $0x1  }
0x14b: {  	v1 =	vmax.f32 v1, $0.0e+00  }
0x14c: {  	[tilespmem:s20+$0xFFFFFFA0] =	vst v1  }
0x14d: {  	v1 =	vld [tilespmem:s21+$0xFFFFFFB0]  }
0x14e: {  	v2 =	vld [tilespmem:s8+$0xFFFFFFB0];
	_ =	sdelay $0x4  }
0x14f: {  	v1 =	vadd.f32 v2, v1;
	_ =	sdelay $0x1  }
0x150: {  	v1 =	vmax.f32 v1, $0.0e+00  }
0x151: {  	[tilespmem:s20+$0xFFFFFFB0] =	vst v1  }
0x152: {  	v1 =	vld [tilespmem:s21+$0xFFFFFFC0]  }
0x153: {  	v2 =	vld [tilespmem:s8+$0xFFFFFFC0];
	_ =	sdelay $0x4  }
0x154: {  	v1 =	vadd.f32 v2, v1;
	_ =	sdelay $0x1  }
0x155: {  	v1 =	vmax.f32 v1, $0.0e+00  }
0x156: {  	[tilespmem:s20+$0xFFFFFFC0] =	vst v1  }
0x157: {  	v1 =	vld [tilespmem:s21+$0xFFFFFFD0]  }
0x158: {  	v2 =	vld [tilespmem:s8+$0xFFFFFFD0];
	_ =	sdelay $0x4  }
0x159: {  	v1 =	vadd.f32 v2, v1;
	_ =	sdelay $0x1  }
0x15a: {  	v1 =	vmax.f32 v1, $0.0e+00  }
0x15b: {  	[tilespmem:s20+$0xFFFFFFD0] =	vst v1  }
0x15c: {  	v1 =	vld [tilespmem:s21+$0xFFFFFFE0]  }
0x15d: {  	v2 =	vld [tilespmem:s8+$0xFFFFFFE0];
	_ =	sdelay $0x4  }
0x15e: {  	v1 =	vadd.f32 v2, v1;
	_ =	sdelay $0x1  }
0x15f: {  	v1 =	vmax.f32 v1, $0.0e+00  }
0x160: {  	[tilespmem:s20+$0xFFFFFFE0] =	vst v1  }
0x161: {  	v1 =	vld [tilespmem:s21+$0xFFFFFFF0]  }
0x162: {  	v2 =	vld [tilespmem:s8+$0xFFFFFFF0];
	_ =	sdelay $0x4  }
0x163: {  	v1 =	vadd.f32 v2, v1;
	_ =	sdelay $0x1  }
0x164: {  	v1 =	vmax.f32 v1, $0.0e+00  }
0x165: {  	[tilespmem:s20+$0xFFFFFFF0] =	vst v1  }
0x166: {  	v1 =	vld [tilespmem:s21+$0x0]  }
0x167: {  	v2 =	vld [tilespmem:s8+$0x0];
	_ =	sdelay $0x4  }
0x168: {  	v1 =	vadd.f32 v2, v1;
	_ =	sdelay $0x1  }
0x169: {  	v1 =	vmax.f32 v1, $0.0e+00  }
0x16a: {  	[tilespmem:s20+$0x0] =	vst v1  }
0x16b: {  	v1 =	vld [tilespmem:s21+$0x10]  }
0x16c: {  	v2 =	vld [tilespmem:s8+$0x10];
	_ =	sdelay $0x4  }
0x16d: {  	v1 =	vadd.f32 v2, v1;
	_ =	sdelay $0x1  }
0x16e: {  	v1 =	vmax.f32 v1, $0.0e+00  }
0x16f: {  	[tilespmem:s20+$0x10] =	vst v1  }
0x170: {  	v1 =	vld [tilespmem:s21+$0x20]  }
0x171: {  	v2 =	vld [tilespmem:s8+$0x20];
	_ =	sdelay $0x4  }
0x172: {  	v1 =	vadd.f32 v2, v1;
	_ =	sdelay $0x1  }
0x173: {  	v1 =	vmax.f32 v1, $0.0e+00  }
0x174: {  	[tilespmem:s20+$0x20] =	vst v1  }
0x175: {  	v1 =	vld [tilespmem:s21+$0x30]  }
0x176: {  	v2 =	vld [tilespmem:s8+$0x30];
	_ =	sdelay $0x4  }
0x177: {  	v1 =	vadd.f32 v2, v1;
	_ =	sdelay $0x1  }
0x178: {  	v1 =	vmax.f32 v1, $0.0e+00  }
0x179: {  	[tilespmem:s20+$0x30] =	vst v1  }
0x17a: {  	v1 =	vld [tilespmem:s21+$0x40]  }
0x17b: {  	v2 =	vld [tilespmem:s8+$0x40];
	_ =	sdelay $0x4  }
0x17c: {  	v1 =	vadd.f32 v2, v1;
	_ =	sdelay $0x1  }
0x17d: {  	v1 =	vmax.f32 v1, $0.0e+00  }
0x17e: {  	[tilespmem:s20+$0x40] =	vst v1  }
0x17f: {  	v1 =	vld [tilespmem:s21+$0x50]  }
0x180: {  	v2 =	vld [tilespmem:s8+$0x50];
	_ =	sdelay $0x4  }
0x181: {  	v1 =	vadd.f32 v2, v1;
	_ =	sdelay $0x1  }
0x182: {  	v1 =	vmax.f32 v1, $0.0e+00  }
0x183: {  	[tilespmem:s20+$0x50] =	vst v1  }
0x184: {  	v1 =	vld [tilespmem:s21+$0x60]  }
0x185: {  	v2 =	vld [tilespmem:s8+$0x60]  }
0x186: {  	s9 =	simm.s32 $0x0  }
0x187: {  	s13 =	simm.s32 $0xA180;
	s11 =	simm.s32 $0x6080;
	s12 =	simm.s32 $0x8080  }
.LBB2_7:
0x188: {  	s9 =	sadd.s32 $0x8, s9;
	s21 =	sadd.s32 $0x100, s21;
	s8 =	sadd.s32 $0x100, s8  }
0x189: {  	p1 =	slt.u32 s9, $0x78  }
0x18a: {  	v1 =	vadd.f32 v2, v1;
	_ =	sdelay $0x1  }
0x18b: {  	v1 =	vmax.f32 v1, $0.0e+00  }
0x18c: {  	[tilespmem:s20+$0x60] =	vst v1  }
0x18d: {  	v1 =	vld [tilespmem:s11+$0x70];
	s11 =	smov.u32 s21  }
0x18e: {  	v2 =	vld [tilespmem:s12+$0x70];
	s12 =	smov.u32 s8;
	_ =	sdelay $0x4  }
0x18f: {  	v1 =	vadd.f32 v2, v1;
	_ =	sdelay $0x1  }
0x190: {  	v1 =	vmax.f32 v1, $0.0e+00  }
0x191: {  	[tilespmem:s20+$0x70] =	vst v1;
	s20 =	smov.u32 s13  }
0x192: {  	v1 =	vld [tilespmem:s21+$0xFFFFFF80]  }
0x193: {  	v2 =	vld [tilespmem:s8+$0xFFFFFF80];
	_ =	sdelay $0x4  }
0x194: {  	v1 =	vadd.f32 v2, v1;
	_ =	sdelay $0x1  }
0x195: {  	v1 =	vmax.f32 v1, $0.0e+00  }
0x196: {  	[tilespmem:s13+$0xFFFFFF80] =	vst v1  }
0x197: {  	v1 =	vld [tilespmem:s21+$0xFFFFFF90]  }
0x198: {  	v2 =	vld [tilespmem:s8+$0xFFFFFF90];
	_ =	sdelay $0x4  }
0x199: {  	v1 =	vadd.f32 v2, v1;
	_ =	sdelay $0x1  }
0x19a: {  	v1 =	vmax.f32 v1, $0.0e+00  }
0x19b: {  	[tilespmem:s13+$0xFFFFFF90] =	vst v1  }
0x19c: {  	v1 =	vld [tilespmem:s21+$0xFFFFFFA0]  }
0x19d: {  	v2 =	vld [tilespmem:s8+$0xFFFFFFA0];
	_ =	sdelay $0x4  }
0x19e: {  	v1 =	vadd.f32 v2, v1;
	_ =	sdelay $0x1  }
0x19f: {  	v1 =	vmax.f32 v1, $0.0e+00  }
0x1a0: {  	[tilespmem:s13+$0xFFFFFFA0] =	vst v1  }
0x1a1: {  	v1 =	vld [tilespmem:s21+$0xFFFFFFB0]  }
0x1a2: {  	v2 =	vld [tilespmem:s8+$0xFFFFFFB0];
	_ =	sdelay $0x4  }
0x1a3: {  	v1 =	vadd.f32 v2, v1;
	_ =	sdelay $0x1  }
0x1a4: {  	v1 =	vmax.f32 v1, $0.0e+00  }
0x1a5: {  	[tilespmem:s13+$0xFFFFFFB0] =	vst v1  }
0x1a6: {  	v1 =	vld [tilespmem:s21+$0xFFFFFFC0]  }
0x1a7: {  	v2 =	vld [tilespmem:s8+$0xFFFFFFC0];
	_ =	sdelay $0x4  }
0x1a8: {  	v1 =	vadd.f32 v2, v1;
	_ =	sdelay $0x1  }
0x1a9: {  	v1 =	vmax.f32 v1, $0.0e+00  }
0x1aa: {  	[tilespmem:s13+$0xFFFFFFC0] =	vst v1  }
0x1ab: {  	v1 =	vld [tilespmem:s21+$0xFFFFFFD0]  }
0x1ac: {  	v2 =	vld [tilespmem:s8+$0xFFFFFFD0];
	_ =	sdelay $0x4  }
0x1ad: {  	v1 =	vadd.f32 v2, v1;
	_ =	sdelay $0x1  }
0x1ae: {  	v1 =	vmax.f32 v1, $0.0e+00  }
0x1af: {  	[tilespmem:s13+$0xFFFFFFD0] =	vst v1  }
0x1b0: {  	v1 =	vld [tilespmem:s21+$0xFFFFFFE0]  }
0x1b1: {  	v2 =	vld [tilespmem:s8+$0xFFFFFFE0];
	_ =	sdelay $0x4  }
0x1b2: {  	v1 =	vadd.f32 v2, v1;
	_ =	sdelay $0x1  }
0x1b3: {  	v1 =	vmax.f32 v1, $0.0e+00  }
0x1b4: {  	[tilespmem:s13+$0xFFFFFFE0] =	vst v1  }
0x1b5: {  	v1 =	vld [tilespmem:s21+$0xFFFFFFF0]  }
0x1b6: {  	v2 =	vld [tilespmem:s8+$0xFFFFFFF0];
	_ =	sdelay $0x4  }
0x1b7: {  	v1 =	vadd.f32 v2, v1;
	_ =	sdelay $0x1  }
0x1b8: {  	v1 =	vmax.f32 v1, $0.0e+00  }
0x1b9: {  	[tilespmem:s13+$0xFFFFFFF0] =	vst v1  }
0x1ba: {  	v1 =	vld [tilespmem:s21+$0x0]  }
0x1bb: {  	v2 =	vld [tilespmem:s8+$0x0];
	_ =	sdelay $0x4  }
0x1bc: {  	v1 =	vadd.f32 v2, v1;
	_ =	sdelay $0x1  }
0x1bd: {  	v1 =	vmax.f32 v1, $0.0e+00  }
0x1be: {  	[tilespmem:s13+$0x0] =	vst v1  }
0x1bf: {  	v1 =	vld [tilespmem:s21+$0x10]  }
0x1c0: {  	v2 =	vld [tilespmem:s8+$0x10];
	_ =	sdelay $0x4  }
0x1c1: {  	v1 =	vadd.f32 v2, v1;
	_ =	sdelay $0x1  }
0x1c2: {  	v1 =	vmax.f32 v1, $0.0e+00  }
0x1c3: {  	[tilespmem:s13+$0x10] =	vst v1  }
0x1c4: {  	v1 =	vld [tilespmem:s21+$0x20]  }
0x1c5: {  	v2 =	vld [tilespmem:s8+$0x20];
	_ =	sdelay $0x4  }
0x1c6: {  	v1 =	vadd.f32 v2, v1;
	_ =	sdelay $0x1  }
0x1c7: {  	v1 =	vmax.f32 v1, $0.0e+00  }
0x1c8: {  	[tilespmem:s13+$0x20] =	vst v1  }
0x1c9: {  	v1 =	vld [tilespmem:s21+$0x30]  }
0x1ca: {  	v2 =	vld [tilespmem:s8+$0x30];
	_ =	sdelay $0x4  }
0x1cb: {  	v1 =	vadd.f32 v2, v1;
	_ =	sdelay $0x1  }
0x1cc: {  	v1 =	vmax.f32 v1, $0.0e+00  }
0x1cd: {  	[tilespmem:s13+$0x30] =	vst v1  }
0x1ce: {  	v1 =	vld [tilespmem:s21+$0x40]  }
0x1cf: {  	v2 =	vld [tilespmem:s8+$0x40];
	_ =	sdelay $0x4  }
0x1d0: {  	v1 =	vadd.f32 v2, v1;
	_ =	sdelay $0x1  }
0x1d1: {  	v1 =	vmax.f32 v1, $0.0e+00  }
0x1d2: {  	[tilespmem:s13+$0x40] =	vst v1  }
0x1d3: {  	v1 =	vld [tilespmem:s21+$0x50]  }
0x1d4: {  	v2 =	vld [tilespmem:s8+$0x50];
	_ =	sdelay $0x4  }
0x1d5: {  	v1 =	vadd.f32 v2, v1;
	_ =	sdelay $0x1  }
0x1d6: {  	v1 =	vmax.f32 v1, $0.0e+00  }
.Ltmp4:
0x1d7: {  	[tilespmem:s13+$0x50] =	vst v1;
	(pc) =	sbr.rel @p1 .LBB2_7-.Ltmp4, $3  }
0x1d8: {  	v1 =	vld [tilespmem:s21+$0x60]  }
0x1d9: {  	v2 =	vld [tilespmem:s8+$0x60];
	_ =	sdelay $0x1  }
0x1da: {  	s13 =	sadd.s32 $0x100, s13  }
0x1db: {  	_ =	sdelay $0x1  }
0x1dc: {  	v1 =	vadd.f32 v2, v1;
	_ =	sdelay $0x1  }
0x1dd: {  	v1 =	vmax.f32 v1, $0.0e+00  }
0x1de: {  	[tilespmem:s20+$0x60] =	vst v1  }
0x1df: {  	v1 =	vld [tilespmem:s11+$0x70]  }
0x1e0: {  	v2 =	vld [tilespmem:s12+$0x70];
	_ =	sdelay $0x3  }
.Ltmp5:
0x1e1: {  	_ = 	snop;
	(pc) =	sbr.rel @p0 .LBB2_10-.Ltmp5, $3  }
0x1e2: {  	v1 =	vadd.f32 v2, v1;
	_ =	sdelay $0x1  }
0x1e3: {  	v1 =	vmax.f32 v1, $0.0e+00  }
0x1e4: {  	s8 =	sadd.s32 $0x2880, s17;
	[tilespmem:s20+$0x70] =	vst v1  }
0x1e5: {  	s4 =	sadd.s32 $0x180, s4  }
0x1e6: {  	s9 =	sadd.s32 s1, s4  }
0x1e7: {  	s11 =	smulhi.u32 $0x51EB851F, s9;
	_ =	sdelay $0x1  }
0x1e8: {  	s11 =	sshrl.u32 s11, $0xC  }
0x1e9: {  	s12 =	smul.u32 $0xFFFFCE00, s11;
	_ =	sdelay $0x1  }
0x1ea: {  	s9 =	sadd.s32 s9, s12  }
0x1eb: {  	s12 =	smulhi.u32 $0x51EB851F, s9;
	s13 =	sshra.s32 s9, $0x1F  }
0x1ec: {  	s13 =	smul.u32 $0x51EB851F, s13;
	_ =	sdelay $0x1  }
0x1ed: {  	s12 =	sadd.s32 s13, s12  }
0x1ee: {  	s13 =	sshrl.u32 s12, $0x1F;
	s12 =	sshra.s32 s12, $0xA  }
0x1ef: {  	s12 =	sadd.s32 s13, s12  }
0x1f0: {  	s13 =	smul.u32 $0xFFFFF380, s12  }
0x1f1: {  	s14 =	ssub.s32 $0x0, s9  }
0x1f2: {  	p0 =	slt.s32 s9, $0x0;
	p1 =	sne.s32 s13, s14  }
0x1f3: {  	p0 =	por !p0, !p1  }
0x1f4: {  	s13 =	simm.s32 $0x1;
	p0 =	por !p0, !p0  }
0x1f5: {  	s13 =	simm.s32 @!p0 $0x0  }
0x1f6: {  	s12 =	ssub.s32 s12, s13  }
0x1f7: {  	s11 =	ssub.s32 s11, s12  }
0x1f8: {  	s11 =	smul.u32 $0xC80, s11;
	_ =	sdelay $0x1  }
0x1f9: {  	s9 =	sadd.s32 s9, s11  }
0x1fa: {  	s21 =	sshll.u32 s12, $0x5;
	s9 =	sshll.u32 s9, $0x7  }
0x1fb: {  	s9 =	sadd.s32 s21, s9  }
0x1fc: {  	s9 =	sshrl.u32 s9, $0x3  }
0x1fd: {  	s9 =	sadd.s32 s6, s9  }
0x1fe: {  	[tilespmem:s22], [sflag:$0x4] =	stream.strided.gather [hbm4b:s9+s18], $0x1000, s19, s18, $0x38;
	[tilespmem:$0x15000] =	vst v63  }
.Ltmp6:
0x1ff: {  	_ = 	snop;
	(pc) =	sbr.rel .LBB2_4-.Ltmp6, $4  }
0x200: {  	_ = 	snop  }
0x201: {  	[tilespmem:s23], [sflag:$0x2] =	stream.indirect.gather [hbm4b:s5+s19], $0x20, s4, s19, $0xb8;
	[tilespmem:$0x15000] =	vst v63  }
0x202: {  	s0 =	sadd.s32 $0x1, s0  }
0x203: {  	[spmem:s3] =	stream.indirect.scatter.add.f32 [tilespmem:s29], [sflag:$0x6], $0x20, s8, s19, $0xb8;
	[tilespmem:$0x15000] =	vst v63  }
.LBB2_11:
0x204: {  	_ =	sfence.sel $0x180000  }
0x205: {  	[bflag:$0x0] =	sbarrier.arrive $0xFFFF  }
0x206: {  	_ =	strace $0x9000004A  }
0x207: {  	s0 =	stileid.u32;
	[bflag:$0x2] =	sbarrier.arrive $0xFFFF  }
0x208: {  	p0 =	sne.s32 s0, $0x0;
	s0 =	rddreg [dreg:$0x2]  }
0x209: {  	s0 =	sadd.s32 @!p0 $0x100000, s0  }
0x20a: {  	[sflag:s0] =	ssyncadd.tile.s32 @!p0 $0x1;
	_ =	shalt  }
.Lfunc_end2:
_tile_overlayer_lowered:
.L_overlay_start_2:
0x20b: {  	(tag) =	ssettag $0x2  }
0x20c: {  	s0 =	rddreg [dreg:$0x0];
	s2 =	stileid.u32  }
0x20d: {  	s1 =	rddreg [dreg:$0x1];
	p0 =	sne.s32 s2, $0x0  }
0x20e: {  	s3 =	rddreg [dreg:$0x2];
	[bflag:$0x3] =	sbarrier.arrive $0xFFFF;
	s2 =	simm.s32 @!p0 $0x1C07  }
0x20f: {  	[timem:s3], [sflag:s2] =	dma.local @!p0 [hbm:s0], s1  }
0x210: {  	s0 =	simm.s32 @!p0 $0x7  }
0x211: {  	_ =	swait.ge @!p0 [sflag:s0], s1  }
0x212: {  	s1 =	ssub.s32 @!p0 $0x0, s1;
	[sflag:s0] =	ssyncset.done @!p0 $0x0  }
0x213: {  	[sflag:s0] =	ssyncadd.s32 @!p0 s1  }
0x214: {  	[bflag:$0x3] =	sbarrier.arrive $0xFFFF  }
0x215: {  	_ =	shalt  }

// kernel: kernel.16.cloned.1.call-start
scs
__scs_entry_jumppad:
0x0: {  	(pc) =	sbr.rel $0x88, $3  }
0x1: {  	(tag) =	ssettag $0x0;
	lr =	simm.s32 $0x1  }
0x2: {  	[smem:$0x3F90] =	sst lr;
	_ =	strace $0xD0000000  }
0x3: {  	_ = 	snop  }
0x4: {  	_ = 	snop  }
0x5: {  	_ = 	snop  }
0x6: {  	_ = 	snop  }
0x7: {  	_ = 	snop  }
__scs_overlays_trampoline_lowered:
0x8: {  	[smem:$0x3F9F] =	sst s0  }
0x9: {  	[smem:$0x3FA0] =	sst s1  }
0xa: {  	[smem:$0x3FA1] =	sst s2  }
0xb: {  	[smem:$0x3FA2] =	sst s3  }
0xc: {  	[smem:$0x3FA3] =	sst s4  }
0xd: {  	[smem:$0x3FA4] =	sst s5  }
0xe: {  	[smem:$0x3FA5] =	sst s6  }
0xf: {  	[smem:$0x3FA6] =	sst s7  }
0x10: {  	[smem:$0x3FA7] =	sst s8  }
0x11: {  	[smem:$0x3FA8] =	sst s9;
	s0 =	simm.s32 @!p0 $0x0  }
0x12: {  	s1 =	sld [smem:$0x3F8E];
	s0 =	simm.s32 @p0 $0x1  }
0x13: {  	[smem:$0x3FA9] =	sst s0;
	s0 =	simm.s32 @!p1 $0x0  }
0x14: {  	s2 =	sld [smem:$0x3F8D];
	s0 =	simm.s32 @p1 $0x1  }
0x15: {  	[smem:$0x3FAA] =	sst s0;
	s0 =	simm.s32 @!p2 $0x0  }
0x16: {  	s3 =	sld [smem:$0x3FDB];
	s0 =	simm.s32 @p2 $0x1  }
0x17: {  	s4 =	simm.s32 $0x1BF5;
	[smem:$0x3FAC] =	sst s0  }
0x18: {  	s0 =	sld [smem:$0x3F8F];
	_ =	swait.ge [sflag:s4], $0x0  }
0x19: {  	s7 =	sld [smem:$0x3F90]  }
0x1a: {  	s8 =	sadd.s32 $0xFFFFE003, lr  }
0x1b: {  	s9 =	sadd.s32 $0xFFFFFEF7, lr;
	s5 =	simm.s32 $0xFFFFFFFF;
	p2 =	slt.u32 s8, $0xFFFFF086  }
0x1c: {  	p1 =	slt.u32 s9, $0xF7A;
	s5 =	simm.s32 @!p2 $0x0  }
0x1d: {  	s5 =	simm.s32 @p1 $0x1;
	p0 =	seq.s32 s7, s2  }
0x1e: {  	s7 =	smul.u32 @!p0 $0xF7A, s2;
	p2 =	seq.s32 @!p0 s5, $0x0  }
0x1f: {  	s9 =	smul.u32 $0xF7A, s1;
	s8 =	simm.s32 @!p0 $0x1BF5;
	p2 =	por !p2, p0  }
0x20: {  	[sflag:s8] =	ssyncset.s32 @!p0 $0xFFFFF086;
	s6 =	sadd.s32 @!p0 s3, s7;
	s7 =	simm.s32 @!p0 $0x108  }
0x21: {  	s3 =	sadd.s32 s3, s9;
	s6 =	sadd.s32 @!p0 $0x88, s6;
	s7 =	simm.s32 @p2 $0x1082  }
0x22: {  	[simem:s7], [sflag:s8] =	dma.local @!p0 [hbm:s6], $0xF7A  }
0x23: {  	s9 =	sor.u32 $0xD0000000, s2;
	s6 =	simm.s32 $0x108;
	_ =	swait.ge @!p0 [sflag:s8], $0x0  }
0x24: {  	s3 =	sadd.s32 $0x88, s3;
	s6 =	simm.s32 @!p1 $0x1082;
	[sflag:s4] =	ssyncset.s32 $0xFFFFF086  }
0x25: {  	[simem:s6], [sflag:s4] =	dma.local [hbm:s3], $0xF7A  }
0x26: {  	[smem:$0x3F90] =	sst s1;
	(tag) =	ssettag s2;
	_ =	strace s9  }
0x27: {  	s1 =	sld [smem:$0x3FA0]  }
0x28: {  	s2 =	sld [smem:$0x3FA1]  }
0x29: {  	s4 =	sld [smem:$0x3FA3]  }
0x2a: {  	p0 =	seq.s32 s5, $0x0;
	s5 =	sld [smem:$0x3FA4]  }
0x2b: {  	s6 =	sld [smem:$0x3FA5]  }
0x2c: {  	s7 =	sld [smem:$0x3FA6]  }
0x2d: {  	s3 =	simm.s32 $0x108;
	s8 =	sld [smem:$0x3FA7]  }
0x2e: {  	s3 =	simm.s32 @!p0 $0x1082;
	s9 =	sld [smem:$0x3FA8]  }
0x2f: {  	lr =	sadd.s32 s0, s3;
	s0 =	sld [smem:$0x3F9F]  }
0x30: {  	s3 =	sld [smem:$0x3FA2]  }
0x31: {  	[smem:$0x3FAB] =	sst s10  }
0x32: {  	s10 =	sld [smem:$0x3FA9];
	_ =	sdelay $0x3  }
0x33: {  	p0 =	seq.s32 s10, $0x1;
	s10 =	sld [smem:$0x3FAB];
	_ =	sdelay $0x3  }
0x34: {  	[smem:$0x3FAB] =	sst s10  }
0x35: {  	s10 =	sld [smem:$0x3FAA];
	_ =	sdelay $0x3  }
0x36: {  	p1 =	seq.s32 s10, $0x1;
	s10 =	sld [smem:$0x3FAB];
	_ =	sdelay $0x3  }
0x37: {  	[smem:$0x3FAB] =	sst s10  }
0x38: {  	s10 =	sld [smem:$0x3FAC]  }
0x39: {  	_ = 	snop;
	(pc) =	sbr.ind lr, $3  }
0x3a: {  	_ = 	snop  }
0x3b: {  	_ = 	snop  }
0x3c: {  	p2 =	seq.s32 s10, $0x1;
	s10 =	sld [smem:$0x3FAB]  }
0x3d: {  	_ =	shalt  }
0x3e: {  	_ =	shalt  }
0x3f: {  	_ =	shalt  }
0x40: {  	_ =	shalt  }
0x41: {  	_ =	shalt  }
0x42: {  	_ =	shalt  }
0x43: {  	_ =	shalt  }
0x44: {  	_ =	shalt  }
0x45: {  	_ =	shalt  }
0x46: {  	_ =	shalt  }
0x47: {  	_ =	shalt  }
0x48: {  	_ =	shalt  }
0x49: {  	_ =	shalt  }
0x4a: {  	_ =	shalt  }
0x4b: {  	_ =	shalt  }
0x4c: {  	_ =	shalt  }
0x4d: {  	_ =	shalt  }
0x4e: {  	_ =	shalt  }
0x4f: {  	_ =	shalt  }
0x50: {  	_ =	shalt  }
0x51: {  	_ =	shalt  }
0x52: {  	_ =	shalt  }
0x53: {  	_ =	shalt  }
0x54: {  	_ =	shalt  }
0x55: {  	_ =	shalt  }
0x56: {  	_ =	shalt  }
0x57: {  	_ =	shalt  }
0x58: {  	_ =	shalt  }
0x59: {  	_ =	shalt  }
0x5a: {  	_ =	shalt  }
0x5b: {  	_ =	shalt  }
0x5c: {  	_ =	shalt  }
0x5d: {  	_ =	shalt  }
0x5e: {  	_ =	shalt  }
0x5f: {  	_ =	shalt  }
0x60: {  	_ =	shalt  }
0x61: {  	_ =	shalt  }
0x62: {  	_ =	shalt  }
0x63: {  	_ =	shalt  }
0x64: {  	_ =	shalt  }
0x65: {  	_ =	shalt  }
0x66: {  	_ =	shalt  }
0x67: {  	_ =	shalt  }
0x68: {  	_ =	shalt  }
0x69: {  	_ =	shalt  }
0x6a: {  	_ =	shalt  }
0x6b: {  	_ =	shalt  }
0x6c: {  	_ =	shalt  }
0x6d: {  	_ =	shalt  }
0x6e: {  	_ =	shalt  }
0x6f: {  	_ =	shalt  }
0x70: {  	_ =	shalt  }
0x71: {  	_ =	shalt  }
0x72: {  	_ =	shalt  }
0x73: {  	_ =	shalt  }
0x74: {  	_ =	shalt  }
0x75: {  	_ =	shalt  }
0x76: {  	_ =	shalt  }
0x77: {  	_ =	shalt  }
0x78: {  	_ =	shalt  }
0x79: {  	_ =	shalt  }
0x7a: {  	_ =	shalt  }
0x7b: {  	_ =	shalt  }
0x7c: {  	_ =	shalt  }
0x7d: {  	_ =	shalt  }
0x7e: {  	_ =	shalt  }
0x7f: {  	_ =	shalt  }
0x80: {  	_ =	shalt  }
0x81: {  	_ =	shalt  }
0x82: {  	_ =	shalt  }
0x83: {  	_ =	shalt  }
0x84: {  	_ =	shalt  }
0x85: {  	_ =	shalt  }
0x86: {  	_ =	shalt  }
0x87: {  	_ =	shalt  }
.Lfunc_end0:
.L_simem_size_0:
called_computation.2_lowered:
.L_overlay_start_0:
0x88: {  	s2 =	sld [smem:$0x3FD9]  }
0x89: {  	s3 =	sld [smem:$0x3FFE];
	_ =	sdelay $0x1  }
0x8a: {  	s1 =	srdreg.scid  }
0x8b: {  	s0 =	sand.u32 $0x1, s1  }
0x8c: {  	s16 =	sshll.u32 s0, $0xA;
	s2 =	sadd.s32 s3, s2  }
0x8d: {  	s2 =	sadd.s32 s2, s16  }
0x8e: {  	[smem:$0x3FB7] =	sst s2  }
0x8f: {  	_ = 	snop  }
0x90: {  	(tm) =	ssettm $0x1  }
0x91: {  	s17 =	sld [smem:$0x3FFB];
	_ =	sdelay $0x3  }
0x92: {  	_ =	strace s17  }
0x93: {  	s2 =	sld [smem:$0x3FFC];
	_ =	sdelay $0x3  }
0x94: {  	_ =	strace s2  }
0x95: {  	s2 =	sld [smem:$0x3FFD];
	_ =	sdelay $0x3  }
0x96: {  	_ =	strace s2  }
0x97: {  	_ =	strace $0x8FFFFFFF  }
0x98: {  	s18 =	sld [smem:$0x3FDB];
	_ =	sdelay $0x1  }
0x99: {  	s19 =	simm.s32 $_scs_section_size  }
0x9a: {  	s4 =	simm.s32 $_size__tile_overlayer_lowered;
	s5 =	simm.s32 $_tile_overlayer_lowered  }
0x9b: {  	s22 =	simm.s32 $0x1BFF;
	s21 =	sshll.u32 s5, $0x1;
	s2 =	sadd.s32 s19, s18  }
0x9c: {  	s6 =	simm.s32 $0x0;
	s20 =	sshll.u32 s4, $0x1;
	s4 =	sadd.s32 s21, s2  }
0x9d: {  	[timem:s6], [sflag:s22] =	dma.local [hbm:s4], s20  }
0x9e: {  	_ =	swait.ge [sflag:s22], s20  }
0x9f: {  	s3 =	ssub.s32 $0x0, s20;
	[sflag:s22] =	ssyncset.done $0x0  }
0xa0: {  	[sflag:s22] =	ssyncadd.s32 s3;
	_ =	sdelay $0x1  }
0xa1: {  	s23 =	simm.s32 $0x1B8B  }
0xa2: {  	_ =	swait.ge [sflag:s23], $0x1  }
0xa3: {  	[sflag:s23] =	ssyncset.done $0x0  }
0xa4: {  	s25 =	simm.s32 $0x1B8E;
	s24 =	sld [smem:$0x3FFE];
	[sflag:s23] =	ssyncadd.s32 $0xFFFFFFFF  }
0xa5: {  	s26 =	simm.s32 $execute0_lowered;
	[smem:$0x3FD2] =	sst s25  }
0xa6: {  	s4 =	sshll.u32 s26, $0x1;
	_ =	strace $0x8000004C;
	[dreg:$0x1] =	wrdreg $0xFFFFFFFF  }
0xa7: {  	s28 =	simm.s32 $_size_execute0_lowered;
	s2 =	sadd.s32 s2, s4;
	[dreg:$0x0] =	wrdreg $0x0  }
0xa8: {  	s4 =	sshll.u32 s28, $0x1;
	[dreg:$0x2] =	wrdreg s2  }
0xa9: {  	[dreg:$0x3] =	wrdreg s4  }
0xaa: {  	[dreg:$0x4] =	wrdreg $0xC0  }
0xab: {  	_ =	task [dreg:s6], $0x5FFFF  }
0xac: {  	[dreg:$0x1] =	wrdreg $0xFFFFFFFF  }
0xad: {  	[dreg:$0x0] =	wrdreg $0x60  }
0xae: {  	[dreg:$0x2] =	wrdreg s24  }
0xaf: {  	[dreg:$0x3] =	wrdreg $0x100000  }
0xb0: {  	[dreg:$0x4] =	wrdreg $0x9  }
0xb1: {  	_ =	task.clear_ibuf [dreg:s6], $0x5FFFF;
	_ =	strace $0x9000004C  }
0xb2: {  	s29 =	simm.s32 $0x9;
	_ =	strace $0x8000004E  }
0xb3: {  	_ =	swait.ge [sflag:s29], $0x1  }
0xb4: {  	[sflag:s29] =	ssyncadd.s32 $0xFFFFFFFF  }
0xb5: {  	_ =	strace $0x9000004E  }
0xb6: {  	_ =	sfence  }
0xb7: {  	s30 =	sld [smem:$0x0];
	_ =	sdelay $0x2  }
0xb8: {  	s31 =	sshll.u32 s1, $0xD;
	s1 =	sshrl.u32 s1, $0x2  }
0xb9: {  	s3 =	sand.u32 $0x4000, s31;
	s1 =	sadd.s32 s1, s30  }
0xba: {  	s0 =	sor.u32 s3, s0;
	s1 =	sshll.u32 s1, $0x11  }
0xbb: {  	s0 =	sor.u32 s1, s0  }
0xbc: {  	s0 =	sadd.s32 $0x8F2B, s0  }
0xbd: {  	[sflag:s0] =	ssyncadd.remote.s32 $0x1  }
0xbe: {  	_ =	sfence.sel $0xFFFF  }
0xbf: {  	[dreg:$0x0] =	wrdreg $0xFFFFFFFF;
	(pc) =	sbr.abs _section_cstart, $3  }
0xc0: {  	[dreg:$0x1] =	wrdreg $0xFFFFFFFF  }
0xc1: {  	_ =	task.clear_ibuf [dreg:s6], $0x2FFFF;
	_ =	strace $0x9FFFFFFF  }
0xc2: {  	(tm) =	ssettm $0x7FFFFFFF  }
0xc3: {  	_ =	shalt  }
tec
execute0_lowered:
.L_overlay_start_1:
0x0: {  	(tag) =	ssettag $0x1  }
0x1: {  	s0 =	srdreg.scid  }
0x2: {  	s0 =	sand.u32 $0x1, s0  }
0x3: {  	s13 =	stileid.u32;
	s1 =	sshll.u32 s0, $0x4  }
0x4: {  	s2 =	sor.u32 s13, s1  }
0x5: {  	s8 =	rddreg [dreg:$0x0];
	s12 =	simm.s32 $0x0;
	s1 =	smul.u32 $0x2800, s2  }
0x6: {  	s14 =	simm.s32 $0x1;
	s15 =	simm.s32 $0x1;
	s28 =	simm.s32 $0x2  }
0x7: {  	s29 =	simm.s32 $0xA000;
	s30 =	simm.s32 $0x5;
	s3 =	smulhi.u32 $0xA3D71, s1  }
0x8: {  	s31 =	simm.s32 $0x6;
	s0 =	ssub.s32 $0x2, s0;
	s13 =	smul.u32 $0x14000, s13  }
0x9: {  	s21 =	sshrl.u32 s0, $0x1;
	s2 =	smul.u32 $0xA00, s2;
	s4 =	sshrl.u32 s3, $0x1  }
0xa: {  	[smem:$0x7FF] =	sst s12;
	s0 =	ssub.s32 s0, s21;
	s3 =	smul.u32 $0xFFFFCE00, s4  }
0xb: {  	s13 =	sshrl.u32 s13, $0x2;
	s0 =	smax.u32 s0, $0x1;
	s2 =	sadd.s32 s2, s8  }
0xc: {  	s2 =	sadd.s32 $0x161600, s2;
	s4 =	smul.u32 $0xC80, s4;
	s7 =	sadd.s32 s1, s3  }
0xd: {  	s20 =	sshrl.u32 s1, $0x3;
	s5 =	smulhi.u32 $0x51EB851F, s7;
	s3 =	sshra.s32 s7, $0x1F  }
0xe: {  	s9 =	sor.u32 $0x80, s7;
	s18 =	ssub.s32 $0x0, s7;
	p0 =	slt.s32 s7, $0x1  }
0xf: {  	s23 =	sadd.s32 s4, s7;
	s6 =	smul.u32 $0x51EB851F, s3;
	s3 =	rddreg [dreg:$0x1]  }
0x10: {  	s10 =	smulhi.u32 $0x51EB851F, s9;
	_ =	strace $0x8000004D;
	s19 =	ssub.s32 $0x0, s9  }
0x11: {  	p6 =	slt.s32 s9, $0x0;
	s4 =	sadd.s32 s4, s9;
	s5 =	sadd.s32 s6, s5  }
0x12: {  	s6 =	sadd.s32 s6, s10;
	s11 =	sshrl.u32 s5, $0x1F;
	s5 =	sshra.s32 s5, $0xA  }
0x13: {  	s16 =	sshrl.u32 s6, $0x1F;
	s6 =	sshra.s32 s6, $0xA;
	s26 =	sadd.s32 s11, s5  }
0x14: {  	[dreg:$0x7] =	wrdreg s2;
	s17 =	sadd.s32 s16, s6;
	s11 =	smul.u32 $0xFFFFF380, s26  }
0x15: {  	[dreg:$0x8] =	wrdreg s0;
	s2 =	simm.s32 $0x0;
	s6 =	smul.u32 $0xFFFFF380, s17  }
0x16: {  	s7 =	sadd.s32 s13, s3;
	s5 =	sadd.s32 $0x157800, s8;
	s16 =	simm.s32 $0x7  }
0x17: {  	p1 =	sne.s32 s11, s18;
	p2 =	sne.s32 s6, s19;
	s6 =	sadd.s32 $0x3800, s8  }
0x18: {  	s11 =	sadd.s32 s20, s8;
	s18 =	simm.s32 $0x20;
	p0 =	por !p0, !p1  }
0x19: {  	s19 =	simm.s32 $0x80;
	p1 =	por !p6, !p2;
	p0 =	por !p0, !p0  }
0x1a: {  	s24 =	sadd.s32 $0x143800, s11;
	s14 =	simm.s32 @!p0 $0x0;
	p0 =	por !p1, !p1  }
0x1b: {  	s11 =	sadd.s32 $0x14D800, s11;
	s10 =	ssub.s32 s26, s14;
	s15 =	simm.s32 @!p0 $0x0  }
0x1c: {  	[dreg:$0x3] =	wrdreg s24;
	s22 =	smul.u32 $0xFFFFF380, s10;
	s12 =	ssub.s32 s17, s15  }
0x1d: {  	[dreg:$0x4] =	wrdreg s11;
	s24 =	simm.s32 $0x3;
	s15 =	smul.u32 $0xFFFFF380, s12  }
0x1e: {  	s25 =	sshll.u32 s10, $0x5;
	s10 =	simm.s32 $0x1;
	s8 =	sadd.s32 s22, s23  }
0x1f: {  	s26 =	sshll.u32 s12, $0x5;
	s8 =	sshll.u32 s8, $0x7;
	s4 =	sadd.s32 s15, s4  }
.Ltmp0:
0x20: {  	s4 =	sshll.u32 s4, $0x7;
	s8 =	sadd.s32 s25, s8;
	(pc) =	sbr.rel .LBB2_1-.Ltmp0, $4  }
0x21: {  	s22 =	simm.s32 $0x8000;
	s4 =	sadd.s32 s26, s4;
	s8 =	sshrl.u32 s8, $0x3  }
0x22: {  	s23 =	simm.s32 $0x6000;
	s4 =	sshrl.u32 s4, $0x3;
	s8 =	sadd.s32 s6, s8  }
0x23: {  	s15 =	simm.s32 $0xB000;
	[dreg:$0x5] =	wrdreg s8;
	s4 =	sadd.s32 s6, s4  }
0x24: {  	v0 =	vimm.f32 $0.0e+00;
	s25 =	simm.s32 $0x9000;
	s26 =	simm.s32 $0x4;
	[dreg:$0x6] =	wrdreg s4  }
.LBB2_10:
0x25: {  	[spmem:s3] =	stream.indirect.scatter.add.f32 [tilespmem:s29], [sflag:$0x6], $0x20, s8, s19, $0xb8;
	[tilespmem:$0x15000] =	vst v63  }
0x26: {  	_ =	swait.ge [sflag:s30], $0x1000  }
0x27: {  	[sflag:s30] =	ssyncset.done $0x0  }
0x28: {  	[sflag:s30] =	ssyncadd.s32 $0xFFFFF000  }
0x29: {  	_ =	swait.ge [sflag:s31], $0x1000  }
0x2a: {  	[sflag:s31] =	ssyncset.done $0x0  }
0x2b: {  	[sflag:s31] =	ssyncadd.s32 $0xFFFFF000  }
0x2c: {  	[bflag:$0x0] =	sbarrier.arrive $0xFFFF  }
0x2d: {  	[tilespmem:s15], [sflag:$0x7] =	stream.linear.gather [spmem:s7], $0x5000, $0x38;
	[tilespmem:$0x15000] =	vst v63  }
0x2e: {  	_ =	swait.ge [sflag:s16], $0x5000  }
0x2f: {  	[sflag:s16] =	ssyncset.done $0x0  }
0x30: {  	s0 =	simm.s32 $0x0;
	s4 =	rddreg [dreg:$0x7];
	[sflag:s16] =	ssyncadd.s32 $0xFFFFB000  }
0x31: {  	[hbm4b:s4+s0] =	stream.linear.scatter [tilespmem:s15], [sflag:$0x7], $0x5000, $0x38;
	[tilespmem:$0x15000] =	vst v63  }
0x32: {  	_ =	swait.ge [sflag:s16], $0x5000  }
0x33: {  	s2 =	sadd.s32 $0x1, s2;
	s21 =	rddreg [dreg:$0x8]  }
0x34: {  	p0 =	sne.s32 s2, s21  }
.Ltmp1:
0x35: {  	_ = 	snop;
	(pc) =	sbr.rel @!p0 .LBB2_11-.Ltmp1, $3  }
0x36: {  	_ =	sdelay $0x1  }
0x37: {  	[sflag:s16] =	ssyncset.done $0x0  }
0x38: {  	[sflag:s16] =	ssyncadd.s32 $0xFFFFB000  }
.LBB2_1:
0x39: {  	s0 =	simm.s32 $0xB080  }
0x3a: {  	[tilespmem:s0+$0xFFFFFF80] =	vst v0  }
0x3b: {  	[tilespmem:s0+$0x70] =	vst v0  }
0x3c: {  	[tilespmem:s0+$0x60] =	vst v0  }
0x3d: {  	[tilespmem:s0+$0x50] =	vst v0  }
0x3e: {  	[tilespmem:s0+$0x40] =	vst v0  }
0x3f: {  	[tilespmem:s0+$0x30] =	vst v0  }
0x40: {  	[tilespmem:s0+$0x20] =	vst v0  }
0x41: {  	[tilespmem:s0+$0x10] =	vst v0  }
0x42: {  	[tilespmem:s0+$0x0] =	vst v0  }
0x43: {  	[tilespmem:s0+$0xFFFFFFF0] =	vst v0  }
0x44: {  	[tilespmem:s0+$0xFFFFFFE0] =	vst v0  }
0x45: {  	[tilespmem:s0+$0xFFFFFFD0] =	vst v0  }
0x46: {  	[tilespmem:s0+$0xFFFFFFC0] =	vst v0  }
0x47: {  	[tilespmem:s0+$0xFFFFFFB0] =	vst v0  }
0x48: {  	s4 =	simm.s32 $0x0;
	[tilespmem:s0+$0xFFFFFFA0] =	vst v0  }
.LBB2_2:
0x49: {  	s4 =	sadd.s32 $0x8, s4;
	[tilespmem:s0+$0xFFFFFF90] =	vst v0;
	s0 =	sadd.s32 $0x100, s0  }
0x4a: {  	[tilespmem:s0+$0xFFFFFF80] =	vst v0;
	p0 =	slt.u32 s4, $0x278  }
0x4b: {  	[tilespmem:s0+$0x70] =	vst v0  }
0x4c: {  	[tilespmem:s0+$0x60] =	vst v0  }
0x4d: {  	[tilespmem:s0+$0x50] =	vst v0  }
0x4e: {  	[tilespmem:s0+$0x40] =	vst v0  }
0x4f: {  	[tilespmem:s0+$0x30] =	vst v0  }
0x50: {  	[tilespmem:s0+$0x20] =	vst v0  }
0x51: {  	[tilespmem:s0+$0x10] =	vst v0  }
0x52: {  	[tilespmem:s0+$0x0] =	vst v0  }
0x53: {  	[tilespmem:s0+$0xFFFFFFF0] =	vst v0  }
.Ltmp2:
0x54: {  	[tilespmem:s0+$0xFFFFFFE0] =	vst v0;
	(pc) =	sbr.rel @p0 .LBB2_2-.Ltmp2, $4  }
0x55: {  	[tilespmem:s0+$0xFFFFFFD0] =	vst v0  }
0x56: {  	[tilespmem:s0+$0xFFFFFFC0] =	vst v0  }
0x57: {  	[tilespmem:s0+$0xFFFFFFB0] =	vst v0  }
0x58: {  	[tilespmem:s0+$0xFFFFFFA0] =	vst v0  }
0x59: {  	[tilespmem:s0+$0xFFFFFF90] =	vst v0  }
0x5a: {  	[spmem:s7] =	stream.linear.scatter [tilespmem:s15], [sflag:$0x7], $0x5000, $0x38;
	[tilespmem:$0x15000] =	vst v63  }
0x5b: {  	_ =	swait.ge [sflag:s16], $0x5000  }
0x5c: {  	[sflag:s16] =	ssyncset.done $0x0  }
0x5d: {  	s0 =	simm.s32 $0x0;
	s4 =	rddreg [dreg:$0x3];
	[sflag:s16] =	ssyncadd.s32 $0xFFFFB000  }
0x5e: {  	[tilespmem:s0], [sflag:$0x7] =	stream.linear.gather [hbm4b:s4+s0], $0x2800, $0x38;
	[tilespmem:$0x15000] =	vst v63  }
0x5f: {  	_ =	swait.ge [sflag:s16], $0x2800  }
0x60: {  	[sflag:s16] =	ssyncset.done $0x0  }
0x61: {  	s8 =	simm.s32 $0x2800;
	s13 =	rddreg [dreg:$0x4];
	[sflag:s16] =	ssyncadd.s32 $0xFFFFD800  }
0x62: {  	[tilespmem:s8], [sflag:$0x7] =	stream.linear.gather [hbm4b:s13+s0], $0x2800, $0x38;
	[tilespmem:$0x15000] =	vst v63  }
0x63: {  	_ =	swait.ge [sflag:s16], $0x2800  }
0x64: {  	[sflag:s16] =	ssyncset.done $0x0  }
0x65: {  	[sflag:s16] =	ssyncadd.s32 $0xFFFFD800  }
0x66: {  	[bflag:$0x0] =	sbarrier.arrive $0xFFFF  }
0x67: {  	s17 =	simm.s32 $0x7000;
	s14 =	rddreg [dreg:$0x5]  }
0x68: {  	[tilespmem:s17], [sflag:$0x3] =	stream.strided.gather [hbm4b:s14+s18], $0x1000, s19, s18, $0x38;
	[tilespmem:$0x15000] =	vst v63  }
0x69: {  	s20 =	simm.s32 $0x5000  }
0x6a: {  	[tilespmem:s20], [sflag:$0x1] =	stream.indirect.gather [hbm4b:s5+s19], $0x20, s0, s19, $0xb8;
	[tilespmem:$0x15000] =	vst v63  }
0x6b: {  	s21 =	rddreg [dreg:$0x6]  }
0x6c: {  	[tilespmem:s22], [sflag:$0x4] =	stream.strided.gather [hbm4b:s21+s18], $0x1000, s19, s18, $0x38;
	[tilespmem:$0x15000] =	vst v63  }
0x6d: {  	_ = 	snop  }
0x6e: {  	[tilespmem:s23], [sflag:$0x2] =	stream.indirect.gather [hbm4b:s5+s19], $0x20, s19, s19, $0xb8;
	[tilespmem:$0x15000] =	vst v63  }
.LBB2_4:
0x6f: {  	_ =	swait.ge [sflag:s24], $0x1000  }
0x70: {  	[sflag:s24] =	ssyncset.done $0x0  }
0x71: {  	[sflag:s24] =	ssyncadd.s32 $0xFFFFF000  }
0x72: {  	_ =	swait.ge [sflag:s10], $0x1000  }
0x73: {  	p1 =	seq.s32 s0, $0x0;
	[sflag:s10] =	ssyncset.done $0x0  }
0x74: {  	s4 =	simm.s32 @!p1 $0x5;
	[sflag:s10] =	ssyncadd.s32 $0xFFFFF000  }
0x75: {  	_ =	swait.ge @!p1 [sflag:s4], $0x1000  }
0x76: {  	[sflag:s4] =	ssyncset.done @!p1 $0x0  }
0x77: {  	s20 =	simm.s32 $0x5080;
	[sflag:s4] =	ssyncadd.s32 @!p1 $0xFFFFF000  }
0x78: {  	s21 =	simm.s32 $0x7080;
	v1 =	vld [tilespmem:s20+$0xFFFFFF80]  }
0x79: {  	v2 =	vld [tilespmem:s21+$0xFFFFFF80];
	_ =	sdelay $0x4  }
0x7a: {  	v1 =	vadd.f32 v2, v1;
	_ =	sdelay $0x1  }
0x7b: {  	s17 =	simm.s32 $0x9080;
	v1 =	vmax.f32 v1, $0.0e+00  }
0x7c: {  	[tilespmem:s17+$0xFFFFFF80] =	vst v1  }
0x7d: {  	v1 =	vld [tilespmem:s20+$0xFFFFFF90]  }
0x7e: {  	v2 =	vld [tilespmem:s21+$0xFFFFFF90];
	_ =	sdelay $0x4  }
0x7f: {  	v1 =	vadd.f32 v2, v1;
	_ =	sdelay $0x1  }
0x80: {  	v1 =	vmax.f32 v1, $0.0e+00  }
0x81: {  	[tilespmem:s17+$0xFFFFFF90] =	vst v1  }
0x82: {  	v1 =	vld [tilespmem:s20+$0xFFFFFFA0]  }
0x83: {  	v2 =	vld [tilespmem:s21+$0xFFFFFFA0];
	_ =	sdelay $0x4  }
0x84: {  	v1 =	vadd.f32 v2, v1;
	_ =	sdelay $0x1  }
0x85: {  	v1 =	vmax.f32 v1, $0.0e+00  }
0x86: {  	[tilespmem:s17+$0xFFFFFFA0] =	vst v1  }
0x87: {  	v1 =	vld [tilespmem:s20+$0xFFFFFFB0]  }
0x88: {  	v2 =	vld [tilespmem:s21+$0xFFFFFFB0];
	_ =	sdelay $0x4  }
0x89: {  	v1 =	vadd.f32 v2, v1;
	_ =	sdelay $0x1  }
0x8a: {  	v1 =	vmax.f32 v1, $0.0e+00  }
0x8b: {  	[tilespmem:s17+$0xFFFFFFB0] =	vst v1  }
0x8c: {  	v1 =	vld [tilespmem:s20+$0xFFFFFFC0]  }
0x8d: {  	v2 =	vld [tilespmem:s21+$0xFFFFFFC0];
	_ =	sdelay $0x4  }
0x8e: {  	v1 =	vadd.f32 v2, v1;
	_ =	sdelay $0x1  }
0x8f: {  	v1 =	vmax.f32 v1, $0.0e+00  }
0x90: {  	[tilespmem:s17+$0xFFFFFFC0] =	vst v1  }
0x91: {  	v1 =	vld [tilespmem:s20+$0xFFFFFFD0]  }
0x92: {  	v2 =	vld [tilespmem:s21+$0xFFFFFFD0];
	_ =	sdelay $0x4  }
0x93: {  	v1 =	vadd.f32 v2, v1;
	_ =	sdelay $0x1  }
0x94: {  	v1 =	vmax.f32 v1, $0.0e+00  }
0x95: {  	[tilespmem:s17+$0xFFFFFFD0] =	vst v1  }
0x96: {  	v1 =	vld [tilespmem:s20+$0xFFFFFFE0]  }
0x97: {  	v2 =	vld [tilespmem:s21+$0xFFFFFFE0];
	_ =	sdelay $0x4  }
0x98: {  	v1 =	vadd.f32 v2, v1;
	_ =	sdelay $0x1  }
0x99: {  	v1 =	vmax.f32 v1, $0.0e+00  }
0x9a: {  	[tilespmem:s17+$0xFFFFFFE0] =	vst v1  }
0x9b: {  	v1 =	vld [tilespmem:s20+$0xFFFFFFF0]  }
0x9c: {  	v2 =	vld [tilespmem:s21+$0xFFFFFFF0];
	_ =	sdelay $0x4  }
0x9d: {  	v1 =	vadd.f32 v2, v1;
	_ =	sdelay $0x1  }
0x9e: {  	v1 =	vmax.f32 v1, $0.0e+00  }
0x9f: {  	[tilespmem:s17+$0xFFFFFFF0] =	vst v1  }
0xa0: {  	v1 =	vld [tilespmem:s20+$0x0]  }
0xa1: {  	v2 =	vld [tilespmem:s21+$0x0];
	_ =	sdelay $0x4  }
0xa2: {  	v1 =	vadd.f32 v2, v1;
	_ =	sdelay $0x1  }
0xa3: {  	v1 =	vmax.f32 v1, $0.0e+00  }
0xa4: {  	[tilespmem:s17+$0x0] =	vst v1  }
0xa5: {  	v1 =	vld [tilespmem:s20+$0x10]  }
0xa6: {  	v2 =	vld [tilespmem:s21+$0x10];
	_ =	sdelay $0x4  }
0xa7: {  	v1 =	vadd.f32 v2, v1;
	_ =	sdelay $0x1  }
0xa8: {  	v1 =	vmax.f32 v1, $0.0e+00  }
0xa9: {  	[tilespmem:s17+$0x10] =	vst v1  }
0xaa: {  	v1 =	vld [tilespmem:s20+$0x20]  }
0xab: {  	v2 =	vld [tilespmem:s21+$0x20];
	_ =	sdelay $0x4  }
0xac: {  	v1 =	vadd.f32 v2, v1;
	_ =	sdelay $0x1  }
0xad: {  	v1 =	vmax.f32 v1, $0.0e+00  }
0xae: {  	[tilespmem:s17+$0x20] =	vst v1  }
0xaf: {  	v1 =	vld [tilespmem:s20+$0x30]  }
0xb0: {  	v2 =	vld [tilespmem:s21+$0x30];
	_ =	sdelay $0x4  }
0xb1: {  	v1 =	vadd.f32 v2, v1;
	_ =	sdelay $0x1  }
0xb2: {  	v1 =	vmax.f32 v1, $0.0e+00  }
0xb3: {  	[tilespmem:s17+$0x30] =	vst v1  }
0xb4: {  	v1 =	vld [tilespmem:s20+$0x40]  }
0xb5: {  	v2 =	vld [tilespmem:s21+$0x40];
	_ =	sdelay $0x4  }
0xb6: {  	v1 =	vadd.f32 v2, v1;
	_ =	sdelay $0x1  }
0xb7: {  	v1 =	vmax.f32 v1, $0.0e+00  }
0xb8: {  	[tilespmem:s17+$0x40] =	vst v1  }
0xb9: {  	v1 =	vld [tilespmem:s20+$0x50]  }
0xba: {  	v2 =	vld [tilespmem:s21+$0x50];
	_ =	sdelay $0x4  }
0xbb: {  	v1 =	vadd.f32 v2, v1;
	_ =	sdelay $0x1  }
0xbc: {  	v1 =	vmax.f32 v1, $0.0e+00  }
0xbd: {  	[tilespmem:s17+$0x50] =	vst v1  }
0xbe: {  	v1 =	vld [tilespmem:s20+$0x60]  }
0xbf: {  	v2 =	vld [tilespmem:s21+$0x60]  }
0xc0: {  	s11 =	simm.s32 $0x0;
	s12 =	simm.s32 $0x9180  }
0xc1: {  	s9 =	simm.s32 $0x5080;
	s8 =	simm.s32 $0x7080;
	s4 =	sshll.u32 s0, $0x8  }
.LBB2_5:
0xc2: {  	s11 =	sadd.s32 $0x8, s11;
	s20 =	sadd.s32 $0x100, s20;
	s21 =	sadd.s32 $0x100, s21  }
0xc3: {  	p0 =	slt.u32 s11, $0x78  }
0xc4: {  	v1 =	vadd.f32 v2, v1;
	_ =	sdelay $0x1  }
0xc5: {  	v1 =	vmax.f32 v1, $0.0e+00  }
0xc6: {  	[tilespmem:s17+$0x60] =	vst v1  }
0xc7: {  	v1 =	vld [tilespmem:s9+$0x70];
	s9 =	smov.u32 s20  }
0xc8: {  	v2 =	vld [tilespmem:s8+$0x70];
	s8 =	smov.u32 s21;
	_ =	sdelay $0x4  }
0xc9: {  	v1 =	vadd.f32 v2, v1;
	_ =	sdelay $0x1  }
0xca: {  	v1 =	vmax.f32 v1, $0.0e+00  }
0xcb: {  	[tilespmem:s17+$0x70] =	vst v1;
	s17 =	smov.u32 s12  }
0xcc: {  	v1 =	vld [tilespmem:s20+$0xFFFFFF80]  }
0xcd: {  	v2 =	vld [tilespmem:s21+$0xFFFFFF80];
	_ =	sdelay $0x4  }
0xce: {  	v1 =	vadd.f32 v2, v1;
	_ =	sdelay $0x1  }
0xcf: {  	v1 =	vmax.f32 v1, $0.0e+00  }
0xd0: {  	[tilespmem:s12+$0xFFFFFF80] =	vst v1  }
0xd1: {  	v1 =	vld [tilespmem:s20+$0xFFFFFF90]  }
0xd2: {  	v2 =	vld [tilespmem:s21+$0xFFFFFF90];
	_ =	sdelay $0x4  }
0xd3: {  	v1 =	vadd.f32 v2, v1;
	_ =	sdelay $0x1  }
0xd4: {  	v1 =	vmax.f32 v1, $0.0e+00  }
0xd5: {  	[tilespmem:s12+$0xFFFFFF90] =	vst v1  }
0xd6: {  	v1 =	vld [tilespmem:s20+$0xFFFFFFA0]  }
0xd7: {  	v2 =	vld [tilespmem:s21+$0xFFFFFFA0];
	_ =	sdelay $0x4  }
0xd8: {  	v1 =	vadd.f32 v2, v1;
	_ =	sdelay $0x1  }
0xd9: {  	v1 =	vmax.f32 v1, $0.0e+00  }
0xda: {  	[tilespmem:s12+$0xFFFFFFA0] =	vst v1  }
0xdb: {  	v1 =	vld [tilespmem:s20+$0xFFFFFFB0]  }
0xdc: {  	v2 =	vld [tilespmem:s21+$0xFFFFFFB0];
	_ =	sdelay $0x4  }
0xdd: {  	v1 =	vadd.f32 v2, v1;
	_ =	sdelay $0x1  }
0xde: {  	v1 =	vmax.f32 v1, $0.0e+00  }
0xdf: {  	[tilespmem:s12+$0xFFFFFFB0] =	vst v1  }
0xe0: {  	v1 =	vld [tilespmem:s20+$0xFFFFFFC0]  }
0xe1: {  	v2 =	vld [tilespmem:s21+$0xFFFFFFC0];
	_ =	sdelay $0x4  }
0xe2: {  	v1 =	vadd.f32 v2, v1;
	_ =	sdelay $0x1  }
0xe3: {  	v1 =	vmax.f32 v1, $0.0e+00  }
0xe4: {  	[tilespmem:s12+$0xFFFFFFC0] =	vst v1  }
0xe5: {  	v1 =	vld [tilespmem:s20+$0xFFFFFFD0]  }
0xe6: {  	v2 =	vld [tilespmem:s21+$0xFFFFFFD0];
	_ =	sdelay $0x4  }
0xe7: {  	v1 =	vadd.f32 v2, v1;
	_ =	sdelay $0x1  }
0xe8: {  	v1 =	vmax.f32 v1, $0.0e+00  }
0xe9: {  	[tilespmem:s12+$0xFFFFFFD0] =	vst v1  }
0xea: {  	v1 =	vld [tilespmem:s20+$0xFFFFFFE0]  }
0xeb: {  	v2 =	vld [tilespmem:s21+$0xFFFFFFE0];
	_ =	sdelay $0x4  }
0xec: {  	v1 =	vadd.f32 v2, v1;
	_ =	sdelay $0x1  }
0xed: {  	v1 =	vmax.f32 v1, $0.0e+00  }
0xee: {  	[tilespmem:s12+$0xFFFFFFE0] =	vst v1  }
0xef: {  	v1 =	vld [tilespmem:s20+$0xFFFFFFF0]  }
0xf0: {  	v2 =	vld [tilespmem:s21+$0xFFFFFFF0];
	_ =	sdelay $0x4  }
0xf1: {  	v1 =	vadd.f32 v2, v1;
	_ =	sdelay $0x1  }
0xf2: {  	v1 =	vmax.f32 v1, $0.0e+00  }
0xf3: {  	[tilespmem:s12+$0xFFFFFFF0] =	vst v1  }
0xf4: {  	v1 =	vld [tilespmem:s20+$0x0]  }
0xf5: {  	v2 =	vld [tilespmem:s21+$0x0];
	_ =	sdelay $0x4  }
0xf6: {  	v1 =	vadd.f32 v2, v1;
	_ =	sdelay $0x1  }
0xf7: {  	v1 =	vmax.f32 v1, $0.0e+00  }
0xf8: {  	[tilespmem:s12+$0x0] =	vst v1  }
0xf9: {  	v1 =	vld [tilespmem:s20+$0x10]  }
0xfa: {  	v2 =	vld [tilespmem:s21+$0x10];
	_ =	sdelay $0x4  }
0xfb: {  	v1 =	vadd.f32 v2, v1;
	_ =	sdelay $0x1  }
0xfc: {  	v1 =	vmax.f32 v1, $0.0e+00  }
0xfd: {  	[tilespmem:s12+$0x10] =	vst v1  }
0xfe: {  	v1 =	vld [tilespmem:s20+$0x20]  }
0xff: {  	v2 =	vld [tilespmem:s21+$0x20];
	_ =	sdelay $0x4  }
0x100: {  	v1 =	vadd.f32 v2, v1;
	_ =	sdelay $0x1  }
0x101: {  	v1 =	vmax.f32 v1, $0.0e+00  }
0x102: {  	[tilespmem:s12+$0x20] =	vst v1  }
0x103: {  	v1 =	vld [tilespmem:s20+$0x30]  }
0x104: {  	v2 =	vld [tilespmem:s21+$0x30];
	_ =	sdelay $0x4  }
0x105: {  	v1 =	vadd.f32 v2, v1;
	_ =	sdelay $0x1  }
0x106: {  	v1 =	vmax.f32 v1, $0.0e+00  }
0x107: {  	[tilespmem:s12+$0x30] =	vst v1  }
0x108: {  	v1 =	vld [tilespmem:s20+$0x40]  }
0x109: {  	v2 =	vld [tilespmem:s21+$0x40];
	_ =	sdelay $0x4  }
0x10a: {  	v1 =	vadd.f32 v2, v1;
	_ =	sdelay $0x1  }
0x10b: {  	v1 =	vmax.f32 v1, $0.0e+00  }
0x10c: {  	[tilespmem:s12+$0x40] =	vst v1  }
0x10d: {  	v1 =	vld [tilespmem:s20+$0x50]  }
0x10e: {  	v2 =	vld [tilespmem:s21+$0x50];
	_ =	sdelay $0x4  }
0x10f: {  	v1 =	vadd.f32 v2, v1;
	_ =	sdelay $0x1  }
0x110: {  	v1 =	vmax.f32 v1, $0.0e+00  }
.Ltmp3:
0x111: {  	[tilespmem:s12+$0x50] =	vst v1;
	(pc) =	sbr.rel @p0 .LBB2_5-.Ltmp3, $3  }
0x112: {  	v1 =	vld [tilespmem:s20+$0x60]  }
0x113: {  	v2 =	vld [tilespmem:s21+$0x60];
	_ =	sdelay $0x1  }
0x114: {  	s12 =	sadd.s32 $0x100, s12  }
0x115: {  	p0 =	seq.s32 s0, $0x27  }
0x116: {  	s11 =	sadd.s32 @!p0 $0x100, s4  }
0x117: {  	s12 =	sadd.s32 @!p0 s1, s11  }
0x118: {  	s13 =	smulhi.u32 @!p0 $0x51EB851F, s12;
	_ =	sdelay $0x1  }
0x119: {  	s13 =	sshrl.u32 @!p0 s13, $0xC  }
0x11a: {  	s20 =	smul.u32 @!p0 $0xFFFFCE00, s13;
	_ =	sdelay $0x1  }
0x11b: {  	s12 =	sadd.s32 @!p0 s12, s20  }
0x11c: {  	s20 =	smulhi.u32 @!p0 $0x51EB851F, s12;
	s21 =	sshra.s32 @!p0 s12, $0x1F  }
0x11d: {  	s21 =	smul.u32 @!p0 $0x51EB851F, s21;
	_ =	sdelay $0x1  }
0x11e: {  	s20 =	sadd.s32 @!p0 s21, s20  }
0x11f: {  	s21 =	sshrl.u32 @!p0 s20, $0x1F;
	s20 =	sshra.s32 @!p0 s20, $0xA  }
0x120: {  	s20 =	sadd.s32 @!p0 s21, s20  }
0x121: {  	s21 =	smul.u32 @!p0 $0xFFFFF380, s20  }
0x122: {  	s14 =	ssub.s32 @!p0 $0x0, s12  }
0x123: {  	v1 =	vadd.f32 v2, v1;
	p3 =	slt.s32 @!p0 s12, $0x1;
	p2 =	sne.s32 @!p0 s21, s14  }
0x124: {  	p2 =	por @!p0 !p3, !p2  }
0x125: {  	v1 =	vmax.f32 v1, $0.0e+00;
	p2 =	por @!p0 !p2, !p2  }
0x126: {  	[tilespmem:s17+$0x60] =	vst v1;
	s14 =	simm.s32 @!p0 $0x1;
	p2 =	por !p2, p0  }
0x127: {  	v1 =	vld [tilespmem:s9+$0x70];
	s14 =	simm.s32 @p2 $0x0  }
0x128: {  	v2 =	vld [tilespmem:s8+$0x70];
	s9 =	ssub.s32 @!p0 s20, s14  }
0x129: {  	s8 =	ssub.s32 @!p0 s13, s9  }
0x12a: {  	s8 =	smul.u32 @!p0 $0xC80, s8;
	_ =	sdelay $0x1  }
0x12b: {  	s8 =	sadd.s32 @!p0 s12, s8  }
0x12c: {  	v1 =	vadd.f32 v2, v1;
	s9 =	sshll.u32 @!p0 s9, $0x5;
	s8 =	sshll.u32 @!p0 s8, $0x7  }
0x12d: {  	s8 =	sadd.s32 @!p0 s9, s8  }
0x12e: {  	v1 =	vmax.f32 v1, $0.0e+00;
	s13 =	simm.s32 @!p0 $0x7000;
	s8 =	sshrl.u32 @!p0 s8, $0x3  }
0x12f: {  	[tilespmem:s17+$0x70] =	vst v1;
	s12 =	simm.s32 @!p0 $0x80;
	s9 =	simm.s32 @!p0 $0x20;
	s8 =	sadd.s32 @!p0 s6, s8  }
0x130: {  	[tilespmem:s13], [sflag:$0x3] =	stream.strided.gather @!p0 [hbm4b:s8+s9], $0x1000, s12, s9, $0x38;
	[tilespmem:$0x15000] =	vst v63  }
0x131: {  	s17 =	sand.u32 $0x3FFFFF00, s4;
	s8 =	simm.s32 @!p0 $0x5000  }
0x132: {  	[tilespmem:s8], [sflag:$0x1] =	stream.indirect.gather @!p0 [hbm4b:s5+s12], $0x20, s11, s12, $0xb8;
	[tilespmem:$0x15000] =	vst v63  }
0x133: {  	s21 =	sadd.s32 $0x2800, s17  }
0x134: {  	[spmem:s3] =	stream.indirect.scatter.add.f32 [tilespmem:s25], [sflag:$0x5], $0x20, s21, s19, $0xb8;
	[tilespmem:$0x15000] =	vst v63  }
0x135: {  	_ =	swait.ge [sflag:s26], $0x1000  }
0x136: {  	[sflag:s26] =	ssyncset.done $0x0  }
0x137: {  	[sflag:s26] =	ssyncadd.s32 $0xFFFFF000  }
0x138: {  	_ =	swait.ge [sflag:s28], $0x1000  }
0x139: {  	[sflag:s28] =	ssyncset.done $0x0  }
0x13a: {  	s8 =	simm.s32 @!p1 $0x6;
	[sflag:s28] =	ssyncadd.s32 $0xFFFFF000  }
0x13b: {  	_ =	swait.ge @!p1 [sflag:s8], $0x1000  }
0x13c: {  	[sflag:s8] =	ssyncset.done @!p1 $0x0  }
0x13d: {  	s21 =	simm.s32 $0x6080;
	[sflag:s8] =	ssyncadd.s32 @!p1 $0xFFFFF000  }
0x13e: {  	s8 =	simm.s32 $0x8080;
	v1 =	vld [tilespmem:s21+$0xFFFFFF80]  }
0x13f: {  	v2 =	vld [tilespmem:s8+$0xFFFFFF80];
	_ =	sdelay $0x4  }
0x140: {  	v1 =	vadd.f32 v2, v1;
	_ =	sdelay $0x1  }
0x141: {  	s20 =	simm.s32 $0xA080;
	v1 =	vmax.f32 v1, $0.0e+00  }
0x142: {  	[tilespmem:s20+$0xFFFFFF80] =	vst v1  }
0x143: {  	v1 =	vld [tilespmem:s21+$0xFFFFFF90]  }
0x144: {  	v2 =	vld [tilespmem:s8+$0xFFFFFF90];
	_ =	sdelay $0x4  }
0x145: {  	v1 =	vadd.f32 v2, v1;
	_ =	sdelay $0x1  }
0x146: {  	v1 =	vmax.f32 v1, $0.0e+00  }
0x147: {  	[tilespmem:s20+$0xFFFFFF90] =	vst v1  }
0x148: {  	v1 =	vld [tilespmem:s21+$0xFFFFFFA0]  }
0x149: {  	v2 =	vld [tilespmem:s8+$0xFFFFFFA0];
	_ =	sdelay $0x4  }
0x14a: {  	v1 =	vadd.f32 v2, v1;
	_ =	sdelay $0x1  }
0x14b: {  	v1 =	vmax.f32 v1, $0.0e+00  }
0x14c: {  	[tilespmem:s20+$0xFFFFFFA0] =	vst v1  }
0x14d: {  	v1 =	vld [tilespmem:s21+$0xFFFFFFB0]  }
0x14e: {  	v2 =	vld [tilespmem:s8+$0xFFFFFFB0];
	_ =	sdelay $0x4  }
0x14f: {  	v1 =	vadd.f32 v2, v1;
	_ =	sdelay $0x1  }
0x150: {  	v1 =	vmax.f32 v1, $0.0e+00  }
0x151: {  	[tilespmem:s20+$0xFFFFFFB0] =	vst v1  }
0x152: {  	v1 =	vld [tilespmem:s21+$0xFFFFFFC0]  }
0x153: {  	v2 =	vld [tilespmem:s8+$0xFFFFFFC0];
	_ =	sdelay $0x4  }
0x154: {  	v1 =	vadd.f32 v2, v1;
	_ =	sdelay $0x1  }
0x155: {  	v1 =	vmax.f32 v1, $0.0e+00  }
0x156: {  	[tilespmem:s20+$0xFFFFFFC0] =	vst v1  }
0x157: {  	v1 =	vld [tilespmem:s21+$0xFFFFFFD0]  }
0x158: {  	v2 =	vld [tilespmem:s8+$0xFFFFFFD0];
	_ =	sdelay $0x4  }
0x159: {  	v1 =	vadd.f32 v2, v1;
	_ =	sdelay $0x1  }
0x15a: {  	v1 =	vmax.f32 v1, $0.0e+00  }
0x15b: {  	[tilespmem:s20+$0xFFFFFFD0] =	vst v1  }
0x15c: {  	v1 =	vld [tilespmem:s21+$0xFFFFFFE0]  }
0x15d: {  	v2 =	vld [tilespmem:s8+$0xFFFFFFE0];
	_ =	sdelay $0x4  }
0x15e: {  	v1 =	vadd.f32 v2, v1;
	_ =	sdelay $0x1  }
0x15f: {  	v1 =	vmax.f32 v1, $0.0e+00  }
0x160: {  	[tilespmem:s20+$0xFFFFFFE0] =	vst v1  }
0x161: {  	v1 =	vld [tilespmem:s21+$0xFFFFFFF0]  }
0x162: {  	v2 =	vld [tilespmem:s8+$0xFFFFFFF0];
	_ =	sdelay $0x4  }
0x163: {  	v1 =	vadd.f32 v2, v1;
	_ =	sdelay $0x1  }
0x164: {  	v1 =	vmax.f32 v1, $0.0e+00  }
0x165: {  	[tilespmem:s20+$0xFFFFFFF0] =	vst v1  }
0x166: {  	v1 =	vld [tilespmem:s21+$0x0]  }
0x167: {  	v2 =	vld [tilespmem:s8+$0x0];
	_ =	sdelay $0x4  }
0x168: {  	v1 =	vadd.f32 v2, v1;
	_ =	sdelay $0x1  }
0x169: {  	v1 =	vmax.f32 v1, $0.0e+00  }
0x16a: {  	[tilespmem:s20+$0x0] =	vst v1  }
0x16b: {  	v1 =	vld [tilespmem:s21+$0x10]  }
0x16c: {  	v2 =	vld [tilespmem:s8+$0x10];
	_ =	sdelay $0x4  }
0x16d: {  	v1 =	vadd.f32 v2, v1;
	_ =	sdelay $0x1  }
0x16e: {  	v1 =	vmax.f32 v1, $0.0e+00  }
0x16f: {  	[tilespmem:s20+$0x10] =	vst v1  }
0x170: {  	v1 =	vld [tilespmem:s21+$0x20]  }
0x171: {  	v2 =	vld [tilespmem:s8+$0x20];
	_ =	sdelay $0x4  }
0x172: {  	v1 =	vadd.f32 v2, v1;
	_ =	sdelay $0x1  }
0x173: {  	v1 =	vmax.f32 v1, $0.0e+00  }
0x174: {  	[tilespmem:s20+$0x20] =	vst v1  }
0x175: {  	v1 =	vld [tilespmem:s21+$0x30]  }
0x176: {  	v2 =	vld [tilespmem:s8+$0x30];
	_ =	sdelay $0x4  }
0x177: {  	v1 =	vadd.f32 v2, v1;
	_ =	sdelay $0x1  }
0x178: {  	v1 =	vmax.f32 v1, $0.0e+00  }
0x179: {  	[tilespmem:s20+$0x30] =	vst v1  }
0x17a: {  	v1 =	vld [tilespmem:s21+$0x40]  }
0x17b: {  	v2 =	vld [tilespmem:s8+$0x40];
	_ =	sdelay $0x4  }
0x17c: {  	v1 =	vadd.f32 v2, v1;
	_ =	sdelay $0x1  }
0x17d: {  	v1 =	vmax.f32 v1, $0.0e+00  }
0x17e: {  	[tilespmem:s20+$0x40] =	vst v1  }
0x17f: {  	v1 =	vld [tilespmem:s21+$0x50]  }
0x180: {  	v2 =	vld [tilespmem:s8+$0x50];
	_ =	sdelay $0x4  }
0x181: {  	v1 =	vadd.f32 v2, v1;
	_ =	sdelay $0x1  }
0x182: {  	v1 =	vmax.f32 v1, $0.0e+00  }
0x183: {  	[tilespmem:s20+$0x50] =	vst v1  }
0x184: {  	v1 =	vld [tilespmem:s21+$0x60]  }
0x185: {  	v2 =	vld [tilespmem:s8+$0x60]  }
0x186: {  	s9 =	simm.s32 $0x0  }
0x187: {  	s13 =	simm.s32 $0xA180;
	s11 =	simm.s32 $0x6080;
	s12 =	simm.s32 $0x8080  }
.LBB2_7:
0x188: {  	s9 =	sadd.s32 $0x8, s9;
	s21 =	sadd.s32 $0x100, s21;
	s8 =	sadd.s32 $0x100, s8  }
0x189: {  	p1 =	slt.u32 s9, $0x78  }
0x18a: {  	v1 =	vadd.f32 v2, v1;
	_ =	sdelay $0x1  }
0x18b: {  	v1 =	vmax.f32 v1, $0.0e+00  }
0x18c: {  	[tilespmem:s20+$0x60] =	vst v1  }
0x18d: {  	v1 =	vld [tilespmem:s11+$0x70];
	s11 =	smov.u32 s21  }
0x18e: {  	v2 =	vld [tilespmem:s12+$0x70];
	s12 =	smov.u32 s8;
	_ =	sdelay $0x4  }
0x18f: {  	v1 =	vadd.f32 v2, v1;
	_ =	sdelay $0x1  }
0x190: {  	v1 =	vmax.f32 v1, $0.0e+00  }
0x191: {  	[tilespmem:s20+$0x70] =	vst v1;
	s20 =	smov.u32 s13  }
0x192: {  	v1 =	vld [tilespmem:s21+$0xFFFFFF80]  }
0x193: {  	v2 =	vld [tilespmem:s8+$0xFFFFFF80];
	_ =	sdelay $0x4  }
0x194: {  	v1 =	vadd.f32 v2, v1;
	_ =	sdelay $0x1  }
0x195: {  	v1 =	vmax.f32 v1, $0.0e+00  }
0x196: {  	[tilespmem:s13+$0xFFFFFF80] =	vst v1  }
0x197: {  	v1 =	vld [tilespmem:s21+$0xFFFFFF90]  }
0x198: {  	v2 =	vld [tilespmem:s8+$0xFFFFFF90];
	_ =	sdelay $0x4  }
0x199: {  	v1 =	vadd.f32 v2, v1;
	_ =	sdelay $0x1  }
0x19a: {  	v1 =	vmax.f32 v1, $0.0e+00  }
0x19b: {  	[tilespmem:s13+$0xFFFFFF90] =	vst v1  }
0x19c: {  	v1 =	vld [tilespmem:s21+$0xFFFFFFA0]  }
0x19d: {  	v2 =	vld [tilespmem:s8+$0xFFFFFFA0];
	_ =	sdelay $0x4  }
0x19e: {  	v1 =	vadd.f32 v2, v1;
	_ =	sdelay $0x1  }
0x19f: {  	v1 =	vmax.f32 v1, $0.0e+00  }
0x1a0: {  	[tilespmem:s13+$0xFFFFFFA0] =	vst v1  }
0x1a1: {  	v1 =	vld [tilespmem:s21+$0xFFFFFFB0]  }
0x1a2: {  	v2 =	vld [tilespmem:s8+$0xFFFFFFB0];
	_ =	sdelay $0x4  }
0x1a3: {  	v1 =	vadd.f32 v2, v1;
	_ =	sdelay $0x1  }
0x1a4: {  	v1 =	vmax.f32 v1, $0.0e+00  }
0x1a5: {  	[tilespmem:s13+$0xFFFFFFB0] =	vst v1  }
0x1a6: {  	v1 =	vld [tilespmem:s21+$0xFFFFFFC0]  }
0x1a7: {  	v2 =	vld [tilespmem:s8+$0xFFFFFFC0];
	_ =	sdelay $0x4  }
0x1a8: {  	v1 =	vadd.f32 v2, v1;
	_ =	sdelay $0x1  }
0x1a9: {  	v1 =	vmax.f32 v1, $0.0e+00  }
0x1aa: {  	[tilespmem:s13+$0xFFFFFFC0] =	vst v1  }
0x1ab: {  	v1 =	vld [tilespmem:s21+$0xFFFFFFD0]  }
0x1ac: {  	v2 =	vld [tilespmem:s8+$0xFFFFFFD0];
	_ =	sdelay $0x4  }
0x1ad: {  	v1 =	vadd.f32 v2, v1;
	_ =	sdelay $0x1  }
0x1ae: {  	v1 =	vmax.f32 v1, $0.0e+00  }
0x1af: {  	[tilespmem:s13+$0xFFFFFFD0] =	vst v1  }
0x1b0: {  	v1 =	vld [tilespmem:s21+$0xFFFFFFE0]  }
0x1b1: {  	v2 =	vld [tilespmem:s8+$0xFFFFFFE0];
	_ =	sdelay $0x4  }
0x1b2: {  	v1 =	vadd.f32 v2, v1;
	_ =	sdelay $0x1  }
0x1b3: {  	v1 =	vmax.f32 v1, $0.0e+00  }
0x1b4: {  	[tilespmem:s13+$0xFFFFFFE0] =	vst v1  }
0x1b5: {  	v1 =	vld [tilespmem:s21+$0xFFFFFFF0]  }
0x1b6: {  	v2 =	vld [tilespmem:s8+$0xFFFFFFF0];
	_ =	sdelay $0x4  }
0x1b7: {  	v1 =	vadd.f32 v2, v1;
	_ =	sdelay $0x1  }
0x1b8: {  	v1 =	vmax.f32 v1, $0.0e+00  }
0x1b9: {  	[tilespmem:s13+$0xFFFFFFF0] =	vst v1  }
0x1ba: {  	v1 =	vld [tilespmem:s21+$0x0]  }
0x1bb: {  	v2 =	vld [tilespmem:s8+$0x0];
	_ =	sdelay $0x4  }
0x1bc: {  	v1 =	vadd.f32 v2, v1;
	_ =	sdelay $0x1  }
0x1bd: {  	v1 =	vmax.f32 v1, $0.0e+00  }
0x1be: {  	[tilespmem:s13+$0x0] =	vst v1  }
0x1bf: {  	v1 =	vld [tilespmem:s21+$0x10]  }
0x1c0: {  	v2 =	vld [tilespmem:s8+$0x10];
	_ =	sdelay $0x4  }
0x1c1: {  	v1 =	vadd.f32 v2, v1;
	_ =	sdelay $0x1  }
0x1c2: {  	v1 =	vmax.f32 v1, $0.0e+00  }
0x1c3: {  	[tilespmem:s13+$0x10] =	vst v1  }
0x1c4: {  	v1 =	vld [tilespmem:s21+$0x20]  }
0x1c5: {  	v2 =	vld [tilespmem:s8+$0x20];
	_ =	sdelay $0x4  }
0x1c6: {  	v1 =	vadd.f32 v2, v1;
	_ =	sdelay $0x1  }
0x1c7: {  	v1 =	vmax.f32 v1, $0.0e+00  }
0x1c8: {  	[tilespmem:s13+$0x20] =	vst v1  }
0x1c9: {  	v1 =	vld [tilespmem:s21+$0x30]  }
0x1ca: {  	v2 =	vld [tilespmem:s8+$0x30];
	_ =	sdelay $0x4  }
0x1cb: {  	v1 =	vadd.f32 v2, v1;
	_ =	sdelay $0x1  }
0x1cc: {  	v1 =	vmax.f32 v1, $0.0e+00  }
0x1cd: {  	[tilespmem:s13+$0x30] =	vst v1  }
0x1ce: {  	v1 =	vld [tilespmem:s21+$0x40]  }
0x1cf: {  	v2 =	vld [tilespmem:s8+$0x40];
	_ =	sdelay $0x4  }
0x1d0: {  	v1 =	vadd.f32 v2, v1;
	_ =	sdelay $0x1  }
0x1d1: {  	v1 =	vmax.f32 v1, $0.0e+00  }
0x1d2: {  	[tilespmem:s13+$0x40] =	vst v1  }
0x1d3: {  	v1 =	vld [tilespmem:s21+$0x50]  }
0x1d4: {  	v2 =	vld [tilespmem:s8+$0x50];
	_ =	sdelay $0x4  }
0x1d5: {  	v1 =	vadd.f32 v2, v1;
	_ =	sdelay $0x1  }
0x1d6: {  	v1 =	vmax.f32 v1, $0.0e+00  }
.Ltmp4:
0x1d7: {  	[tilespmem:s13+$0x50] =	vst v1;
	(pc) =	sbr.rel @p1 .LBB2_7-.Ltmp4, $3  }
0x1d8: {  	v1 =	vld [tilespmem:s21+$0x60]  }
0x1d9: {  	v2 =	vld [tilespmem:s8+$0x60];
	_ =	sdelay $0x1  }
0x1da: {  	s13 =	sadd.s32 $0x100, s13  }
0x1db: {  	_ =	sdelay $0x1  }
0x1dc: {  	v1 =	vadd.f32 v2, v1;
	_ =	sdelay $0x1  }
0x1dd: {  	v1 =	vmax.f32 v1, $0.0e+00  }
0x1de: {  	[tilespmem:s20+$0x60] =	vst v1  }
0x1df: {  	v1 =	vld [tilespmem:s11+$0x70]  }
0x1e0: {  	v2 =	vld [tilespmem:s12+$0x70];
	_ =	sdelay $0x3  }
.Ltmp5:
0x1e1: {  	_ = 	snop;
	(pc) =	sbr.rel @p0 .LBB2_10-.Ltmp5, $3  }
0x1e2: {  	v1 =	vadd.f32 v2, v1;
	_ =	sdelay $0x1  }
0x1e3: {  	v1 =	vmax.f32 v1, $0.0e+00  }
0x1e4: {  	s8 =	sadd.s32 $0x2880, s17;
	[tilespmem:s20+$0x70] =	vst v1  }
0x1e5: {  	s4 =	sadd.s32 $0x180, s4  }
0x1e6: {  	s9 =	sadd.s32 s1, s4  }
0x1e7: {  	s11 =	smulhi.u32 $0x51EB851F, s9;
	_ =	sdelay $0x1  }
0x1e8: {  	s11 =	sshrl.u32 s11, $0xC  }
0x1e9: {  	s12 =	smul.u32 $0xFFFFCE00, s11;
	_ =	sdelay $0x1  }
0x1ea: {  	s9 =	sadd.s32 s9, s12  }
0x1eb: {  	s12 =	smulhi.u32 $0x51EB851F, s9;
	s13 =	sshra.s32 s9, $0x1F  }
0x1ec: {  	s13 =	smul.u32 $0x51EB851F, s13;
	_ =	sdelay $0x1  }
0x1ed: {  	s12 =	sadd.s32 s13, s12  }
0x1ee: {  	s13 =	sshrl.u32 s12, $0x1F;
	s12 =	sshra.s32 s12, $0xA  }
0x1ef: {  	s12 =	sadd.s32 s13, s12  }
0x1f0: {  	s13 =	smul.u32 $0xFFFFF380, s12  }
0x1f1: {  	s14 =	ssub.s32 $0x0, s9  }
0x1f2: {  	p0 =	slt.s32 s9, $0x0;
	p1 =	sne.s32 s13, s14  }
0x1f3: {  	p0 =	por !p0, !p1  }
0x1f4: {  	s13 =	simm.s32 $0x1;
	p0 =	por !p0, !p0  }
0x1f5: {  	s13 =	simm.s32 @!p0 $0x0  }
0x1f6: {  	s12 =	ssub.s32 s12, s13  }
0x1f7: {  	s11 =	ssub.s32 s11, s12  }
0x1f8: {  	s11 =	smul.u32 $0xC80, s11;
	_ =	sdelay $0x1  }
0x1f9: {  	s9 =	sadd.s32 s9, s11  }
0x1fa: {  	s21 =	sshll.u32 s12, $0x5;
	s9 =	sshll.u32 s9, $0x7  }
0x1fb: {  	s9 =	sadd.s32 s21, s9  }
0x1fc: {  	s9 =	sshrl.u32 s9, $0x3  }
0x1fd: {  	s9 =	sadd.s32 s6, s9  }
0x1fe: {  	[tilespmem:s22], [sflag:$0x4] =	stream.strided.gather [hbm4b:s9+s18], $0x1000, s19, s18, $0x38;
	[tilespmem:$0x15000] =	vst v63  }
.Ltmp6:
0x1ff: {  	_ = 	snop;
	(pc) =	sbr.rel .LBB2_4-.Ltmp6, $4  }
0x200: {  	_ = 	snop  }
0x201: {  	[tilespmem:s23], [sflag:$0x2] =	stream.indirect.gather [hbm4b:s5+s19], $0x20, s4, s19, $0xb8;
	[tilespmem:$0x15000] =	vst v63  }
0x202: {  	s0 =	sadd.s32 $0x1, s0  }
0x203: {  	[spmem:s3] =	stream.indirect.scatter.add.f32 [tilespmem:s29], [sflag:$0x6], $0x20, s8, s19, $0xb8;
	[tilespmem:$0x15000] =	vst v63  }
.LBB2_11:
0x204: {  	_ =	sfence.sel $0x180000  }
0x205: {  	[bflag:$0x0] =	sbarrier.arrive $0xFFFF  }
0x206: {  	_ =	strace $0x9000004D  }
0x207: {  	s0 =	stileid.u32;
	[bflag:$0x2] =	sbarrier.arrive $0xFFFF  }
0x208: {  	p0 =	sne.s32 s0, $0x0;
	s0 =	rddreg [dreg:$0x2]  }
0x209: {  	s0 =	sadd.s32 @!p0 $0x100000, s0  }
0x20a: {  	[sflag:s0] =	ssyncadd.tile.s32 @!p0 $0x1;
	_ =	shalt  }
.Lfunc_end2:
_tile_overlayer_lowered:
.L_overlay_start_2:
0x20b: {  	(tag) =	ssettag $0x2  }
0x20c: {  	s0 =	rddreg [dreg:$0x0];
	s2 =	stileid.u32  }
0x20d: {  	s1 =	rddreg [dreg:$0x1];
	p0 =	sne.s32 s2, $0x0  }
0x20e: {  	s3 =	rddreg [dreg:$0x2];
	[bflag:$0x3] =	sbarrier.arrive $0xFFFF;
	s2 =	simm.s32 @!p0 $0x1C07  }
0x20f: {  	[timem:s3], [sflag:s2] =	dma.local @!p0 [hbm:s0], s1  }
0x210: {  	s0 =	simm.s32 @!p0 $0x7  }
0x211: {  	_ =	swait.ge @!p0 [sflag:s0], s1  }
0x212: {  	s1 =	ssub.s32 @!p0 $0x0, s1;
	[sflag:s0] =	ssyncset.done @!p0 $0x0  }
0x213: {  	[sflag:s0] =	ssyncadd.s32 @!p0 s1  }
0x214: {  	[bflag:$0x3] =	sbarrier.arrive $0xFFFF  }
0x215: {  	_ =	shalt  }

</sc_bundles>
